<compile_context>
chip_gen: v7x
topology: tpu7x:2x2x1
jax: 0.10.2.dev20260603
libtpu: 0.0.44.dev20260713+nightly
codegen_flags: <defaults>
</compile_context>

<pallas_src>
import functools

import jax
import jax.numpy as jnp
from jax import lax
from jax.experimental import pallas as pl
from jax.experimental.pallas import tpu as pltpu
from jax.experimental.pallas import tpu_sc as plsc

B = 4096
C = 128
P = 81
NC = 2
NS = 16
NW = NC * NS
RW = B // NW
CB = C // 16


def _prep_body(x_ref, w_ref, bt_ref, bo_ref, h_ref, xb_ref):
    xi = x_ref[...]
    hand = xi[:, 81:95].astype(jnp.float32)
    h_ref[...] = (
        jnp.dot(hand, w_ref[...], preferred_element_type=jnp.float32)
        + bt_ref[...] + bo_ref[...]
    )
    xb_ref[...] = jnp.pad(xi[:, :81], ((0, 0), (0, 128 - 81)))


def _tc_prep(x32, w, bt, bo):
    return pl.pallas_call(
        _prep_body,
        out_shape=(
            jax.ShapeDtypeStruct((B, C), jnp.float32),
            jax.ShapeDtypeStruct((B, 128), jnp.int32),
        ),
    )(x32, w, bt, bo)


NB = 4
SLOT = P * NB * C
NG = RW // NB
XS = 128


def _sc_body(x_hbm, emb_hbm, h_hbm, out_hbm, emb_v, x_v, h_v, obuf, sem0, sem1):
    cid = lax.axis_index("c")
    sid = lax.axis_index("s")
    wid = sid * NC + cid
    base = wid * RW

    cp0 = pltpu.async_copy(emb_hbm, emb_v, sem0)
    cp1 = pltpu.async_copy(x_hbm.at[pl.ds(base * XS, RW * XS)], x_v, sem1)
    cp2 = pltpu.async_copy(h_hbm.at[pl.ds(base * C, RW * C)], h_v, sem0)
    cp1.wait()
    cp0.wait()
    cp2.wait()

    lanes = lax.iota(jnp.int32, 16)
    sems = (sem0, sem1)

    def compute_row(i, slot, ii):
        hvecs = [
            plsc.load_gather(h_v, [i * C + cb * 16 + lanes]) for cb in range(CB)
        ]
        row_off = i * XS
        obuf_s = obuf.at[slot]

        @plsc.parallel_loop(0, P, unroll=3)
        def _pos(p):
            idx = plsc.load_gather(x_v, [jnp.full((16,), row_off + p, jnp.int32)])
            src = idx * C + lanes
            rowv = jnp.full((16,), p * NB + ii, jnp.int32)
            for cb in range(CB):
                vals = plsc.load_gather(emb_v, [src + cb * 16])
                plsc.store_scatter(
                    obuf_s, [rowv, cb * 16 + lanes], vals + hvecs[cb]
                )

    def group_copy(g, slot):
        return pltpu.make_async_copy(
            obuf.at[slot].reshape(P, NB, C),
            out_hbm.at[:, pl.ds(base + g * NB, NB), :],
            sems[slot],
        )

    @pl.loop(0, NG // 2)
    def _groups(g2):
        for s in range(2):
            g = g2 * 2 + s

            @pl.when(g2 > 0)
            def _drain():
                group_copy(g - 2, s).wait()

            for ii in range(NB):
                compute_row(g * NB + ii, s, ii)
            group_copy(g, s).start()

    for s in range(2):
        group_copy(NG - 2 + s, s).wait()


@functools.partial(
    pl.kernel,
    out_type=jax.ShapeDtypeStruct((P, B, C), jnp.float32),
    mesh=plsc.VectorSubcoreMesh(
        core_axis_name="c", subcore_axis_name="s", num_cores=NC, num_subcores=NS
    ),
    compiler_params=pltpu.CompilerParams(needs_layout_passes=False),
    scratch_types=[
        pltpu.VMEM((88 * C,), jnp.float32),
        pltpu.VMEM((RW * XS,), jnp.int32),
        pltpu.VMEM((RW * C,), jnp.float32),
        pltpu.VMEM((2, P * NB, C), jnp.float32),
        pltpu.SemaphoreType.DMA,
        pltpu.SemaphoreType.DMA,
    ],
)
def _sc_gather_add(x_hbm, emb_hbm, h_hbm, out_hbm, emb_v, x_v, h_v, obuf, s0, s1):
    _sc_body(x_hbm, emb_hbm, h_hbm, out_hbm, emb_v, x_v, h_v, obuf, s0, s1)


def kernel(x, emb, Wt, bt, Wo, bo):
    x32 = x.astype(jnp.int32)
    w = jnp.concatenate([Wt, Wo], axis=1).T
    h, xb = _tc_prep(x32, w, bt, bo)
    out = _sc_gather_add(xb.reshape(-1), emb.reshape(-1), h.reshape(-1))
    return out.transpose(1, 0, 2)

# --- scband reference (transcript-rebuilt; emitter-appended) ---
"""Pipeline reference for scband-input-converter-1589137900035 (READ-ONLY COPY).

The authoritative reference and input builder live on the scoring server;
editing this copy changes nothing except your own understanding.
"""

import jax, jax.numpy as jnp
import numpy as np

B = 4096
C = 128

def setup_inputs(seed: int = 0) -> dict:
    key = jax.random.key(seed)
    k1, k2, k3, k4, k5, k6 = jax.random.split(key, 6)
    x = jax.random.randint(k1, (B, 95), 0, 88, dtype=jnp.int64)
    emb = jax.random.normal(k2, (88, C), dtype=jnp.float32) * 0.02
    Wt = jax.random.normal(k3, (C, 7), dtype=jnp.float32) * 0.1
    bt = jax.random.normal(k4, (C,), dtype=jnp.float32) * 0.01
    Wo = jax.random.normal(k5, (C, 7), dtype=jnp.float32) * 0.1
    bo = jax.random.normal(k6, (C,), dtype=jnp.float32) * 0.01
    return {"x": x, "emb": emb, "Wt": Wt, "bt": bt, "Wo": Wo, "bo": bo}

def reference(x, emb, Wt, bt, Wo, bo):
    # split: board[ B,81 ], hand_for_turn[ B,7 ], hand_for_opp[ B,7 ]
    board = x[:, :81]
    hand_t = x[:, 81:88].astype(jnp.float32)
    hand_o = x[:, 88:95].astype(jnp.float32)
    # embedding lookup -> [B, 81, C]
    b = jnp.take(emb, board, axis=0)
    # hand encoders: linear [B,C], unsqueeze + expand to [B,81,C] (broadcast)
    ht = (hand_t @ Wt.T + bt)[:, None, :]
    ho = (hand_o @ Wo.T + bo)[:, None, :]
    out = b + ht + ho
    return out

if __name__ == "__main__":
    import jax
    _d = setup_inputs()
    print(jax.jit(kernel)(*tuple(_d.values())))

</pallas_src>

<mosaic_0001>
#map = affine_map<(d0, d1) -> (0)>
#map1 = affine_map<(d0, d1) -> (0, 0, 0)>
module attributes {stable_mosaic.version = 14 : i64} {
  func.func @_sc_gather_add(%arg0: i32, %arg1: i32, %arg2: memref<524288xi32, #tpu.memory_space<hbm>>, %arg3: memref<11264xf32, #tpu.memory_space<hbm>>, %arg4: memref<524288xf32, #tpu.memory_space<hbm>>, %arg5: memref<81x4096x128xf32, #tpu.memory_space<hbm>>, %arg6: memref<11264xf32, #tpu.memory_space<vmem>>, %arg7: memref<16384xi32, #tpu.memory_space<vmem>>, %arg8: memref<16384xf32, #tpu.memory_space<vmem>>, %arg9: memref<2x324x128xf32, #tpu.memory_space<vmem>>, %arg10: memref<!tpu.dma_semaphore, #tpu.memory_space<semaphore_mem>>, %arg11: memref<!tpu.dma_semaphore, #tpu.memory_space<semaphore_mem>>) attributes {dimension_semantics = [#tpu.dimension_semantics<core_parallel>, #tpu.dimension_semantics<subcore_parallel>], iteration_bounds = array<i64: 2, 16>, scalar_prefetch = 0 : i64, scratch_operands = 6 : i64, tpu.core_type = #tpu.core_type<sc_vector_subcore>, window_params = [{transform_indices = #map}, {transform_indices = #map}, {transform_indices = #map}, {transform_indices = #map1}]} {
    %mul3A = arith.constant 2 : i32
    %mul3A_0 = arith.muli %arg1, %mul3A : i32
    %add3A = arith.addi %mul3A_0, %arg0 : i32
    %mul3A_1 = arith.constant 128 : i32
    %mul3A_2 = arith.muli %add3A, %mul3A_1 : i32
    tpu.enqueue_dma source(%arg3 : memref<11264xf32, #tpu.memory_space<hbm>>) target(%arg6 : memref<11264xf32, #tpu.memory_space<vmem>>) target_semaphore(%arg10 : memref<!tpu.dma_semaphore, #tpu.memory_space<semaphore_mem>>)
    %mul3A_3 = arith.constant 128 : i32
    %mul3A_4 = arith.muli %mul3A_2, %mul3A_3 : i32
    %dma_start3A = tpu.memref_slice %arg2[%mul3A_4] : memref<524288xi32, #tpu.memory_space<hbm>> -> memref<16384xi32, #tpu.memory_space<hbm>>
    %dma_start3A_5 = tpu.memref_slice %arg2[%mul3A_4] : memref<524288xi32, #tpu.memory_space<hbm>> -> memref<16384xi32, #tpu.memory_space<hbm>>
    tpu.enqueue_dma source(%dma_start3A_5 : memref<16384xi32, #tpu.memory_space<hbm>>) target(%arg7 : memref<16384xi32, #tpu.memory_space<vmem>>) target_semaphore(%arg11 : memref<!tpu.dma_semaphore, #tpu.memory_space<semaphore_mem>>)
    %mul3A_6 = arith.constant 128 : i32
    %mul3A_7 = arith.muli %mul3A_2, %mul3A_6 : i32
    %dma_start3A_8 = tpu.memref_slice %arg4[%mul3A_7] : memref<524288xf32, #tpu.memory_space<hbm>> -> memref<16384xf32, #tpu.memory_space<hbm>>
    %dma_start3A_9 = tpu.memref_slice %arg4[%mul3A_7] : memref<524288xf32, #tpu.memory_space<hbm>> -> memref<16384xf32, #tpu.memory_space<hbm>>
    tpu.enqueue_dma source(%dma_start3A_9 : memref<16384xf32, #tpu.memory_space<hbm>>) target(%arg8 : memref<16384xf32, #tpu.memory_space<vmem>>) target_semaphore(%arg10 : memref<!tpu.dma_semaphore, #tpu.memory_space<semaphore_mem>>)
    %dma_wait3A = tpu.memref_slice %arg2[%mul3A_4] : memref<524288xi32, #tpu.memory_space<hbm>> -> memref<16384xi32, #tpu.memory_space<hbm>>
    %dma_wait3A_10 = tpu.memref_slice %arg2[%mul3A_4] : memref<524288xi32, #tpu.memory_space<hbm>> -> memref<16384xi32, #tpu.memory_space<hbm>>
    tpu.wait_dma2 semaphore(%arg11 : memref<!tpu.dma_semaphore, #tpu.memory_space<semaphore_mem>>) src(%dma_wait3A_10 : memref<16384xi32, #tpu.memory_space<hbm>>) dst(%arg7 : memref<16384xi32, #tpu.memory_space<vmem>>)
    tpu.wait_dma2 semaphore(%arg10 : memref<!tpu.dma_semaphore, #tpu.memory_space<semaphore_mem>>) src(%arg3 : memref<11264xf32, #tpu.memory_space<hbm>>) dst(%arg6 : memref<11264xf32, #tpu.memory_space<vmem>>)
    %dma_wait3A_11 = tpu.memref_slice %arg4[%mul3A_7] : memref<524288xf32, #tpu.memory_space<hbm>> -> memref<16384xf32, #tpu.memory_space<hbm>>
    %dma_wait3A_12 = tpu.memref_slice %arg4[%mul3A_7] : memref<524288xf32, #tpu.memory_space<hbm>> -> memref<16384xf32, #tpu.memory_space<hbm>>
    tpu.wait_dma2 semaphore(%arg10 : memref<!tpu.dma_semaphore, #tpu.memory_space<semaphore_mem>>) src(%dma_wait3A_12 : memref<16384xf32, #tpu.memory_space<hbm>>) dst(%arg8 : memref<16384xf32, #tpu.memory_space<vmem>>)
    %iota3A = tpu.iota {dimensions = array<i32: 0>} : vector<16xi32>
    %scan3A = arith.constant 0 : i32
    %scan3A_13 = arith.constant 16 : i32
    %scan3A_14 = arith.addi %scan3A, %scan3A_13 : i32
    %scan3A_15 = arith.constant 1 : i32
    scf.for %scan3A_55 = %scan3A to %scan3A_14 step %scan3A_15  : i32 {
      %mul3A_56 = arith.constant 1 : i32
      %mul3A_57 = arith.muli %scan3A_55, %mul3A_56 : i32
      %add3A_58 = arith.constant 0 : i32
      %add3A_59 = arith.addi %add3A_58, %mul3A_57 : i32
      %mul3A_60 = arith.constant 2 : i32
      %mul3A_61 = arith.muli %add3A_59, %mul3A_60 : i32
      %add3A_62 = arith.constant 0 : i32
      %add3A_63 = arith.addi %mul3A_61, %add3A_62 : i32
      %gt3A = arith.constant 0 : i32
      %gt3A_64 = arith.cmpi sgt, %add3A_59, %gt3A : i32
      %convert_element_type3A = arith.extui %gt3A_64 : i1 to i32
      %cond3A = arith.constant 0 : i32
      %cond3A_65 = arith.cmpi ne, %convert_element_type3A, %cond3A : i32
      scf.if %cond3A_65 {
        %sub3A = arith.constant 2 : i32
        %sub3A_641 = arith.subi %add3A_63, %sub3A : i32
        %mul3A_642 = arith.constant 4 : i32
        %mul3A_643 = arith.muli %sub3A_641, %mul3A_642 : i32
        %add3A_644 = arith.addi %mul3A_2, %mul3A_643 : i32
        %dma_wait3A_645 = arith.constant 0 : i32
        %dma_wait3A_646 = arith.constant 0 : i32
        %dma_wait3A_647 = arith.constant 0 : i32
        %dma_wait3A_648 = tpu.memref_slice %arg9[%dma_wait3A_645, %dma_wait3A_646, %dma_wait3A_647] : memref<2x324x128xf32, #tpu.memory_space<vmem>> -> memref<1x324x128xf32, #tpu.memory_space<vmem>>
        %dma_wait3A_649 = tpu.memref_squeeze %dma_wait3A_648 : memref<1x324x128xf32, #tpu.memory_space<vmem>> -> memref<324x128xf32, #tpu.memory_space<vmem>>
        %dma_wait3A_650 = tpu.memref_reshape %dma_wait3A_649 : memref<324x128xf32, #tpu.memory_space<vmem>> -> memref<81x4x128xf32, #tpu.memory_space<vmem>>
        %dma_wait3A_651 = arith.constant 0 : i32
        %dma_wait3A_652 = arith.constant 0 : i32
        %dma_wait3A_653 = tpu.memref_slice %arg5[%dma_wait3A_651, %add3A_644, %dma_wait3A_652] : memref<81x4096x128xf32, #tpu.memory_space<hbm>> -> memref<81x4x128xf32, #tpu.memory_space<hbm>>
        %dma_wait3A_654 = arith.constant 0 : i32
        %dma_wait3A_655 = arith.constant 0 : i32
        %dma_wait3A_656 = tpu.memref_slice %arg5[%dma_wait3A_654, %add3A_644, %dma_wait3A_655] : memref<81x4096x128xf32, #tpu.memory_space<hbm>> -> memref<81x4x128xf32, #tpu.memory_space<hbm>>
        %dma_wait3A_657 = arith.constant 0 : i32
        %dma_wait3A_658 = arith.constant 0 : i32
        %dma_wait3A_659 = tpu.memref_slice %arg9[%dma_wait3A_645, %dma_wait3A_657, %dma_wait3A_658] : memref<2x324x128xf32, #tpu.memory_space<vmem>> -> memref<1x324x128xf32, #tpu.memory_space<vmem>>
        %dma_wait3A_660 = tpu.memref_squeeze %dma_wait3A_659 : memref<1x324x128xf32, #tpu.memory_space<vmem>> -> memref<324x128xf32, #tpu.memory_space<vmem>>
        %dma_wait3A_661 = tpu.memref_reshape %dma_wait3A_660 : memref<324x128xf32, #tpu.memory_space<vmem>> -> memref<81x4x128xf32, #tpu.memory_space<vmem>>
        tpu.wait_dma2 semaphore(%arg10 : memref<!tpu.dma_semaphore, #tpu.memory_space<semaphore_mem>>) src(%dma_wait3A_661 : memref<81x4x128xf32, #tpu.memory_space<vmem>>) dst(%dma_wait3A_656 : memref<81x4x128xf32, #tpu.memory_space<hbm>>)
      } else {
      }
      %mul3A_66 = arith.constant 4 : i32
      %mul3A_67 = arith.muli %add3A_63, %mul3A_66 : i32
      %add3A_68 = arith.constant 0 : i32
      %add3A_69 = arith.addi %mul3A_67, %add3A_68 : i32
      %mul3A_70 = arith.constant 128 : i32
      %mul3A_71 = arith.muli %add3A_69, %mul3A_70 : i32
      %add3A_72 = arith.constant 0 : i32
      %add3A_73 = arith.addi %mul3A_71, %add3A_72 : i32
      %add3A_74 = vector.broadcast %add3A_73 : i32 to vector<16xi32>
      %add3A_75 = arith.addi %add3A_74, %iota3A : vector<16xi32>
      %gather3A = tpu.vector_load_idx %arg8[%add3A_75] : memref<16384xf32, #tpu.memory_space<vmem>>[vector<16xi32>], vector<16xf32>,
      %mul3A_76 = arith.constant 128 : i32
      %mul3A_77 = arith.muli %add3A_69, %mul3A_76 : i32
      %add3A_78 = arith.constant 16 : i32
      %add3A_79 = arith.addi %mul3A_77, %add3A_78 : i32
      %add3A_80 = vector.broadcast %add3A_79 : i32 to vector<16xi32>
      %add3A_81 = arith.addi %add3A_80, %iota3A : vector<16xi32>
      %gather3A_82 = tpu.vector_load_idx %arg8[%add3A_81] : memref<16384xf32, #tpu.memory_space<vmem>>[vector<16xi32>], vector<16xf32>,
      %mul3A_83 = arith.constant 128 : i32
      %mul3A_84 = arith.muli %add3A_69, %mul3A_83 : i32
      %add3A_85 = arith.constant 32 : i32
      %add3A_86 = arith.addi %mul3A_84, %add3A_85 : i32
      %add3A_87 = vector.broadcast %add3A_86 : i32 to vector<16xi32>
      %add3A_88 = arith.addi %add3A_87, %iota3A : vector<16xi32>
      %gather3A_89 = tpu.vector_load_idx %arg8[%add3A_88] : memref<16384xf32, #tpu.memory_space<vmem>>[vector<16xi32>], vector<16xf32>,
      %mul3A_90 = arith.constant 128 : i32
      %mul3A_91 = arith.muli %add3A_69, %mul3A_90 : i32
      %add3A_92 = arith.constant 48 : i32
      %add3A_93 = arith.addi %mul3A_91, %add3A_92 : i32
      %add3A_94 = vector.broadcast %add3A_93 : i32 to vector<16xi32>
      %add3A_95 = arith.addi %add3A_94, %iota3A : vector<16xi32>
      %gather3A_96 = tpu.vector_load_idx %arg8[%add3A_95] : memref<16384xf32, #tpu.memory_space<vmem>>[vector<16xi32>], vector<16xf32>,
      %mul3A_97 = arith.constant 128 : i32
      %mul3A_98 = arith.muli %add3A_69, %mul3A_97 : i32
      %add3A_99 = arith.constant 64 : i32
      %add3A_100 = arith.addi %mul3A_98, %add3A_99 : i32
      %add3A_101 = vector.broadcast %add3A_100 : i32 to vector<16xi32>
      %add3A_102 = arith.addi %add3A_101, %iota3A : vector<16xi32>
      %gather3A_103 = tpu.vector_load_idx %arg8[%add3A_102] : memref<16384xf32, #tpu.memory_space<vmem>>[vector<16xi32>], vector<16xf32>,
      %mul3A_104 = arith.constant 128 : i32
      %mul3A_105 = arith.muli %add3A_69, %mul3A_104 : i32
      %add3A_106 = arith.constant 80 : i32
      %add3A_107 = arith.addi %mul3A_105, %add3A_106 : i32
      %add3A_108 = vector.broadcast %add3A_107 : i32 to vector<16xi32>
      %add3A_109 = arith.addi %add3A_108, %iota3A : vector<16xi32>
      %gather3A_110 = tpu.vector_load_idx %arg8[%add3A_109] : memref<16384xf32, #tpu.memory_space<vmem>>[vector<16xi32>], vector<16xf32>,
      %mul3A_111 = arith.constant 128 : i32
      %mul3A_112 = arith.muli %add3A_69, %mul3A_111 : i32
      %add3A_113 = arith.constant 96 : i32
      %add3A_114 = arith.addi %mul3A_112, %add3A_113 : i32
      %add3A_115 = vector.broadcast %add3A_114 : i32 to vector<16xi32>
      %add3A_116 = arith.addi %add3A_115, %iota3A : vector<16xi32>
      %gather3A_117 = tpu.vector_load_idx %arg8[%add3A_116] : memref<16384xf32, #tpu.memory_space<vmem>>[vector<16xi32>], vector<16xf32>,
      %mul3A_118 = arith.constant 128 : i32
      %mul3A_119 = arith.muli %add3A_69, %mul3A_118 : i32
      %add3A_120 = arith.constant 112 : i32
      %add3A_121 = arith.addi %mul3A_119, %add3A_120 : i32
      %add3A_122 = vector.broadcast %add3A_121 : i32 to vector<16xi32>
      %add3A_123 = arith.addi %add3A_122, %iota3A : vector<16xi32>
      %gather3A_124 = tpu.vector_load_idx %arg8[%add3A_123] : memref<16384xf32, #tpu.memory_space<vmem>>[vector<16xi32>], vector<16xf32>,
      %mul3A_125 = arith.constant 128 : i32
      %mul3A_126 = arith.muli %add3A_69, %mul3A_125 : i32
      %parallel_loop3A = arith.constant 0 : i32
      %parallel_loop3A_127 = arith.constant 81 : i32
      %parallel_loop3A_128 = arith.constant 1 : i32
      %parallel_loop3A_129 = arith.constant 0 : i32
      scf.for %parallel_loop3A_641 = %parallel_loop3A to %parallel_loop3A_127 step %parallel_loop3A_128  : i32 {
        %parallel_loop3A_642 = arith.addi %mul3A_126, %parallel_loop3A_641 : i32
        %parallel_loop3A_643 = vector.broadcast %parallel_loop3A_642 : i32 to vector<16xi32>
        %parallel_loop3A_644 = tpu.vector_load_idx %arg7[%parallel_loop3A_643] : memref<16384xi32, #tpu.memory_space<vmem>>[vector<16xi32>], vector<16xi32>,
        %parallel_loop3A_645 = arith.constant 128 : i32
        %parallel_loop3A_646 = vector.broadcast %parallel_loop3A_645 : i32 to vector<16xi32>
        %parallel_loop3A_647 = arith.muli %parallel_loop3A_644, %parallel_loop3A_646 : vector<16xi32>
        %parallel_loop3A_648 = arith.addi %parallel_loop3A_647, %iota3A : vector<16xi32>
        %parallel_loop3A_649 = arith.constant 4 : i32
        %parallel_loop3A_650 = arith.muli %parallel_loop3A_641, %parallel_loop3A_649 : i32
        %parallel_loop3A_651 = arith.constant 0 : i32
        %parallel_loop3A_652 = arith.addi %parallel_loop3A_650, %parallel_loop3A_651 : i32
        %parallel_loop3A_653 = vector.broadcast %parallel_loop3A_652 : i32 to vector<16xi32>
        %parallel_loop3A_654 = arith.constant 0 : i32
        %parallel_loop3A_655 = vector.broadcast %parallel_loop3A_654 : i32 to vector<16xi32>
        %parallel_loop3A_656 = arith.addi %parallel_loop3A_648, %parallel_loop3A_655 : vector<16xi32>
        %parallel_loop3A_657 = tpu.vector_load_idx %arg6[%parallel_loop3A_656] : memref<11264xf32, #tpu.memory_space<vmem>>[vector<16xi32>], vector<16xf32>,
        %parallel_loop3A_658 = arith.constant 0 : i32
        %parallel_loop3A_659 = vector.broadcast %parallel_loop3A_658 : i32 to vector<16xi32>
        %parallel_loop3A_660 = arith.addi %parallel_loop3A_659, %iota3A : vector<16xi32>
        %parallel_loop3A_661 = arith.addf %parallel_loop3A_657, %gather3A : vector<16xf32>
        %parallel_loop3A_662 = arith.constant 0 : i32
        %parallel_loop3A_663 = arith.constant 0 : i32
        %parallel_loop3A_664 = tpu.memref_slice %arg9[%parallel_loop3A_129, %parallel_loop3A_662, %parallel_loop3A_663] : memref<2x324x128xf32, #tpu.memory_space<vmem>> -> memref<1x324x128xf32, #tpu.memory_space<vmem>>
        %parallel_loop3A_665 = tpu.memref_squeeze %parallel_loop3A_664 : memref<1x324x128xf32, #tpu.memory_space<vmem>> -> memref<324x128xf32, #tpu.memory_space<vmem>>
        tpu.vector_store_idx %parallel_loop3A_665[%parallel_loop3A_653, %parallel_loop3A_660], %parallel_loop3A_661 : memref<324x128xf32, #tpu.memory_space<vmem>>[vector<16xi32>, vector<16xi32>], vector<16xf32>,
        %parallel_loop3A_666 = arith.constant 16 : i32
        %parallel_loop3A_667 = vector.broadcast %parallel_loop3A_666 : i32 to vector<16xi32>
        %parallel_loop3A_668 = arith.addi %parallel_loop3A_648, %parallel_loop3A_667 : vector<16xi32>
        %parallel_loop3A_669 = tpu.vector_load_idx %arg6[%parallel_loop3A_668] : memref<11264xf32, #tpu.memory_space<vmem>>[vector<16xi32>], vector<16xf32>,
        %parallel_loop3A_670 = arith.constant 16 : i32
        %parallel_loop3A_671 = vector.broadcast %parallel_loop3A_670 : i32 to vector<16xi32>
        %parallel_loop3A_672 = arith.addi %parallel_loop3A_671, %iota3A : vector<16xi32>
        %parallel_loop3A_673 = arith.addf %parallel_loop3A_669, %gather3A_82 : vector<16xf32>
        %parallel_loop3A_674 = arith.constant 0 : i32
        %parallel_loop3A_675 = arith.constant 0 : i32
        %parallel_loop3A_676 = tpu.memref_slice %arg9[%parallel_loop3A_129, %parallel_loop3A_674, %parallel_loop3A_675] : memref<2x324x128xf32, #tpu.memory_space<vmem>> -> memref<1x324x128xf32, #tpu.memory_space<vmem>>
        %parallel_loop3A_677 = tpu.memref_squeeze %parallel_loop3A_676 : memref<1x324x128xf32, #tpu.memory_space<vmem>> -> memref<324x128xf32, #tpu.memory_space<vmem>>
        tpu.vector_store_idx %parallel_loop3A_677[%parallel_loop3A_653, %parallel_loop3A_672], %parallel_loop3A_673 : memref<324x128xf32, #tpu.memory_space<vmem>>[vector<16xi32>, vector<16xi32>], vector<16xf32>,
        %parallel_loop3A_678 = arith.constant 32 : i32
        %parallel_loop3A_679 = vector.broadcast %parallel_loop3A_678 : i32 to vector<16xi32>
        %parallel_loop3A_680 = arith.addi %parallel_loop3A_648, %parallel_loop3A_679 : vector<16xi32>
        %parallel_loop3A_681 = tpu.vector_load_idx %arg6[%parallel_loop3A_680] : memref<11264xf32, #tpu.memory_space<vmem>>[vector<16xi32>], vector<16xf32>,
        %parallel_loop3A_682 = arith.constant 32 : i32
        %parallel_loop3A_683 = vector.broadcast %parallel_loop3A_682 : i32 to vector<16xi32>
        %parallel_loop3A_684 = arith.addi %parallel_loop3A_683, %iota3A : vector<16xi32>
        %parallel_loop3A_685 = arith.addf %parallel_loop3A_681, %gather3A_89 : vector<16xf32>
        %parallel_loop3A_686 = arith.constant 0 : i32
        %parallel_loop3A_687 = arith.constant 0 : i32
        %parallel_loop3A_688 = tpu.memref_slice %arg9[%parallel_loop3A_129, %parallel_loop3A_686, %parallel_loop3A_687] : memref<2x324x128xf32, #tpu.memory_space<vmem>> -> memref<1x324x128xf32, #tpu.memory_space<vmem>>
        %parallel_loop3A_689 = tpu.memref_squeeze %parallel_loop3A_688 : memref<1x324x128xf32, #tpu.memory_space<vmem>> -> memref<324x128xf32, #tpu.memory_space<vmem>>
        tpu.vector_store_idx %parallel_loop3A_689[%parallel_loop3A_653, %parallel_loop3A_684], %parallel_loop3A_685 : memref<324x128xf32, #tpu.memory_space<vmem>>[vector<16xi32>, vector<16xi32>], vector<16xf32>,
        %parallel_loop3A_690 = arith.constant 48 : i32
        %parallel_loop3A_691 = vector.broadcast %parallel_loop3A_690 : i32 to vector<16xi32>
        %parallel_loop3A_692 = arith.addi %parallel_loop3A_648, %parallel_loop3A_691 : vector<16xi32>
        %parallel_loop3A_693 = tpu.vector_load_idx %arg6[%parallel_loop3A_692] : memref<11264xf32, #tpu.memory_space<vmem>>[vector<16xi32>], vector<16xf32>,
        %parallel_loop3A_694 = arith.constant 48 : i32
        %parallel_loop3A_695 = vector.broadcast %parallel_loop3A_694 : i32 to vector<16xi32>
        %parallel_loop3A_696 = arith.addi %parallel_loop3A_695, %iota3A : vector<16xi32>
        %parallel_loop3A_697 = arith.addf %parallel_loop3A_693, %gather3A_96 : vector<16xf32>
        %parallel_loop3A_698 = arith.constant 0 : i32
        %parallel_loop3A_699 = arith.constant 0 : i32
        %parallel_loop3A_700 = tpu.memref_slice %arg9[%parallel_loop3A_129, %parallel_loop3A_698, %parallel_loop3A_699] : memref<2x324x128xf32, #tpu.memory_space<vmem>> -> memref<1x324x128xf32, #tpu.memory_space<vmem>>
        %parallel_loop3A_701 = tpu.memref_squeeze %parallel_loop3A_700 : memref<1x324x128xf32, #tpu.memory_space<vmem>> -> memref<324x128xf32, #tpu.memory_space<vmem>>
        tpu.vector_store_idx %parallel_loop3A_701[%parallel_loop3A_653, %parallel_loop3A_696], %parallel_loop3A_697 : memref<324x128xf32, #tpu.memory_space<vmem>>[vector<16xi32>, vector<16xi32>], vector<16xf32>,
        %parallel_loop3A_702 = arith.constant 64 : i32
        %parallel_loop3A_703 = vector.broadcast %parallel_loop3A_702 : i32 to vector<16xi32>
        %parallel_loop3A_704 = arith.addi %parallel_loop3A_648, %parallel_loop3A_703 : vector<16xi32>
        %parallel_loop3A_705 = tpu.vector_load_idx %arg6[%parallel_loop3A_704] : memref<11264xf32, #tpu.memory_space<vmem>>[vector<16xi32>], vector<16xf32>,
        %parallel_loop3A_706 = arith.constant 64 : i32
        %parallel_loop3A_707 = vector.broadcast %parallel_loop3A_706 : i32 to vector<16xi32>
        %parallel_loop3A_708 = arith.addi %parallel_loop3A_707, %iota3A : vector<16xi32>
        %parallel_loop3A_709 = arith.addf %parallel_loop3A_705, %gather3A_103 : vector<16xf32>
        %parallel_loop3A_710 = arith.constant 0 : i32
        %parallel_loop3A_711 = arith.constant 0 : i32
        %parallel_loop3A_712 = tpu.memref_slice %arg9[%parallel_loop3A_129, %parallel_loop3A_710, %parallel_loop3A_711] : memref<2x324x128xf32, #tpu.memory_space<vmem>> -> memref<1x324x128xf32, #tpu.memory_space<vmem>>
        %parallel_loop3A_713 = tpu.memref_squeeze %parallel_loop3A_712 : memref<1x324x128xf32, #tpu.memory_space<vmem>> -> memref<324x128xf32, #tpu.memory_space<vmem>>
        tpu.vector_store_idx %parallel_loop3A_713[%parallel_loop3A_653, %parallel_loop3A_708], %parallel_loop3A_709 : memref<324x128xf32, #tpu.memory_space<vmem>>[vector<16xi32>, vector<16xi32>], vector<16xf32>,
        %parallel_loop3A_714 = arith.constant 80 : i32
        %parallel_loop3A_715 = vector.broadcast %parallel_loop3A_714 : i32 to vector<16xi32>
        %parallel_loop3A_716 = arith.addi %parallel_loop3A_648, %parallel_loop3A_715 : vector<16xi32>
        %parallel_loop3A_717 = tpu.vector_load_idx %arg6[%parallel_loop3A_716] : memref<11264xf32, #tpu.memory_space<vmem>>[vector<16xi32>], vector<16xf32>,
        %parallel_loop3A_718 = arith.constant 80 : i32
        %parallel_loop3A_719 = vector.broadcast %parallel_loop3A_718 : i32 to vector<16xi32>
        %parallel_loop3A_720 = arith.addi %parallel_loop3A_719, %iota3A : vector<16xi32>
        %parallel_loop3A_721 = arith.addf %parallel_loop3A_717, %gather3A_110 : vector<16xf32>
        %parallel_loop3A_722 = arith.constant 0 : i32
        %parallel_loop3A_723 = arith.constant 0 : i32
        %parallel_loop3A_724 = tpu.memref_slice %arg9[%parallel_loop3A_129, %parallel_loop3A_722, %parallel_loop3A_723] : memref<2x324x128xf32, #tpu.memory_space<vmem>> -> memref<1x324x128xf32, #tpu.memory_space<vmem>>
        %parallel_loop3A_725 = tpu.memref_squeeze %parallel_loop3A_724 : memref<1x324x128xf32, #tpu.memory_space<vmem>> -> memref<324x128xf32, #tpu.memory_space<vmem>>
        tpu.vector_store_idx %parallel_loop3A_725[%parallel_loop3A_653, %parallel_loop3A_720], %parallel_loop3A_721 : memref<324x128xf32, #tpu.memory_space<vmem>>[vector<16xi32>, vector<16xi32>], vector<16xf32>,
        %parallel_loop3A_726 = arith.constant 96 : i32
        %parallel_loop3A_727 = vector.broadcast %parallel_loop3A_726 : i32 to vector<16xi32>
        %parallel_loop3A_728 = arith.addi %parallel_loop3A_648, %parallel_loop3A_727 : vector<16xi32>
        %parallel_loop3A_729 = tpu.vector_load_idx %arg6[%parallel_loop3A_728] : memref<11264xf32, #tpu.memory_space<vmem>>[vector<16xi32>], vector<16xf32>,
        %parallel_loop3A_730 = arith.constant 96 : i32
        %parallel_loop3A_731 = vector.broadcast %parallel_loop3A_730 : i32 to vector<16xi32>
        %parallel_loop3A_732 = arith.addi %parallel_loop3A_731, %iota3A : vector<16xi32>
        %parallel_loop3A_733 = arith.addf %parallel_loop3A_729, %gather3A_117 : vector<16xf32>
        %parallel_loop3A_734 = arith.constant 0 : i32
        %parallel_loop3A_735 = arith.constant 0 : i32
        %parallel_loop3A_736 = tpu.memref_slice %arg9[%parallel_loop3A_129, %parallel_loop3A_734, %parallel_loop3A_735] : memref<2x324x128xf32, #tpu.memory_space<vmem>> -> memref<1x324x128xf32, #tpu.memory_space<vmem>>
        %parallel_loop3A_737 = tpu.memref_squeeze %parallel_loop3A_736 : memref<1x324x128xf32, #tpu.memory_space<vmem>> -> memref<324x128xf32, #tpu.memory_space<vmem>>
        tpu.vector_store_idx %parallel_loop3A_737[%parallel_loop3A_653, %parallel_loop3A_732], %parallel_loop3A_733 : memref<324x128xf32, #tpu.memory_space<vmem>>[vector<16xi32>, vector<16xi32>], vector<16xf32>,
        %parallel_loop3A_738 = arith.constant 112 : i32
        %parallel_loop3A_739 = vector.broadcast %parallel_loop3A_738 : i32 to vector<16xi32>
        %parallel_loop3A_740 = arith.addi %parallel_loop3A_648, %parallel_loop3A_739 : vector<16xi32>
        %parallel_loop3A_741 = tpu.vector_load_idx %arg6[%parallel_loop3A_740] : memref<11264xf32, #tpu.memory_space<vmem>>[vector<16xi32>], vector<16xf32>,
        %parallel_loop3A_742 = arith.constant 112 : i32
        %parallel_loop3A_743 = vector.broadcast %parallel_loop3A_742 : i32 to vector<16xi32>
        %parallel_loop3A_744 = arith.addi %parallel_loop3A_743, %iota3A : vector<16xi32>
        %parallel_loop3A_745 = arith.addf %parallel_loop3A_741, %gather3A_124 : vector<16xf32>
        %parallel_loop3A_746 = arith.constant 0 : i32
        %parallel_loop3A_747 = arith.constant 0 : i32
        %parallel_loop3A_748 = tpu.memref_slice %arg9[%parallel_loop3A_129, %parallel_loop3A_746, %parallel_loop3A_747] : memref<2x324x128xf32, #tpu.memory_space<vmem>> -> memref<1x324x128xf32, #tpu.memory_space<vmem>>
        %parallel_loop3A_749 = tpu.memref_squeeze %parallel_loop3A_748 : memref<1x324x128xf32, #tpu.memory_space<vmem>> -> memref<324x128xf32, #tpu.memory_space<vmem>>
        tpu.vector_store_idx %parallel_loop3A_749[%parallel_loop3A_653, %parallel_loop3A_744], %parallel_loop3A_745 : memref<324x128xf32, #tpu.memory_space<vmem>>[vector<16xi32>, vector<16xi32>], vector<16xf32>,
      } {sc.loop_unroll_factor = 3 : i64, sc.parallel_access}
      %mul3A_130 = arith.constant 4 : i32
      %mul3A_131 = arith.muli %add3A_63, %mul3A_130 : i32
      %add3A_132 = arith.constant 1 : i32
      %add3A_133 = arith.addi %mul3A_131, %add3A_132 : i32
      %mul3A_134 = arith.constant 128 : i32
      %mul3A_135 = arith.muli %add3A_133, %mul3A_134 : i32
      %add3A_136 = arith.constant 0 : i32
      %add3A_137 = arith.addi %mul3A_135, %add3A_136 : i32
      %add3A_138 = vector.broadcast %add3A_137 : i32 to vector<16xi32>
      %add3A_139 = arith.addi %add3A_138, %iota3A : vector<16xi32>
      %gather3A_140 = tpu.vector_load_idx %arg8[%add3A_139] : memref<16384xf32, #tpu.memory_space<vmem>>[vector<16xi32>], vector<16xf32>,
      %mul3A_141 = arith.constant 128 : i32
      %mul3A_142 = arith.muli %add3A_133, %mul3A_141 : i32
      %add3A_143 = arith.constant 16 : i32
      %add3A_144 = arith.addi %mul3A_142, %add3A_143 : i32
      %add3A_145 = vector.broadcast %add3A_144 : i32 to vector<16xi32>
      %add3A_146 = arith.addi %add3A_145, %iota3A : vector<16xi32>
      %gather3A_147 = tpu.vector_load_idx %arg8[%add3A_146] : memref<16384xf32, #tpu.memory_space<vmem>>[vector<16xi32>], vector<16xf32>,
      %mul3A_148 = arith.constant 128 : i32
      %mul3A_149 = arith.muli %add3A_133, %mul3A_148 : i32
      %add3A_150 = arith.constant 32 : i32
      %add3A_151 = arith.addi %mul3A_149, %add3A_150 : i32
      %add3A_152 = vector.broadcast %add3A_151 : i32 to vector<16xi32>
      %add3A_153 = arith.addi %add3A_152, %iota3A : vector<16xi32>
      %gather3A_154 = tpu.vector_load_idx %arg8[%add3A_153] : memref<16384xf32, #tpu.memory_space<vmem>>[vector<16xi32>], vector<16xf32>,
      %mul3A_155 = arith.constant 128 : i32
      %mul3A_156 = arith.muli %add3A_133, %mul3A_155 : i32
      %add3A_157 = arith.constant 48 : i32
      %add3A_158 = arith.addi %mul3A_156, %add3A_157 : i32
      %add3A_159 = vector.broadcast %add3A_158 : i32 to vector<16xi32>
      %add3A_160 = arith.addi %add3A_159, %iota3A : vector<16xi32>
      %gather3A_161 = tpu.vector_load_idx %arg8[%add3A_160] : memref<16384xf32, #tpu.memory_space<vmem>>[vector<16xi32>], vector<16xf32>,
      %mul3A_162 = arith.constant 128 : i32
      %mul3A_163 = arith.muli %add3A_133, %mul3A_162 : i32
      %add3A_164 = arith.constant 64 : i32
      %add3A_165 = arith.addi %mul3A_163, %add3A_164 : i32
      %add3A_166 = vector.broadcast %add3A_165 : i32 to vector<16xi32>
      %add3A_167 = arith.addi %add3A_166, %iota3A : vector<16xi32>
      %gather3A_168 = tpu.vector_load_idx %arg8[%add3A_167] : memref<16384xf32, #tpu.memory_space<vmem>>[vector<16xi32>], vector<16xf32>,
      %mul3A_169 = arith.constant 128 : i32
      %mul3A_170 = arith.muli %add3A_133, %mul3A_169 : i32
      %add3A_171 = arith.constant 80 : i32
      %add3A_172 = arith.addi %mul3A_170, %add3A_171 : i32
      %add3A_173 = vector.broadcast %add3A_172 : i32 to vector<16xi32>
      %add3A_174 = arith.addi %add3A_173, %iota3A : vector<16xi32>
      %gather3A_175 = tpu.vector_load_idx %arg8[%add3A_174] : memref<16384xf32, #tpu.memory_space<vmem>>[vector<16xi32>], vector<16xf32>,
      %mul3A_176 = arith.constant 128 : i32
      %mul3A_177 = arith.muli %add3A_133, %mul3A_176 : i32
      %add3A_178 = arith.constant 96 : i32
      %add3A_179 = arith.addi %mul3A_177, %add3A_178 : i32
      %add3A_180 = vector.broadcast %add3A_179 : i32 to vector<16xi32>
      %add3A_181 = arith.addi %add3A_180, %iota3A : vector<16xi32>
      %gather3A_182 = tpu.vector_load_idx %arg8[%add3A_181] : memref<16384xf32, #tpu.memory_space<vmem>>[vector<16xi32>], vector<16xf32>,
      %mul3A_183 = arith.constant 128 : i32
      %mul3A_184 = arith.muli %add3A_133, %mul3A_183 : i32
      %add3A_185 = arith.constant 112 : i32
      %add3A_186 = arith.addi %mul3A_184, %add3A_185 : i32
      %add3A_187 = vector.broadcast %add3A_186 : i32 to vector<16xi32>
      %add3A_188 = arith.addi %add3A_187, %iota3A : vector<16xi32>
      %gather3A_189 = tpu.vector_load_idx %arg8[%add3A_188] : memref<16384xf32, #tpu.memory_space<vmem>>[vector<16xi32>], vector<16xf32>,
      %mul3A_190 = arith.constant 128 : i32
      %mul3A_191 = arith.muli %add3A_133, %mul3A_190 : i32
      %parallel_loop3A_192 = arith.constant 0 : i32
      %parallel_loop3A_193 = arith.constant 81 : i32
      %parallel_loop3A_194 = arith.constant 1 : i32
      %parallel_loop3A_195 = arith.constant 0 : i32
      scf.for %parallel_loop3A_641 = %parallel_loop3A_192 to %parallel_loop3A_193 step %parallel_loop3A_194  : i32 {
        %parallel_loop3A_642 = arith.addi %mul3A_191, %parallel_loop3A_641 : i32
        %parallel_loop3A_643 = vector.broadcast %parallel_loop3A_642 : i32 to vector<16xi32>
        %parallel_loop3A_644 = tpu.vector_load_idx %arg7[%parallel_loop3A_643] : memref<16384xi32, #tpu.memory_space<vmem>>[vector<16xi32>], vector<16xi32>,
        %parallel_loop3A_645 = arith.constant 128 : i32
        %parallel_loop3A_646 = vector.broadcast %parallel_loop3A_645 : i32 to vector<16xi32>
        %parallel_loop3A_647 = arith.muli %parallel_loop3A_644, %parallel_loop3A_646 : vector<16xi32>
        %parallel_loop3A_648 = arith.addi %parallel_loop3A_647, %iota3A : vector<16xi32>
        %parallel_loop3A_649 = arith.constant 4 : i32
        %parallel_loop3A_650 = arith.muli %parallel_loop3A_641, %parallel_loop3A_649 : i32
        %parallel_loop3A_651 = arith.constant 1 : i32
        %parallel_loop3A_652 = arith.addi %parallel_loop3A_650, %parallel_loop3A_651 : i32
        %parallel_loop3A_653 = vector.broadcast %parallel_loop3A_652 : i32 to vector<16xi32>
        %parallel_loop3A_654 = arith.constant 0 : i32
        %parallel_loop3A_655 = vector.broadcast %parallel_loop3A_654 : i32 to vector<16xi32>
        %parallel_loop3A_656 = arith.addi %parallel_loop3A_648, %parallel_loop3A_655 : vector<16xi32>
        %parallel_loop3A_657 = tpu.vector_load_idx %arg6[%parallel_loop3A_656] : memref<11264xf32, #tpu.memory_space<vmem>>[vector<16xi32>], vector<16xf32>,
        %parallel_loop3A_658 = arith.constant 0 : i32
        %parallel_loop3A_659 = vector.broadcast %parallel_loop3A_658 : i32 to vector<16xi32>
        %parallel_loop3A_660 = arith.addi %parallel_loop3A_659, %iota3A : vector<16xi32>
        %parallel_loop3A_661 = arith.addf %parallel_loop3A_657, %gather3A_140 : vector<16xf32>
        %parallel_loop3A_662 = arith.constant 0 : i32
        %parallel_loop3A_663 = arith.constant 0 : i32
        %parallel_loop3A_664 = tpu.memref_slice %arg9[%parallel_loop3A_195, %parallel_loop3A_662, %parallel_loop3A_663] : memref<2x324x128xf32, #tpu.memory_space<vmem>> -> memref<1x324x128xf32, #tpu.memory_space<vmem>>
        %parallel_loop3A_665 = tpu.memref_squeeze %parallel_loop3A_664 : memref<1x324x128xf32, #tpu.memory_space<vmem>> -> memref<324x128xf32, #tpu.memory_space<vmem>>
        tpu.vector_store_idx %parallel_loop3A_665[%parallel_loop3A_653, %parallel_loop3A_660], %parallel_loop3A_661 : memref<324x128xf32, #tpu.memory_space<vmem>>[vector<16xi32>, vector<16xi32>], vector<16xf32>,
        %parallel_loop3A_666 = arith.constant 16 : i32
        %parallel_loop3A_667 = vector.broadcast %parallel_loop3A_666 : i32 to vector<16xi32>
        %parallel_loop3A_668 = arith.addi %parallel_loop3A_648, %parallel_loop3A_667 : vector<16xi32>
        %parallel_loop3A_669 = tpu.vector_load_idx %arg6[%parallel_loop3A_668] : memref<11264xf32, #tpu.memory_space<vmem>>[vector<16xi32>], vector<16xf32>,
        %parallel_loop3A_670 = arith.constant 16 : i32
        %parallel_loop3A_671 = vector.broadcast %parallel_loop3A_670 : i32 to vector<16xi32>
        %parallel_loop3A_672 = arith.addi %parallel_loop3A_671, %iota3A : vector<16xi32>
        %parallel_loop3A_673 = arith.addf %parallel_loop3A_669, %gather3A_147 : vector<16xf32>
        %parallel_loop3A_674 = arith.constant 0 : i32
        %parallel_loop3A_675 = arith.constant 0 : i32
        %parallel_loop3A_676 = tpu.memref_slice %arg9[%parallel_loop3A_195, %parallel_loop3A_674, %parallel_loop3A_675] : memref<2x324x128xf32, #tpu.memory_space<vmem>> -> memref<1x324x128xf32, #tpu.memory_space<vmem>>
        %parallel_loop3A_677 = tpu.memref_squeeze %parallel_loop3A_676 : memref<1x324x128xf32, #tpu.memory_space<vmem>> -> memref<324x128xf32, #tpu.memory_space<vmem>>
        tpu.vector_store_idx %parallel_loop3A_677[%parallel_loop3A_653, %parallel_loop3A_672], %parallel_loop3A_673 : memref<324x128xf32, #tpu.memory_space<vmem>>[vector<16xi32>, vector<16xi32>], vector<16xf32>,
        %parallel_loop3A_678 = arith.constant 32 : i32
        %parallel_loop3A_679 = vector.broadcast %parallel_loop3A_678 : i32 to vector<16xi32>
        %parallel_loop3A_680 = arith.addi %parallel_loop3A_648, %parallel_loop3A_679 : vector<16xi32>
        %parallel_loop3A_681 = tpu.vector_load_idx %arg6[%parallel_loop3A_680] : memref<11264xf32, #tpu.memory_space<vmem>>[vector<16xi32>], vector<16xf32>,
        %parallel_loop3A_682 = arith.constant 32 : i32
        %parallel_loop3A_683 = vector.broadcast %parallel_loop3A_682 : i32 to vector<16xi32>
        %parallel_loop3A_684 = arith.addi %parallel_loop3A_683, %iota3A : vector<16xi32>
        %parallel_loop3A_685 = arith.addf %parallel_loop3A_681, %gather3A_154 : vector<16xf32>
        %parallel_loop3A_686 = arith.constant 0 : i32
        %parallel_loop3A_687 = arith.constant 0 : i32
        %parallel_loop3A_688 = tpu.memref_slice %arg9[%parallel_loop3A_195, %parallel_loop3A_686, %parallel_loop3A_687] : memref<2x324x128xf32, #tpu.memory_space<vmem>> -> memref<1x324x128xf32, #tpu.memory_space<vmem>>
        %parallel_loop3A_689 = tpu.memref_squeeze %parallel_loop3A_688 : memref<1x324x128xf32, #tpu.memory_space<vmem>> -> memref<324x128xf32, #tpu.memory_space<vmem>>
        tpu.vector_store_idx %parallel_loop3A_689[%parallel_loop3A_653, %parallel_loop3A_684], %parallel_loop3A_685 : memref<324x128xf32, #tpu.memory_space<vmem>>[vector<16xi32>, vector<16xi32>], vector<16xf32>,
        %parallel_loop3A_690 = arith.constant 48 : i32
        %parallel_loop3A_691 = vector.broadcast %parallel_loop3A_690 : i32 to vector<16xi32>
        %parallel_loop3A_692 = arith.addi %parallel_loop3A_648, %parallel_loop3A_691 : vector<16xi32>
        %parallel_loop3A_693 = tpu.vector_load_idx %arg6[%parallel_loop3A_692] : memref<11264xf32, #tpu.memory_space<vmem>>[vector<16xi32>], vector<16xf32>,
        %parallel_loop3A_694 = arith.constant 48 : i32
        %parallel_loop3A_695 = vector.broadcast %parallel_loop3A_694 : i32 to vector<16xi32>
        %parallel_loop3A_696 = arith.addi %parallel_loop3A_695, %iota3A : vector<16xi32>
        %parallel_loop3A_697 = arith.addf %parallel_loop3A_693, %gather3A_161 : vector<16xf32>
        %parallel_loop3A_698 = arith.constant 0 : i32
        %parallel_loop3A_699 = arith.constant 0 : i32
        %parallel_loop3A_700 = tpu.memref_slice %arg9[%parallel_loop3A_195, %parallel_loop3A_698, %parallel_loop3A_699] : memref<2x324x128xf32, #tpu.memory_space<vmem>> -> memref<1x324x128xf32, #tpu.memory_space<vmem>>
        %parallel_loop3A_701 = tpu.memref_squeeze %parallel_loop3A_700 : memref<1x324x128xf32, #tpu.memory_space<vmem>> -> memref<324x128xf32, #tpu.memory_space<vmem>>
        tpu.vector_store_idx %parallel_loop3A_701[%parallel_loop3A_653, %parallel_loop3A_696], %parallel_loop3A_697 : memref<324x128xf32, #tpu.memory_space<vmem>>[vector<16xi32>, vector<16xi32>], vector<16xf32>,
        %parallel_loop3A_702 = arith.constant 64 : i32
        %parallel_loop3A_703 = vector.broadcast %parallel_loop3A_702 : i32 to vector<16xi32>
        %parallel_loop3A_704 = arith.addi %parallel_loop3A_648, %parallel_loop3A_703 : vector<16xi32>
        %parallel_loop3A_705 = tpu.vector_load_idx %arg6[%parallel_loop3A_704] : memref<11264xf32, #tpu.memory_space<vmem>>[vector<16xi32>], vector<16xf32>,
        %parallel_loop3A_706 = arith.constant 64 : i32
        %parallel_loop3A_707 = vector.broadcast %parallel_loop3A_706 : i32 to vector<16xi32>
        %parallel_loop3A_708 = arith.addi %parallel_loop3A_707, %iota3A : vector<16xi32>
        %parallel_loop3A_709 = arith.addf %parallel_loop3A_705, %gather3A_168 : vector<16xf32>
        %parallel_loop3A_710 = arith.constant 0 : i32
        %parallel_loop3A_711 = arith.constant 0 : i32
        %parallel_loop3A_712 = tpu.memref_slice %arg9[%parallel_loop3A_195, %parallel_loop3A_710, %parallel_loop3A_711] : memref<2x324x128xf32, #tpu.memory_space<vmem>> -> memref<1x324x128xf32, #tpu.memory_space<vmem>>
        %parallel_loop3A_713 = tpu.memref_squeeze %parallel_loop3A_712 : memref<1x324x128xf32, #tpu.memory_space<vmem>> -> memref<324x128xf32, #tpu.memory_space<vmem>>
        tpu.vector_store_idx %parallel_loop3A_713[%parallel_loop3A_653, %parallel_loop3A_708], %parallel_loop3A_709 : memref<324x128xf32, #tpu.memory_space<vmem>>[vector<16xi32>, vector<16xi32>], vector<16xf32>,
        %parallel_loop3A_714 = arith.constant 80 : i32
        %parallel_loop3A_715 = vector.broadcast %parallel_loop3A_714 : i32 to vector<16xi32>
        %parallel_loop3A_716 = arith.addi %parallel_loop3A_648, %parallel_loop3A_715 : vector<16xi32>
        %parallel_loop3A_717 = tpu.vector_load_idx %arg6[%parallel_loop3A_716] : memref<11264xf32, #tpu.memory_space<vmem>>[vector<16xi32>], vector<16xf32>,
        %parallel_loop3A_718 = arith.constant 80 : i32
        %parallel_loop3A_719 = vector.broadcast %parallel_loop3A_718 : i32 to vector<16xi32>
        %parallel_loop3A_720 = arith.addi %parallel_loop3A_719, %iota3A : vector<16xi32>
        %parallel_loop3A_721 = arith.addf %parallel_loop3A_717, %gather3A_175 : vector<16xf32>
        %parallel_loop3A_722 = arith.constant 0 : i32
        %parallel_loop3A_723 = arith.constant 0 : i32
        %parallel_loop3A_724 = tpu.memref_slice %arg9[%parallel_loop3A_195, %parallel_loop3A_722, %parallel_loop3A_723] : memref<2x324x128xf32, #tpu.memory_space<vmem>> -> memref<1x324x128xf32, #tpu.memory_space<vmem>>
        %parallel_loop3A_725 = tpu.memref_squeeze %parallel_loop3A_724 : memref<1x324x128xf32, #tpu.memory_space<vmem>> -> memref<324x128xf32, #tpu.memory_space<vmem>>
        tpu.vector_store_idx %parallel_loop3A_725[%parallel_loop3A_653, %parallel_loop3A_720], %parallel_loop3A_721 : memref<324x128xf32, #tpu.memory_space<vmem>>[vector<16xi32>, vector<16xi32>], vector<16xf32>,
        %parallel_loop3A_726 = arith.constant 96 : i32
        %parallel_loop3A_727 = vector.broadcast %parallel_loop3A_726 : i32 to vector<16xi32>
        %parallel_loop3A_728 = arith.addi %parallel_loop3A_648, %parallel_loop3A_727 : vector<16xi32>
        %parallel_loop3A_729 = tpu.vector_load_idx %arg6[%parallel_loop3A_728] : memref<11264xf32, #tpu.memory_space<vmem>>[vector<16xi32>], vector<16xf32>,
        %parallel_loop3A_730 = arith.constant 96 : i32
        %parallel_loop3A_731 = vector.broadcast %parallel_loop3A_730 : i32 to vector<16xi32>
        %parallel_loop3A_732 = arith.addi %parallel_loop3A_731, %iota3A : vector<16xi32>
        %parallel_loop3A_733 = arith.addf %parallel_loop3A_729, %gather3A_182 : vector<16xf32>
        %parallel_loop3A_734 = arith.constant 0 : i32
        %parallel_loop3A_735 = arith.constant 0 : i32
        %parallel_loop3A_736 = tpu.memref_slice %arg9[%parallel_loop3A_195, %parallel_loop3A_734, %parallel_loop3A_735] : memref<2x324x128xf32, #tpu.memory_space<vmem>> -> memref<1x324x128xf32, #tpu.memory_space<vmem>>
        %parallel_loop3A_737 = tpu.memref_squeeze %parallel_loop3A_736 : memref<1x324x128xf32, #tpu.memory_space<vmem>> -> memref<324x128xf32, #tpu.memory_space<vmem>>
        tpu.vector_store_idx %parallel_loop3A_737[%parallel_loop3A_653, %parallel_loop3A_732], %parallel_loop3A_733 : memref<324x128xf32, #tpu.memory_space<vmem>>[vector<16xi32>, vector<16xi32>], vector<16xf32>,
        %parallel_loop3A_738 = arith.constant 112 : i32
        %parallel_loop3A_739 = vector.broadcast %parallel_loop3A_738 : i32 to vector<16xi32>
        %parallel_loop3A_740 = arith.addi %parallel_loop3A_648, %parallel_loop3A_739 : vector<16xi32>
        %parallel_loop3A_741 = tpu.vector_load_idx %arg6[%parallel_loop3A_740] : memref<11264xf32, #tpu.memory_space<vmem>>[vector<16xi32>], vector<16xf32>,
        %parallel_loop3A_742 = arith.constant 112 : i32
        %parallel_loop3A_743 = vector.broadcast %parallel_loop3A_742 : i32 to vector<16xi32>
        %parallel_loop3A_744 = arith.addi %parallel_loop3A_743, %iota3A : vector<16xi32>
        %parallel_loop3A_745 = arith.addf %parallel_loop3A_741, %gather3A_189 : vector<16xf32>
        %parallel_loop3A_746 = arith.constant 0 : i32
        %parallel_loop3A_747 = arith.constant 0 : i32
        %parallel_loop3A_748 = tpu.memref_slice %arg9[%parallel_loop3A_195, %parallel_loop3A_746, %parallel_loop3A_747] : memref<2x324x128xf32, #tpu.memory_space<vmem>> -> memref<1x324x128xf32, #tpu.memory_space<vmem>>
        %parallel_loop3A_749 = tpu.memref_squeeze %parallel_loop3A_748 : memref<1x324x128xf32, #tpu.memory_space<vmem>> -> memref<324x128xf32, #tpu.memory_space<vmem>>
        tpu.vector_store_idx %parallel_loop3A_749[%parallel_loop3A_653, %parallel_loop3A_744], %parallel_loop3A_745 : memref<324x128xf32, #tpu.memory_space<vmem>>[vector<16xi32>, vector<16xi32>], vector<16xf32>,
      } {sc.loop_unroll_factor = 3 : i64, sc.parallel_access}
      %mul3A_196 = arith.constant 4 : i32
      %mul3A_197 = arith.muli %add3A_63, %mul3A_196 : i32
      %add3A_198 = arith.constant 2 : i32
      %add3A_199 = arith.addi %mul3A_197, %add3A_198 : i32
      %mul3A_200 = arith.constant 128 : i32
      %mul3A_201 = arith.muli %add3A_199, %mul3A_200 : i32
      %add3A_202 = arith.constant 0 : i32
      %add3A_203 = arith.addi %mul3A_201, %add3A_202 : i32
      %add3A_204 = vector.broadcast %add3A_203 : i32 to vector<16xi32>
      %add3A_205 = arith.addi %add3A_204, %iota3A : vector<16xi32>
      %gather3A_206 = tpu.vector_load_idx %arg8[%add3A_205] : memref<16384xf32, #tpu.memory_space<vmem>>[vector<16xi32>], vector<16xf32>,
      %mul3A_207 = arith.constant 128 : i32
      %mul3A_208 = arith.muli %add3A_199, %mul3A_207 : i32
      %add3A_209 = arith.constant 16 : i32
      %add3A_210 = arith.addi %mul3A_208, %add3A_209 : i32
      %add3A_211 = vector.broadcast %add3A_210 : i32 to vector<16xi32>
      %add3A_212 = arith.addi %add3A_211, %iota3A : vector<16xi32>
      %gather3A_213 = tpu.vector_load_idx %arg8[%add3A_212] : memref<16384xf32, #tpu.memory_space<vmem>>[vector<16xi32>], vector<16xf32>,
      %mul3A_214 = arith.constant 128 : i32
      %mul3A_215 = arith.muli %add3A_199, %mul3A_214 : i32
      %add3A_216 = arith.constant 32 : i32
      %add3A_217 = arith.addi %mul3A_215, %add3A_216 : i32
      %add3A_218 = vector.broadcast %add3A_217 : i32 to vector<16xi32>
      %add3A_219 = arith.addi %add3A_218, %iota3A : vector<16xi32>
      %gather3A_220 = tpu.vector_load_idx %arg8[%add3A_219] : memref<16384xf32, #tpu.memory_space<vmem>>[vector<16xi32>], vector<16xf32>,
      %mul3A_221 = arith.constant 128 : i32
      %mul3A_222 = arith.muli %add3A_199, %mul3A_221 : i32
      %add3A_223 = arith.constant 48 : i32
      %add3A_224 = arith.addi %mul3A_222, %add3A_223 : i32
      %add3A_225 = vector.broadcast %add3A_224 : i32 to vector<16xi32>
      %add3A_226 = arith.addi %add3A_225, %iota3A : vector<16xi32>
      %gather3A_227 = tpu.vector_load_idx %arg8[%add3A_226] : memref<16384xf32, #tpu.memory_space<vmem>>[vector<16xi32>], vector<16xf32>,
      %mul3A_228 = arith.constant 128 : i32
      %mul3A_229 = arith.muli %add3A_199, %mul3A_228 : i32
      %add3A_230 = arith.constant 64 : i32
      %add3A_231 = arith.addi %mul3A_229, %add3A_230 : i32
      %add3A_232 = vector.broadcast %add3A_231 : i32 to vector<16xi32>
      %add3A_233 = arith.addi %add3A_232, %iota3A : vector<16xi32>
      %gather3A_234 = tpu.vector_load_idx %arg8[%add3A_233] : memref<16384xf32, #tpu.memory_space<vmem>>[vector<16xi32>], vector<16xf32>,
      %mul3A_235 = arith.constant 128 : i32
      %mul3A_236 = arith.muli %add3A_199, %mul3A_235 : i32
      %add3A_237 = arith.constant 80 : i32
      %add3A_238 = arith.addi %mul3A_236, %add3A_237 : i32
      %add3A_239 = vector.broadcast %add3A_238 : i32 to vector<16xi32>
      %add3A_240 = arith.addi %add3A_239, %iota3A : vector<16xi32>
      %gather3A_241 = tpu.vector_load_idx %arg8[%add3A_240] : memref<16384xf32, #tpu.memory_space<vmem>>[vector<16xi32>], vector<16xf32>,
      %mul3A_242 = arith.constant 128 : i32
      %mul3A_243 = arith.muli %add3A_199, %mul3A_242 : i32
      %add3A_244 = arith.constant 96 : i32
      %add3A_245 = arith.addi %mul3A_243, %add3A_244 : i32
      %add3A_246 = vector.broadcast %add3A_245 : i32 to vector<16xi32>
      %add3A_247 = arith.addi %add3A_246, %iota3A : vector<16xi32>
      %gather3A_248 = tpu.vector_load_idx %arg8[%add3A_247] : memref<16384xf32, #tpu.memory_space<vmem>>[vector<16xi32>], vector<16xf32>,
      %mul3A_249 = arith.constant 128 : i32
      %mul3A_250 = arith.muli %add3A_199, %mul3A_249 : i32
      %add3A_251 = arith.constant 112 : i32
      %add3A_252 = arith.addi %mul3A_250, %add3A_251 : i32
      %add3A_253 = vector.broadcast %add3A_252 : i32 to vector<16xi32>
      %add3A_254 = arith.addi %add3A_253, %iota3A : vector<16xi32>
      %gather3A_255 = tpu.vector_load_idx %arg8[%add3A_254] : memref<16384xf32, #tpu.memory_space<vmem>>[vector<16xi32>], vector<16xf32>,
      %mul3A_256 = arith.constant 128 : i32
      %mul3A_257 = arith.muli %add3A_199, %mul3A_256 : i32
      %parallel_loop3A_258 = arith.constant 0 : i32
      %parallel_loop3A_259 = arith.constant 81 : i32
      %parallel_loop3A_260 = arith.constant 1 : i32
      %parallel_loop3A_261 = arith.constant 0 : i32
      scf.for %parallel_loop3A_641 = %parallel_loop3A_258 to %parallel_loop3A_259 step %parallel_loop3A_260  : i32 {
        %parallel_loop3A_642 = arith.addi %mul3A_257, %parallel_loop3A_641 : i32
        %parallel_loop3A_643 = vector.broadcast %parallel_loop3A_642 : i32 to vector<16xi32>
        %parallel_loop3A_644 = tpu.vector_load_idx %arg7[%parallel_loop3A_643] : memref<16384xi32, #tpu.memory_space<vmem>>[vector<16xi32>], vector<16xi32>,
        %parallel_loop3A_645 = arith.constant 128 : i32
        %parallel_loop3A_646 = vector.broadcast %parallel_loop3A_645 : i32 to vector<16xi32>
        %parallel_loop3A_647 = arith.muli %parallel_loop3A_644, %parallel_loop3A_646 : vector<16xi32>
        %parallel_loop3A_648 = arith.addi %parallel_loop3A_647, %iota3A : vector<16xi32>
        %parallel_loop3A_649 = arith.constant 4 : i32
        %parallel_loop3A_650 = arith.muli %parallel_loop3A_641, %parallel_loop3A_649 : i32
        %parallel_loop3A_651 = arith.constant 2 : i32
        %parallel_loop3A_652 = arith.addi %parallel_loop3A_650, %parallel_loop3A_651 : i32
        %parallel_loop3A_653 = vector.broadcast %parallel_loop3A_652 : i32 to vector<16xi32>
        %parallel_loop3A_654 = arith.constant 0 : i32
        %parallel_loop3A_655 = vector.broadcast %parallel_loop3A_654 : i32 to vector<16xi32>
        %parallel_loop3A_656 = arith.addi %parallel_loop3A_648, %parallel_loop3A_655 : vector<16xi32>
        %parallel_loop3A_657 = tpu.vector_load_idx %arg6[%parallel_loop3A_656] : memref<11264xf32, #tpu.memory_space<vmem>>[vector<16xi32>], vector<16xf32>,
        %parallel_loop3A_658 = arith.constant 0 : i32
        %parallel_loop3A_659 = vector.broadcast %parallel_loop3A_658 : i32 to vector<16xi32>
        %parallel_loop3A_660 = arith.addi %parallel_loop3A_659, %iota3A : vector<16xi32>
        %parallel_loop3A_661 = arith.addf %parallel_loop3A_657, %gather3A_206 : vector<16xf32>
        %parallel_loop3A_662 = arith.constant 0 : i32
        %parallel_loop3A_663 = arith.constant 0 : i32
        %parallel_loop3A_664 = tpu.memref_slice %arg9[%parallel_loop3A_261, %parallel_loop3A_662, %parallel_loop3A_663] : memref<2x324x128xf32, #tpu.memory_space<vmem>> -> memref<1x324x128xf32, #tpu.memory_space<vmem>>
        %parallel_loop3A_665 = tpu.memref_squeeze %parallel_loop3A_664 : memref<1x324x128xf32, #tpu.memory_space<vmem>> -> memref<324x128xf32, #tpu.memory_space<vmem>>
        tpu.vector_store_idx %parallel_loop3A_665[%parallel_loop3A_653, %parallel_loop3A_660], %parallel_loop3A_661 : memref<324x128xf32, #tpu.memory_space<vmem>>[vector<16xi32>, vector<16xi32>], vector<16xf32>,
        %parallel_loop3A_666 = arith.constant 16 : i32
        %parallel_loop3A_667 = vector.broadcast %parallel_loop3A_666 : i32 to vector<16xi32>
        %parallel_loop3A_668 = arith.addi %parallel_loop3A_648, %parallel_loop3A_667 : vector<16xi32>
        %parallel_loop3A_669 = tpu.vector_load_idx %arg6[%parallel_loop3A_668] : memref<11264xf32, #tpu.memory_space<vmem>>[vector<16xi32>], vector<16xf32>,
        %parallel_loop3A_670 = arith.constant 16 : i32
        %parallel_loop3A_671 = vector.broadcast %parallel_loop3A_670 : i32 to vector<16xi32>
        %parallel_loop3A_672 = arith.addi %parallel_loop3A_671, %iota3A : vector<16xi32>
        %parallel_loop3A_673 = arith.addf %parallel_loop3A_669, %gather3A_213 : vector<16xf32>
        %parallel_loop3A_674 = arith.constant 0 : i32
        %parallel_loop3A_675 = arith.constant 0 : i32
        %parallel_loop3A_676 = tpu.memref_slice %arg9[%parallel_loop3A_261, %parallel_loop3A_674, %parallel_loop3A_675] : memref<2x324x128xf32, #tpu.memory_space<vmem>> -> memref<1x324x128xf32, #tpu.memory_space<vmem>>
        %parallel_loop3A_677 = tpu.memref_squeeze %parallel_loop3A_676 : memref<1x324x128xf32, #tpu.memory_space<vmem>> -> memref<324x128xf32, #tpu.memory_space<vmem>>
        tpu.vector_store_idx %parallel_loop3A_677[%parallel_loop3A_653, %parallel_loop3A_672], %parallel_loop3A_673 : memref<324x128xf32, #tpu.memory_space<vmem>>[vector<16xi32>, vector<16xi32>], vector<16xf32>,
        %parallel_loop3A_678 = arith.constant 32 : i32
        %parallel_loop3A_679 = vector.broadcast %parallel_loop3A_678 : i32 to vector<16xi32>
        %parallel_loop3A_680 = arith.addi %parallel_loop3A_648, %parallel_loop3A_679 : vector<16xi32>
        %parallel_loop3A_681 = tpu.vector_load_idx %arg6[%parallel_loop3A_680] : memref<11264xf32, #tpu.memory_space<vmem>>[vector<16xi32>], vector<16xf32>,
        %parallel_loop3A_682 = arith.constant 32 : i32
        %parallel_loop3A_683 = vector.broadcast %parallel_loop3A_682 : i32 to vector<16xi32>
        %parallel_loop3A_684 = arith.addi %parallel_loop3A_683, %iota3A : vector<16xi32>
        %parallel_loop3A_685 = arith.addf %parallel_loop3A_681, %gather3A_220 : vector<16xf32>
        %parallel_loop3A_686 = arith.constant 0 : i32
        %parallel_loop3A_687 = arith.constant 0 : i32
        %parallel_loop3A_688 = tpu.memref_slice %arg9[%parallel_loop3A_261, %parallel_loop3A_686, %parallel_loop3A_687] : memref<2x324x128xf32, #tpu.memory_space<vmem>> -> memref<1x324x128xf32, #tpu.memory_space<vmem>>
        %parallel_loop3A_689 = tpu.memref_squeeze %parallel_loop3A_688 : memref<1x324x128xf32, #tpu.memory_space<vmem>> -> memref<324x128xf32, #tpu.memory_space<vmem>>
        tpu.vector_store_idx %parallel_loop3A_689[%parallel_loop3A_653, %parallel_loop3A_684], %parallel_loop3A_685 : memref<324x128xf32, #tpu.memory_space<vmem>>[vector<16xi32>, vector<16xi32>], vector<16xf32>,
        %parallel_loop3A_690 = arith.constant 48 : i32
        %parallel_loop3A_691 = vector.broadcast %parallel_loop3A_690 : i32 to vector<16xi32>
        %parallel_loop3A_692 = arith.addi %parallel_loop3A_648, %parallel_loop3A_691 : vector<16xi32>
        %parallel_loop3A_693 = tpu.vector_load_idx %arg6[%parallel_loop3A_692] : memref<11264xf32, #tpu.memory_space<vmem>>[vector<16xi32>], vector<16xf32>,
        %parallel_loop3A_694 = arith.constant 48 : i32
        %parallel_loop3A_695 = vector.broadcast %parallel_loop3A_694 : i32 to vector<16xi32>
        %parallel_loop3A_696 = arith.addi %parallel_loop3A_695, %iota3A : vector<16xi32>
        %parallel_loop3A_697 = arith.addf %parallel_loop3A_693, %gather3A_227 : vector<16xf32>
        %parallel_loop3A_698 = arith.constant 0 : i32
        %parallel_loop3A_699 = arith.constant 0 : i32
        %parallel_loop3A_700 = tpu.memref_slice %arg9[%parallel_loop3A_261, %parallel_loop3A_698, %parallel_loop3A_699] : memref<2x324x128xf32, #tpu.memory_space<vmem>> -> memref<1x324x128xf32, #tpu.memory_space<vmem>>
        %parallel_loop3A_701 = tpu.memref_squeeze %parallel_loop3A_700 : memref<1x324x128xf32, #tpu.memory_space<vmem>> -> memref<324x128xf32, #tpu.memory_space<vmem>>
        tpu.vector_store_idx %parallel_loop3A_701[%parallel_loop3A_653, %parallel_loop3A_696], %parallel_loop3A_697 : memref<324x128xf32, #tpu.memory_space<vmem>>[vector<16xi32>, vector<16xi32>], vector<16xf32>,
        %parallel_loop3A_702 = arith.constant 64 : i32
        %parallel_loop3A_703 = vector.broadcast %parallel_loop3A_702 : i32 to vector<16xi32>
        %parallel_loop3A_704 = arith.addi %parallel_loop3A_648, %parallel_loop3A_703 : vector<16xi32>
        %parallel_loop3A_705 = tpu.vector_load_idx %arg6[%parallel_loop3A_704] : memref<11264xf32, #tpu.memory_space<vmem>>[vector<16xi32>], vector<16xf32>,
        %parallel_loop3A_706 = arith.constant 64 : i32
        %parallel_loop3A_707 = vector.broadcast %parallel_loop3A_706 : i32 to vector<16xi32>
        %parallel_loop3A_708 = arith.addi %parallel_loop3A_707, %iota3A : vector<16xi32>
        %parallel_loop3A_709 = arith.addf %parallel_loop3A_705, %gather3A_234 : vector<16xf32>
        %parallel_loop3A_710 = arith.constant 0 : i32
        %parallel_loop3A_711 = arith.constant 0 : i32
        %parallel_loop3A_712 = tpu.memref_slice %arg9[%parallel_loop3A_261, %parallel_loop3A_710, %parallel_loop3A_711] : memref<2x324x128xf32, #tpu.memory_space<vmem>> -> memref<1x324x128xf32, #tpu.memory_space<vmem>>
        %parallel_loop3A_713 = tpu.memref_squeeze %parallel_loop3A_712 : memref<1x324x128xf32, #tpu.memory_space<vmem>> -> memref<324x128xf32, #tpu.memory_space<vmem>>
        tpu.vector_store_idx %parallel_loop3A_713[%parallel_loop3A_653, %parallel_loop3A_708], %parallel_loop3A_709 : memref<324x128xf32, #tpu.memory_space<vmem>>[vector<16xi32>, vector<16xi32>], vector<16xf32>,
        %parallel_loop3A_714 = arith.constant 80 : i32
        %parallel_loop3A_715 = vector.broadcast %parallel_loop3A_714 : i32 to vector<16xi32>
        %parallel_loop3A_716 = arith.addi %parallel_loop3A_648, %parallel_loop3A_715 : vector<16xi32>
        %parallel_loop3A_717 = tpu.vector_load_idx %arg6[%parallel_loop3A_716] : memref<11264xf32, #tpu.memory_space<vmem>>[vector<16xi32>], vector<16xf32>,
        %parallel_loop3A_718 = arith.constant 80 : i32
        %parallel_loop3A_719 = vector.broadcast %parallel_loop3A_718 : i32 to vector<16xi32>
        %parallel_loop3A_720 = arith.addi %parallel_loop3A_719, %iota3A : vector<16xi32>
        %parallel_loop3A_721 = arith.addf %parallel_loop3A_717, %gather3A_241 : vector<16xf32>
        %parallel_loop3A_722 = arith.constant 0 : i32
        %parallel_loop3A_723 = arith.constant 0 : i32
        %parallel_loop3A_724 = tpu.memref_slice %arg9[%parallel_loop3A_261, %parallel_loop3A_722, %parallel_loop3A_723] : memref<2x324x128xf32, #tpu.memory_space<vmem>> -> memref<1x324x128xf32, #tpu.memory_space<vmem>>
        %parallel_loop3A_725 = tpu.memref_squeeze %parallel_loop3A_724 : memref<1x324x128xf32, #tpu.memory_space<vmem>> -> memref<324x128xf32, #tpu.memory_space<vmem>>
        tpu.vector_store_idx %parallel_loop3A_725[%parallel_loop3A_653, %parallel_loop3A_720], %parallel_loop3A_721 : memref<324x128xf32, #tpu.memory_space<vmem>>[vector<16xi32>, vector<16xi32>], vector<16xf32>,
        %parallel_loop3A_726 = arith.constant 96 : i32
        %parallel_loop3A_727 = vector.broadcast %parallel_loop3A_726 : i32 to vector<16xi32>
        %parallel_loop3A_728 = arith.addi %parallel_loop3A_648, %parallel_loop3A_727 : vector<16xi32>
        %parallel_loop3A_729 = tpu.vector_load_idx %arg6[%parallel_loop3A_728] : memref<11264xf32, #tpu.memory_space<vmem>>[vector<16xi32>], vector<16xf32>,
        %parallel_loop3A_730 = arith.constant 96 : i32
        %parallel_loop3A_731 = vector.broadcast %parallel_loop3A_730 : i32 to vector<16xi32>
        %parallel_loop3A_732 = arith.addi %parallel_loop3A_731, %iota3A : vector<16xi32>
        %parallel_loop3A_733 = arith.addf %parallel_loop3A_729, %gather3A_248 : vector<16xf32>
        %parallel_loop3A_734 = arith.constant 0 : i32
        %parallel_loop3A_735 = arith.constant 0 : i32
        %parallel_loop3A_736 = tpu.memref_slice %arg9[%parallel_loop3A_261, %parallel_loop3A_734, %parallel_loop3A_735] : memref<2x324x128xf32, #tpu.memory_space<vmem>> -> memref<1x324x128xf32, #tpu.memory_space<vmem>>
        %parallel_loop3A_737 = tpu.memref_squeeze %parallel_loop3A_736 : memref<1x324x128xf32, #tpu.memory_space<vmem>> -> memref<324x128xf32, #tpu.memory_space<vmem>>
        tpu.vector_store_idx %parallel_loop3A_737[%parallel_loop3A_653, %parallel_loop3A_732], %parallel_loop3A_733 : memref<324x128xf32, #tpu.memory_space<vmem>>[vector<16xi32>, vector<16xi32>], vector<16xf32>,
        %parallel_loop3A_738 = arith.constant 112 : i32
        %parallel_loop3A_739 = vector.broadcast %parallel_loop3A_738 : i32 to vector<16xi32>
        %parallel_loop3A_740 = arith.addi %parallel_loop3A_648, %parallel_loop3A_739 : vector<16xi32>
        %parallel_loop3A_741 = tpu.vector_load_idx %arg6[%parallel_loop3A_740] : memref<11264xf32, #tpu.memory_space<vmem>>[vector<16xi32>], vector<16xf32>,
        %parallel_loop3A_742 = arith.constant 112 : i32
        %parallel_loop3A_743 = vector.broadcast %parallel_loop3A_742 : i32 to vector<16xi32>
        %parallel_loop3A_744 = arith.addi %parallel_loop3A_743, %iota3A : vector<16xi32>
        %parallel_loop3A_745 = arith.addf %parallel_loop3A_741, %gather3A_255 : vector<16xf32>
        %parallel_loop3A_746 = arith.constant 0 : i32
        %parallel_loop3A_747 = arith.constant 0 : i32
        %parallel_loop3A_748 = tpu.memref_slice %arg9[%parallel_loop3A_261, %parallel_loop3A_746, %parallel_loop3A_747] : memref<2x324x128xf32, #tpu.memory_space<vmem>> -> memref<1x324x128xf32, #tpu.memory_space<vmem>>
        %parallel_loop3A_749 = tpu.memref_squeeze %parallel_loop3A_748 : memref<1x324x128xf32, #tpu.memory_space<vmem>> -> memref<324x128xf32, #tpu.memory_space<vmem>>
        tpu.vector_store_idx %parallel_loop3A_749[%parallel_loop3A_653, %parallel_loop3A_744], %parallel_loop3A_745 : memref<324x128xf32, #tpu.memory_space<vmem>>[vector<16xi32>, vector<16xi32>], vector<16xf32>,
      } {sc.loop_unroll_factor = 3 : i64, sc.parallel_access}
      %mul3A_262 = arith.constant 4 : i32
      %mul3A_263 = arith.muli %add3A_63, %mul3A_262 : i32
      %add3A_264 = arith.constant 3 : i32
      %add3A_265 = arith.addi %mul3A_263, %add3A_264 : i32
      %mul3A_266 = arith.constant 128 : i32
      %mul3A_267 = arith.muli %add3A_265, %mul3A_266 : i32
      %add3A_268 = arith.constant 0 : i32
      %add3A_269 = arith.addi %mul3A_267, %add3A_268 : i32
      %add3A_270 = vector.broadcast %add3A_269 : i32 to vector<16xi32>
      %add3A_271 = arith.addi %add3A_270, %iota3A : vector<16xi32>
      %gather3A_272 = tpu.vector_load_idx %arg8[%add3A_271] : memref<16384xf32, #tpu.memory_space<vmem>>[vector<16xi32>], vector<16xf32>,
      %mul3A_273 = arith.constant 128 : i32
      %mul3A_274 = arith.muli %add3A_265, %mul3A_273 : i32
      %add3A_275 = arith.constant 16 : i32
      %add3A_276 = arith.addi %mul3A_274, %add3A_275 : i32
      %add3A_277 = vector.broadcast %add3A_276 : i32 to vector<16xi32>
      %add3A_278 = arith.addi %add3A_277, %iota3A : vector<16xi32>
      %gather3A_279 = tpu.vector_load_idx %arg8[%add3A_278] : memref<16384xf32, #tpu.memory_space<vmem>>[vector<16xi32>], vector<16xf32>,
      %mul3A_280 = arith.constant 128 : i32
      %mul3A_281 = arith.muli %add3A_265, %mul3A_280 : i32
      %add3A_282 = arith.constant 32 : i32
      %add3A_283 = arith.addi %mul3A_281, %add3A_282 : i32
      %add3A_284 = vector.broadcast %add3A_283 : i32 to vector<16xi32>
      %add3A_285 = arith.addi %add3A_284, %iota3A : vector<16xi32>
      %gather3A_286 = tpu.vector_load_idx %arg8[%add3A_285] : memref<16384xf32, #tpu.memory_space<vmem>>[vector<16xi32>], vector<16xf32>,
      %mul3A_287 = arith.constant 128 : i32
      %mul3A_288 = arith.muli %add3A_265, %mul3A_287 : i32
      %add3A_289 = arith.constant 48 : i32
      %add3A_290 = arith.addi %mul3A_288, %add3A_289 : i32
      %add3A_291 = vector.broadcast %add3A_290 : i32 to vector<16xi32>
      %add3A_292 = arith.addi %add3A_291, %iota3A : vector<16xi32>
      %gather3A_293 = tpu.vector_load_idx %arg8[%add3A_292] : memref<16384xf32, #tpu.memory_space<vmem>>[vector<16xi32>], vector<16xf32>,
      %mul3A_294 = arith.constant 128 : i32
      %mul3A_295 = arith.muli %add3A_265, %mul3A_294 : i32
      %add3A_296 = arith.constant 64 : i32
      %add3A_297 = arith.addi %mul3A_295, %add3A_296 : i32
      %add3A_298 = vector.broadcast %add3A_297 : i32 to vector<16xi32>
      %add3A_299 = arith.addi %add3A_298, %iota3A : vector<16xi32>
      %gather3A_300 = tpu.vector_load_idx %arg8[%add3A_299] : memref<16384xf32, #tpu.memory_space<vmem>>[vector<16xi32>], vector<16xf32>,
      %mul3A_301 = arith.constant 128 : i32
      %mul3A_302 = arith.muli %add3A_265, %mul3A_301 : i32
      %add3A_303 = arith.constant 80 : i32
      %add3A_304 = arith.addi %mul3A_302, %add3A_303 : i32
      %add3A_305 = vector.broadcast %add3A_304 : i32 to vector<16xi32>
      %add3A_306 = arith.addi %add3A_305, %iota3A : vector<16xi32>
      %gather3A_307 = tpu.vector_load_idx %arg8[%add3A_306] : memref<16384xf32, #tpu.memory_space<vmem>>[vector<16xi32>], vector<16xf32>,
      %mul3A_308 = arith.constant 128 : i32
      %mul3A_309 = arith.muli %add3A_265, %mul3A_308 : i32
      %add3A_310 = arith.constant 96 : i32
      %add3A_311 = arith.addi %mul3A_309, %add3A_310 : i32
      %add3A_312 = vector.broadcast %add3A_311 : i32 to vector<16xi32>
      %add3A_313 = arith.addi %add3A_312, %iota3A : vector<16xi32>
      %gather3A_314 = tpu.vector_load_idx %arg8[%add3A_313] : memref<16384xf32, #tpu.memory_space<vmem>>[vector<16xi32>], vector<16xf32>,
      %mul3A_315 = arith.constant 128 : i32
      %mul3A_316 = arith.muli %add3A_265, %mul3A_315 : i32
      %add3A_317 = arith.constant 112 : i32
      %add3A_318 = arith.addi %mul3A_316, %add3A_317 : i32
      %add3A_319 = vector.broadcast %add3A_318 : i32 to vector<16xi32>
      %add3A_320 = arith.addi %add3A_319, %iota3A : vector<16xi32>
      %gather3A_321 = tpu.vector_load_idx %arg8[%add3A_320] : memref<16384xf32, #tpu.memory_space<vmem>>[vector<16xi32>], vector<16xf32>,
      %mul3A_322 = arith.constant 128 : i32
      %mul3A_323 = arith.muli %add3A_265, %mul3A_322 : i32
      %parallel_loop3A_324 = arith.constant 0 : i32
      %parallel_loop3A_325 = arith.constant 81 : i32
      %parallel_loop3A_326 = arith.constant 1 : i32
      %parallel_loop3A_327 = arith.constant 0 : i32
      scf.for %parallel_loop3A_641 = %parallel_loop3A_324 to %parallel_loop3A_325 step %parallel_loop3A_326  : i32 {
        %parallel_loop3A_642 = arith.addi %mul3A_323, %parallel_loop3A_641 : i32
        %parallel_loop3A_643 = vector.broadcast %parallel_loop3A_642 : i32 to vector<16xi32>
        %parallel_loop3A_644 = tpu.vector_load_idx %arg7[%parallel_loop3A_643] : memref<16384xi32, #tpu.memory_space<vmem>>[vector<16xi32>], vector<16xi32>,
        %parallel_loop3A_645 = arith.constant 128 : i32
        %parallel_loop3A_646 = vector.broadcast %parallel_loop3A_645 : i32 to vector<16xi32>
        %parallel_loop3A_647 = arith.muli %parallel_loop3A_644, %parallel_loop3A_646 : vector<16xi32>
        %parallel_loop3A_648 = arith.addi %parallel_loop3A_647, %iota3A : vector<16xi32>
        %parallel_loop3A_649 = arith.constant 4 : i32
        %parallel_loop3A_650 = arith.muli %parallel_loop3A_641, %parallel_loop3A_649 : i32
        %parallel_loop3A_651 = arith.constant 3 : i32
        %parallel_loop3A_652 = arith.addi %parallel_loop3A_650, %parallel_loop3A_651 : i32
        %parallel_loop3A_653 = vector.broadcast %parallel_loop3A_652 : i32 to vector<16xi32>
        %parallel_loop3A_654 = arith.constant 0 : i32
        %parallel_loop3A_655 = vector.broadcast %parallel_loop3A_654 : i32 to vector<16xi32>
        %parallel_loop3A_656 = arith.addi %parallel_loop3A_648, %parallel_loop3A_655 : vector<16xi32>
        %parallel_loop3A_657 = tpu.vector_load_idx %arg6[%parallel_loop3A_656] : memref<11264xf32, #tpu.memory_space<vmem>>[vector<16xi32>], vector<16xf32>,
        %parallel_loop3A_658 = arith.constant 0 : i32
        %parallel_loop3A_659 = vector.broadcast %parallel_loop3A_658 : i32 to vector<16xi32>
        %parallel_loop3A_660 = arith.addi %parallel_loop3A_659, %iota3A : vector<16xi32>
        %parallel_loop3A_661 = arith.addf %parallel_loop3A_657, %gather3A_272 : vector<16xf32>
        %parallel_loop3A_662 = arith.constant 0 : i32
        %parallel_loop3A_663 = arith.constant 0 : i32
        %parallel_loop3A_664 = tpu.memref_slice %arg9[%parallel_loop3A_327, %parallel_loop3A_662, %parallel_loop3A_663] : memref<2x324x128xf32, #tpu.memory_space<vmem>> -> memref<1x324x128xf32, #tpu.memory_space<vmem>>
        %parallel_loop3A_665 = tpu.memref_squeeze %parallel_loop3A_664 : memref<1x324x128xf32, #tpu.memory_space<vmem>> -> memref<324x128xf32, #tpu.memory_space<vmem>>
        tpu.vector_store_idx %parallel_loop3A_665[%parallel_loop3A_653, %parallel_loop3A_660], %parallel_loop3A_661 : memref<324x128xf32, #tpu.memory_space<vmem>>[vector<16xi32>, vector<16xi32>], vector<16xf32>,
        %parallel_loop3A_666 = arith.constant 16 : i32
        %parallel_loop3A_667 = vector.broadcast %parallel_loop3A_666 : i32 to vector<16xi32>
        %parallel_loop3A_668 = arith.addi %parallel_loop3A_648, %parallel_loop3A_667 : vector<16xi32>
        %parallel_loop3A_669 = tpu.vector_load_idx %arg6[%parallel_loop3A_668] : memref<11264xf32, #tpu.memory_space<vmem>>[vector<16xi32>], vector<16xf32>,
        %parallel_loop3A_670 = arith.constant 16 : i32
        %parallel_loop3A_671 = vector.broadcast %parallel_loop3A_670 : i32 to vector<16xi32>
        %parallel_loop3A_672 = arith.addi %parallel_loop3A_671, %iota3A : vector<16xi32>
        %parallel_loop3A_673 = arith.addf %parallel_loop3A_669, %gather3A_279 : vector<16xf32>
        %parallel_loop3A_674 = arith.constant 0 : i32
        %parallel_loop3A_675 = arith.constant 0 : i32
        %parallel_loop3A_676 = tpu.memref_slice %arg9[%parallel_loop3A_327, %parallel_loop3A_674, %parallel_loop3A_675] : memref<2x324x128xf32, #tpu.memory_space<vmem>> -> memref<1x324x128xf32, #tpu.memory_space<vmem>>
        %parallel_loop3A_677 = tpu.memref_squeeze %parallel_loop3A_676 : memref<1x324x128xf32, #tpu.memory_space<vmem>> -> memref<324x128xf32, #tpu.memory_space<vmem>>
        tpu.vector_store_idx %parallel_loop3A_677[%parallel_loop3A_653, %parallel_loop3A_672], %parallel_loop3A_673 : memref<324x128xf32, #tpu.memory_space<vmem>>[vector<16xi32>, vector<16xi32>], vector<16xf32>,
        %parallel_loop3A_678 = arith.constant 32 : i32
        %parallel_loop3A_679 = vector.broadcast %parallel_loop3A_678 : i32 to vector<16xi32>
        %parallel_loop3A_680 = arith.addi %parallel_loop3A_648, %parallel_loop3A_679 : vector<16xi32>
        %parallel_loop3A_681 = tpu.vector_load_idx %arg6[%parallel_loop3A_680] : memref<11264xf32, #tpu.memory_space<vmem>>[vector<16xi32>], vector<16xf32>,
        %parallel_loop3A_682 = arith.constant 32 : i32
        %parallel_loop3A_683 = vector.broadcast %parallel_loop3A_682 : i32 to vector<16xi32>
        %parallel_loop3A_684 = arith.addi %parallel_loop3A_683, %iota3A : vector<16xi32>
        %parallel_loop3A_685 = arith.addf %parallel_loop3A_681, %gather3A_286 : vector<16xf32>
        %parallel_loop3A_686 = arith.constant 0 : i32
        %parallel_loop3A_687 = arith.constant 0 : i32
        %parallel_loop3A_688 = tpu.memref_slice %arg9[%parallel_loop3A_327, %parallel_loop3A_686, %parallel_loop3A_687] : memref<2x324x128xf32, #tpu.memory_space<vmem>> -> memref<1x324x128xf32, #tpu.memory_space<vmem>>
        %parallel_loop3A_689 = tpu.memref_squeeze %parallel_loop3A_688 : memref<1x324x128xf32, #tpu.memory_space<vmem>> -> memref<324x128xf32, #tpu.memory_space<vmem>>
        tpu.vector_store_idx %parallel_loop3A_689[%parallel_loop3A_653, %parallel_loop3A_684], %parallel_loop3A_685 : memref<324x128xf32, #tpu.memory_space<vmem>>[vector<16xi32>, vector<16xi32>], vector<16xf32>,
        %parallel_loop3A_690 = arith.constant 48 : i32
        %parallel_loop3A_691 = vector.broadcast %parallel_loop3A_690 : i32 to vector<16xi32>
        %parallel_loop3A_692 = arith.addi %parallel_loop3A_648, %parallel_loop3A_691 : vector<16xi32>
        %parallel_loop3A_693 = tpu.vector_load_idx %arg6[%parallel_loop3A_692] : memref<11264xf32, #tpu.memory_space<vmem>>[vector<16xi32>], vector<16xf32>,
        %parallel_loop3A_694 = arith.constant 48 : i32
        %parallel_loop3A_695 = vector.broadcast %parallel_loop3A_694 : i32 to vector<16xi32>
        %parallel_loop3A_696 = arith.addi %parallel_loop3A_695, %iota3A : vector<16xi32>
        %parallel_loop3A_697 = arith.addf %parallel_loop3A_693, %gather3A_293 : vector<16xf32>
        %parallel_loop3A_698 = arith.constant 0 : i32
        %parallel_loop3A_699 = arith.constant 0 : i32
        %parallel_loop3A_700 = tpu.memref_slice %arg9[%parallel_loop3A_327, %parallel_loop3A_698, %parallel_loop3A_699] : memref<2x324x128xf32, #tpu.memory_space<vmem>> -> memref<1x324x128xf32, #tpu.memory_space<vmem>>
        %parallel_loop3A_701 = tpu.memref_squeeze %parallel_loop3A_700 : memref<1x324x128xf32, #tpu.memory_space<vmem>> -> memref<324x128xf32, #tpu.memory_space<vmem>>
        tpu.vector_store_idx %parallel_loop3A_701[%parallel_loop3A_653, %parallel_loop3A_696], %parallel_loop3A_697 : memref<324x128xf32, #tpu.memory_space<vmem>>[vector<16xi32>, vector<16xi32>], vector<16xf32>,
        %parallel_loop3A_702 = arith.constant 64 : i32
        %parallel_loop3A_703 = vector.broadcast %parallel_loop3A_702 : i32 to vector<16xi32>
        %parallel_loop3A_704 = arith.addi %parallel_loop3A_648, %parallel_loop3A_703 : vector<16xi32>
        %parallel_loop3A_705 = tpu.vector_load_idx %arg6[%parallel_loop3A_704] : memref<11264xf32, #tpu.memory_space<vmem>>[vector<16xi32>], vector<16xf32>,
        %parallel_loop3A_706 = arith.constant 64 : i32
        %parallel_loop3A_707 = vector.broadcast %parallel_loop3A_706 : i32 to vector<16xi32>
        %parallel_loop3A_708 = arith.addi %parallel_loop3A_707, %iota3A : vector<16xi32>
        %parallel_loop3A_709 = arith.addf %parallel_loop3A_705, %gather3A_300 : vector<16xf32>
        %parallel_loop3A_710 = arith.constant 0 : i32
        %parallel_loop3A_711 = arith.constant 0 : i32
        %parallel_loop3A_712 = tpu.memref_slice %arg9[%parallel_loop3A_327, %parallel_loop3A_710, %parallel_loop3A_711] : memref<2x324x128xf32, #tpu.memory_space<vmem>> -> memref<1x324x128xf32, #tpu.memory_space<vmem>>
        %parallel_loop3A_713 = tpu.memref_squeeze %parallel_loop3A_712 : memref<1x324x128xf32, #tpu.memory_space<vmem>> -> memref<324x128xf32, #tpu.memory_space<vmem>>
        tpu.vector_store_idx %parallel_loop3A_713[%parallel_loop3A_653, %parallel_loop3A_708], %parallel_loop3A_709 : memref<324x128xf32, #tpu.memory_space<vmem>>[vector<16xi32>, vector<16xi32>], vector<16xf32>,
        %parallel_loop3A_714 = arith.constant 80 : i32
        %parallel_loop3A_715 = vector.broadcast %parallel_loop3A_714 : i32 to vector<16xi32>
        %parallel_loop3A_716 = arith.addi %parallel_loop3A_648, %parallel_loop3A_715 : vector<16xi32>
        %parallel_loop3A_717 = tpu.vector_load_idx %arg6[%parallel_loop3A_716] : memref<11264xf32, #tpu.memory_space<vmem>>[vector<16xi32>], vector<16xf32>,
        %parallel_loop3A_718 = arith.constant 80 : i32
        %parallel_loop3A_719 = vector.broadcast %parallel_loop3A_718 : i32 to vector<16xi32>
        %parallel_loop3A_720 = arith.addi %parallel_loop3A_719, %iota3A : vector<16xi32>
        %parallel_loop3A_721 = arith.addf %parallel_loop3A_717, %gather3A_307 : vector<16xf32>
        %parallel_loop3A_722 = arith.constant 0 : i32
        %parallel_loop3A_723 = arith.constant 0 : i32
        %parallel_loop3A_724 = tpu.memref_slice %arg9[%parallel_loop3A_327, %parallel_loop3A_722, %parallel_loop3A_723] : memref<2x324x128xf32, #tpu.memory_space<vmem>> -> memref<1x324x128xf32, #tpu.memory_space<vmem>>
        %parallel_loop3A_725 = tpu.memref_squeeze %parallel_loop3A_724 : memref<1x324x128xf32, #tpu.memory_space<vmem>> -> memref<324x128xf32, #tpu.memory_space<vmem>>
        tpu.vector_store_idx %parallel_loop3A_725[%parallel_loop3A_653, %parallel_loop3A_720], %parallel_loop3A_721 : memref<324x128xf32, #tpu.memory_space<vmem>>[vector<16xi32>, vector<16xi32>], vector<16xf32>,
        %parallel_loop3A_726 = arith.constant 96 : i32
        %parallel_loop3A_727 = vector.broadcast %parallel_loop3A_726 : i32 to vector<16xi32>
        %parallel_loop3A_728 = arith.addi %parallel_loop3A_648, %parallel_loop3A_727 : vector<16xi32>
        %parallel_loop3A_729 = tpu.vector_load_idx %arg6[%parallel_loop3A_728] : memref<11264xf32, #tpu.memory_space<vmem>>[vector<16xi32>], vector<16xf32>,
        %parallel_loop3A_730 = arith.constant 96 : i32
        %parallel_loop3A_731 = vector.broadcast %parallel_loop3A_730 : i32 to vector<16xi32>
        %parallel_loop3A_732 = arith.addi %parallel_loop3A_731, %iota3A : vector<16xi32>
        %parallel_loop3A_733 = arith.addf %parallel_loop3A_729, %gather3A_314 : vector<16xf32>
        %parallel_loop3A_734 = arith.constant 0 : i32
        %parallel_loop3A_735 = arith.constant 0 : i32
        %parallel_loop3A_736 = tpu.memref_slice %arg9[%parallel_loop3A_327, %parallel_loop3A_734, %parallel_loop3A_735] : memref<2x324x128xf32, #tpu.memory_space<vmem>> -> memref<1x324x128xf32, #tpu.memory_space<vmem>>
        %parallel_loop3A_737 = tpu.memref_squeeze %parallel_loop3A_736 : memref<1x324x128xf32, #tpu.memory_space<vmem>> -> memref<324x128xf32, #tpu.memory_space<vmem>>
        tpu.vector_store_idx %parallel_loop3A_737[%parallel_loop3A_653, %parallel_loop3A_732], %parallel_loop3A_733 : memref<324x128xf32, #tpu.memory_space<vmem>>[vector<16xi32>, vector<16xi32>], vector<16xf32>,
        %parallel_loop3A_738 = arith.constant 112 : i32
        %parallel_loop3A_739 = vector.broadcast %parallel_loop3A_738 : i32 to vector<16xi32>
        %parallel_loop3A_740 = arith.addi %parallel_loop3A_648, %parallel_loop3A_739 : vector<16xi32>
        %parallel_loop3A_741 = tpu.vector_load_idx %arg6[%parallel_loop3A_740] : memref<11264xf32, #tpu.memory_space<vmem>>[vector<16xi32>], vector<16xf32>,
        %parallel_loop3A_742 = arith.constant 112 : i32
        %parallel_loop3A_743 = vector.broadcast %parallel_loop3A_742 : i32 to vector<16xi32>
        %parallel_loop3A_744 = arith.addi %parallel_loop3A_743, %iota3A : vector<16xi32>
        %parallel_loop3A_745 = arith.addf %parallel_loop3A_741, %gather3A_321 : vector<16xf32>
        %parallel_loop3A_746 = arith.constant 0 : i32
        %parallel_loop3A_747 = arith.constant 0 : i32
        %parallel_loop3A_748 = tpu.memref_slice %arg9[%parallel_loop3A_327, %parallel_loop3A_746, %parallel_loop3A_747] : memref<2x324x128xf32, #tpu.memory_space<vmem>> -> memref<1x324x128xf32, #tpu.memory_space<vmem>>
        %parallel_loop3A_749 = tpu.memref_squeeze %parallel_loop3A_748 : memref<1x324x128xf32, #tpu.memory_space<vmem>> -> memref<324x128xf32, #tpu.memory_space<vmem>>
        tpu.vector_store_idx %parallel_loop3A_749[%parallel_loop3A_653, %parallel_loop3A_744], %parallel_loop3A_745 : memref<324x128xf32, #tpu.memory_space<vmem>>[vector<16xi32>, vector<16xi32>], vector<16xf32>,
      } {sc.loop_unroll_factor = 3 : i64, sc.parallel_access}
      %mul3A_328 = arith.constant 4 : i32
      %mul3A_329 = arith.muli %add3A_63, %mul3A_328 : i32
      %add3A_330 = arith.addi %mul3A_2, %mul3A_329 : i32
      %dma_start3A_331 = arith.constant 0 : i32
      %dma_start3A_332 = arith.constant 0 : i32
      %dma_start3A_333 = arith.constant 0 : i32
      %dma_start3A_334 = tpu.memref_slice %arg9[%dma_start3A_331, %dma_start3A_332, %dma_start3A_333] : memref<2x324x128xf32, #tpu.memory_space<vmem>> -> memref<1x324x128xf32, #tpu.memory_space<vmem>>
      %dma_start3A_335 = tpu.memref_squeeze %dma_start3A_334 : memref<1x324x128xf32, #tpu.memory_space<vmem>> -> memref<324x128xf32, #tpu.memory_space<vmem>>
      %dma_start3A_336 = tpu.memref_reshape %dma_start3A_335 : memref<324x128xf32, #tpu.memory_space<vmem>> -> memref<81x4x128xf32, #tpu.memory_space<vmem>>
      %dma_start3A_337 = arith.constant 0 : i32
      %dma_start3A_338 = arith.constant 0 : i32
      %dma_start3A_339 = tpu.memref_slice %arg5[%dma_start3A_337, %add3A_330, %dma_start3A_338] : memref<81x4096x128xf32, #tpu.memory_space<hbm>> -> memref<81x4x128xf32, #tpu.memory_space<hbm>>
      %dma_start3A_340 = arith.constant 0 : i32
      %dma_start3A_341 = arith.constant 0 : i32
      %dma_start3A_342 = tpu.memref_slice %arg5[%dma_start3A_340, %add3A_330, %dma_start3A_341] : memref<81x4096x128xf32, #tpu.memory_space<hbm>> -> memref<81x4x128xf32, #tpu.memory_space<hbm>>
      %dma_start3A_343 = arith.constant 0 : i32
      %dma_start3A_344 = arith.constant 0 : i32
      %dma_start3A_345 = tpu.memref_slice %arg9[%dma_start3A_331, %dma_start3A_343, %dma_start3A_344] : memref<2x324x128xf32, #tpu.memory_space<vmem>> -> memref<1x324x128xf32, #tpu.memory_space<vmem>>
      %dma_start3A_346 = tpu.memref_squeeze %dma_start3A_345 : memref<1x324x128xf32, #tpu.memory_space<vmem>> -> memref<324x128xf32, #tpu.memory_space<vmem>>
      %dma_start3A_347 = tpu.memref_reshape %dma_start3A_346 : memref<324x128xf32, #tpu.memory_space<vmem>> -> memref<81x4x128xf32, #tpu.memory_space<vmem>>
      tpu.enqueue_dma source(%dma_start3A_347 : memref<81x4x128xf32, #tpu.memory_space<vmem>>) target(%dma_start3A_342 : memref<81x4x128xf32, #tpu.memory_space<hbm>>) target_semaphore(%arg10 : memref<!tpu.dma_semaphore, #tpu.memory_space<semaphore_mem>>)
      %mul3A_348 = arith.constant 2 : i32
      %mul3A_349 = arith.muli %add3A_59, %mul3A_348 : i32
      %add3A_350 = arith.constant 1 : i32
      %add3A_351 = arith.addi %mul3A_349, %add3A_350 : i32
      %gt3A_352 = arith.constant 0 : i32
      %gt3A_353 = arith.cmpi sgt, %add3A_59, %gt3A_352 : i32
      %convert_element_type3A_354 = arith.extui %gt3A_353 : i1 to i32
      %cond3A_355 = arith.constant 0 : i32
      %cond3A_356 = arith.cmpi ne, %convert_element_type3A_354, %cond3A_355 : i32
      scf.if %cond3A_356 {
        %sub3A = arith.constant 2 : i32
        %sub3A_641 = arith.subi %add3A_351, %sub3A : i32
        %mul3A_642 = arith.constant 4 : i32
        %mul3A_643 = arith.muli %sub3A_641, %mul3A_642 : i32
        %add3A_644 = arith.addi %mul3A_2, %mul3A_643 : i32
        %dma_wait3A_645 = arith.constant 1 : i32
        %dma_wait3A_646 = arith.constant 0 : i32
        %dma_wait3A_647 = arith.constant 0 : i32
        %dma_wait3A_648 = tpu.memref_slice %arg9[%dma_wait3A_645, %dma_wait3A_646, %dma_wait3A_647] : memref<2x324x128xf32, #tpu.memory_space<vmem>> -> memref<1x324x128xf32, #tpu.memory_space<vmem>>
        %dma_wait3A_649 = tpu.memref_squeeze %dma_wait3A_648 : memref<1x324x128xf32, #tpu.memory_space<vmem>> -> memref<324x128xf32, #tpu.memory_space<vmem>>
        %dma_wait3A_650 = tpu.memref_reshape %dma_wait3A_649 : memref<324x128xf32, #tpu.memory_space<vmem>> -> memref<81x4x128xf32, #tpu.memory_space<vmem>>
        %dma_wait3A_651 = arith.constant 0 : i32
        %dma_wait3A_652 = arith.constant 0 : i32
        %dma_wait3A_653 = tpu.memref_slice %arg5[%dma_wait3A_651, %add3A_644, %dma_wait3A_652] : memref<81x4096x128xf32, #tpu.memory_space<hbm>> -> memref<81x4x128xf32, #tpu.memory_space<hbm>>
        %dma_wait3A_654 = arith.constant 0 : i32
        %dma_wait3A_655 = arith.constant 0 : i32
        %dma_wait3A_656 = tpu.memref_slice %arg5[%dma_wait3A_654, %add3A_644, %dma_wait3A_655] : memref<81x4096x128xf32, #tpu.memory_space<hbm>> -> memref<81x4x128xf32, #tpu.memory_space<hbm>>
        %dma_wait3A_657 = arith.constant 0 : i32
        %dma_wait3A_658 = arith.constant 0 : i32
        %dma_wait3A_659 = tpu.memref_slice %arg9[%dma_wait3A_645, %dma_wait3A_657, %dma_wait3A_658] : memref<2x324x128xf32, #tpu.memory_space<vmem>> -> memref<1x324x128xf32, #tpu.memory_space<vmem>>
        %dma_wait3A_660 = tpu.memref_squeeze %dma_wait3A_659 : memref<1x324x128xf32, #tpu.memory_space<vmem>> -> memref<324x128xf32, #tpu.memory_space<vmem>>
        %dma_wait3A_661 = tpu.memref_reshape %dma_wait3A_660 : memref<324x128xf32, #tpu.memory_space<vmem>> -> memref<81x4x128xf32, #tpu.memory_space<vmem>>
        tpu.wait_dma2 semaphore(%arg11 : memref<!tpu.dma_semaphore, #tpu.memory_space<semaphore_mem>>) src(%dma_wait3A_661 : memref<81x4x128xf32, #tpu.memory_space<vmem>>) dst(%dma_wait3A_656 : memref<81x4x128xf32, #tpu.memory_space<hbm>>)
      } else {
      }
      %mul3A_357 = arith.constant 4 : i32
      %mul3A_358 = arith.muli %add3A_351, %mul3A_357 : i32
      %add3A_359 = arith.constant 0 : i32
      %add3A_360 = arith.addi %mul3A_358, %add3A_359 : i32
      %mul3A_361 = arith.constant 128 : i32
      %mul3A_362 = arith.muli %add3A_360, %mul3A_361 : i32
      %add3A_363 = arith.constant 0 : i32
      %add3A_364 = arith.addi %mul3A_362, %add3A_363 : i32
      %add3A_365 = vector.broadcast %add3A_364 : i32 to vector<16xi32>
      %add3A_366 = arith.addi %add3A_365, %iota3A : vector<16xi32>
      %gather3A_367 = tpu.vector_load_idx %arg8[%add3A_366] : memref<16384xf32, #tpu.memory_space<vmem>>[vector<16xi32>], vector<16xf32>,
      %mul3A_368 = arith.constant 128 : i32
      %mul3A_369 = arith.muli %add3A_360, %mul3A_368 : i32
      %add3A_370 = arith.constant 16 : i32
      %add3A_371 = arith.addi %mul3A_369, %add3A_370 : i32
      %add3A_372 = vector.broadcast %add3A_371 : i32 to vector<16xi32>
      %add3A_373 = arith.addi %add3A_372, %iota3A : vector<16xi32>
      %gather3A_374 = tpu.vector_load_idx %arg8[%add3A_373] : memref<16384xf32, #tpu.memory_space<vmem>>[vector<16xi32>], vector<16xf32>,
      %mul3A_375 = arith.constant 128 : i32
      %mul3A_376 = arith.muli %add3A_360, %mul3A_375 : i32
      %add3A_377 = arith.constant 32 : i32
      %add3A_378 = arith.addi %mul3A_376, %add3A_377 : i32
      %add3A_379 = vector.broadcast %add3A_378 : i32 to vector<16xi32>
      %add3A_380 = arith.addi %add3A_379, %iota3A : vector<16xi32>
      %gather3A_381 = tpu.vector_load_idx %arg8[%add3A_380] : memref<16384xf32, #tpu.memory_space<vmem>>[vector<16xi32>], vector<16xf32>,
      %mul3A_382 = arith.constant 128 : i32
      %mul3A_383 = arith.muli %add3A_360, %mul3A_382 : i32
      %add3A_384 = arith.constant 48 : i32
      %add3A_385 = arith.addi %mul3A_383, %add3A_384 : i32
      %add3A_386 = vector.broadcast %add3A_385 : i32 to vector<16xi32>
      %add3A_387 = arith.addi %add3A_386, %iota3A : vector<16xi32>
      %gather3A_388 = tpu.vector_load_idx %arg8[%add3A_387] : memref<16384xf32, #tpu.memory_space<vmem>>[vector<16xi32>], vector<16xf32>,
      %mul3A_389 = arith.constant 128 : i32
      %mul3A_390 = arith.muli %add3A_360, %mul3A_389 : i32
      %add3A_391 = arith.constant 64 : i32
      %add3A_392 = arith.addi %mul3A_390, %add3A_391 : i32
      %add3A_393 = vector.broadcast %add3A_392 : i32 to vector<16xi32>
      %add3A_394 = arith.addi %add3A_393, %iota3A : vector<16xi32>
      %gather3A_395 = tpu.vector_load_idx %arg8[%add3A_394] : memref<16384xf32, #tpu.memory_space<vmem>>[vector<16xi32>], vector<16xf32>,
      %mul3A_396 = arith.constant 128 : i32
      %mul3A_397 = arith.muli %add3A_360, %mul3A_396 : i32
      %add3A_398 = arith.constant 80 : i32
      %add3A_399 = arith.addi %mul3A_397, %add3A_398 : i32
      %add3A_400 = vector.broadcast %add3A_399 : i32 to vector<16xi32>
      %add3A_401 = arith.addi %add3A_400, %iota3A : vector<16xi32>
      %gather3A_402 = tpu.vector_load_idx %arg8[%add3A_401] : memref<16384xf32, #tpu.memory_space<vmem>>[vector<16xi32>], vector<16xf32>,
      %mul3A_403 = arith.constant 128 : i32
      %mul3A_404 = arith.muli %add3A_360, %mul3A_403 : i32
      %add3A_405 = arith.constant 96 : i32
      %add3A_406 = arith.addi %mul3A_404, %add3A_405 : i32
      %add3A_407 = vector.broadcast %add3A_406 : i32 to vector<16xi32>
      %add3A_408 = arith.addi %add3A_407, %iota3A : vector<16xi32>
      %gather3A_409 = tpu.vector_load_idx %arg8[%add3A_408] : memref<16384xf32, #tpu.memory_space<vmem>>[vector<16xi32>], vector<16xf32>,
      %mul3A_410 = arith.constant 128 : i32
      %mul3A_411 = arith.muli %add3A_360, %mul3A_410 : i32
      %add3A_412 = arith.constant 112 : i32
      %add3A_413 = arith.addi %mul3A_411, %add3A_412 : i32
      %add3A_414 = vector.broadcast %add3A_413 : i32 to vector<16xi32>
      %add3A_415 = arith.addi %add3A_414, %iota3A : vector<16xi32>
      %gather3A_416 = tpu.vector_load_idx %arg8[%add3A_415] : memref<16384xf32, #tpu.memory_space<vmem>>[vector<16xi32>], vector<16xf32>,
      %mul3A_417 = arith.constant 128 : i32
      %mul3A_418 = arith.muli %add3A_360, %mul3A_417 : i32
      %parallel_loop3A_419 = arith.constant 0 : i32
      %parallel_loop3A_420 = arith.constant 81 : i32
      %parallel_loop3A_421 = arith.constant 1 : i32
      %parallel_loop3A_422 = arith.constant 1 : i32
      scf.for %parallel_loop3A_641 = %parallel_loop3A_419 to %parallel_loop3A_420 step %parallel_loop3A_421  : i32 {
        %parallel_loop3A_642 = arith.addi %mul3A_418, %parallel_loop3A_641 : i32
        %parallel_loop3A_643 = vector.broadcast %parallel_loop3A_642 : i32 to vector<16xi32>
        %parallel_loop3A_644 = tpu.vector_load_idx %arg7[%parallel_loop3A_643] : memref<16384xi32, #tpu.memory_space<vmem>>[vector<16xi32>], vector<16xi32>,
        %parallel_loop3A_645 = arith.constant 128 : i32
        %parallel_loop3A_646 = vector.broadcast %parallel_loop3A_645 : i32 to vector<16xi32>
        %parallel_loop3A_647 = arith.muli %parallel_loop3A_644, %parallel_loop3A_646 : vector<16xi32>
        %parallel_loop3A_648 = arith.addi %parallel_loop3A_647, %iota3A : vector<16xi32>
        %parallel_loop3A_649 = arith.constant 4 : i32
        %parallel_loop3A_650 = arith.muli %parallel_loop3A_641, %parallel_loop3A_649 : i32
        %parallel_loop3A_651 = arith.constant 0 : i32
        %parallel_loop3A_652 = arith.addi %parallel_loop3A_650, %parallel_loop3A_651 : i32
        %parallel_loop3A_653 = vector.broadcast %parallel_loop3A_652 : i32 to vector<16xi32>
        %parallel_loop3A_654 = arith.constant 0 : i32
        %parallel_loop3A_655 = vector.broadcast %parallel_loop3A_654 : i32 to vector<16xi32>
        %parallel_loop3A_656 = arith.addi %parallel_loop3A_648, %parallel_loop3A_655 : vector<16xi32>
        %parallel_loop3A_657 = tpu.vector_load_idx %arg6[%parallel_loop3A_656] : memref<11264xf32, #tpu.memory_space<vmem>>[vector<16xi32>], vector<16xf32>,
        %parallel_loop3A_658 = arith.constant 0 : i32
        %parallel_loop3A_659 = vector.broadcast %parallel_loop3A_658 : i32 to vector<16xi32>
        %parallel_loop3A_660 = arith.addi %parallel_loop3A_659, %iota3A : vector<16xi32>
        %parallel_loop3A_661 = arith.addf %parallel_loop3A_657, %gather3A_367 : vector<16xf32>
        %parallel_loop3A_662 = arith.constant 0 : i32
        %parallel_loop3A_663 = arith.constant 0 : i32
        %parallel_loop3A_664 = tpu.memref_slice %arg9[%parallel_loop3A_422, %parallel_loop3A_662, %parallel_loop3A_663] : memref<2x324x128xf32, #tpu.memory_space<vmem>> -> memref<1x324x128xf32, #tpu.memory_space<vmem>>
        %parallel_loop3A_665 = tpu.memref_squeeze %parallel_loop3A_664 : memref<1x324x128xf32, #tpu.memory_space<vmem>> -> memref<324x128xf32, #tpu.memory_space<vmem>>
        tpu.vector_store_idx %parallel_loop3A_665[%parallel_loop3A_653, %parallel_loop3A_660], %parallel_loop3A_661 : memref<324x128xf32, #tpu.memory_space<vmem>>[vector<16xi32>, vector<16xi32>], vector<16xf32>,
        %parallel_loop3A_666 = arith.constant 16 : i32
        %parallel_loop3A_667 = vector.broadcast %parallel_loop3A_666 : i32 to vector<16xi32>
        %parallel_loop3A_668 = arith.addi %parallel_loop3A_648, %parallel_loop3A_667 : vector<16xi32>
        %parallel_loop3A_669 = tpu.vector_load_idx %arg6[%parallel_loop3A_668] : memref<11264xf32, #tpu.memory_space<vmem>>[vector<16xi32>], vector<16xf32>,
        %parallel_loop3A_670 = arith.constant 16 : i32
        %parallel_loop3A_671 = vector.broadcast %parallel_loop3A_670 : i32 to vector<16xi32>
        %parallel_loop3A_672 = arith.addi %parallel_loop3A_671, %iota3A : vector<16xi32>
        %parallel_loop3A_673 = arith.addf %parallel_loop3A_669, %gather3A_374 : vector<16xf32>
        %parallel_loop3A_674 = arith.constant 0 : i32
        %parallel_loop3A_675 = arith.constant 0 : i32
        %parallel_loop3A_676 = tpu.memref_slice %arg9[%parallel_loop3A_422, %parallel_loop3A_674, %parallel_loop3A_675] : memref<2x324x128xf32, #tpu.memory_space<vmem>> -> memref<1x324x128xf32, #tpu.memory_space<vmem>>
        %parallel_loop3A_677 = tpu.memref_squeeze %parallel_loop3A_676 : memref<1x324x128xf32, #tpu.memory_space<vmem>> -> memref<324x128xf32, #tpu.memory_space<vmem>>
        tpu.vector_store_idx %parallel_loop3A_677[%parallel_loop3A_653, %parallel_loop3A_672], %parallel_loop3A_673 : memref<324x128xf32, #tpu.memory_space<vmem>>[vector<16xi32>, vector<16xi32>], vector<16xf32>,
        %parallel_loop3A_678 = arith.constant 32 : i32
        %parallel_loop3A_679 = vector.broadcast %parallel_loop3A_678 : i32 to vector<16xi32>
        %parallel_loop3A_680 = arith.addi %parallel_loop3A_648, %parallel_loop3A_679 : vector<16xi32>
        %parallel_loop3A_681 = tpu.vector_load_idx %arg6[%parallel_loop3A_680] : memref<11264xf32, #tpu.memory_space<vmem>>[vector<16xi32>], vector<16xf32>,
        %parallel_loop3A_682 = arith.constant 32 : i32
        %parallel_loop3A_683 = vector.broadcast %parallel_loop3A_682 : i32 to vector<16xi32>
        %parallel_loop3A_684 = arith.addi %parallel_loop3A_683, %iota3A : vector<16xi32>
        %parallel_loop3A_685 = arith.addf %parallel_loop3A_681, %gather3A_381 : vector<16xf32>
        %parallel_loop3A_686 = arith.constant 0 : i32
        %parallel_loop3A_687 = arith.constant 0 : i32
        %parallel_loop3A_688 = tpu.memref_slice %arg9[%parallel_loop3A_422, %parallel_loop3A_686, %parallel_loop3A_687] : memref<2x324x128xf32, #tpu.memory_space<vmem>> -> memref<1x324x128xf32, #tpu.memory_space<vmem>>
        %parallel_loop3A_689 = tpu.memref_squeeze %parallel_loop3A_688 : memref<1x324x128xf32, #tpu.memory_space<vmem>> -> memref<324x128xf32, #tpu.memory_space<vmem>>
        tpu.vector_store_idx %parallel_loop3A_689[%parallel_loop3A_653, %parallel_loop3A_684], %parallel_loop3A_685 : memref<324x128xf32, #tpu.memory_space<vmem>>[vector<16xi32>, vector<16xi32>], vector<16xf32>,
        %parallel_loop3A_690 = arith.constant 48 : i32
        %parallel_loop3A_691 = vector.broadcast %parallel_loop3A_690 : i32 to vector<16xi32>
        %parallel_loop3A_692 = arith.addi %parallel_loop3A_648, %parallel_loop3A_691 : vector<16xi32>
        %parallel_loop3A_693 = tpu.vector_load_idx %arg6[%parallel_loop3A_692] : memref<11264xf32, #tpu.memory_space<vmem>>[vector<16xi32>], vector<16xf32>,
        %parallel_loop3A_694 = arith.constant 48 : i32
        %parallel_loop3A_695 = vector.broadcast %parallel_loop3A_694 : i32 to vector<16xi32>
        %parallel_loop3A_696 = arith.addi %parallel_loop3A_695, %iota3A : vector<16xi32>
        %parallel_loop3A_697 = arith.addf %parallel_loop3A_693, %gather3A_388 : vector<16xf32>
        %parallel_loop3A_698 = arith.constant 0 : i32
        %parallel_loop3A_699 = arith.constant 0 : i32
        %parallel_loop3A_700 = tpu.memref_slice %arg9[%parallel_loop3A_422, %parallel_loop3A_698, %parallel_loop3A_699] : memref<2x324x128xf32, #tpu.memory_space<vmem>> -> memref<1x324x128xf32, #tpu.memory_space<vmem>>
        %parallel_loop3A_701 = tpu.memref_squeeze %parallel_loop3A_700 : memref<1x324x128xf32, #tpu.memory_space<vmem>> -> memref<324x128xf32, #tpu.memory_space<vmem>>
        tpu.vector_store_idx %parallel_loop3A_701[%parallel_loop3A_653, %parallel_loop3A_696], %parallel_loop3A_697 : memref<324x128xf32, #tpu.memory_space<vmem>>[vector<16xi32>, vector<16xi32>], vector<16xf32>,
        %parallel_loop3A_702 = arith.constant 64 : i32
        %parallel_loop3A_703 = vector.broadcast %parallel_loop3A_702 : i32 to vector<16xi32>
        %parallel_loop3A_704 = arith.addi %parallel_loop3A_648, %parallel_loop3A_703 : vector<16xi32>
        %parallel_loop3A_705 = tpu.vector_load_idx %arg6[%parallel_loop3A_704] : memref<11264xf32, #tpu.memory_space<vmem>>[vector<16xi32>], vector<16xf32>,
        %parallel_loop3A_706 = arith.constant 64 : i32
        %parallel_loop3A_707 = vector.broadcast %parallel_loop3A_706 : i32 to vector<16xi32>
        %parallel_loop3A_708 = arith.addi %parallel_loop3A_707, %iota3A : vector<16xi32>
        %parallel_loop3A_709 = arith.addf %parallel_loop3A_705, %gather3A_395 : vector<16xf32>
        %parallel_loop3A_710 = arith.constant 0 : i32
        %parallel_loop3A_711 = arith.constant 0 : i32
        %parallel_loop3A_712 = tpu.memref_slice %arg9[%parallel_loop3A_422, %parallel_loop3A_710, %parallel_loop3A_711] : memref<2x324x128xf32, #tpu.memory_space<vmem>> -> memref<1x324x128xf32, #tpu.memory_space<vmem>>
        %parallel_loop3A_713 = tpu.memref_squeeze %parallel_loop3A_712 : memref<1x324x128xf32, #tpu.memory_space<vmem>> -> memref<324x128xf32, #tpu.memory_space<vmem>>
        tpu.vector_store_idx %parallel_loop3A_713[%parallel_loop3A_653, %parallel_loop3A_708], %parallel_loop3A_709 : memref<324x128xf32, #tpu.memory_space<vmem>>[vector<16xi32>, vector<16xi32>], vector<16xf32>,
        %parallel_loop3A_714 = arith.constant 80 : i32
        %parallel_loop3A_715 = vector.broadcast %parallel_loop3A_714 : i32 to vector<16xi32>
        %parallel_loop3A_716 = arith.addi %parallel_loop3A_648, %parallel_loop3A_715 : vector<16xi32>
        %parallel_loop3A_717 = tpu.vector_load_idx %arg6[%parallel_loop3A_716] : memref<11264xf32, #tpu.memory_space<vmem>>[vector<16xi32>], vector<16xf32>,
        %parallel_loop3A_718 = arith.constant 80 : i32
        %parallel_loop3A_719 = vector.broadcast %parallel_loop3A_718 : i32 to vector<16xi32>
        %parallel_loop3A_720 = arith.addi %parallel_loop3A_719, %iota3A : vector<16xi32>
        %parallel_loop3A_721 = arith.addf %parallel_loop3A_717, %gather3A_402 : vector<16xf32>
        %parallel_loop3A_722 = arith.constant 0 : i32
        %parallel_loop3A_723 = arith.constant 0 : i32
        %parallel_loop3A_724 = tpu.memref_slice %arg9[%parallel_loop3A_422, %parallel_loop3A_722, %parallel_loop3A_723] : memref<2x324x128xf32, #tpu.memory_space<vmem>> -> memref<1x324x128xf32, #tpu.memory_space<vmem>>
        %parallel_loop3A_725 = tpu.memref_squeeze %parallel_loop3A_724 : memref<1x324x128xf32, #tpu.memory_space<vmem>> -> memref<324x128xf32, #tpu.memory_space<vmem>>
        tpu.vector_store_idx %parallel_loop3A_725[%parallel_loop3A_653, %parallel_loop3A_720], %parallel_loop3A_721 : memref<324x128xf32, #tpu.memory_space<vmem>>[vector<16xi32>, vector<16xi32>], vector<16xf32>,
        %parallel_loop3A_726 = arith.constant 96 : i32
        %parallel_loop3A_727 = vector.broadcast %parallel_loop3A_726 : i32 to vector<16xi32>
        %parallel_loop3A_728 = arith.addi %parallel_loop3A_648, %parallel_loop3A_727 : vector<16xi32>
        %parallel_loop3A_729 = tpu.vector_load_idx %arg6[%parallel_loop3A_728] : memref<11264xf32, #tpu.memory_space<vmem>>[vector<16xi32>], vector<16xf32>,
        %parallel_loop3A_730 = arith.constant 96 : i32
        %parallel_loop3A_731 = vector.broadcast %parallel_loop3A_730 : i32 to vector<16xi32>
        %parallel_loop3A_732 = arith.addi %parallel_loop3A_731, %iota3A : vector<16xi32>
        %parallel_loop3A_733 = arith.addf %parallel_loop3A_729, %gather3A_409 : vector<16xf32>
        %parallel_loop3A_734 = arith.constant 0 : i32
        %parallel_loop3A_735 = arith.constant 0 : i32
        %parallel_loop3A_736 = tpu.memref_slice %arg9[%parallel_loop3A_422, %parallel_loop3A_734, %parallel_loop3A_735] : memref<2x324x128xf32, #tpu.memory_space<vmem>> -> memref<1x324x128xf32, #tpu.memory_space<vmem>>
        %parallel_loop3A_737 = tpu.memref_squeeze %parallel_loop3A_736 : memref<1x324x128xf32, #tpu.memory_space<vmem>> -> memref<324x128xf32, #tpu.memory_space<vmem>>
        tpu.vector_store_idx %parallel_loop3A_737[%parallel_loop3A_653, %parallel_loop3A_732], %parallel_loop3A_733 : memref<324x128xf32, #tpu.memory_space<vmem>>[vector<16xi32>, vector<16xi32>], vector<16xf32>,
        %parallel_loop3A_738 = arith.constant 112 : i32
        %parallel_loop3A_739 = vector.broadcast %parallel_loop3A_738 : i32 to vector<16xi32>
        %parallel_loop3A_740 = arith.addi %parallel_loop3A_648, %parallel_loop3A_739 : vector<16xi32>
        %parallel_loop3A_741 = tpu.vector_load_idx %arg6[%parallel_loop3A_740] : memref<11264xf32, #tpu.memory_space<vmem>>[vector<16xi32>], vector<16xf32>,
        %parallel_loop3A_742 = arith.constant 112 : i32
        %parallel_loop3A_743 = vector.broadcast %parallel_loop3A_742 : i32 to vector<16xi32>
        %parallel_loop3A_744 = arith.addi %parallel_loop3A_743, %iota3A : vector<16xi32>
        %parallel_loop3A_745 = arith.addf %parallel_loop3A_741, %gather3A_416 : vector<16xf32>
        %parallel_loop3A_746 = arith.constant 0 : i32
        %parallel_loop3A_747 = arith.constant 0 : i32
        %parallel_loop3A_748 = tpu.memref_slice %arg9[%parallel_loop3A_422, %parallel_loop3A_746, %parallel_loop3A_747] : memref<2x324x128xf32, #tpu.memory_space<vmem>> -> memref<1x324x128xf32, #tpu.memory_space<vmem>>
        %parallel_loop3A_749 = tpu.memref_squeeze %parallel_loop3A_748 : memref<1x324x128xf32, #tpu.memory_space<vmem>> -> memref<324x128xf32, #tpu.memory_space<vmem>>
        tpu.vector_store_idx %parallel_loop3A_749[%parallel_loop3A_653, %parallel_loop3A_744], %parallel_loop3A_745 : memref<324x128xf32, #tpu.memory_space<vmem>>[vector<16xi32>, vector<16xi32>], vector<16xf32>,
      } {sc.loop_unroll_factor = 3 : i64, sc.parallel_access}
      %mul3A_423 = arith.constant 4 : i32
      %mul3A_424 = arith.muli %add3A_351, %mul3A_423 : i32
      %add3A_425 = arith.constant 1 : i32
      %add3A_426 = arith.addi %mul3A_424, %add3A_425 : i32
      %mul3A_427 = arith.constant 128 : i32
      %mul3A_428 = arith.muli %add3A_426, %mul3A_427 : i32
      %add3A_429 = arith.constant 0 : i32
      %add3A_430 = arith.addi %mul3A_428, %add3A_429 : i32
      %add3A_431 = vector.broadcast %add3A_430 : i32 to vector<16xi32>
      %add3A_432 = arith.addi %add3A_431, %iota3A : vector<16xi32>
      %gather3A_433 = tpu.vector_load_idx %arg8[%add3A_432] : memref<16384xf32, #tpu.memory_space<vmem>>[vector<16xi32>], vector<16xf32>,
      %mul3A_434 = arith.constant 128 : i32
      %mul3A_435 = arith.muli %add3A_426, %mul3A_434 : i32
      %add3A_436 = arith.constant 16 : i32
      %add3A_437 = arith.addi %mul3A_435, %add3A_436 : i32
      %add3A_438 = vector.broadcast %add3A_437 : i32 to vector<16xi32>
      %add3A_439 = arith.addi %add3A_438, %iota3A : vector<16xi32>
      %gather3A_440 = tpu.vector_load_idx %arg8[%add3A_439] : memref<16384xf32, #tpu.memory_space<vmem>>[vector<16xi32>], vector<16xf32>,
      %mul3A_441 = arith.constant 128 : i32
      %mul3A_442 = arith.muli %add3A_426, %mul3A_441 : i32
      %add3A_443 = arith.constant 32 : i32
      %add3A_444 = arith.addi %mul3A_442, %add3A_443 : i32
      %add3A_445 = vector.broadcast %add3A_444 : i32 to vector<16xi32>
      %add3A_446 = arith.addi %add3A_445, %iota3A : vector<16xi32>
      %gather3A_447 = tpu.vector_load_idx %arg8[%add3A_446] : memref<16384xf32, #tpu.memory_space<vmem>>[vector<16xi32>], vector<16xf32>,
      %mul3A_448 = arith.constant 128 : i32
      %mul3A_449 = arith.muli %add3A_426, %mul3A_448 : i32
      %add3A_450 = arith.constant 48 : i32
      %add3A_451 = arith.addi %mul3A_449, %add3A_450 : i32
      %add3A_452 = vector.broadcast %add3A_451 : i32 to vector<16xi32>
      %add3A_453 = arith.addi %add3A_452, %iota3A : vector<16xi32>
      %gather3A_454 = tpu.vector_load_idx %arg8[%add3A_453] : memref<16384xf32, #tpu.memory_space<vmem>>[vector<16xi32>], vector<16xf32>,
      %mul3A_455 = arith.constant 128 : i32
      %mul3A_456 = arith.muli %add3A_426, %mul3A_455 : i32
      %add3A_457 = arith.constant 64 : i32
      %add3A_458 = arith.addi %mul3A_456, %add3A_457 : i32
      %add3A_459 = vector.broadcast %add3A_458 : i32 to vector<16xi32>
      %add3A_460 = arith.addi %add3A_459, %iota3A : vector<16xi32>
      %gather3A_461 = tpu.vector_load_idx %arg8[%add3A_460] : memref<16384xf32, #tpu.memory_space<vmem>>[vector<16xi32>], vector<16xf32>,
      %mul3A_462 = arith.constant 128 : i32
      %mul3A_463 = arith.muli %add3A_426, %mul3A_462 : i32
      %add3A_464 = arith.constant 80 : i32
      %add3A_465 = arith.addi %mul3A_463, %add3A_464 : i32
      %add3A_466 = vector.broadcast %add3A_465 : i32 to vector<16xi32>
      %add3A_467 = arith.addi %add3A_466, %iota3A : vector<16xi32>
      %gather3A_468 = tpu.vector_load_idx %arg8[%add3A_467] : memref<16384xf32, #tpu.memory_space<vmem>>[vector<16xi32>], vector<16xf32>,
      %mul3A_469 = arith.constant 128 : i32
      %mul3A_470 = arith.muli %add3A_426, %mul3A_469 : i32
      %add3A_471 = arith.constant 96 : i32
      %add3A_472 = arith.addi %mul3A_470, %add3A_471 : i32
      %add3A_473 = vector.broadcast %add3A_472 : i32 to vector<16xi32>
      %add3A_474 = arith.addi %add3A_473, %iota3A : vector<16xi32>
      %gather3A_475 = tpu.vector_load_idx %arg8[%add3A_474] : memref<16384xf32, #tpu.memory_space<vmem>>[vector<16xi32>], vector<16xf32>,
      %mul3A_476 = arith.constant 128 : i32
      %mul3A_477 = arith.muli %add3A_426, %mul3A_476 : i32
      %add3A_478 = arith.constant 112 : i32
      %add3A_479 = arith.addi %mul3A_477, %add3A_478 : i32
      %add3A_480 = vector.broadcast %add3A_479 : i32 to vector<16xi32>
      %add3A_481 = arith.addi %add3A_480, %iota3A : vector<16xi32>
      %gather3A_482 = tpu.vector_load_idx %arg8[%add3A_481] : memref<16384xf32, #tpu.memory_space<vmem>>[vector<16xi32>], vector<16xf32>,
      %mul3A_483 = arith.constant 128 : i32
      %mul3A_484 = arith.muli %add3A_426, %mul3A_483 : i32
      %parallel_loop3A_485 = arith.constant 0 : i32
      %parallel_loop3A_486 = arith.constant 81 : i32
      %parallel_loop3A_487 = arith.constant 1 : i32
      %parallel_loop3A_488 = arith.constant 1 : i32
      scf.for %parallel_loop3A_641 = %parallel_loop3A_485 to %parallel_loop3A_486 step %parallel_loop3A_487  : i32 {
        %parallel_loop3A_642 = arith.addi %mul3A_484, %parallel_loop3A_641 : i32
        %parallel_loop3A_643 = vector.broadcast %parallel_loop3A_642 : i32 to vector<16xi32>
        %parallel_loop3A_644 = tpu.vector_load_idx %arg7[%parallel_loop3A_643] : memref<16384xi32, #tpu.memory_space<vmem>>[vector<16xi32>], vector<16xi32>,
        %parallel_loop3A_645 = arith.constant 128 : i32
        %parallel_loop3A_646 = vector.broadcast %parallel_loop3A_645 : i32 to vector<16xi32>
        %parallel_loop3A_647 = arith.muli %parallel_loop3A_644, %parallel_loop3A_646 : vector<16xi32>
        %parallel_loop3A_648 = arith.addi %parallel_loop3A_647, %iota3A : vector<16xi32>
        %parallel_loop3A_649 = arith.constant 4 : i32
        %parallel_loop3A_650 = arith.muli %parallel_loop3A_641, %parallel_loop3A_649 : i32
        %parallel_loop3A_651 = arith.constant 1 : i32
        %parallel_loop3A_652 = arith.addi %parallel_loop3A_650, %parallel_loop3A_651 : i32
        %parallel_loop3A_653 = vector.broadcast %parallel_loop3A_652 : i32 to vector<16xi32>
        %parallel_loop3A_654 = arith.constant 0 : i32
        %parallel_loop3A_655 = vector.broadcast %parallel_loop3A_654 : i32 to vector<16xi32>
        %parallel_loop3A_656 = arith.addi %parallel_loop3A_648, %parallel_loop3A_655 : vector<16xi32>
        %parallel_loop3A_657 = tpu.vector_load_idx %arg6[%parallel_loop3A_656] : memref<11264xf32, #tpu.memory_space<vmem>>[vector<16xi32>], vector<16xf32>,
        %parallel_loop3A_658 = arith.constant 0 : i32
        %parallel_loop3A_659 = vector.broadcast %parallel_loop3A_658 : i32 to vector<16xi32>
        %parallel_loop3A_660 = arith.addi %parallel_loop3A_659, %iota3A : vector<16xi32>
        %parallel_loop3A_661 = arith.addf %parallel_loop3A_657, %gather3A_433 : vector<16xf32>
        %parallel_loop3A_662 = arith.constant 0 : i32
        %parallel_loop3A_663 = arith.constant 0 : i32
        %parallel_loop3A_664 = tpu.memref_slice %arg9[%parallel_loop3A_488, %parallel_loop3A_662, %parallel_loop3A_663] : memref<2x324x128xf32, #tpu.memory_space<vmem>> -> memref<1x324x128xf32, #tpu.memory_space<vmem>>
        %parallel_loop3A_665 = tpu.memref_squeeze %parallel_loop3A_664 : memref<1x324x128xf32, #tpu.memory_space<vmem>> -> memref<324x128xf32, #tpu.memory_space<vmem>>
        tpu.vector_store_idx %parallel_loop3A_665[%parallel_loop3A_653, %parallel_loop3A_660], %parallel_loop3A_661 : memref<324x128xf32, #tpu.memory_space<vmem>>[vector<16xi32>, vector<16xi32>], vector<16xf32>,
        %parallel_loop3A_666 = arith.constant 16 : i32
        %parallel_loop3A_667 = vector.broadcast %parallel_loop3A_666 : i32 to vector<16xi32>
        %parallel_loop3A_668 = arith.addi %parallel_loop3A_648, %parallel_loop3A_667 : vector<16xi32>
        %parallel_loop3A_669 = tpu.vector_load_idx %arg6[%parallel_loop3A_668] : memref<11264xf32, #tpu.memory_space<vmem>>[vector<16xi32>], vector<16xf32>,
        %parallel_loop3A_670 = arith.constant 16 : i32
        %parallel_loop3A_671 = vector.broadcast %parallel_loop3A_670 : i32 to vector<16xi32>
        %parallel_loop3A_672 = arith.addi %parallel_loop3A_671, %iota3A : vector<16xi32>
        %parallel_loop3A_673 = arith.addf %parallel_loop3A_669, %gather3A_440 : vector<16xf32>
        %parallel_loop3A_674 = arith.constant 0 : i32
        %parallel_loop3A_675 = arith.constant 0 : i32
        %parallel_loop3A_676 = tpu.memref_slice %arg9[%parallel_loop3A_488, %parallel_loop3A_674, %parallel_loop3A_675] : memref<2x324x128xf32, #tpu.memory_space<vmem>> -> memref<1x324x128xf32, #tpu.memory_space<vmem>>
        %parallel_loop3A_677 = tpu.memref_squeeze %parallel_loop3A_676 : memref<1x324x128xf32, #tpu.memory_space<vmem>> -> memref<324x128xf32, #tpu.memory_space<vmem>>
        tpu.vector_store_idx %parallel_loop3A_677[%parallel_loop3A_653, %parallel_loop3A_672], %parallel_loop3A_673 : memref<324x128xf32, #tpu.memory_space<vmem>>[vector<16xi32>, vector<16xi32>], vector<16xf32>,
        %parallel_loop3A_678 = arith.constant 32 : i32
        %parallel_loop3A_679 = vector.broadcast %parallel_loop3A_678 : i32 to vector<16xi32>
        %parallel_loop3A_680 = arith.addi %parallel_loop3A_648, %parallel_loop3A_679 : vector<16xi32>
        %parallel_loop3A_681 = tpu.vector_load_idx %arg6[%parallel_loop3A_680] : memref<11264xf32, #tpu.memory_space<vmem>>[vector<16xi32>], vector<16xf32>,
        %parallel_loop3A_682 = arith.constant 32 : i32
        %parallel_loop3A_683 = vector.broadcast %parallel_loop3A_682 : i32 to vector<16xi32>
        %parallel_loop3A_684 = arith.addi %parallel_loop3A_683, %iota3A : vector<16xi32>
        %parallel_loop3A_685 = arith.addf %parallel_loop3A_681, %gather3A_447 : vector<16xf32>
        %parallel_loop3A_686 = arith.constant 0 : i32
        %parallel_loop3A_687 = arith.constant 0 : i32
        %parallel_loop3A_688 = tpu.memref_slice %arg9[%parallel_loop3A_488, %parallel_loop3A_686, %parallel_loop3A_687] : memref<2x324x128xf32, #tpu.memory_space<vmem>> -> memref<1x324x128xf32, #tpu.memory_space<vmem>>
        %parallel_loop3A_689 = tpu.memref_squeeze %parallel_loop3A_688 : memref<1x324x128xf32, #tpu.memory_space<vmem>> -> memref<324x128xf32, #tpu.memory_space<vmem>>
        tpu.vector_store_idx %parallel_loop3A_689[%parallel_loop3A_653, %parallel_loop3A_684], %parallel_loop3A_685 : memref<324x128xf32, #tpu.memory_space<vmem>>[vector<16xi32>, vector<16xi32>], vector<16xf32>,
        %parallel_loop3A_690 = arith.constant 48 : i32
        %parallel_loop3A_691 = vector.broadcast %parallel_loop3A_690 : i32 to vector<16xi32>
        %parallel_loop3A_692 = arith.addi %parallel_loop3A_648, %parallel_loop3A_691 : vector<16xi32>
        %parallel_loop3A_693 = tpu.vector_load_idx %arg6[%parallel_loop3A_692] : memref<11264xf32, #tpu.memory_space<vmem>>[vector<16xi32>], vector<16xf32>,
        %parallel_loop3A_694 = arith.constant 48 : i32
        %parallel_loop3A_695 = vector.broadcast %parallel_loop3A_694 : i32 to vector<16xi32>
        %parallel_loop3A_696 = arith.addi %parallel_loop3A_695, %iota3A : vector<16xi32>
        %parallel_loop3A_697 = arith.addf %parallel_loop3A_693, %gather3A_454 : vector<16xf32>
        %parallel_loop3A_698 = arith.constant 0 : i32
        %parallel_loop3A_699 = arith.constant 0 : i32
        %parallel_loop3A_700 = tpu.memref_slice %arg9[%parallel_loop3A_488, %parallel_loop3A_698, %parallel_loop3A_699] : memref<2x324x128xf32, #tpu.memory_space<vmem>> -> memref<1x324x128xf32, #tpu.memory_space<vmem>>
        %parallel_loop3A_701 = tpu.memref_squeeze %parallel_loop3A_700 : memref<1x324x128xf32, #tpu.memory_space<vmem>> -> memref<324x128xf32, #tpu.memory_space<vmem>>
        tpu.vector_store_idx %parallel_loop3A_701[%parallel_loop3A_653, %parallel_loop3A_696], %parallel_loop3A_697 : memref<324x128xf32, #tpu.memory_space<vmem>>[vector<16xi32>, vector<16xi32>], vector<16xf32>,
        %parallel_loop3A_702 = arith.constant 64 : i32
        %parallel_loop3A_703 = vector.broadcast %parallel_loop3A_702 : i32 to vector<16xi32>
        %parallel_loop3A_704 = arith.addi %parallel_loop3A_648, %parallel_loop3A_703 : vector<16xi32>
        %parallel_loop3A_705 = tpu.vector_load_idx %arg6[%parallel_loop3A_704] : memref<11264xf32, #tpu.memory_space<vmem>>[vector<16xi32>], vector<16xf32>,
        %parallel_loop3A_706 = arith.constant 64 : i32
        %parallel_loop3A_707 = vector.broadcast %parallel_loop3A_706 : i32 to vector<16xi32>
        %parallel_loop3A_708 = arith.addi %parallel_loop3A_707, %iota3A : vector<16xi32>
        %parallel_loop3A_709 = arith.addf %parallel_loop3A_705, %gather3A_461 : vector<16xf32>
        %parallel_loop3A_710 = arith.constant 0 : i32
        %parallel_loop3A_711 = arith.constant 0 : i32
        %parallel_loop3A_712 = tpu.memref_slice %arg9[%parallel_loop3A_488, %parallel_loop3A_710, %parallel_loop3A_711] : memref<2x324x128xf32, #tpu.memory_space<vmem>> -> memref<1x324x128xf32, #tpu.memory_space<vmem>>
        %parallel_loop3A_713 = tpu.memref_squeeze %parallel_loop3A_712 : memref<1x324x128xf32, #tpu.memory_space<vmem>> -> memref<324x128xf32, #tpu.memory_space<vmem>>
        tpu.vector_store_idx %parallel_loop3A_713[%parallel_loop3A_653, %parallel_loop3A_708], %parallel_loop3A_709 : memref<324x128xf32, #tpu.memory_space<vmem>>[vector<16xi32>, vector<16xi32>], vector<16xf32>,
        %parallel_loop3A_714 = arith.constant 80 : i32
        %parallel_loop3A_715 = vector.broadcast %parallel_loop3A_714 : i32 to vector<16xi32>
        %parallel_loop3A_716 = arith.addi %parallel_loop3A_648, %parallel_loop3A_715 : vector<16xi32>
        %parallel_loop3A_717 = tpu.vector_load_idx %arg6[%parallel_loop3A_716] : memref<11264xf32, #tpu.memory_space<vmem>>[vector<16xi32>], vector<16xf32>,
        %parallel_loop3A_718 = arith.constant 80 : i32
        %parallel_loop3A_719 = vector.broadcast %parallel_loop3A_718 : i32 to vector<16xi32>
        %parallel_loop3A_720 = arith.addi %parallel_loop3A_719, %iota3A : vector<16xi32>
        %parallel_loop3A_721 = arith.addf %parallel_loop3A_717, %gather3A_468 : vector<16xf32>
        %parallel_loop3A_722 = arith.constant 0 : i32
        %parallel_loop3A_723 = arith.constant 0 : i32
        %parallel_loop3A_724 = tpu.memref_slice %arg9[%parallel_loop3A_488, %parallel_loop3A_722, %parallel_loop3A_723] : memref<2x324x128xf32, #tpu.memory_space<vmem>> -> memref<1x324x128xf32, #tpu.memory_space<vmem>>
        %parallel_loop3A_725 = tpu.memref_squeeze %parallel_loop3A_724 : memref<1x324x128xf32, #tpu.memory_space<vmem>> -> memref<324x128xf32, #tpu.memory_space<vmem>>
        tpu.vector_store_idx %parallel_loop3A_725[%parallel_loop3A_653, %parallel_loop3A_720], %parallel_loop3A_721 : memref<324x128xf32, #tpu.memory_space<vmem>>[vector<16xi32>, vector<16xi32>], vector<16xf32>,
        %parallel_loop3A_726 = arith.constant 96 : i32
        %parallel_loop3A_727 = vector.broadcast %parallel_loop3A_726 : i32 to vector<16xi32>
        %parallel_loop3A_728 = arith.addi %parallel_loop3A_648, %parallel_loop3A_727 : vector<16xi32>
        %parallel_loop3A_729 = tpu.vector_load_idx %arg6[%parallel_loop3A_728] : memref<11264xf32, #tpu.memory_space<vmem>>[vector<16xi32>], vector<16xf32>,
        %parallel_loop3A_730 = arith.constant 96 : i32
        %parallel_loop3A_731 = vector.broadcast %parallel_loop3A_730 : i32 to vector<16xi32>
        %parallel_loop3A_732 = arith.addi %parallel_loop3A_731, %iota3A : vector<16xi32>
        %parallel_loop3A_733 = arith.addf %parallel_loop3A_729, %gather3A_475 : vector<16xf32>
        %parallel_loop3A_734 = arith.constant 0 : i32
        %parallel_loop3A_735 = arith.constant 0 : i32
        %parallel_loop3A_736 = tpu.memref_slice %arg9[%parallel_loop3A_488, %parallel_loop3A_734, %parallel_loop3A_735] : memref<2x324x128xf32, #tpu.memory_space<vmem>> -> memref<1x324x128xf32, #tpu.memory_space<vmem>>
        %parallel_loop3A_737 = tpu.memref_squeeze %parallel_loop3A_736 : memref<1x324x128xf32, #tpu.memory_space<vmem>> -> memref<324x128xf32, #tpu.memory_space<vmem>>
        tpu.vector_store_idx %parallel_loop3A_737[%parallel_loop3A_653, %parallel_loop3A_732], %parallel_loop3A_733 : memref<324x128xf32, #tpu.memory_space<vmem>>[vector<16xi32>, vector<16xi32>], vector<16xf32>,
        %parallel_loop3A_738 = arith.constant 112 : i32
        %parallel_loop3A_739 = vector.broadcast %parallel_loop3A_738 : i32 to vector<16xi32>
        %parallel_loop3A_740 = arith.addi %parallel_loop3A_648, %parallel_loop3A_739 : vector<16xi32>
        %parallel_loop3A_741 = tpu.vector_load_idx %arg6[%parallel_loop3A_740] : memref<11264xf32, #tpu.memory_space<vmem>>[vector<16xi32>], vector<16xf32>,
        %parallel_loop3A_742 = arith.constant 112 : i32
        %parallel_loop3A_743 = vector.broadcast %parallel_loop3A_742 : i32 to vector<16xi32>
        %parallel_loop3A_744 = arith.addi %parallel_loop3A_743, %iota3A : vector<16xi32>
        %parallel_loop3A_745 = arith.addf %parallel_loop3A_741, %gather3A_482 : vector<16xf32>
        %parallel_loop3A_746 = arith.constant 0 : i32
        %parallel_loop3A_747 = arith.constant 0 : i32
        %parallel_loop3A_748 = tpu.memref_slice %arg9[%parallel_loop3A_488, %parallel_loop3A_746, %parallel_loop3A_747] : memref<2x324x128xf32, #tpu.memory_space<vmem>> -> memref<1x324x128xf32, #tpu.memory_space<vmem>>
        %parallel_loop3A_749 = tpu.memref_squeeze %parallel_loop3A_748 : memref<1x324x128xf32, #tpu.memory_space<vmem>> -> memref<324x128xf32, #tpu.memory_space<vmem>>
        tpu.vector_store_idx %parallel_loop3A_749[%parallel_loop3A_653, %parallel_loop3A_744], %parallel_loop3A_745 : memref<324x128xf32, #tpu.memory_space<vmem>>[vector<16xi32>, vector<16xi32>], vector<16xf32>,
      } {sc.loop_unroll_factor = 3 : i64, sc.parallel_access}
      %mul3A_489 = arith.constant 4 : i32
      %mul3A_490 = arith.muli %add3A_351, %mul3A_489 : i32
      %add3A_491 = arith.constant 2 : i32
      %add3A_492 = arith.addi %mul3A_490, %add3A_491 : i32
      %mul3A_493 = arith.constant 128 : i32
      %mul3A_494 = arith.muli %add3A_492, %mul3A_493 : i32
      %add3A_495 = arith.constant 0 : i32
      %add3A_496 = arith.addi %mul3A_494, %add3A_495 : i32
      %add3A_497 = vector.broadcast %add3A_496 : i32 to vector<16xi32>
      %add3A_498 = arith.addi %add3A_497, %iota3A : vector<16xi32>
      %gather3A_499 = tpu.vector_load_idx %arg8[%add3A_498] : memref<16384xf32, #tpu.memory_space<vmem>>[vector<16xi32>], vector<16xf32>,
      %mul3A_500 = arith.constant 128 : i32
      %mul3A_501 = arith.muli %add3A_492, %mul3A_500 : i32
      %add3A_502 = arith.constant 16 : i32
      %add3A_503 = arith.addi %mul3A_501, %add3A_502 : i32
      %add3A_504 = vector.broadcast %add3A_503 : i32 to vector<16xi32>
      %add3A_505 = arith.addi %add3A_504, %iota3A : vector<16xi32>
      %gather3A_506 = tpu.vector_load_idx %arg8[%add3A_505] : memref<16384xf32, #tpu.memory_space<vmem>>[vector<16xi32>], vector<16xf32>,
      %mul3A_507 = arith.constant 128 : i32
      %mul3A_508 = arith.muli %add3A_492, %mul3A_507 : i32
      %add3A_509 = arith.constant 32 : i32
      %add3A_510 = arith.addi %mul3A_508, %add3A_509 : i32
      %add3A_511 = vector.broadcast %add3A_510 : i32 to vector<16xi32>
      %add3A_512 = arith.addi %add3A_511, %iota3A : vector<16xi32>
      %gather3A_513 = tpu.vector_load_idx %arg8[%add3A_512] : memref<16384xf32, #tpu.memory_space<vmem>>[vector<16xi32>], vector<16xf32>,
      %mul3A_514 = arith.constant 128 : i32
      %mul3A_515 = arith.muli %add3A_492, %mul3A_514 : i32
      %add3A_516 = arith.constant 48 : i32
      %add3A_517 = arith.addi %mul3A_515, %add3A_516 : i32
      %add3A_518 = vector.broadcast %add3A_517 : i32 to vector<16xi32>
      %add3A_519 = arith.addi %add3A_518, %iota3A : vector<16xi32>
      %gather3A_520 = tpu.vector_load_idx %arg8[%add3A_519] : memref<16384xf32, #tpu.memory_space<vmem>>[vector<16xi32>], vector<16xf32>,
      %mul3A_521 = arith.constant 128 : i32
      %mul3A_522 = arith.muli %add3A_492, %mul3A_521 : i32
      %add3A_523 = arith.constant 64 : i32
      %add3A_524 = arith.addi %mul3A_522, %add3A_523 : i32
      %add3A_525 = vector.broadcast %add3A_524 : i32 to vector<16xi32>
      %add3A_526 = arith.addi %add3A_525, %iota3A : vector<16xi32>
      %gather3A_527 = tpu.vector_load_idx %arg8[%add3A_526] : memref<16384xf32, #tpu.memory_space<vmem>>[vector<16xi32>], vector<16xf32>,
      %mul3A_528 = arith.constant 128 : i32
      %mul3A_529 = arith.muli %add3A_492, %mul3A_528 : i32
      %add3A_530 = arith.constant 80 : i32
      %add3A_531 = arith.addi %mul3A_529, %add3A_530 : i32
      %add3A_532 = vector.broadcast %add3A_531 : i32 to vector<16xi32>
      %add3A_533 = arith.addi %add3A_532, %iota3A : vector<16xi32>
      %gather3A_534 = tpu.vector_load_idx %arg8[%add3A_533] : memref<16384xf32, #tpu.memory_space<vmem>>[vector<16xi32>], vector<16xf32>,
      %mul3A_535 = arith.constant 128 : i32
      %mul3A_536 = arith.muli %add3A_492, %mul3A_535 : i32
      %add3A_537 = arith.constant 96 : i32
      %add3A_538 = arith.addi %mul3A_536, %add3A_537 : i32
      %add3A_539 = vector.broadcast %add3A_538 : i32 to vector<16xi32>
      %add3A_540 = arith.addi %add3A_539, %iota3A : vector<16xi32>
      %gather3A_541 = tpu.vector_load_idx %arg8[%add3A_540] : memref<16384xf32, #tpu.memory_space<vmem>>[vector<16xi32>], vector<16xf32>,
      %mul3A_542 = arith.constant 128 : i32
      %mul3A_543 = arith.muli %add3A_492, %mul3A_542 : i32
      %add3A_544 = arith.constant 112 : i32
      %add3A_545 = arith.addi %mul3A_543, %add3A_544 : i32
      %add3A_546 = vector.broadcast %add3A_545 : i32 to vector<16xi32>
      %add3A_547 = arith.addi %add3A_546, %iota3A : vector<16xi32>
      %gather3A_548 = tpu.vector_load_idx %arg8[%add3A_547] : memref<16384xf32, #tpu.memory_space<vmem>>[vector<16xi32>], vector<16xf32>,
      %mul3A_549 = arith.constant 128 : i32
      %mul3A_550 = arith.muli %add3A_492, %mul3A_549 : i32
      %parallel_loop3A_551 = arith.constant 0 : i32
      %parallel_loop3A_552 = arith.constant 81 : i32
      %parallel_loop3A_553 = arith.constant 1 : i32
      %parallel_loop3A_554 = arith.constant 1 : i32
      scf.for %parallel_loop3A_641 = %parallel_loop3A_551 to %parallel_loop3A_552 step %parallel_loop3A_553  : i32 {
        %parallel_loop3A_642 = arith.addi %mul3A_550, %parallel_loop3A_641 : i32
        %parallel_loop3A_643 = vector.broadcast %parallel_loop3A_642 : i32 to vector<16xi32>
        %parallel_loop3A_644 = tpu.vector_load_idx %arg7[%parallel_loop3A_643] : memref<16384xi32, #tpu.memory_space<vmem>>[vector<16xi32>], vector<16xi32>,
        %parallel_loop3A_645 = arith.constant 128 : i32
        %parallel_loop3A_646 = vector.broadcast %parallel_loop3A_645 : i32 to vector<16xi32>
        %parallel_loop3A_647 = arith.muli %parallel_loop3A_644, %parallel_loop3A_646 : vector<16xi32>
        %parallel_loop3A_648 = arith.addi %parallel_loop3A_647, %iota3A : vector<16xi32>
        %parallel_loop3A_649 = arith.constant 4 : i32
        %parallel_loop3A_650 = arith.muli %parallel_loop3A_641, %parallel_loop3A_649 : i32
        %parallel_loop3A_651 = arith.constant 2 : i32
        %parallel_loop3A_652 = arith.addi %parallel_loop3A_650, %parallel_loop3A_651 : i32
        %parallel_loop3A_653 = vector.broadcast %parallel_loop3A_652 : i32 to vector<16xi32>
        %parallel_loop3A_654 = arith.constant 0 : i32
        %parallel_loop3A_655 = vector.broadcast %parallel_loop3A_654 : i32 to vector<16xi32>
        %parallel_loop3A_656 = arith.addi %parallel_loop3A_648, %parallel_loop3A_655 : vector<16xi32>
        %parallel_loop3A_657 = tpu.vector_load_idx %arg6[%parallel_loop3A_656] : memref<11264xf32, #tpu.memory_space<vmem>>[vector<16xi32>], vector<16xf32>,
        %parallel_loop3A_658 = arith.constant 0 : i32
        %parallel_loop3A_659 = vector.broadcast %parallel_loop3A_658 : i32 to vector<16xi32>
        %parallel_loop3A_660 = arith.addi %parallel_loop3A_659, %iota3A : vector<16xi32>
        %parallel_loop3A_661 = arith.addf %parallel_loop3A_657, %gather3A_499 : vector<16xf32>
        %parallel_loop3A_662 = arith.constant 0 : i32
        %parallel_loop3A_663 = arith.constant 0 : i32
        %parallel_loop3A_664 = tpu.memref_slice %arg9[%parallel_loop3A_554, %parallel_loop3A_662, %parallel_loop3A_663] : memref<2x324x128xf32, #tpu.memory_space<vmem>> -> memref<1x324x128xf32, #tpu.memory_space<vmem>>
        %parallel_loop3A_665 = tpu.memref_squeeze %parallel_loop3A_664 : memref<1x324x128xf32, #tpu.memory_space<vmem>> -> memref<324x128xf32, #tpu.memory_space<vmem>>
        tpu.vector_store_idx %parallel_loop3A_665[%parallel_loop3A_653, %parallel_loop3A_660], %parallel_loop3A_661 : memref<324x128xf32, #tpu.memory_space<vmem>>[vector<16xi32>, vector<16xi32>], vector<16xf32>,
        %parallel_loop3A_666 = arith.constant 16 : i32
        %parallel_loop3A_667 = vector.broadcast %parallel_loop3A_666 : i32 to vector<16xi32>
        %parallel_loop3A_668 = arith.addi %parallel_loop3A_648, %parallel_loop3A_667 : vector<16xi32>
        %parallel_loop3A_669 = tpu.vector_load_idx %arg6[%parallel_loop3A_668] : memref<11264xf32, #tpu.memory_space<vmem>>[vector<16xi32>], vector<16xf32>,
        %parallel_loop3A_670 = arith.constant 16 : i32
        %parallel_loop3A_671 = vector.broadcast %parallel_loop3A_670 : i32 to vector<16xi32>
        %parallel_loop3A_672 = arith.addi %parallel_loop3A_671, %iota3A : vector<16xi32>
        %parallel_loop3A_673 = arith.addf %parallel_loop3A_669, %gather3A_506 : vector<16xf32>
        %parallel_loop3A_674 = arith.constant 0 : i32
        %parallel_loop3A_675 = arith.constant 0 : i32
        %parallel_loop3A_676 = tpu.memref_slice %arg9[%parallel_loop3A_554, %parallel_loop3A_674, %parallel_loop3A_675] : memref<2x324x128xf32, #tpu.memory_space<vmem>> -> memref<1x324x128xf32, #tpu.memory_space<vmem>>
        %parallel_loop3A_677 = tpu.memref_squeeze %parallel_loop3A_676 : memref<1x324x128xf32, #tpu.memory_space<vmem>> -> memref<324x128xf32, #tpu.memory_space<vmem>>
        tpu.vector_store_idx %parallel_loop3A_677[%parallel_loop3A_653, %parallel_loop3A_672], %parallel_loop3A_673 : memref<324x128xf32, #tpu.memory_space<vmem>>[vector<16xi32>, vector<16xi32>], vector<16xf32>,
        %parallel_loop3A_678 = arith.constant 32 : i32
        %parallel_loop3A_679 = vector.broadcast %parallel_loop3A_678 : i32 to vector<16xi32>
        %parallel_loop3A_680 = arith.addi %parallel_loop3A_648, %parallel_loop3A_679 : vector<16xi32>
        %parallel_loop3A_681 = tpu.vector_load_idx %arg6[%parallel_loop3A_680] : memref<11264xf32, #tpu.memory_space<vmem>>[vector<16xi32>], vector<16xf32>,
        %parallel_loop3A_682 = arith.constant 32 : i32
        %parallel_loop3A_683 = vector.broadcast %parallel_loop3A_682 : i32 to vector<16xi32>
        %parallel_loop3A_684 = arith.addi %parallel_loop3A_683, %iota3A : vector<16xi32>
        %parallel_loop3A_685 = arith.addf %parallel_loop3A_681, %gather3A_513 : vector<16xf32>
        %parallel_loop3A_686 = arith.constant 0 : i32
        %parallel_loop3A_687 = arith.constant 0 : i32
        %parallel_loop3A_688 = tpu.memref_slice %arg9[%parallel_loop3A_554, %parallel_loop3A_686, %parallel_loop3A_687] : memref<2x324x128xf32, #tpu.memory_space<vmem>> -> memref<1x324x128xf32, #tpu.memory_space<vmem>>
        %parallel_loop3A_689 = tpu.memref_squeeze %parallel_loop3A_688 : memref<1x324x128xf32, #tpu.memory_space<vmem>> -> memref<324x128xf32, #tpu.memory_space<vmem>>
        tpu.vector_store_idx %parallel_loop3A_689[%parallel_loop3A_653, %parallel_loop3A_684], %parallel_loop3A_685 : memref<324x128xf32, #tpu.memory_space<vmem>>[vector<16xi32>, vector<16xi32>], vector<16xf32>,
        %parallel_loop3A_690 = arith.constant 48 : i32
        %parallel_loop3A_691 = vector.broadcast %parallel_loop3A_690 : i32 to vector<16xi32>
        %parallel_loop3A_692 = arith.addi %parallel_loop3A_648, %parallel_loop3A_691 : vector<16xi32>
        %parallel_loop3A_693 = tpu.vector_load_idx %arg6[%parallel_loop3A_692] : memref<11264xf32, #tpu.memory_space<vmem>>[vector<16xi32>], vector<16xf32>,
        %parallel_loop3A_694 = arith.constant 48 : i32
        %parallel_loop3A_695 = vector.broadcast %parallel_loop3A_694 : i32 to vector<16xi32>
        %parallel_loop3A_696 = arith.addi %parallel_loop3A_695, %iota3A : vector<16xi32>
        %parallel_loop3A_697 = arith.addf %parallel_loop3A_693, %gather3A_520 : vector<16xf32>
        %parallel_loop3A_698 = arith.constant 0 : i32
        %parallel_loop3A_699 = arith.constant 0 : i32
        %parallel_loop3A_700 = tpu.memref_slice %arg9[%parallel_loop3A_554, %parallel_loop3A_698, %parallel_loop3A_699] : memref<2x324x128xf32, #tpu.memory_space<vmem>> -> memref<1x324x128xf32, #tpu.memory_space<vmem>>
        %parallel_loop3A_701 = tpu.memref_squeeze %parallel_loop3A_700 : memref<1x324x128xf32, #tpu.memory_space<vmem>> -> memref<324x128xf32, #tpu.memory_space<vmem>>
        tpu.vector_store_idx %parallel_loop3A_701[%parallel_loop3A_653, %parallel_loop3A_696], %parallel_loop3A_697 : memref<324x128xf32, #tpu.memory_space<vmem>>[vector<16xi32>, vector<16xi32>], vector<16xf32>,
        %parallel_loop3A_702 = arith.constant 64 : i32
        %parallel_loop3A_703 = vector.broadcast %parallel_loop3A_702 : i32 to vector<16xi32>
        %parallel_loop3A_704 = arith.addi %parallel_loop3A_648, %parallel_loop3A_703 : vector<16xi32>
        %parallel_loop3A_705 = tpu.vector_load_idx %arg6[%parallel_loop3A_704] : memref<11264xf32, #tpu.memory_space<vmem>>[vector<16xi32>], vector<16xf32>,
        %parallel_loop3A_706 = arith.constant 64 : i32
        %parallel_loop3A_707 = vector.broadcast %parallel_loop3A_706 : i32 to vector<16xi32>
        %parallel_loop3A_708 = arith.addi %parallel_loop3A_707, %iota3A : vector<16xi32>
        %parallel_loop3A_709 = arith.addf %parallel_loop3A_705, %gather3A_527 : vector<16xf32>
        %parallel_loop3A_710 = arith.constant 0 : i32
        %parallel_loop3A_711 = arith.constant 0 : i32
        %parallel_loop3A_712 = tpu.memref_slice %arg9[%parallel_loop3A_554, %parallel_loop3A_710, %parallel_loop3A_711] : memref<2x324x128xf32, #tpu.memory_space<vmem>> -> memref<1x324x128xf32, #tpu.memory_space<vmem>>
        %parallel_loop3A_713 = tpu.memref_squeeze %parallel_loop3A_712 : memref<1x324x128xf32, #tpu.memory_space<vmem>> -> memref<324x128xf32, #tpu.memory_space<vmem>>
        tpu.vector_store_idx %parallel_loop3A_713[%parallel_loop3A_653, %parallel_loop3A_708], %parallel_loop3A_709 : memref<324x128xf32, #tpu.memory_space<vmem>>[vector<16xi32>, vector<16xi32>], vector<16xf32>,
        %parallel_loop3A_714 = arith.constant 80 : i32
        %parallel_loop3A_715 = vector.broadcast %parallel_loop3A_714 : i32 to vector<16xi32>
        %parallel_loop3A_716 = arith.addi %parallel_loop3A_648, %parallel_loop3A_715 : vector<16xi32>
        %parallel_loop3A_717 = tpu.vector_load_idx %arg6[%parallel_loop3A_716] : memref<11264xf32, #tpu.memory_space<vmem>>[vector<16xi32>], vector<16xf32>,
        %parallel_loop3A_718 = arith.constant 80 : i32
        %parallel_loop3A_719 = vector.broadcast %parallel_loop3A_718 : i32 to vector<16xi32>
        %parallel_loop3A_720 = arith.addi %parallel_loop3A_719, %iota3A : vector<16xi32>
        %parallel_loop3A_721 = arith.addf %parallel_loop3A_717, %gather3A_534 : vector<16xf32>
        %parallel_loop3A_722 = arith.constant 0 : i32
        %parallel_loop3A_723 = arith.constant 0 : i32
        %parallel_loop3A_724 = tpu.memref_slice %arg9[%parallel_loop3A_554, %parallel_loop3A_722, %parallel_loop3A_723] : memref<2x324x128xf32, #tpu.memory_space<vmem>> -> memref<1x324x128xf32, #tpu.memory_space<vmem>>
        %parallel_loop3A_725 = tpu.memref_squeeze %parallel_loop3A_724 : memref<1x324x128xf32, #tpu.memory_space<vmem>> -> memref<324x128xf32, #tpu.memory_space<vmem>>
        tpu.vector_store_idx %parallel_loop3A_725[%parallel_loop3A_653, %parallel_loop3A_720], %parallel_loop3A_721 : memref<324x128xf32, #tpu.memory_space<vmem>>[vector<16xi32>, vector<16xi32>], vector<16xf32>,
        %parallel_loop3A_726 = arith.constant 96 : i32
        %parallel_loop3A_727 = vector.broadcast %parallel_loop3A_726 : i32 to vector<16xi32>
        %parallel_loop3A_728 = arith.addi %parallel_loop3A_648, %parallel_loop3A_727 : vector<16xi32>
        %parallel_loop3A_729 = tpu.vector_load_idx %arg6[%parallel_loop3A_728] : memref<11264xf32, #tpu.memory_space<vmem>>[vector<16xi32>], vector<16xf32>,
        %parallel_loop3A_730 = arith.constant 96 : i32
        %parallel_loop3A_731 = vector.broadcast %parallel_loop3A_730 : i32 to vector<16xi32>
        %parallel_loop3A_732 = arith.addi %parallel_loop3A_731, %iota3A : vector<16xi32>
        %parallel_loop3A_733 = arith.addf %parallel_loop3A_729, %gather3A_541 : vector<16xf32>
        %parallel_loop3A_734 = arith.constant 0 : i32
        %parallel_loop3A_735 = arith.constant 0 : i32
        %parallel_loop3A_736 = tpu.memref_slice %arg9[%parallel_loop3A_554, %parallel_loop3A_734, %parallel_loop3A_735] : memref<2x324x128xf32, #tpu.memory_space<vmem>> -> memref<1x324x128xf32, #tpu.memory_space<vmem>>
        %parallel_loop3A_737 = tpu.memref_squeeze %parallel_loop3A_736 : memref<1x324x128xf32, #tpu.memory_space<vmem>> -> memref<324x128xf32, #tpu.memory_space<vmem>>
        tpu.vector_store_idx %parallel_loop3A_737[%parallel_loop3A_653, %parallel_loop3A_732], %parallel_loop3A_733 : memref<324x128xf32, #tpu.memory_space<vmem>>[vector<16xi32>, vector<16xi32>], vector<16xf32>,
        %parallel_loop3A_738 = arith.constant 112 : i32
        %parallel_loop3A_739 = vector.broadcast %parallel_loop3A_738 : i32 to vector<16xi32>
        %parallel_loop3A_740 = arith.addi %parallel_loop3A_648, %parallel_loop3A_739 : vector<16xi32>
        %parallel_loop3A_741 = tpu.vector_load_idx %arg6[%parallel_loop3A_740] : memref<11264xf32, #tpu.memory_space<vmem>>[vector<16xi32>], vector<16xf32>,
        %parallel_loop3A_742 = arith.constant 112 : i32
        %parallel_loop3A_743 = vector.broadcast %parallel_loop3A_742 : i32 to vector<16xi32>
        %parallel_loop3A_744 = arith.addi %parallel_loop3A_743, %iota3A : vector<16xi32>
        %parallel_loop3A_745 = arith.addf %parallel_loop3A_741, %gather3A_548 : vector<16xf32>
        %parallel_loop3A_746 = arith.constant 0 : i32
        %parallel_loop3A_747 = arith.constant 0 : i32
        %parallel_loop3A_748 = tpu.memref_slice %arg9[%parallel_loop3A_554, %parallel_loop3A_746, %parallel_loop3A_747] : memref<2x324x128xf32, #tpu.memory_space<vmem>> -> memref<1x324x128xf32, #tpu.memory_space<vmem>>
        %parallel_loop3A_749 = tpu.memref_squeeze %parallel_loop3A_748 : memref<1x324x128xf32, #tpu.memory_space<vmem>> -> memref<324x128xf32, #tpu.memory_space<vmem>>
        tpu.vector_store_idx %parallel_loop3A_749[%parallel_loop3A_653, %parallel_loop3A_744], %parallel_loop3A_745 : memref<324x128xf32, #tpu.memory_space<vmem>>[vector<16xi32>, vector<16xi32>], vector<16xf32>,
      } {sc.loop_unroll_factor = 3 : i64, sc.parallel_access}
      %mul3A_555 = arith.constant 4 : i32
      %mul3A_556 = arith.muli %add3A_351, %mul3A_555 : i32
      %add3A_557 = arith.constant 3 : i32
      %add3A_558 = arith.addi %mul3A_556, %add3A_557 : i32
      %mul3A_559 = arith.constant 128 : i32
      %mul3A_560 = arith.muli %add3A_558, %mul3A_559 : i32
      %add3A_561 = arith.constant 0 : i32
      %add3A_562 = arith.addi %mul3A_560, %add3A_561 : i32
      %add3A_563 = vector.broadcast %add3A_562 : i32 to vector<16xi32>
      %add3A_564 = arith.addi %add3A_563, %iota3A : vector<16xi32>
      %gather3A_565 = tpu.vector_load_idx %arg8[%add3A_564] : memref<16384xf32, #tpu.memory_space<vmem>>[vector<16xi32>], vector<16xf32>,
      %mul3A_566 = arith.constant 128 : i32
      %mul3A_567 = arith.muli %add3A_558, %mul3A_566 : i32
      %add3A_568 = arith.constant 16 : i32
      %add3A_569 = arith.addi %mul3A_567, %add3A_568 : i32
      %add3A_570 = vector.broadcast %add3A_569 : i32 to vector<16xi32>
      %add3A_571 = arith.addi %add3A_570, %iota3A : vector<16xi32>
      %gather3A_572 = tpu.vector_load_idx %arg8[%add3A_571] : memref<16384xf32, #tpu.memory_space<vmem>>[vector<16xi32>], vector<16xf32>,
      %mul3A_573 = arith.constant 128 : i32
      %mul3A_574 = arith.muli %add3A_558, %mul3A_573 : i32
      %add3A_575 = arith.constant 32 : i32
      %add3A_576 = arith.addi %mul3A_574, %add3A_575 : i32
      %add3A_577 = vector.broadcast %add3A_576 : i32 to vector<16xi32>
      %add3A_578 = arith.addi %add3A_577, %iota3A : vector<16xi32>
      %gather3A_579 = tpu.vector_load_idx %arg8[%add3A_578] : memref<16384xf32, #tpu.memory_space<vmem>>[vector<16xi32>], vector<16xf32>,
      %mul3A_580 = arith.constant 128 : i32
      %mul3A_581 = arith.muli %add3A_558, %mul3A_580 : i32
      %add3A_582 = arith.constant 48 : i32
      %add3A_583 = arith.addi %mul3A_581, %add3A_582 : i32
      %add3A_584 = vector.broadcast %add3A_583 : i32 to vector<16xi32>
      %add3A_585 = arith.addi %add3A_584, %iota3A : vector<16xi32>
      %gather3A_586 = tpu.vector_load_idx %arg8[%add3A_585] : memref<16384xf32, #tpu.memory_space<vmem>>[vector<16xi32>], vector<16xf32>,
      %mul3A_587 = arith.constant 128 : i32
      %mul3A_588 = arith.muli %add3A_558, %mul3A_587 : i32
      %add3A_589 = arith.constant 64 : i32
      %add3A_590 = arith.addi %mul3A_588, %add3A_589 : i32
      %add3A_591 = vector.broadcast %add3A_590 : i32 to vector<16xi32>
      %add3A_592 = arith.addi %add3A_591, %iota3A : vector<16xi32>
      %gather3A_593 = tpu.vector_load_idx %arg8[%add3A_592] : memref<16384xf32, #tpu.memory_space<vmem>>[vector<16xi32>], vector<16xf32>,
      %mul3A_594 = arith.constant 128 : i32
      %mul3A_595 = arith.muli %add3A_558, %mul3A_594 : i32
      %add3A_596 = arith.constant 80 : i32
      %add3A_597 = arith.addi %mul3A_595, %add3A_596 : i32
      %add3A_598 = vector.broadcast %add3A_597 : i32 to vector<16xi32>
      %add3A_599 = arith.addi %add3A_598, %iota3A : vector<16xi32>
      %gather3A_600 = tpu.vector_load_idx %arg8[%add3A_599] : memref<16384xf32, #tpu.memory_space<vmem>>[vector<16xi32>], vector<16xf32>,
      %mul3A_601 = arith.constant 128 : i32
      %mul3A_602 = arith.muli %add3A_558, %mul3A_601 : i32
      %add3A_603 = arith.constant 96 : i32
      %add3A_604 = arith.addi %mul3A_602, %add3A_603 : i32
      %add3A_605 = vector.broadcast %add3A_604 : i32 to vector<16xi32>
      %add3A_606 = arith.addi %add3A_605, %iota3A : vector<16xi32>
      %gather3A_607 = tpu.vector_load_idx %arg8[%add3A_606] : memref<16384xf32, #tpu.memory_space<vmem>>[vector<16xi32>], vector<16xf32>,
      %mul3A_608 = arith.constant 128 : i32
      %mul3A_609 = arith.muli %add3A_558, %mul3A_608 : i32
      %add3A_610 = arith.constant 112 : i32
      %add3A_611 = arith.addi %mul3A_609, %add3A_610 : i32
      %add3A_612 = vector.broadcast %add3A_611 : i32 to vector<16xi32>
      %add3A_613 = arith.addi %add3A_612, %iota3A : vector<16xi32>
      %gather3A_614 = tpu.vector_load_idx %arg8[%add3A_613] : memref<16384xf32, #tpu.memory_space<vmem>>[vector<16xi32>], vector<16xf32>,
      %mul3A_615 = arith.constant 128 : i32
      %mul3A_616 = arith.muli %add3A_558, %mul3A_615 : i32
      %parallel_loop3A_617 = arith.constant 0 : i32
      %parallel_loop3A_618 = arith.constant 81 : i32
      %parallel_loop3A_619 = arith.constant 1 : i32
      %parallel_loop3A_620 = arith.constant 1 : i32
      scf.for %parallel_loop3A_641 = %parallel_loop3A_617 to %parallel_loop3A_618 step %parallel_loop3A_619  : i32 {
        %parallel_loop3A_642 = arith.addi %mul3A_616, %parallel_loop3A_641 : i32
        %parallel_loop3A_643 = vector.broadcast %parallel_loop3A_642 : i32 to vector<16xi32>
        %parallel_loop3A_644 = tpu.vector_load_idx %arg7[%parallel_loop3A_643] : memref<16384xi32, #tpu.memory_space<vmem>>[vector<16xi32>], vector<16xi32>,
        %parallel_loop3A_645 = arith.constant 128 : i32
        %parallel_loop3A_646 = vector.broadcast %parallel_loop3A_645 : i32 to vector<16xi32>
        %parallel_loop3A_647 = arith.muli %parallel_loop3A_644, %parallel_loop3A_646 : vector<16xi32>
        %parallel_loop3A_648 = arith.addi %parallel_loop3A_647, %iota3A : vector<16xi32>
        %parallel_loop3A_649 = arith.constant 4 : i32
        %parallel_loop3A_650 = arith.muli %parallel_loop3A_641, %parallel_loop3A_649 : i32
        %parallel_loop3A_651 = arith.constant 3 : i32
        %parallel_loop3A_652 = arith.addi %parallel_loop3A_650, %parallel_loop3A_651 : i32
        %parallel_loop3A_653 = vector.broadcast %parallel_loop3A_652 : i32 to vector<16xi32>
        %parallel_loop3A_654 = arith.constant 0 : i32
        %parallel_loop3A_655 = vector.broadcast %parallel_loop3A_654 : i32 to vector<16xi32>
        %parallel_loop3A_656 = arith.addi %parallel_loop3A_648, %parallel_loop3A_655 : vector<16xi32>
        %parallel_loop3A_657 = tpu.vector_load_idx %arg6[%parallel_loop3A_656] : memref<11264xf32, #tpu.memory_space<vmem>>[vector<16xi32>], vector<16xf32>,
        %parallel_loop3A_658 = arith.constant 0 : i32
        %parallel_loop3A_659 = vector.broadcast %parallel_loop3A_658 : i32 to vector<16xi32>
        %parallel_loop3A_660 = arith.addi %parallel_loop3A_659, %iota3A : vector<16xi32>
        %parallel_loop3A_661 = arith.addf %parallel_loop3A_657, %gather3A_565 : vector<16xf32>
        %parallel_loop3A_662 = arith.constant 0 : i32
        %parallel_loop3A_663 = arith.constant 0 : i32
        %parallel_loop3A_664 = tpu.memref_slice %arg9[%parallel_loop3A_620, %parallel_loop3A_662, %parallel_loop3A_663] : memref<2x324x128xf32, #tpu.memory_space<vmem>> -> memref<1x324x128xf32, #tpu.memory_space<vmem>>
        %parallel_loop3A_665 = tpu.memref_squeeze %parallel_loop3A_664 : memref<1x324x128xf32, #tpu.memory_space<vmem>> -> memref<324x128xf32, #tpu.memory_space<vmem>>
        tpu.vector_store_idx %parallel_loop3A_665[%parallel_loop3A_653, %parallel_loop3A_660], %parallel_loop3A_661 : memref<324x128xf32, #tpu.memory_space<vmem>>[vector<16xi32>, vector<16xi32>], vector<16xf32>,
        %parallel_loop3A_666 = arith.constant 16 : i32
        %parallel_loop3A_667 = vector.broadcast %parallel_loop3A_666 : i32 to vector<16xi32>
        %parallel_loop3A_668 = arith.addi %parallel_loop3A_648, %parallel_loop3A_667 : vector<16xi32>
        %parallel_loop3A_669 = tpu.vector_load_idx %arg6[%parallel_loop3A_668] : memref<11264xf32, #tpu.memory_space<vmem>>[vector<16xi32>], vector<16xf32>,
        %parallel_loop3A_670 = arith.constant 16 : i32
        %parallel_loop3A_671 = vector.broadcast %parallel_loop3A_670 : i32 to vector<16xi32>
        %parallel_loop3A_672 = arith.addi %parallel_loop3A_671, %iota3A : vector<16xi32>
        %parallel_loop3A_673 = arith.addf %parallel_loop3A_669, %gather3A_572 : vector<16xf32>
        %parallel_loop3A_674 = arith.constant 0 : i32
        %parallel_loop3A_675 = arith.constant 0 : i32
        %parallel_loop3A_676 = tpu.memref_slice %arg9[%parallel_loop3A_620, %parallel_loop3A_674, %parallel_loop3A_675] : memref<2x324x128xf32, #tpu.memory_space<vmem>> -> memref<1x324x128xf32, #tpu.memory_space<vmem>>
        %parallel_loop3A_677 = tpu.memref_squeeze %parallel_loop3A_676 : memref<1x324x128xf32, #tpu.memory_space<vmem>> -> memref<324x128xf32, #tpu.memory_space<vmem>>
        tpu.vector_store_idx %parallel_loop3A_677[%parallel_loop3A_653, %parallel_loop3A_672], %parallel_loop3A_673 : memref<324x128xf32, #tpu.memory_space<vmem>>[vector<16xi32>, vector<16xi32>], vector<16xf32>,
        %parallel_loop3A_678 = arith.constant 32 : i32
        %parallel_loop3A_679 = vector.broadcast %parallel_loop3A_678 : i32 to vector<16xi32>
        %parallel_loop3A_680 = arith.addi %parallel_loop3A_648, %parallel_loop3A_679 : vector<16xi32>
        %parallel_loop3A_681 = tpu.vector_load_idx %arg6[%parallel_loop3A_680] : memref<11264xf32, #tpu.memory_space<vmem>>[vector<16xi32>], vector<16xf32>,
        %parallel_loop3A_682 = arith.constant 32 : i32
        %parallel_loop3A_683 = vector.broadcast %parallel_loop3A_682 : i32 to vector<16xi32>
        %parallel_loop3A_684 = arith.addi %parallel_loop3A_683, %iota3A : vector<16xi32>
        %parallel_loop3A_685 = arith.addf %parallel_loop3A_681, %gather3A_579 : vector<16xf32>
        %parallel_loop3A_686 = arith.constant 0 : i32
        %parallel_loop3A_687 = arith.constant 0 : i32
        %parallel_loop3A_688 = tpu.memref_slice %arg9[%parallel_loop3A_620, %parallel_loop3A_686, %parallel_loop3A_687] : memref<2x324x128xf32, #tpu.memory_space<vmem>> -> memref<1x324x128xf32, #tpu.memory_space<vmem>>
        %parallel_loop3A_689 = tpu.memref_squeeze %parallel_loop3A_688 : memref<1x324x128xf32, #tpu.memory_space<vmem>> -> memref<324x128xf32, #tpu.memory_space<vmem>>
        tpu.vector_store_idx %parallel_loop3A_689[%parallel_loop3A_653, %parallel_loop3A_684], %parallel_loop3A_685 : memref<324x128xf32, #tpu.memory_space<vmem>>[vector<16xi32>, vector<16xi32>], vector<16xf32>,
        %parallel_loop3A_690 = arith.constant 48 : i32
        %parallel_loop3A_691 = vector.broadcast %parallel_loop3A_690 : i32 to vector<16xi32>
        %parallel_loop3A_692 = arith.addi %parallel_loop3A_648, %parallel_loop3A_691 : vector<16xi32>
        %parallel_loop3A_693 = tpu.vector_load_idx %arg6[%parallel_loop3A_692] : memref<11264xf32, #tpu.memory_space<vmem>>[vector<16xi32>], vector<16xf32>,
        %parallel_loop3A_694 = arith.constant 48 : i32
        %parallel_loop3A_695 = vector.broadcast %parallel_loop3A_694 : i32 to vector<16xi32>
        %parallel_loop3A_696 = arith.addi %parallel_loop3A_695, %iota3A : vector<16xi32>
        %parallel_loop3A_697 = arith.addf %parallel_loop3A_693, %gather3A_586 : vector<16xf32>
        %parallel_loop3A_698 = arith.constant 0 : i32
        %parallel_loop3A_699 = arith.constant 0 : i32
        %parallel_loop3A_700 = tpu.memref_slice %arg9[%parallel_loop3A_620, %parallel_loop3A_698, %parallel_loop3A_699] : memref<2x324x128xf32, #tpu.memory_space<vmem>> -> memref<1x324x128xf32, #tpu.memory_space<vmem>>
        %parallel_loop3A_701 = tpu.memref_squeeze %parallel_loop3A_700 : memref<1x324x128xf32, #tpu.memory_space<vmem>> -> memref<324x128xf32, #tpu.memory_space<vmem>>
        tpu.vector_store_idx %parallel_loop3A_701[%parallel_loop3A_653, %parallel_loop3A_696], %parallel_loop3A_697 : memref<324x128xf32, #tpu.memory_space<vmem>>[vector<16xi32>, vector<16xi32>], vector<16xf32>,
        %parallel_loop3A_702 = arith.constant 64 : i32
        %parallel_loop3A_703 = vector.broadcast %parallel_loop3A_702 : i32 to vector<16xi32>
        %parallel_loop3A_704 = arith.addi %parallel_loop3A_648, %parallel_loop3A_703 : vector<16xi32>
        %parallel_loop3A_705 = tpu.vector_load_idx %arg6[%parallel_loop3A_704] : memref<11264xf32, #tpu.memory_space<vmem>>[vector<16xi32>], vector<16xf32>,
        %parallel_loop3A_706 = arith.constant 64 : i32
        %parallel_loop3A_707 = vector.broadcast %parallel_loop3A_706 : i32 to vector<16xi32>
        %parallel_loop3A_708 = arith.addi %parallel_loop3A_707, %iota3A : vector<16xi32>
        %parallel_loop3A_709 = arith.addf %parallel_loop3A_705, %gather3A_593 : vector<16xf32>
        %parallel_loop3A_710 = arith.constant 0 : i32
        %parallel_loop3A_711 = arith.constant 0 : i32
        %parallel_loop3A_712 = tpu.memref_slice %arg9[%parallel_loop3A_620, %parallel_loop3A_710, %parallel_loop3A_711] : memref<2x324x128xf32, #tpu.memory_space<vmem>> -> memref<1x324x128xf32, #tpu.memory_space<vmem>>
        %parallel_loop3A_713 = tpu.memref_squeeze %parallel_loop3A_712 : memref<1x324x128xf32, #tpu.memory_space<vmem>> -> memref<324x128xf32, #tpu.memory_space<vmem>>
        tpu.vector_store_idx %parallel_loop3A_713[%parallel_loop3A_653, %parallel_loop3A_708], %parallel_loop3A_709 : memref<324x128xf32, #tpu.memory_space<vmem>>[vector<16xi32>, vector<16xi32>], vector<16xf32>,
        %parallel_loop3A_714 = arith.constant 80 : i32
        %parallel_loop3A_715 = vector.broadcast %parallel_loop3A_714 : i32 to vector<16xi32>
        %parallel_loop3A_716 = arith.addi %parallel_loop3A_648, %parallel_loop3A_715 : vector<16xi32>
        %parallel_loop3A_717 = tpu.vector_load_idx %arg6[%parallel_loop3A_716] : memref<11264xf32, #tpu.memory_space<vmem>>[vector<16xi32>], vector<16xf32>,
        %parallel_loop3A_718 = arith.constant 80 : i32
        %parallel_loop3A_719 = vector.broadcast %parallel_loop3A_718 : i32 to vector<16xi32>
        %parallel_loop3A_720 = arith.addi %parallel_loop3A_719, %iota3A : vector<16xi32>
        %parallel_loop3A_721 = arith.addf %parallel_loop3A_717, %gather3A_600 : vector<16xf32>
        %parallel_loop3A_722 = arith.constant 0 : i32
        %parallel_loop3A_723 = arith.constant 0 : i32
        %parallel_loop3A_724 = tpu.memref_slice %arg9[%parallel_loop3A_620, %parallel_loop3A_722, %parallel_loop3A_723] : memref<2x324x128xf32, #tpu.memory_space<vmem>> -> memref<1x324x128xf32, #tpu.memory_space<vmem>>
        %parallel_loop3A_725 = tpu.memref_squeeze %parallel_loop3A_724 : memref<1x324x128xf32, #tpu.memory_space<vmem>> -> memref<324x128xf32, #tpu.memory_space<vmem>>
        tpu.vector_store_idx %parallel_loop3A_725[%parallel_loop3A_653, %parallel_loop3A_720], %parallel_loop3A_721 : memref<324x128xf32, #tpu.memory_space<vmem>>[vector<16xi32>, vector<16xi32>], vector<16xf32>,
        %parallel_loop3A_726 = arith.constant 96 : i32
        %parallel_loop3A_727 = vector.broadcast %parallel_loop3A_726 : i32 to vector<16xi32>
        %parallel_loop3A_728 = arith.addi %parallel_loop3A_648, %parallel_loop3A_727 : vector<16xi32>
        %parallel_loop3A_729 = tpu.vector_load_idx %arg6[%parallel_loop3A_728] : memref<11264xf32, #tpu.memory_space<vmem>>[vector<16xi32>], vector<16xf32>,
        %parallel_loop3A_730 = arith.constant 96 : i32
        %parallel_loop3A_731 = vector.broadcast %parallel_loop3A_730 : i32 to vector<16xi32>
        %parallel_loop3A_732 = arith.addi %parallel_loop3A_731, %iota3A : vector<16xi32>
        %parallel_loop3A_733 = arith.addf %parallel_loop3A_729, %gather3A_607 : vector<16xf32>
        %parallel_loop3A_734 = arith.constant 0 : i32
        %parallel_loop3A_735 = arith.constant 0 : i32
        %parallel_loop3A_736 = tpu.memref_slice %arg9[%parallel_loop3A_620, %parallel_loop3A_734, %parallel_loop3A_735] : memref<2x324x128xf32, #tpu.memory_space<vmem>> -> memref<1x324x128xf32, #tpu.memory_space<vmem>>
        %parallel_loop3A_737 = tpu.memref_squeeze %parallel_loop3A_736 : memref<1x324x128xf32, #tpu.memory_space<vmem>> -> memref<324x128xf32, #tpu.memory_space<vmem>>
        tpu.vector_store_idx %parallel_loop3A_737[%parallel_loop3A_653, %parallel_loop3A_732], %parallel_loop3A_733 : memref<324x128xf32, #tpu.memory_space<vmem>>[vector<16xi32>, vector<16xi32>], vector<16xf32>,
        %parallel_loop3A_738 = arith.constant 112 : i32
        %parallel_loop3A_739 = vector.broadcast %parallel_loop3A_738 : i32 to vector<16xi32>
        %parallel_loop3A_740 = arith.addi %parallel_loop3A_648, %parallel_loop3A_739 : vector<16xi32>
        %parallel_loop3A_741 = tpu.vector_load_idx %arg6[%parallel_loop3A_740] : memref<11264xf32, #tpu.memory_space<vmem>>[vector<16xi32>], vector<16xf32>,
        %parallel_loop3A_742 = arith.constant 112 : i32
        %parallel_loop3A_743 = vector.broadcast %parallel_loop3A_742 : i32 to vector<16xi32>
        %parallel_loop3A_744 = arith.addi %parallel_loop3A_743, %iota3A : vector<16xi32>
        %parallel_loop3A_745 = arith.addf %parallel_loop3A_741, %gather3A_614 : vector<16xf32>
        %parallel_loop3A_746 = arith.constant 0 : i32
        %parallel_loop3A_747 = arith.constant 0 : i32
        %parallel_loop3A_748 = tpu.memref_slice %arg9[%parallel_loop3A_620, %parallel_loop3A_746, %parallel_loop3A_747] : memref<2x324x128xf32, #tpu.memory_space<vmem>> -> memref<1x324x128xf32, #tpu.memory_space<vmem>>
        %parallel_loop3A_749 = tpu.memref_squeeze %parallel_loop3A_748 : memref<1x324x128xf32, #tpu.memory_space<vmem>> -> memref<324x128xf32, #tpu.memory_space<vmem>>
        tpu.vector_store_idx %parallel_loop3A_749[%parallel_loop3A_653, %parallel_loop3A_744], %parallel_loop3A_745 : memref<324x128xf32, #tpu.memory_space<vmem>>[vector<16xi32>, vector<16xi32>], vector<16xf32>,
      } {sc.loop_unroll_factor = 3 : i64, sc.parallel_access}
      %mul3A_621 = arith.constant 4 : i32
      %mul3A_622 = arith.muli %add3A_351, %mul3A_621 : i32
      %add3A_623 = arith.addi %mul3A_2, %mul3A_622 : i32
      %dma_start3A_624 = arith.constant 1 : i32
      %dma_start3A_625 = arith.constant 0 : i32
      %dma_start3A_626 = arith.constant 0 : i32
      %dma_start3A_627 = tpu.memref_slice %arg9[%dma_start3A_624, %dma_start3A_625, %dma_start3A_626] : memref<2x324x128xf32, #tpu.memory_space<vmem>> -> memref<1x324x128xf32, #tpu.memory_space<vmem>>
      %dma_start3A_628 = tpu.memref_squeeze %dma_start3A_627 : memref<1x324x128xf32, #tpu.memory_space<vmem>> -> memref<324x128xf32, #tpu.memory_space<vmem>>
      %dma_start3A_629 = tpu.memref_reshape %dma_start3A_628 : memref<324x128xf32, #tpu.memory_space<vmem>> -> memref<81x4x128xf32, #tpu.memory_space<vmem>>
      %dma_start3A_630 = arith.constant 0 : i32
      %dma_start3A_631 = arith.constant 0 : i32
      %dma_start3A_632 = tpu.memref_slice %arg5[%dma_start3A_630, %add3A_623, %dma_start3A_631] : memref<81x4096x128xf32, #tpu.memory_space<hbm>> -> memref<81x4x128xf32, #tpu.memory_space<hbm>>
      %dma_start3A_633 = arith.constant 0 : i32
      %dma_start3A_634 = arith.constant 0 : i32
      %dma_start3A_635 = tpu.memref_slice %arg5[%dma_start3A_633, %add3A_623, %dma_start3A_634] : memref<81x4096x128xf32, #tpu.memory_space<hbm>> -> memref<81x4x128xf32, #tpu.memory_space<hbm>>
      %dma_start3A_636 = arith.constant 0 : i32
      %dma_start3A_637 = arith.constant 0 : i32
      %dma_start3A_638 = tpu.memref_slice %arg9[%dma_start3A_624, %dma_start3A_636, %dma_start3A_637] : memref<2x324x128xf32, #tpu.memory_space<vmem>> -> memref<1x324x128xf32, #tpu.memory_space<vmem>>
      %dma_start3A_639 = tpu.memref_squeeze %dma_start3A_638 : memref<1x324x128xf32, #tpu.memory_space<vmem>> -> memref<324x128xf32, #tpu.memory_space<vmem>>
      %dma_start3A_640 = tpu.memref_reshape %dma_start3A_639 : memref<324x128xf32, #tpu.memory_space<vmem>> -> memref<81x4x128xf32, #tpu.memory_space<vmem>>
      tpu.enqueue_dma source(%dma_start3A_640 : memref<81x4x128xf32, #tpu.memory_space<vmem>>) target(%dma_start3A_635 : memref<81x4x128xf32, #tpu.memory_space<hbm>>) target_semaphore(%arg11 : memref<!tpu.dma_semaphore, #tpu.memory_space<semaphore_mem>>)
    }
    %scan3A_16 = arith.constant 16 : i32
    %add3A_17 = arith.constant 120 : i32
    %add3A_18 = arith.addi %mul3A_2, %add3A_17 : i32
    %dma_wait3A_19 = arith.constant 0 : i32
    %dma_wait3A_20 = arith.constant 0 : i32
    %dma_wait3A_21 = arith.constant 0 : i32
    %dma_wait3A_22 = tpu.memref_slice %arg9[%dma_wait3A_19, %dma_wait3A_20, %dma_wait3A_21] : memref<2x324x128xf32, #tpu.memory_space<vmem>> -> memref<1x324x128xf32, #tpu.memory_space<vmem>>
    %dma_wait3A_23 = tpu.memref_squeeze %dma_wait3A_22 : memref<1x324x128xf32, #tpu.memory_space<vmem>> -> memref<324x128xf32, #tpu.memory_space<vmem>>
    %dma_wait3A_24 = tpu.memref_reshape %dma_wait3A_23 : memref<324x128xf32, #tpu.memory_space<vmem>> -> memref<81x4x128xf32, #tpu.memory_space<vmem>>
    %dma_wait3A_25 = arith.constant 0 : i32
    %dma_wait3A_26 = arith.constant 0 : i32
    %dma_wait3A_27 = tpu.memref_slice %arg5[%dma_wait3A_25, %add3A_18, %dma_wait3A_26] : memref<81x4096x128xf32, #tpu.memory_space<hbm>> -> memref<81x4x128xf32, #tpu.memory_space<hbm>>
    %dma_wait3A_28 = arith.constant 0 : i32
    %dma_wait3A_29 = arith.constant 0 : i32
    %dma_wait3A_30 = tpu.memref_slice %arg5[%dma_wait3A_28, %add3A_18, %dma_wait3A_29] : memref<81x4096x128xf32, #tpu.memory_space<hbm>> -> memref<81x4x128xf32, #tpu.memory_space<hbm>>
    %dma_wait3A_31 = arith.constant 0 : i32
    %dma_wait3A_32 = arith.constant 0 : i32
    %dma_wait3A_33 = tpu.memref_slice %arg9[%dma_wait3A_19, %dma_wait3A_31, %dma_wait3A_32] : memref<2x324x128xf32, #tpu.memory_space<vmem>> -> memref<1x324x128xf32, #tpu.memory_space<vmem>>
    %dma_wait3A_34 = tpu.memref_squeeze %dma_wait3A_33 : memref<1x324x128xf32, #tpu.memory_space<vmem>> -> memref<324x128xf32, #tpu.memory_space<vmem>>
    %dma_wait3A_35 = tpu.memref_reshape %dma_wait3A_34 : memref<324x128xf32, #tpu.memory_space<vmem>> -> memref<81x4x128xf32, #tpu.memory_space<vmem>>
    tpu.wait_dma2 semaphore(%arg10 : memref<!tpu.dma_semaphore, #tpu.memory_space<semaphore_mem>>) src(%dma_wait3A_35 : memref<81x4x128xf32, #tpu.memory_space<vmem>>) dst(%dma_wait3A_30 : memref<81x4x128xf32, #tpu.memory_space<hbm>>)
    %add3A_36 = arith.constant 124 : i32
    %add3A_37 = arith.addi %mul3A_2, %add3A_36 : i32
    %dma_wait3A_38 = arith.constant 1 : i32
    %dma_wait3A_39 = arith.constant 0 : i32
    %dma_wait3A_40 = arith.constant 0 : i32
    %dma_wait3A_41 = tpu.memref_slice %arg9[%dma_wait3A_38, %dma_wait3A_39, %dma_wait3A_40] : memref<2x324x128xf32, #tpu.memory_space<vmem>> -> memref<1x324x128xf32, #tpu.memory_space<vmem>>
    %dma_wait3A_42 = tpu.memref_squeeze %dma_wait3A_41 : memref<1x324x128xf32, #tpu.memory_space<vmem>> -> memref<324x128xf32, #tpu.memory_space<vmem>>
    %dma_wait3A_43 = tpu.memref_reshape %dma_wait3A_42 : memref<324x128xf32, #tpu.memory_space<vmem>> -> memref<81x4x128xf32, #tpu.memory_space<vmem>>
    %dma_wait3A_44 = arith.constant 0 : i32
    %dma_wait3A_45 = arith.constant 0 : i32
    %dma_wait3A_46 = tpu.memref_slice %arg5[%dma_wait3A_44, %add3A_37, %dma_wait3A_45] : memref<81x4096x128xf32, #tpu.memory_space<hbm>> -> memref<81x4x128xf32, #tpu.memory_space<hbm>>
    %dma_wait3A_47 = arith.constant 0 : i32
    %dma_wait3A_48 = arith.constant 0 : i32
    %dma_wait3A_49 = tpu.memref_slice %arg5[%dma_wait3A_47, %add3A_37, %dma_wait3A_48] : memref<81x4096x128xf32, #tpu.memory_space<hbm>> -> memref<81x4x128xf32, #tpu.memory_space<hbm>>
    %dma_wait3A_50 = arith.constant 0 : i32
    %dma_wait3A_51 = arith.constant 0 : i32
    %dma_wait3A_52 = tpu.memref_slice %arg9[%dma_wait3A_38, %dma_wait3A_50, %dma_wait3A_51] : memref<2x324x128xf32, #tpu.memory_space<vmem>> -> memref<1x324x128xf32, #tpu.memory_space<vmem>>
    %dma_wait3A_53 = tpu.memref_squeeze %dma_wait3A_52 : memref<1x324x128xf32, #tpu.memory_space<vmem>> -> memref<324x128xf32, #tpu.memory_space<vmem>>
    %dma_wait3A_54 = tpu.memref_reshape %dma_wait3A_53 : memref<324x128xf32, #tpu.memory_space<vmem>> -> memref<81x4x128xf32, #tpu.memory_space<vmem>>
    tpu.wait_dma2 semaphore(%arg11 : memref<!tpu.dma_semaphore, #tpu.memory_space<semaphore_mem>>) src(%dma_wait3A_54 : memref<81x4x128xf32, #tpu.memory_space<vmem>>) dst(%dma_wait3A_49 : memref<81x4x128xf32, #tpu.memory_space<hbm>>)
    return
  }
}

module attributes {stable_mosaic.version = 14 : i64} {
  func.func @_prep_body(%arg0: memref<4096x95xi32, #tpu.memory_space<vmem>>, %arg1: memref<14x128xf32, #tpu.memory_space<vmem>>, %arg2: memref<128xf32, #tpu.memory_space<vmem>>, %arg3: memref<128xf32, #tpu.memory_space<vmem>>, %arg4: memref<4096x128xf32, #tpu.memory_space<vmem>>, %arg5: memref<4096x128xi32, #tpu.memory_space<vmem>>) attributes {dimension_semantics = [], scalar_prefetch = 0 : i64, scratch_operands = 0 : i64, tpu.core_type = #tpu.core_type<tc>} {
    %get3A = arith.constant 0 : index
    %get3A_0 = arith.constant 0 : index
    %get3A_1 = vector.load %arg0[%get3A, %get3A_0] : memref<4096x95xi32, #tpu.memory_space<vmem>>, vector<4096x95xi32>
    %slice3A = vector.extract_strided_slice %get3A_1 {offsets = [0, 81], sizes = [4096, 14], strides = [1, 1]} : vector<4096x95xi32> to vector<4096x14xi32>
    %convert_element_type3A = arith.sitofp %slice3A : vector<4096x14xi32> to vector<4096x14xf32>
    %get3A_2 = arith.constant 0 : index
    %get3A_3 = arith.constant 0 : index
    %get3A_4 = vector.load %arg1[%get3A_2, %get3A_3] : memref<14x128xf32, #tpu.memory_space<vmem>>, vector<14x128xf32>
    %dot_general3A = arith.constant dense<0.000000e+00> : vector<4096x128xf32>
    %dot_general3A_5 = tpu.matmul %convert_element_type3A, %get3A_4, %dot_general3A {dimension_numbers = #tpu.dot_dimension_numbers<[1], [0], [0], [1], [0, 0, 1, 1], [], []>, transpose_lhs_hint = false} : vector<4096x14xf32>, vector<14x128xf32>, vector<4096x128xf32> -> vector<4096x128xf32>
    %get3A_6 = arith.constant 0 : index
    %get3A_7 = vector.load %arg2[%get3A_6] : memref<128xf32, #tpu.memory_space<vmem>>, vector<128xf32>
    %broadcast_in_dim3A = vector.shape_cast %get3A_7 : vector<128xf32> to vector<1x128xf32>
    %add3A = vector.broadcast %broadcast_in_dim3A : vector<1x128xf32> to vector<4096x128xf32>
    %add3A_8 = arith.addf %dot_general3A_5, %add3A : vector<4096x128xf32>
    %get3A_9 = arith.constant 0 : index
    %get3A_10 = vector.load %arg3[%get3A_9] : memref<128xf32, #tpu.memory_space<vmem>>, vector<128xf32>
    %broadcast_in_dim3A_11 = vector.shape_cast %get3A_10 : vector<128xf32> to vector<1x128xf32>
    %add3A_12 = vector.broadcast %broadcast_in_dim3A_11 : vector<1x128xf32> to vector<4096x128xf32>
    %add3A_13 = arith.addf %add3A_8, %add3A_12 : vector<4096x128xf32>
    %swap3A = arith.constant 0 : index
    %swap3A_14 = arith.constant 0 : index
    %swap3A_15 = vector.load %arg4[%swap3A, %swap3A_14] : memref<4096x128xf32, #tpu.memory_space<vmem>>, vector<4096x128xf32>
    tpu.vector_store %arg4[%swap3A, %swap3A_14], %add3A_13 {strides = array<i32>} : memref<4096x128xf32, #tpu.memory_space<vmem>>, vector<4096x128xf32>,
    %slice3A_16 = vector.extract_strided_slice %get3A_1 {offsets = [0, 0], sizes = [4096, 81], strides = [1, 1]} : vector<4096x95xi32> to vector<4096x81xi32>
    %jit3A = arith.constant 0 : i32
    %pad3A = vector.broadcast %jit3A : i32 to vector<4096x47xi32>
    %pad3A_17 = tpu.concatenate %slice3A_16, %pad3A in 1 : vector<4096x81xi32>, vector<4096x47xi32> -> vector<4096x128xi32>
    %swap3A_18 = arith.constant 0 : index
    %swap3A_19 = arith.constant 0 : index
    %swap3A_20 = vector.load %arg5[%swap3A_18, %swap3A_19] : memref<4096x128xi32, #tpu.memory_space<vmem>>, vector<4096x128xi32>
    tpu.vector_store %arg5[%swap3A_18, %swap3A_19], %pad3A_17 {strides = array<i32>} : memref<4096x128xi32, #tpu.memory_space<vmem>>, vector<4096x128xi32>,
    return
  }
}

</mosaic_0001>

<sc_bundles>
// kernel: kernel.4.cloned.1.call-start
scs
__scs_entry_jumppad:
0x0: {  	(pc) =	sbr.rel $0x88, $3  }
0x1: {  	(tag) =	ssettag $0x0;
	lr =	simm.s32 $0x1  }
0x2: {  	[smem:$0x3F9B] =	sst lr;
	_ =	strace $0xD0000000  }
0x3: {  	_ = 	snop  }
0x4: {  	_ = 	snop  }
0x5: {  	_ = 	snop  }
0x6: {  	_ = 	snop  }
0x7: {  	_ = 	snop  }
__scs_overlays_trampoline_lowered:
0x8: {  	[smem:$0x3FAA] =	sst s0  }
0x9: {  	[smem:$0x3FAB] =	sst s1  }
0xa: {  	[smem:$0x3FAC] =	sst s2  }
0xb: {  	[smem:$0x3FAD] =	sst s3  }
0xc: {  	[smem:$0x3FAE] =	sst s4  }
0xd: {  	[smem:$0x3FAF] =	sst s5  }
0xe: {  	[smem:$0x3FB0] =	sst s6  }
0xf: {  	[smem:$0x3FB1] =	sst s7  }
0x10: {  	[smem:$0x3FB2] =	sst s8  }
0x11: {  	[smem:$0x3FB3] =	sst s9;
	s0 =	simm.s32 @!p0 $0x0  }
0x12: {  	s1 =	sld [smem:$0x3F99];
	s0 =	simm.s32 @p0 $0x1  }
0x13: {  	[smem:$0x3FB4] =	sst s0;
	s0 =	simm.s32 @!p1 $0x0  }
0x14: {  	s2 =	sld [smem:$0x3F98];
	s0 =	simm.s32 @p1 $0x1  }
0x15: {  	[smem:$0x3FB5] =	sst s0;
	s0 =	simm.s32 @!p2 $0x0  }
0x16: {  	s3 =	sld [smem:$0x3FDB];
	s0 =	simm.s32 @p2 $0x1  }
0x17: {  	s4 =	simm.s32 $0x1BF5;
	[smem:$0x3FB7] =	sst s0  }
0x18: {  	s0 =	sld [smem:$0x3F9A];
	_ =	swait.ge [sflag:s4], $0x0  }
0x19: {  	s7 =	sld [smem:$0x3F9B]  }
0x1a: {  	s8 =	sadd.s32 $0xFFFFE003, lr  }
0x1b: {  	s9 =	sadd.s32 $0xFFFFFEF7, lr;
	s5 =	simm.s32 $0xFFFFFFFF;
	p2 =	slt.u32 s8, $0xFFFFF086  }
0x1c: {  	p1 =	slt.u32 s9, $0xF7A;
	s5 =	simm.s32 @!p2 $0x0  }
0x1d: {  	s5 =	simm.s32 @p1 $0x1;
	p0 =	seq.s32 s7, s2  }
0x1e: {  	s7 =	smul.u32 @!p0 $0xF7A, s2;
	p2 =	seq.s32 @!p0 s5, $0x0  }
0x1f: {  	s9 =	smul.u32 $0xF7A, s1;
	s8 =	simm.s32 @!p0 $0x1BF5;
	p2 =	por !p2, p0  }
0x20: {  	[sflag:s8] =	ssyncset.s32 @!p0 $0xFFFFF086;
	s6 =	sadd.s32 @!p0 s3, s7;
	s7 =	simm.s32 @!p0 $0x108  }
0x21: {  	s3 =	sadd.s32 s3, s9;
	s6 =	sadd.s32 @!p0 $0x88, s6;
	s7 =	simm.s32 @p2 $0x1082  }
0x22: {  	[simem:s7], [sflag:s8] =	dma.local @!p0 [hbm:s6], $0xF7A  }
0x23: {  	s9 =	sor.u32 $0xD0000000, s2;
	s6 =	simm.s32 $0x108;
	_ =	swait.ge @!p0 [sflag:s8], $0x0  }
0x24: {  	s3 =	sadd.s32 $0x88, s3;
	s6 =	simm.s32 @!p1 $0x1082;
	[sflag:s4] =	ssyncset.s32 $0xFFFFF086  }
0x25: {  	[simem:s6], [sflag:s4] =	dma.local [hbm:s3], $0xF7A  }
0x26: {  	[smem:$0x3F9B] =	sst s1;
	(tag) =	ssettag s2;
	_ =	strace s9  }
0x27: {  	s1 =	sld [smem:$0x3FAB]  }
0x28: {  	s2 =	sld [smem:$0x3FAC]  }
0x29: {  	s4 =	sld [smem:$0x3FAE]  }
0x2a: {  	p0 =	seq.s32 s5, $0x0;
	s5 =	sld [smem:$0x3FAF]  }
0x2b: {  	s6 =	sld [smem:$0x3FB0]  }
0x2c: {  	s7 =	sld [smem:$0x3FB1]  }
0x2d: {  	s3 =	simm.s32 $0x108;
	s8 =	sld [smem:$0x3FB2]  }
0x2e: {  	s3 =	simm.s32 @!p0 $0x1082;
	s9 =	sld [smem:$0x3FB3]  }
0x2f: {  	lr =	sadd.s32 s0, s3;
	s0 =	sld [smem:$0x3FAA]  }
0x30: {  	s3 =	sld [smem:$0x3FAD]  }
0x31: {  	[smem:$0x3FB6] =	sst s10  }
0x32: {  	s10 =	sld [smem:$0x3FB4];
	_ =	sdelay $0x3  }
0x33: {  	p0 =	seq.s32 s10, $0x1;
	s10 =	sld [smem:$0x3FB6];
	_ =	sdelay $0x3  }
0x34: {  	[smem:$0x3FB6] =	sst s10  }
0x35: {  	s10 =	sld [smem:$0x3FB5];
	_ =	sdelay $0x3  }
0x36: {  	p1 =	seq.s32 s10, $0x1;
	s10 =	sld [smem:$0x3FB6];
	_ =	sdelay $0x3  }
0x37: {  	[smem:$0x3FB6] =	sst s10  }
0x38: {  	s10 =	sld [smem:$0x3FB7]  }
0x39: {  	_ = 	snop;
	(pc) =	sbr.ind lr, $3  }
0x3a: {  	_ = 	snop  }
0x3b: {  	_ = 	snop  }
0x3c: {  	p2 =	seq.s32 s10, $0x1;
	s10 =	sld [smem:$0x3FB6]  }
0x3d: {  	_ =	shalt  }
0x3e: {  	_ =	shalt  }
0x3f: {  	_ =	shalt  }
0x40: {  	_ =	shalt  }
0x41: {  	_ =	shalt  }
0x42: {  	_ =	shalt  }
0x43: {  	_ =	shalt  }
0x44: {  	_ =	shalt  }
0x45: {  	_ =	shalt  }
0x46: {  	_ =	shalt  }
0x47: {  	_ =	shalt  }
0x48: {  	_ =	shalt  }
0x49: {  	_ =	shalt  }
0x4a: {  	_ =	shalt  }
0x4b: {  	_ =	shalt  }
0x4c: {  	_ =	shalt  }
0x4d: {  	_ =	shalt  }
0x4e: {  	_ =	shalt  }
0x4f: {  	_ =	shalt  }
0x50: {  	_ =	shalt  }
0x51: {  	_ =	shalt  }
0x52: {  	_ =	shalt  }
0x53: {  	_ =	shalt  }
0x54: {  	_ =	shalt  }
0x55: {  	_ =	shalt  }
0x56: {  	_ =	shalt  }
0x57: {  	_ =	shalt  }
0x58: {  	_ =	shalt  }
0x59: {  	_ =	shalt  }
0x5a: {  	_ =	shalt  }
0x5b: {  	_ =	shalt  }
0x5c: {  	_ =	shalt  }
0x5d: {  	_ =	shalt  }
0x5e: {  	_ =	shalt  }
0x5f: {  	_ =	shalt  }
0x60: {  	_ =	shalt  }
0x61: {  	_ =	shalt  }
0x62: {  	_ =	shalt  }
0x63: {  	_ =	shalt  }
0x64: {  	_ =	shalt  }
0x65: {  	_ =	shalt  }
0x66: {  	_ =	shalt  }
0x67: {  	_ =	shalt  }
0x68: {  	_ =	shalt  }
0x69: {  	_ =	shalt  }
0x6a: {  	_ =	shalt  }
0x6b: {  	_ =	shalt  }
0x6c: {  	_ =	shalt  }
0x6d: {  	_ =	shalt  }
0x6e: {  	_ =	shalt  }
0x6f: {  	_ =	shalt  }
0x70: {  	_ =	shalt  }
0x71: {  	_ =	shalt  }
0x72: {  	_ =	shalt  }
0x73: {  	_ =	shalt  }
0x74: {  	_ =	shalt  }
0x75: {  	_ =	shalt  }
0x76: {  	_ =	shalt  }
0x77: {  	_ =	shalt  }
0x78: {  	_ =	shalt  }
0x79: {  	_ =	shalt  }
0x7a: {  	_ =	shalt  }
0x7b: {  	_ =	shalt  }
0x7c: {  	_ =	shalt  }
0x7d: {  	_ =	shalt  }
0x7e: {  	_ =	shalt  }
0x7f: {  	_ =	shalt  }
0x80: {  	_ =	shalt  }
0x81: {  	_ =	shalt  }
0x82: {  	_ =	shalt  }
0x83: {  	_ =	shalt  }
0x84: {  	_ =	shalt  }
0x85: {  	_ =	shalt  }
0x86: {  	_ =	shalt  }
0x87: {  	_ =	shalt  }
.Lfunc_end0:
.L_simem_size_0:
called_computation_lowered:
.L_overlay_start_0:
0x88: {  	s2 =	sld [smem:$0x3FD9]  }
0x89: {  	s3 =	sld [smem:$0x3FFE];
	_ =	sdelay $0x1  }
0x8a: {  	s1 =	srdreg.scid  }
0x8b: {  	s0 =	sand.u32 $0x1, s1  }
0x8c: {  	s17 =	sshll.u32 s0, $0xA;
	s2 =	sadd.s32 s3, s2  }
0x8d: {  	s2 =	sadd.s32 s2, s17  }
0x8e: {  	[smem:$0x3FC2] =	sst s2  }
0x8f: {  	_ = 	snop  }
0x90: {  	s2 =	sld [smem:$0x3FC8]  }
0x91: {  	s18 =	sld [smem:$0x3FD0];
	(tm) =	ssettm $0x1  }
0x92: {  	s4 =	sld [smem:$0x3FFB];
	_ =	sdelay $0x3  }
0x93: {  	_ =	strace s4  }
0x94: {  	s4 =	sld [smem:$0x3FFC];
	_ =	sdelay $0x3  }
0x95: {  	_ =	strace s4  }
0x96: {  	s4 =	sld [smem:$0x3FFD];
	_ =	sdelay $0x3  }
0x97: {  	_ =	strace s4  }
0x98: {  	_ =	strace $0x8FFFFFFF  }
0x99: {  	s19 =	sld [smem:$0x3FDB];
	_ =	sdelay $0x1  }
0x9a: {  	s5 =	simm.s32 $_scs_section_size  }
0x9b: {  	s6 =	simm.s32 $_size__tile_overlayer_lowered;
	s7 =	simm.s32 $_tile_overlayer_lowered  }
0x9c: {  	s22 =	simm.s32 $0x1BFF;
	s21 =	sshll.u32 s7, $0x1;
	s4 =	sadd.s32 s5, s19  }
0x9d: {  	s8 =	simm.s32 $0x0;
	s20 =	sshll.u32 s6, $0x1;
	s6 =	sadd.s32 s21, s4  }
0x9e: {  	[timem:s8], [sflag:s22] =	dma.local [hbm:s6], s20  }
0x9f: {  	_ =	swait.ge [sflag:s22], s20  }
0xa0: {  	s5 =	ssub.s32 $0x0, s20;
	[sflag:s22] =	ssyncset.done $0x0  }
0xa1: {  	[sflag:s22] =	ssyncadd.s32 s5;
	_ =	sdelay $0x1  }
0xa2: {  	s23 =	simm.s32 $0x1B8B  }
0xa3: {  	_ =	swait.ge [sflag:s23], $0x1  }
0xa4: {  	[sflag:s23] =	ssyncset.done $0x0  }
0xa5: {  	s25 =	simm.s32 $0x1B8E;
	s24 =	sld [smem:$0x3FFE];
	[sflag:s23] =	ssyncadd.s32 $0xFFFFFFFF  }
0xa6: {  	s26 =	simm.s32 $execute0_lowered;
	[smem:$0x3FD2] =	sst s25  }
0xa7: {  	s6 =	sshll.u32 s26, $0x1;
	_ =	strace $0x80000046;
	[dreg:$0x1] =	wrdreg $0xFFFFFFFF  }
0xa8: {  	s28 =	simm.s32 $_size_execute0_lowered;
	s4 =	sadd.s32 s4, s6;
	[dreg:$0x0] =	wrdreg $0x0  }
0xa9: {  	s6 =	sshll.u32 s28, $0x1;
	[dreg:$0x2] =	wrdreg s4  }
0xaa: {  	[dreg:$0x3] =	wrdreg s6  }
0xab: {  	[dreg:$0x4] =	wrdreg $0xC0  }
0xac: {  	_ =	task [dreg:s8], $0x5FFFF  }
0xad: {  	[dreg:$0x1] =	wrdreg $0xFFFFFFFF  }
0xae: {  	[dreg:$0x0] =	wrdreg $0x60  }
0xaf: {  	[dreg:$0x2] =	wrdreg s24  }
0xb0: {  	[dreg:$0x3] =	wrdreg s2  }
0xb1: {  	[dreg:$0x4] =	wrdreg s18  }
0xb2: {  	[dreg:$0x5] =	wrdreg $0x9  }
0xb3: {  	_ =	task.clear_ibuf [dreg:s8], $0x6FFFF;
	_ =	strace $0x90000046  }
0xb4: {  	s29 =	simm.s32 $0x9;
	_ =	strace $0x80000048  }
0xb5: {  	_ =	swait.ge [sflag:s29], $0x1  }
0xb6: {  	[sflag:s29] =	ssyncadd.s32 $0xFFFFFFFF  }
0xb7: {  	_ =	strace $0x90000048  }
0xb8: {  	_ =	sfence  }
0xb9: {  	s30 =	sld [smem:$0x0];
	_ =	sdelay $0x2  }
0xba: {  	s31 =	sshll.u32 s1, $0xD;
	s1 =	sshrl.u32 s1, $0x2  }
0xbb: {  	s3 =	sand.u32 $0x4000, s31;
	s1 =	sadd.s32 s1, s30  }
0xbc: {  	s0 =	sor.u32 s3, s0;
	s1 =	sshll.u32 s1, $0x11  }
0xbd: {  	s0 =	sor.u32 s1, s0  }
0xbe: {  	s0 =	sadd.s32 $0x8F2B, s0  }
0xbf: {  	[sflag:s0] =	ssyncadd.remote.s32 $0x1  }
0xc0: {  	_ =	sfence.sel $0xFFFF  }
0xc1: {  	[dreg:$0x0] =	wrdreg $0xFFFFFFFF;
	(pc) =	sbr.abs _section_cstart, $3  }
0xc2: {  	[dreg:$0x1] =	wrdreg $0xFFFFFFFF  }
0xc3: {  	_ =	task.clear_ibuf [dreg:s8], $0x2FFFF;
	_ =	strace $0x9FFFFFFF  }
0xc4: {  	(tm) =	ssettm $0x7FFFFFFF  }
0xc5: {  	_ =	shalt  }
tec
execute0_lowered:
.L_overlay_start_1:
0x0: {  	(tag) =	ssettag $0x1  }
0x1: {  	s0 =	rddreg [dreg:$0x0]  }
0x2: {  	s1 =	srdreg.scid;
	s3 =	rddreg [dreg:$0x2]  }
0x3: {  	s2 =	stileid.u32;
	s4 =	simm.s32 $0x0;
	s10 =	simm.s32 $0x2C00  }
0x4: {  	s11 =	simm.s32 $0x6C00;
	s12 =	simm.s32 $0x2;
	s13 =	simm.s32 $0x1  }
0x5: {  	s14 =	simm.s32 $0xAC00;
	s15 =	simm.s32 $0x200;
	s1 =	sand.u32 $0x1, s1  }
0x6: {  	s16 =	simm.s32 $0x80000;
	s5 =	sshll.u32 s2, $0xC;
	s6 =	sshll.u32 s1, $0xB  }
0x7: {  	s17 =	simm.s32 $0x15000;
	s18 =	simm.s32 $0x0;
	s5 =	sor.u32 s6, s5  }
0x8: {  	v0 =	vlaneseq.u32;
	v8 =	vimm.s32 $0x0;
	[smem:$0x7FF] =	sst s4;
	s1 =	ssub.s32 $0x2, s1;
	s0 =	sadd.s32 s5, s0  }
0x9: {  	vm0 =	vcmask $0x300;
	v1 =	vor.u32 $0x10, v0;
	v2 =	vor.u32 $0x20, v0;
	_ =	strace $0x80000047;
	s30 =	sshrl.u32 s1, $0x1;
	s31 =	sadd.s32 $0x1200, s0  }
0xa: {  	v3 =	vor.u32 $0x30, v0;
	v4 =	vor.u32 $0x40, v0;
	v5 =	vor.u32 $0x50, v0;
	s1 =	ssub.s32 s1, s30;
	s0 =	sadd.s32 $0x11200, s0;
	[dreg:$0x4] =	wrdreg s31  }
0xb: {  	s8 =	sadd.s32 $0x40, s3;
	v6 =	vor.u32 $0x60, v0;
	v7 =	vor.u32 $0x70, v0;
	v8 =	vsel vm0, $0x7, v8;
	s9 =	smax.u32 s1, $0x1;
	[dreg:$0x5] =	wrdreg s0  }
.LBB2_1:
0xc: {  	s0 =	rddreg [dreg:$0x1]  }
0xd: {  	[tilespmem:s4], [sflag:$0x1] =	stream.linear.gather [hbm4b:s0+s4], $0x2C00, $0x38;
	[tilespmem:$0x1F400] =	vst v63  }
0xe: {  	s30 =	rddreg [dreg:$0x4]  }
0xf: {  	[tilespmem:s10], [sflag:$0x2] =	stream.linear.gather [hbm4b:s30+s4], $0x4000, $0x38;
	[tilespmem:$0x1F400] =	vst v63  }
0x10: {  	s31 =	rddreg [dreg:$0x5]  }
0x11: {  	[tilespmem:s11], [sflag:$0x1] =	stream.linear.gather [hbm4b:s31+s4], $0x4000, $0x38;
	[tilespmem:$0x1F400] =	vst v63  }
0x12: {  	_ =	swait.ge [sflag:s12], $0x4000  }
0x13: {  	[sflag:s12] =	ssyncset.done $0x0  }
0x14: {  	[sflag:s12] =	ssyncadd.s32 $0xFFFFC000  }
0x15: {  	_ =	swait.ge [sflag:s13], $0x2C00  }
0x16: {  	[sflag:s13] =	ssyncset.done $0x0  }
0x17: {  	[sflag:s13] =	ssyncadd.s32 $0xFFFFD400  }
0x18: {  	_ =	swait.ge [sflag:s13], $0x4000  }
0x19: {  	[sflag:s13] =	ssyncset.done $0x0  }
0x1a: {  	s19 =	simm.s32 $0x0;
	s20 =	simm.s32 $0x0;
	[sflag:s13] =	ssyncadd.s32 $0xFFFFC000  }
.LBB2_2:
0x1b: {  	s0 =	sadd.s32 $0xFFFFFFFD, s19  }
0x1c: {  	s21 =	sshll.u32 s20, $0xA;
	s1 =	sadd.s32 $0x4, s0  }
0x1d: {  	p0 =	seq.s32 s20, $0x0;
	v10 =	vmov s21;
	s22 =	sadd.s32 $0x3, s0;
	v9 =	vmov s1  }
0x1e: {  	s1 =	simm.s32 @!p0 $0x1;
	v10 =	vshrl.u32 v10, $0x7;
	v11 =	vmov s22  }
0x1f: {  	s0 =	sadd.s32 $0x5, s0;
	_ =	swait.ge @!p0 [sflag:s1], $0xA200;
	v10 =	vshll.u32 v10, $0x7  }
0x20: {  	v12 =	vmov s0;
	[sflag:s1] =	ssyncset.done @!p0 $0x0;
	v10 =	vbroadcast v10, $0x0  }
0x21: {  	[sflag:s1] =	ssyncadd.s32 @!p0 $0xFFFF5E00  }
0x22: {  	v13 =	vor.u32 v0, v10;
	v9 =	vld.idx.msk [tilespmem:v9+s10+$0x0], $0xffff  }
0x23: {  	v14 =	vor.u32 v1, v10;
	v11 =	vld.idx.msk [tilespmem:v11+s10+$0x0], $0xffff  }
0x24: {  	v15 =	vor.u32 v2, v10  }
0x25: {  	v18 =	vor.u32 v4, v10;
	v16 =	vld.idx.msk [tilespmem:v12+s10+$0x0], $0xffff  }
0x26: {  	v17 =	vor.u32 v3, v10  }
0x27: {  	v23 =	vor.u32 v6, v10;
	v21 =	vld.idx.msk [tilespmem:v13+s11+$0x0], $0xffff;
	v26 =	vshll.u32 v9, $0x7  }
0x28: {  	v20 =	vld.idx.msk [tilespmem:v14+s11+$0x0], $0xffff;
	v12 =	vshll.u32 v11, $0x7;
	v9 =	vor.u32 v0, v26  }
0x29: {  	v19 =	vld.idx.msk [tilespmem:v15+s11+$0x0], $0xffff;
	v15 =	vor.u32 v0, v12  }
0x2a: {  	v22 =	vor.u32 v5, v10;
	v14 =	vld.idx.msk [tilespmem:v18+s11+$0x0], $0xffff;
	v13 =	vshll.u32 v16, $0x7  }
0x2b: {  	v16 =	vld.idx.msk [tilespmem:v17+s11+$0x0], $0xffff;
	v17 =	vor.u32 v0, v13  }
0x2c: {  	v18 =	vor.u32 v7, v10;
	v10 =	vld.idx.msk [tilespmem:v23+s11+$0x0], $0xffff  }
0x2d: {  	v9 =	vld.idx.msk [tilespmem:v9+s4+$0x0], $0xffff  }
0x2e: {  	s31 =	simm.s32 $0x200;
	v15 =	vld.idx.msk [tilespmem:v15+s4+$0x0], $0xffff  }
0x2f: {  	s26 =	simm.s32 $0x0;
	v11 =	vld.idx.msk [tilespmem:v22+s11+$0x0], $0xffff;
	v22 =	vor.u32 s31, v0  }
0x30: {  	v23 =	vor.u32 s26, v0;
	v17 =	vld.idx.msk [tilespmem:v17+s4+$0x0], $0xffff  }
0x31: {  	s22 =	simm.s32 $0x400;
	v24 =	vor.u32 v1, v26  }
0x32: {  	v27 =	vor.u32 s22, v0;
	v25 =	vadd.f32 v9, v21  }
0x33: {  	s25 =	sadd.s32 $0x0, s19;
	v28 =	vor.u32 v1, v13;
	v15 =	vadd.f32 v15, v21  }
0x34: {  	s0 =	sadd.s32 $0x5, s25;
	v9 =	vld.idx.msk [tilespmem:v18+s11+$0x0], $0xffff;
	v18 =	vor.u32 v1, v12;
	[tilespmem:v22+s14+$0x0] =	vst.idx.msk $0xffff, v25  }
0x35: {  	v17 =	vadd.f32 v17, v21;
	[tilespmem:v23+s14+$0x0] =	vst.idx.msk $0xffff, v15;
	v15 =	vmov s0  }
0x36: {  	s23 =	sadd.s32 $0x4, s25;
	v22 =	vld.idx.msk [tilespmem:v24+s4+$0x0], $0xffff  }
0x37: {  	s2 =	sadd.s32 $0x3, s25;
	v25 =	vmov s23;
	[tilespmem:v27+s14+$0x0] =	vst.idx.msk $0xffff, v17  }
0x38: {  	v23 =	vor.u32 s31, v1;
	v24 =	vmov s2;
	v27 =	vld.idx.msk [tilespmem:v28+s4+$0x0], $0xffff  }
0x39: {  	v17 =	vor.u32 v2, v26;
	v18 =	vld.idx.msk [tilespmem:v18+s4+$0x0], $0xffff  }
0x3a: {  	v15 =	vld.idx.msk [tilespmem:v15+s10+$0x0], $0xffff  }
0x3b: {  	v29 =	vor.u32 s22, v1;
	v22 =	vadd.f32 v22, v20  }
0x3c: {  	v28 =	vor.u32 s26, v1;
	v25 =	vld.idx.msk [tilespmem:v25+s10+$0x0], $0xffff  }
0x3d: {  	v30 =	vor.u32 v2, v12;
	v24 =	vld.idx.msk [tilespmem:v24+s10+$0x0], $0xffff;
	[tilespmem:v23+s14+$0x0] =	vst.idx.msk $0xffff, v22  }
0x3e: {  	v27 =	vadd.f32 v27, v20;
	v23 =	vld.idx.msk [tilespmem:v17+s4+$0x0], $0xffff  }
0x3f: {  	v22 =	vor.u32 v2, v13;
	v17 =	vadd.f32 v18, v20;
	v15 =	vshll.u32 v15, $0x7  }
0x40: {  	v31 =	vor.u32 s31, v2;
	[tilespmem:v29+s14+$0x0] =	vst.idx.msk $0xffff, v27;
	v29 =	vor.u32 v0, v15  }
0x41: {  	v18 =	vshll.u32 v25, $0x7;
	v25 =	vor.u32 v3, v26;
	[tilespmem:v28+s14+$0x0] =	vst.idx.msk $0xffff, v17  }
0x42: {  	v17 =	vshll.u32 v24, $0x7;
	v27 =	vor.u32 v0, v18;
	v24 =	vld.idx.msk [tilespmem:v30+s4+$0x0], $0xffff  }
0x43: {  	v23 =	vadd.f32 v23, v19  }
0x44: {  	v28 =	vor.u32 v0, v17;
	v30 =	vor.u32 s26, v2;
	v22 =	vld.idx.msk [tilespmem:v22+s4+$0x0], $0xffff  }
0x45: {  	[tilespmem:v31+s14+$0x0] =	vst.idx.msk $0xffff, v23;
	v23 =	vor.u32 v3, v12;
	v29 =	vld.idx.msk [tilespmem:v29+s4+$0x0], $0xffff  }
0x46: {  	s24 =	simm.s32 $0xA00;
	v32 =	vor.u32 s22, v2;
	v25 =	vld.idx.msk [tilespmem:v25+s4+$0x0], $0xffff  }
0x47: {  	v35 =	vor.u32 s24, v0;
	v31 =	vor.u32 v3, v13;
	v27 =	vld.idx.msk [tilespmem:v27+s4+$0x0], $0xffff;
	v24 =	vadd.f32 v24, v19  }
0x48: {  	v33 =	vor.u32 s31, v3;
	s23 =	simm.s32 $0x800;
	v37 =	vor.u32 v1, v15  }
0x49: {  	v28 =	vld.idx.msk [tilespmem:v28+s4+$0x0], $0xffff;
	v22 =	vadd.f32 v22, v19;
	[tilespmem:v30+s14+$0x0] =	vst.idx.msk $0xffff, v24;
	v30 =	vor.u32 s23, v0  }
0x4a: {  	v36 =	vor.u32 s26, v3;
	s25 =	simm.s32 $0x600;
	v24 =	vor.u32 v4, v26;
	v23 =	vld.idx.msk [tilespmem:v23+s4+$0x0], $0xffff;
	v29 =	vadd.f32 v29, v21  }
0x4b: {  	v57 =	vor.u32 v1, v18;
	[tilespmem:v32+s14+$0x0] =	vst.idx.msk $0xffff, v22;
	v22 =	vor.u32 s25, v0;
	v25 =	vadd.f32 v25, v16  }
0x4c: {  	s6 =	sadd.s32 $0x3, s19;
	v34 =	vor.u32 v1, v17;
	v31 =	vld.idx.msk [tilespmem:v31+s4+$0x0], $0xffff;
	v27 =	vadd.f32 v27, v21;
	[tilespmem:v35+s14+$0x0] =	vst.idx.msk $0xffff, v29  }
0x4d: {  	s7 =	sadd.s32 $0x3, s6;
	v38 =	vor.u32 v4, v12;
	[tilespmem:v33+s14+$0x0] =	vst.idx.msk $0xffff, v25  }
0x4e: {  	v28 =	vadd.f32 v28, v21;
	v25 =	vor.u32 s22, v3;
	[tilespmem:v30+s14+$0x0] =	vst.idx.msk $0xffff, v27;
	v30 =	vmov s7;
	v59 =	vld.idx.msk [tilespmem:v37+s4+$0x0], $0xffff  }
0x4f: {  	s28 =	sadd.s32 $0x4, s6;
	v61 =	vor.u32 s31, v4;
	v27 =	vor.u32 v4, v13;
	v33 =	vld.idx.msk [tilespmem:v24+s4+$0x0], $0xffff;
	v23 =	vadd.f32 v23, v16  }
0x50: {  	v39 =	vor.u32 s26, v4;
	s0 =	sadd.s32 $0x5, s6;
	v29 =	vmov s28;
	[tilespmem:v22+s14+$0x0] =	vst.idx.msk $0xffff, v28;
	v28 =	vld.idx.msk [tilespmem:v57+s4+$0x0], $0xffff  }
0x51: {  	v50 =	vor.u32 s31, v5;
	v58 =	vld.idx.msk [tilespmem:v34+s4+$0x0], $0xffff;
	v31 =	vadd.f32 v31, v16;
	[tilespmem:v36+s14+$0x0] =	vst.idx.msk $0xffff, v23;
	v23 =	vmov s0  }
0x52: {  	v54 =	vor.u32 s24, v2;
	v63 =	vor.u32 v5, v26;
	v60 =	vor.u32 s23, v1;
	v62 =	vld.idx.msk [tilespmem:v38+s4+$0x0], $0xffff  }
0x53: {  	v41 =	vor.u32 s22, v4;
	v42 =	vor.u32 s25, v1;
	[tilespmem:v25+s14+$0x0] =	vst.idx.msk $0xffff, v31;
	v25 =	vor.u32 v2, v18;
	v30 =	vld.idx.msk [tilespmem:v30+s10+$0x0], $0xffff  }
0x54: {  	v56 =	vor.u32 s25, v2;
	v31 =	vor.u32 s24, v1;
	v33 =	vadd.f32 v33, v14;
	v27 =	vld.idx.msk [tilespmem:v27+s4+$0x0], $0xffff  }
0x55: {  	v49 =	vor.u32 s23, v2;
	v40 =	vor.u32 v2, v15;
	v29 =	vld.idx.msk [tilespmem:v29+s10+$0x0], $0xffff;
	v28 =	vadd.f32 v28, v20  }
0x56: {  	v51 =	vor.u32 v3, v18;
	v44 =	vor.u32 v2, v17;
	[tilespmem:v61+s14+$0x0] =	vst.idx.msk $0xffff, v33;
	v43 =	vld.idx.msk [tilespmem:v23+s10+$0x0], $0xffff  }
0x57: {  	v24 =	vor.u32 v7, v26;
	v34 =	vadd.f32 v59, v20;
	[tilespmem:v60+s14+$0x0] =	vst.idx.msk $0xffff, v28;
	v47 =	vld.idx.msk [tilespmem:v63+s4+$0x0], $0xffff  }
0x58: {  	v32 =	vadd.f32 v58, v20;
	v28 =	vor.u32 v5, v13;
	v23 =	vadd.f32 v62, v14;
	v46 =	vld.idx.msk [tilespmem:v25+s4+$0x0], $0xffff  }
0x59: {  	[tilespmem:v31+s14+$0x0] =	vst.idx.msk $0xffff, v34;
	v31 =	vor.u32 v5, v12;
	v25 =	vadd.f32 v27, v14;
	v27 =	vshll.u32 v30, $0x7  }
0x5a: {  	v22 =	vor.u32 v7, v18;
	[tilespmem:v42+s14+$0x0] =	vst.idx.msk $0xffff, v32;
	v48 =	vld.idx.msk [tilespmem:v40+s4+$0x0], $0xffff;
	v52 =	vor.u32 v0, v27  }
0x5b: {  	v57 =	vor.u32 v3, v15;
	v36 =	vor.u32 v6, v13;
	[tilespmem:v39+s14+$0x0] =	vst.idx.msk $0xffff, v23;
	v23 =	vshll.u32 v29, $0x7  }
0x5c: {  	v59 =	vor.u32 v3, v17;
	v29 =	vld.idx.msk [tilespmem:v44+s4+$0x0], $0xffff;
	[tilespmem:v41+s14+$0x0] =	vst.idx.msk $0xffff, v25;
	v53 =	vor.u32 v0, v23  }
0x5d: {  	v58 =	vor.u32 s26, v5;
	v25 =	vshll.u32 v43, $0x7;
	v28 =	vld.idx.msk [tilespmem:v28+s4+$0x0], $0xffff;
	v30 =	vadd.f32 v46, v19  }
0x5e: {  	s30 =	simm.s32 $0xC00;
	v32 =	vor.u32 v4, v17;
	v34 =	vadd.f32 v47, v11;
	v31 =	vld.idx.msk [tilespmem:v31+s4+$0x0], $0xffff;
	v55 =	vor.u32 v0, v25  }
0x5f: {  	v60 =	vor.u32 s30, v0;
	v47 =	vor.u32 s22, v5;
	v35 =	vadd.f32 v48, v19;
	[tilespmem:v49+s14+$0x0] =	vst.idx.msk $0xffff, v30;
	v45 =	vld.idx.msk [tilespmem:v52+s4+$0x0], $0xffff  }
0x60: {  	v61 =	vor.u32 v1, v27;
	v44 =	vor.u32 v1, v23;
	v46 =	vor.u32 v6, v26;
	v38 =	vld.idx.msk [tilespmem:v51+s4+$0x0], $0xffff  }
0x61: {  	v48 =	vor.u32 v6, v12;
	v29 =	vadd.f32 v29, v19;
	v40 =	vld.idx.msk [tilespmem:v53+s4+$0x0], $0xffff;
	[tilespmem:v54+s14+$0x0] =	vst.idx.msk $0xffff, v35  }
0x62: {  	[tilespmem:v50+s14+$0x0] =	vst.idx.msk $0xffff, v34;
	v50 =	vor.u32 s23, v3;
	v49 =	vadd.f32 v28, v11;
	v52 =	vld.idx.msk [tilespmem:v57+s4+$0x0], $0xffff  }
0x63: {  	s28 =	simm.s32 $0xE00;
	v51 =	vor.u32 v4, v18;
	[tilespmem:v56+s14+$0x0] =	vst.idx.msk $0xffff, v29;
	v28 =	vadd.f32 v31, v11;
	v41 =	vld.idx.msk [tilespmem:v55+s4+$0x0], $0xffff  }
0x64: {  	v53 =	vor.u32 s28, v0;
	v39 =	vld.idx.msk [tilespmem:v59+s4+$0x0], $0xffff;
	[tilespmem:v47+s14+$0x0] =	vst.idx.msk $0xffff, v49;
	v62 =	vadd.f32 v45, v21  }
0x65: {  	v26 =	vor.u32 s25, v6;
	v34 =	vor.u32 s25, v3;
	v37 =	vld.idx.msk [tilespmem:v46+s4+$0x0], $0xffff;
	[tilespmem:v58+s14+$0x0] =	vst.idx.msk $0xffff, v28;
	v31 =	vadd.f32 v38, v16  }
0x66: {  	s29 =	simm.s32 $0x1000;
	v33 =	vor.u32 v1, v25;
	v30 =	vor.u32 s26, v6;
	v29 =	vor.u32 s30, v6;
	v35 =	vld.idx.msk [tilespmem:v48+s4+$0x0], $0xffff;
	[tilespmem:v60+s14+$0x0] =	vst.idx.msk $0xffff, v62  }
0x67: {  	v28 =	vor.u32 s31, v7;
	v45 =	vor.u32 s29, v0;
	v63 =	vadd.f32 v40, v21;
	[tilespmem:v50+s14+$0x0] =	vst.idx.msk $0xffff, v31;
	v31 =	vld.idx.msk [tilespmem:v36+s4+$0x0], $0xffff  }
0x68: {  	v40 =	vor.u32 s24, v3;
	v38 =	vor.u32 s31, v6;
	v42 =	vadd.f32 v52, v16;
	v43 =	vld.idx.msk [tilespmem:v61+s4+$0x0], $0xffff  }
0x69: {  	s0 =	simm.s32 $0x6;
	s31 =	simm.s32 $0x20;
	v46 =	vadd.f32 v41, v21;
	[tilespmem:v53+s14+$0x0] =	vst.idx.msk $0xffff, v63;
	v41 =	vor.u32 v4, v15;
	v36 =	vld.idx.msk [tilespmem:v51+s4+$0x0], $0xffff  }
.LBB2_3:
0x6a: {  	v47 =	vor.u32 v7, v23  }
0x6b: {  	s1 =	sadd.s32 s0, s19;
	s0 =	sadd.s32 $0x3, s0;
	v39 =	vadd.f32 v39, v16;
	v48 =	vor.u32 v7, v12;
	v12 =	vmovc v17;
	v51 =	vor.u32 s29, v1  }
0x6c: {  	v37 =	vadd.f32 v37, v10;
	s2 =	sadd.s32 $0x3, s1;
	s6 =	sadd.s32 $0x4, s1;
	s1 =	sadd.s32 $0x5, s1;
	v44 =	vld.idx.msk [tilespmem:v44+s4+$0x0], $0xffff;
	[tilespmem:v45+s14+$0x0] =	vst.idx.msk $0xffff, v46;
	v45 =	vor.u32 s23, v4;
	v46 =	vor.u32 s26, v7  }
0x6d: {  	v17 =	vmovc v27;
	p1 =	slt.u32 s0, $0x4E;
	s26 =	smov.u32 s25;
	s25 =	smov.u32 s30;
	v49 =	vmov s2;
	v50 =	vld.idx.msk [tilespmem:v33+s4+$0x0], $0xffff;
	[tilespmem:v34+s14+$0x0] =	vst.idx.msk $0xffff, v39;
	v34 =	vor.u32 s22, v6;
	v33 =	vmov v26  }
0x6e: {  	v35 =	vadd.f32 v35, v10;
	v27 =	vmov s6;
	v31 =	vadd.f32 v31, v10;
	v32 =	vld.idx.msk [tilespmem:v32+s4+$0x0], $0xffff;
	[tilespmem:v40+s14+$0x0] =	vst.idx.msk $0xffff, v42  }
0x6f: {  	v39 =	vmov s1;
	v26 =	vmovc v29;
	v40 =	vor.u32 s28, v1;
	v36 =	vadd.f32 v36, v14;
	v41 =	vld.idx.msk [tilespmem:v41+s4+$0x0], $0xffff;
	[tilespmem:v38+s14+$0x0] =	vst.idx.msk $0xffff, v37  }
0x70: {  	v29 =	vadd.f32 v43, v20;
	v37 =	vor.u32 v2, v23;
	[tilespmem:v30+s14+$0x0] =	vst.idx.msk $0xffff, v35;
	v30 =	vld.idx.msk [tilespmem:v24+s4+$0x0], $0xffff  }
0x71: {  	v38 =	vor.u32 s24, v4;
	v35 =	vor.u32 s26, v4;
	[tilespmem:v45+s14+$0x0] =	vst.idx.msk $0xffff, v36;
	v36 =	vor.u32 v5, v18;
	v42 =	vld.idx.msk [tilespmem:v48+s4+$0x0], $0xffff  }
0x72: {  	v44 =	vadd.f32 v44, v20;
	v45 =	vor.u32 v2, v25;
	v43 =	vld.idx.msk [tilespmem:v49+s10+$0x0], $0xffff;
	[tilespmem:v34+s14+$0x0] =	vst.idx.msk $0xffff, v31  }
0x73: {  	v24 =	vmovc v22;
	v48 =	vor.u32 v5, v15;
	v34 =	vadd.f32 v50, v20;
	v31 =	vld.idx.msk [tilespmem:v27+s10+$0x0], $0xffff;
	v27 =	vor.u32 s25, v1  }
0x74: {  	v32 =	vadd.f32 v32, v14;
	v22 =	vld.idx.msk [tilespmem:v39+s10+$0x0], $0xffff;
	v39 =	vor.u32 v2, v17;
	[tilespmem:v40+s14+$0x0] =	vst.idx.msk $0xffff, v44  }
0x75: {  	v40 =	vadd.f32 v41, v14;
	v37 =	vld.idx.msk [tilespmem:v37+s4+$0x0], $0xffff;
	[tilespmem:v51+s14+$0x0] =	vst.idx.msk $0xffff, v34;
	v34 =	vor.u32 v5, v12  }
0x76: {  	v13 =	vor.u32 v7, v13;
	v30 =	vadd.f32 v30, v9;
	[tilespmem:v35+s14+$0x0] =	vst.idx.msk $0xffff, v32;
	v32 =	vld.idx.msk [tilespmem:v36+s4+$0x0], $0xffff  }
0x77: {  	v36 =	vor.u32 v6, v15;
	v35 =	vld.idx.msk [tilespmem:v45+s4+$0x0], $0xffff;
	[tilespmem:v38+s14+$0x0] =	vst.idx.msk $0xffff, v40;
	v38 =	vadd.f32 v42, v9  }
0x78: {  	v41 =	vor.u32 s23, v5;
	v40 =	vor.u32 v6, v12;
	[tilespmem:v27+s14+$0x0] =	vst.idx.msk $0xffff, v29;
	v29 =	vor.u32 s28, v2;
	v42 =	vld.idx.msk [tilespmem:v48+s4+$0x0], $0xffff  }
0x79: {  	v27 =	vshll.u32 v43, $0x7;
	v31 =	vshll.u32 v31, $0x7;
	v43 =	vor.u32 v3, v23;
	v39 =	vld.idx.msk [tilespmem:v39+s4+$0x0], $0xffff;
	[tilespmem:v46+s14+$0x0] =	vst.idx.msk $0xffff, v38  }
0x7a: {  	v38 =	vor.u32 v0, v27;
	v44 =	vshll.u32 v22, $0x7;
	v34 =	vld.idx.msk [tilespmem:v34+s4+$0x0], $0xffff;
	[tilespmem:v28+s14+$0x0] =	vst.idx.msk $0xffff, v30;
	v28 =	vor.u32 s22, v7;
	s22 =	smov.u32 s24;
	s24 =	smov.u32 s29  }
0x7b: {  	v22 =	vmovc v47;
	v30 =	vor.u32 v0, v31;
	v37 =	vadd.f32 v37, v19;
	v45 =	vor.u32 s24, v2;
	v46 =	vld.idx.msk [tilespmem:v13+s4+$0x0], $0xffff  }
0x7c: {  	v48 =	vor.u32 s25, v2;
	v47 =	vor.u32 v0, v44;
	v32 =	vadd.f32 v32, v11;
	v13 =	vmovc v15;
	v15 =	vmovc v25  }
0x7d: {  	v25 =	vadd.f32 v35, v19;
	v35 =	vor.u32 v3, v15;
	[tilespmem:v29+s14+$0x0] =	vst.idx.msk $0xffff, v37;
	v37 =	vor.u32 s26, v5  }
0x7e: {  	v49 =	vor.u32 v3, v17;
	v43 =	vld.idx.msk [tilespmem:v43+s4+$0x0], $0xffff;
	[tilespmem:v41+s14+$0x0] =	vst.idx.msk $0xffff, v32;
	v41 =	vadd.f32 v42, v11  }
0x7f: {  	s31 =	sadd.s32 $0xC, s31;
	v50 =	vor.u32 s22, v5;
	v29 =	vadd.f32 v39, v19;
	v42 =	vor.u32 v6, v18;
	v18 =	vmovc v23;
	v38 =	vld.idx.msk [tilespmem:v38+s4+$0x0], $0xffff  }
0x80: {  	v52 =	vor.u32 s28, v3;
	s29 =	sshll.u32 s31, $0x7;
	v23 =	vmov v31;
	v34 =	vadd.f32 v34, v11;
	v51 =	vld.idx.msk [tilespmem:v30+s4+$0x0], $0xffff;
	[tilespmem:v45+s14+$0x0] =	vst.idx.msk $0xffff, v25  }
0x81: {  	s30 =	sadd.s32 $0xFFFFFC00, s29;
	v32 =	vor.u32 v4, v17;
	v30 =	vadd.f32 v46, v9;
	v47 =	vld.idx.msk [tilespmem:v47+s4+$0x0], $0xffff;
	[tilespmem:v48+s14+$0x0] =	vst.idx.msk $0xffff, v29  }
0x82: {  	s1 =	sadd.s32 $0xFFFFFE00, s29;
	v46 =	vor.u32 s30, v0;
	v29 =	vor.u32 s30, v6;
	v48 =	vor.u32 v4, v18;
	v53 =	vld.idx.msk [tilespmem:v35+s4+$0x0], $0xffff;
	[tilespmem:v37+s14+$0x0] =	vst.idx.msk $0xffff, v34  }
0x83: {  	v54 =	vor.u32 v1, v27;
	v55 =	vor.u32 s1, v0;
	v25 =	vmov v44;
	v39 =	vld.idx.msk [tilespmem:v49+s4+$0x0], $0xffff;
	[tilespmem:v28+s14+$0x0] =	vst.idx.msk $0xffff, v30  }
.Ltmp0:
0x84: {  	v34 =	vor.u32 s25, v3;
	v31 =	vadd.f32 v43, v16;
	v28 =	vor.u32 s23, v7;
	v37 =	vld.idx.msk [tilespmem:v42+s4+$0x0], $0xffff;
	[tilespmem:v50+s14+$0x0] =	vst.idx.msk $0xffff, v41;
	(pc) =	sbr.rel @p1 .LBB2_3-.Ltmp0, $4  }
0x85: {  	v44 =	vor.u32 v1, v23;
	v45 =	vor.u32 s29, v0;
	v38 =	vadd.f32 v38, v21;
	v30 =	vmovc v33;
	v35 =	vld.idx.msk [tilespmem:v40+s4+$0x0], $0xffff  }
0x86: {  	v33 =	vor.u32 v1, v25;
	v41 =	vadd.f32 v51, v21;
	[tilespmem:v52+s14+$0x0] =	vst.idx.msk $0xffff, v31;
	v31 =	vld.idx.msk [tilespmem:v36+s4+$0x0], $0xffff  }
0x87: {  	v40 =	vor.u32 s24, v3;
	[tilespmem:v46+s14+$0x0] =	vst.idx.msk $0xffff, v38;
	v46 =	vadd.f32 v47, v21;
	v36 =	vld.idx.msk [tilespmem:v48+s4+$0x0], $0xffff;
	v38 =	vor.u32 s23, v6;
	s23 =	smov.u32 s28;
	s28 =	smov.u32 s1  }
0x88: {  	v42 =	vadd.f32 v53, v16;
	v43 =	vld.idx.msk [tilespmem:v54+s4+$0x0], $0xffff;
	[tilespmem:v55+s14+$0x0] =	vst.idx.msk $0xffff, v41;
	v41 =	vor.u32 v4, v15  }
0x89: {  	_ =	sdelay $0x3  }
0x8a: {  	v21 =	vld.idx.msk [tilespmem:v44+s4+$0x0], $0xffff;
	[tilespmem:v45+s14+$0x0] =	vst.idx.msk $0xffff, v46  }
0x8b: {  	v62 =	vor.u32 s30, v1;
	v33 =	vld.idx.msk [tilespmem:v33+s4+$0x0], $0xffff  }
0x8c: {  	v63 =	vor.u32 s28, v1;
	v52 =	vor.u32 v2, v27  }
0x8d: {  	v47 =	vor.u32 s29, v1;
	v48 =	vor.u32 v2, v23  }
0x8e: {  	v49 =	vor.u32 v2, v25;
	v43 =	vadd.f32 v43, v20  }
0x8f: {  	v21 =	vadd.f32 v21, v20  }
0x90: {  	v20 =	vadd.f32 v33, v20;
	[tilespmem:v62+s14+$0x0] =	vst.idx.msk $0xffff, v43  }
0x91: {  	[tilespmem:v63+s14+$0x0] =	vst.idx.msk $0xffff, v21;
	v21 =	vld.idx.msk [tilespmem:v52+s4+$0x0], $0xffff  }
0x92: {  	v53 =	vld.idx.msk [tilespmem:v48+s4+$0x0], $0xffff;
	[tilespmem:v47+s14+$0x0] =	vst.idx.msk $0xffff, v20  }
0x93: {  	v54 =	vor.u32 s30, v2;
	v20 =	vld.idx.msk [tilespmem:v49+s4+$0x0], $0xffff  }
0x94: {  	v55 =	vor.u32 s28, v2;
	v56 =	vor.u32 v3, v27  }
0x95: {  	v57 =	vor.u32 v3, v23;
	v58 =	vor.u32 s29, v2  }
0x96: {  	v59 =	vor.u32 v3, v25;
	v21 =	vadd.f32 v21, v19  }
0x97: {  	v33 =	vadd.f32 v53, v19  }
0x98: {  	v19 =	vadd.f32 v20, v19;
	[tilespmem:v54+s14+$0x0] =	vst.idx.msk $0xffff, v21  }
0x99: {  	[tilespmem:v55+s14+$0x0] =	vst.idx.msk $0xffff, v33;
	v20 =	vld.idx.msk [tilespmem:v56+s4+$0x0], $0xffff  }
0x9a: {  	v21 =	vld.idx.msk [tilespmem:v57+s4+$0x0], $0xffff;
	[tilespmem:v58+s14+$0x0] =	vst.idx.msk $0xffff, v19  }
0x9b: {  	v61 =	vor.u32 s30, v3;
	v19 =	vadd.f32 v39, v16;
	v60 =	vld.idx.msk [tilespmem:v59+s4+$0x0], $0xffff  }
0x9c: {  	v37 =	vadd.f32 v37, v10;
	[tilespmem:v40+s14+$0x0] =	vst.idx.msk $0xffff, v42;
	v62 =	vor.u32 s28, v3;
	v63 =	vor.u32 v4, v27  }
0x9d: {  	v35 =	vadd.f32 v35, v10;
	v47 =	vor.u32 s29, v3;
	[tilespmem:v34+s14+$0x0] =	vst.idx.msk $0xffff, v19;
	v19 =	vor.u32 v4, v23  }
0x9e: {  	[tilespmem:v38+s14+$0x0] =	vst.idx.msk $0xffff, v37;
	v48 =	vor.u32 v4, v25;
	v32 =	vld.idx.msk [tilespmem:v32+s4+$0x0], $0xffff;
	v20 =	vadd.f32 v20, v16  }
0x9f: {  	v12 =	vor.u32 v7, v12;
	[tilespmem:v30+s14+$0x0] =	vst.idx.msk $0xffff, v35;
	v21 =	vadd.f32 v21, v16  }
0xa0: {  	v51 =	vor.u32 s25, v4;
	v50 =	vld.idx.msk [tilespmem:v41+s4+$0x0], $0xffff;
	v16 =	vadd.f32 v60, v16;
	[tilespmem:v61+s14+$0x0] =	vst.idx.msk $0xffff, v20  }
0xa1: {  	v52 =	vor.u32 v5, v17;
	v49 =	vor.u32 s23, v4;
	[tilespmem:v62+s14+$0x0] =	vst.idx.msk $0xffff, v21;
	v21 =	vld.idx.msk [tilespmem:v63+s4+$0x0], $0xffff  }
0xa2: {  	v53 =	vor.u32 v5, v18;
	v54 =	vor.u32 s24, v4;
	v19 =	vld.idx.msk [tilespmem:v19+s4+$0x0], $0xffff;
	[tilespmem:v47+s14+$0x0] =	vst.idx.msk $0xffff, v16  }
0xa3: {  	v55 =	vor.u32 s30, v4;
	v16 =	vor.u32 v5, v15;
	v32 =	vadd.f32 v32, v14;
	v34 =	vld.idx.msk [tilespmem:v48+s4+$0x0], $0xffff  }
0xa4: {  	v30 =	vor.u32 s28, v4;
	v12 =	vld.idx.msk [tilespmem:v12+s4+$0x0], $0xffff;
	v56 =	vor.u32 v5, v27;
	v20 =	vadd.f32 v36, v14  }
0xa5: {  	v38 =	vadd.f32 v50, v14;
	v57 =	vor.u32 v5, v23;
	v58 =	vor.u32 s29, v4;
	[tilespmem:v51+s14+$0x0] =	vst.idx.msk $0xffff, v32  }
0xa6: {  	v59 =	vor.u32 v5, v25;
	[tilespmem:v49+s14+$0x0] =	vst.idx.msk $0xffff, v20;
	v20 =	vld.idx.msk [tilespmem:v52+s4+$0x0], $0xffff;
	v21 =	vadd.f32 v21, v14  }
0xa7: {  	v45 =	vor.u32 v6, v27;
	[tilespmem:v54+s14+$0x0] =	vst.idx.msk $0xffff, v38;
	v36 =	vld.idx.msk [tilespmem:v53+s4+$0x0], $0xffff;
	v19 =	vadd.f32 v19, v14  }
0xa8: {  	v60 =	vor.u32 s25, v5;
	v16 =	vld.idx.msk [tilespmem:v16+s4+$0x0], $0xffff;
	v14 =	vadd.f32 v34, v14;
	[tilespmem:v55+s14+$0x0] =	vst.idx.msk $0xffff, v21  }
0xa9: {  	v44 =	vor.u32 s30, v5;
	v61 =	vor.u32 v6, v17;
	v62 =	vor.u32 s23, v5;
	[tilespmem:v30+s14+$0x0] =	vst.idx.msk $0xffff, v19;
	v19 =	vld.idx.msk [tilespmem:v56+s4+$0x0], $0xffff  }
0xaa: {  	v46 =	vor.u32 s28, v5;
	v18 =	vor.u32 v6, v18;
	v63 =	vor.u32 s24, v5;
	v32 =	vld.idx.msk [tilespmem:v57+s4+$0x0], $0xffff;
	[tilespmem:v58+s14+$0x0] =	vst.idx.msk $0xffff, v14  }
0xab: {  	v13 =	vor.u32 v7, v13;
	v14 =	vor.u32 v6, v15;
	v20 =	vadd.f32 v20, v11;
	v33 =	vld.idx.msk [tilespmem:v59+s4+$0x0], $0xffff  }
0xac: {  	v24 =	vld.idx.msk [tilespmem:v24+s4+$0x0], $0xffff;
	v43 =	vor.u32 v7, v23;
	v47 =	vor.u32 v6, v25;
	v36 =	vadd.f32 v36, v11  }
0xad: {  	v16 =	vadd.f32 v16, v11;
	[tilespmem:v60+s14+$0x0] =	vst.idx.msk $0xffff, v20;
	v20 =	vor.u32 v6, v23;
	v23 =	vor.u32 s29, v5  }
0xae: {  	v21 =	vor.u32 s26, v7;
	[tilespmem:v62+s14+$0x0] =	vst.idx.msk $0xffff, v36;
	v34 =	vld.idx.msk [tilespmem:v61+s4+$0x0], $0xffff;
	v19 =	vadd.f32 v19, v11  }
0xaf: {  	v30 =	vor.u32 s22, v6;
	v18 =	vld.idx.msk [tilespmem:v18+s4+$0x0], $0xffff;
	[tilespmem:v63+s14+$0x0] =	vst.idx.msk $0xffff, v16;
	v16 =	vadd.f32 v32, v11  }
0xb0: {  	v12 =	vadd.f32 v12, v9;
	v14 =	vld.idx.msk [tilespmem:v14+s4+$0x0], $0xffff;
	v11 =	vadd.f32 v33, v11;
	[tilespmem:v44+s14+$0x0] =	vst.idx.msk $0xffff, v19  }
0xb1: {  	v17 =	vor.u32 v7, v17;
	v19 =	vor.u32 s23, v6;
	[tilespmem:v46+s14+$0x0] =	vst.idx.msk $0xffff, v16;
	v16 =	vld.idx.msk [tilespmem:v45+s4+$0x0], $0xffff  }
0xb2: {  	v31 =	vadd.f32 v31, v10;
	v48 =	vor.u32 s24, v6;
	v20 =	vld.idx.msk [tilespmem:v20+s4+$0x0], $0xffff;
	[tilespmem:v23+s14+$0x0] =	vst.idx.msk $0xffff, v11  }
0xb3: {  	v15 =	vor.u32 v7, v15;
	[tilespmem:v21+s14+$0x0] =	vst.idx.msk $0xffff, v12;
	v11 =	vadd.f32 v34, v10;
	v23 =	vld.idx.msk [tilespmem:v47+s4+$0x0], $0xffff  }
0xb4: {  	v21 =	vor.u32 v7, v27;
	[tilespmem:v30+s14+$0x0] =	vst.idx.msk $0xffff, v31;
	v12 =	vadd.f32 v18, v10;
	v18 =	vor.u32 s28, v6  }
0xb5: {  	v13 =	vld.idx.msk [tilespmem:v13+s4+$0x0], $0xffff;
	v14 =	vadd.f32 v14, v10;
	[tilespmem:v26+s14+$0x0] =	vst.idx.msk $0xffff, v11;
	v11 =	vor.u32 s29, v6  }
0xb6: {  	[tilespmem:v19+s14+$0x0] =	vst.idx.msk $0xffff, v12;
	v12 =	vld.idx.msk [tilespmem:v17+s4+$0x0], $0xffff;
	v17 =	vor.u32 v7, v25;
	v16 =	vadd.f32 v16, v10  }
0xb7: {  	v19 =	vor.u32 s22, v7;
	v22 =	vld.idx.msk [tilespmem:v22+s4+$0x0], $0xffff;
	[tilespmem:v48+s14+$0x0] =	vst.idx.msk $0xffff, v14;
	v14 =	vadd.f32 v20, v10  }
0xb8: {  	v20 =	vor.u32 s25, v7;
	v15 =	vld.idx.msk [tilespmem:v15+s4+$0x0], $0xffff;
	v10 =	vadd.f32 v23, v10;
	[tilespmem:v29+s14+$0x0] =	vst.idx.msk $0xffff, v16  }
0xb9: {  	v16 =	vadd.f32 v24, v9;
	v23 =	vor.u32 s23, v7;
	[tilespmem:v18+s14+$0x0] =	vst.idx.msk $0xffff, v14;
	v14 =	vld.idx.msk [tilespmem:v21+s4+$0x0], $0xffff  }
0xba: {  	v13 =	vadd.f32 v13, v9;
	v18 =	vor.u32 s24, v7;
	v21 =	vld.idx.msk [tilespmem:v43+s4+$0x0], $0xffff;
	[tilespmem:v11+s14+$0x0] =	vst.idx.msk $0xffff, v10  }
0xbb: {  	[tilespmem:v28+s14+$0x0] =	vst.idx.msk $0xffff, v16;
	v10 =	vadd.f32 v12, v9;
	v11 =	vor.u32 s30, v7;
	v12 =	vld.idx.msk [tilespmem:v17+s4+$0x0], $0xffff  }
0xbc: {  	s0 =	sadd.s32 $0xFFFFFFFD, s19;
	[tilespmem:v19+s14+$0x0] =	vst.idx.msk $0xffff, v13;
	v16 =	vor.u32 s28, v7;
	v13 =	vadd.f32 v22, v9  }
0xbd: {  	s1 =	sadd.s32 $0x84, s0;
	[tilespmem:v20+s14+$0x0] =	vst.idx.msk $0xffff, v10;
	v10 =	vadd.f32 v15, v9;
	v15 =	vor.u32 s29, v7  }
0xbe: {  	[tilespmem:v23+s14+$0x0] =	vst.idx.msk $0xffff, v13;
	v13 =	vadd.f32 v14, v9;
	v14 =	vmov s1  }
0xbf: {  	s22 =	sor.u32 $0x80, s21;
	[tilespmem:v18+s14+$0x0] =	vst.idx.msk $0xffff, v10;
	v10 =	vadd.f32 v21, v9  }
0xc0: {  	s23 =	sadd.s32 $0x83, s0;
	[tilespmem:v11+s14+$0x0] =	vst.idx.msk $0xffff, v13;
	v9 =	vadd.f32 v12, v9;
	v11 =	vmov s22  }
0xc1: {  	s0 =	sadd.s32 $0x85, s0;
	[tilespmem:v16+s14+$0x0] =	vst.idx.msk $0xffff, v10;
	v10 =	vshrl.u32 v11, $0x7;
	v11 =	vmov s23  }
0xc2: {  	[tilespmem:v15+s14+$0x0] =	vst.idx.msk $0xffff, v9;
	v9 =	vshll.u32 v10, $0x7;
	v10 =	vmov s0  }
0xc3: {  	v12 =	vld.idx.msk [tilespmem:v14+s10+$0x0], $0xffff  }
0xc4: {  	v9 =	vbroadcast v9, $0x0;
	_ =	sdelay $0x1  }
0xc5: {  	v13 =	vor.u32 v0, v9;
	v11 =	vld.idx.msk [tilespmem:v11+s10+$0x0], $0xffff  }
0xc6: {  	v15 =	vor.u32 v2, v9;
	v10 =	vld.idx.msk [tilespmem:v10+s10+$0x0], $0xffff  }
0xc7: {  	v14 =	vor.u32 v1, v9;
	v26 =	vshll.u32 v12, $0x7  }
0xc8: {  	v17 =	vor.u32 v0, v26  }
0xc9: {  	v18 =	vor.u32 v4, v9  }
0xca: {  	v22 =	vor.u32 v5, v9;
	v21 =	vld.idx.msk [tilespmem:v13+s11+$0x0], $0xffff;
	v12 =	vshll.u32 v11, $0x7  }
0xcb: {  	v19 =	vld.idx.msk [tilespmem:v15+s11+$0x0], $0xffff;
	v15 =	vor.u32 v0, v12;
	v13 =	vshll.u32 v10, $0x7  }
0xcc: {  	v20 =	vld.idx.msk [tilespmem:v14+s11+$0x0], $0xffff;
	v10 =	vor.u32 v0, v13  }
0xcd: {  	v23 =	vor.u32 v6, v9;
	v17 =	vld.idx.msk [tilespmem:v17+s4+$0x0], $0xffff  }
0xce: {  	s31 =	simm.s32 $0x280;
	v16 =	vor.u32 v3, v9;
	v14 =	vld.idx.msk [tilespmem:v18+s11+$0x0], $0xffff  }
0xcf: {  	v9 =	vor.u32 v7, v9;
	v18 =	vor.u32 s31, v0;
	v11 =	vld.idx.msk [tilespmem:v22+s11+$0x0], $0xffff  }
0xd0: {  	v22 =	vor.u32 v1, v26;
	v15 =	vld.idx.msk [tilespmem:v15+s4+$0x0], $0xffff  }
0xd1: {  	s26 =	simm.s32 $0x80;
	v24 =	vld.idx.msk [tilespmem:v10+s4+$0x0], $0xffff  }
0xd2: {  	s22 =	simm.s32 $0x480;
	v10 =	vld.idx.msk [tilespmem:v23+s11+$0x0], $0xffff;
	v23 =	vor.u32 s26, v0;
	v17 =	vadd.f32 v17, v21  }
0xd3: {  	s24 =	sadd.s32 $0x0, s19;
	v27 =	vor.u32 s22, v0;
	v16 =	vld.idx.msk [tilespmem:v16+s11+$0x0], $0xffff;
	v25 =	vor.u32 v1, v12  }
0xd4: {  	s25 =	sadd.s32 $0x83, s24;
	v9 =	vld.idx.msk [tilespmem:v9+s11+$0x0], $0xffff;
	v28 =	vor.u32 v1, v13;
	[tilespmem:v18+s14+$0x0] =	vst.idx.msk $0xffff, v17  }
0xd5: {  	s2 =	sadd.s32 $0x84, s24;
	v18 =	vmov s25;
	v15 =	vadd.f32 v15, v21;
	v17 =	vld.idx.msk [tilespmem:v22+s4+$0x0], $0xffff  }
0xd6: {  	s0 =	sadd.s32 $0x85, s24;
	v22 =	vadd.f32 v24, v21;
	v24 =	vmov s2  }
0xd7: {  	[tilespmem:v23+s14+$0x0] =	vst.idx.msk $0xffff, v15;
	v15 =	vmov s0;
	v23 =	vor.u32 s31, v1  }
0xd8: {  	v25 =	vld.idx.msk [tilespmem:v25+s4+$0x0], $0xffff;
	[tilespmem:v27+s14+$0x0] =	vst.idx.msk $0xffff, v22;
	v22 =	vor.u32 v2, v26  }
0xd9: {  	v27 =	vld.idx.msk [tilespmem:v28+s4+$0x0], $0xffff  }
0xda: {  	v28 =	vld.idx.msk [tilespmem:v18+s10+$0x0], $0xffff;
	v17 =	vadd.f32 v17, v20  }
0xdb: {  	v18 =	vld.idx.msk [tilespmem:v24+s10+$0x0], $0xffff;
	v24 =	vor.u32 s26, v1  }
0xdc: {  	v29 =	vor.u32 s22, v1;
	v30 =	vor.u32 v2, v12;
	v15 =	vld.idx.msk [tilespmem:v15+s10+$0x0], $0xffff;
	[tilespmem:v23+s14+$0x0] =	vst.idx.msk $0xffff, v17  }
0xdd: {  	v23 =	vor.u32 v2, v13;
	v22 =	vld.idx.msk [tilespmem:v22+s4+$0x0], $0xffff  }
0xde: {  	v17 =	vadd.f32 v25, v20  }
0xdf: {  	v25 =	vadd.f32 v27, v20;
	v27 =	vor.u32 s31, v2  }
0xe0: {  	[tilespmem:v24+s14+$0x0] =	vst.idx.msk $0xffff, v17;
	v18 =	vshll.u32 v18, $0x7;
	v24 =	vor.u32 v3, v26  }
0xe1: {  	[tilespmem:v29+s14+$0x0] =	vst.idx.msk $0xffff, v25;
	v17 =	vshll.u32 v28, $0x7;
	v25 =	vld.idx.msk [tilespmem:v30+s4+$0x0], $0xffff;
	v28 =	vor.u32 v0, v18  }
0xe2: {  	v23 =	vld.idx.msk [tilespmem:v23+s4+$0x0], $0xffff;
	v29 =	vor.u32 v0, v17;
	v15 =	vshll.u32 v15, $0x7;
	v22 =	vadd.f32 v22, v19  }
0xe3: {  	v31 =	vor.u32 s26, v2;
	v30 =	vor.u32 v0, v15  }
0xe4: {  	v49 =	vor.u32 s22, v2;
	[tilespmem:v27+s14+$0x0] =	vst.idx.msk $0xffff, v22;
	v22 =	vor.u32 v3, v12  }
0xe5: {  	v27 =	vor.u32 v3, v13;
	v24 =	vld.idx.msk [tilespmem:v24+s4+$0x0], $0xffff  }
0xe6: {  	v25 =	vadd.f32 v25, v19;
	v28 =	vld.idx.msk [tilespmem:v28+s4+$0x0], $0xffff  }
0xe7: {  	v50 =	vor.u32 s31, v3;
	s23 =	simm.s32 $0x880;
	v23 =	vadd.f32 v23, v19;
	v29 =	vld.idx.msk [tilespmem:v29+s4+$0x0], $0xffff  }
0xe8: {  	s25 =	simm.s32 $0x680;
	v30 =	vld.idx.msk [tilespmem:v30+s4+$0x0], $0xffff;
	[tilespmem:v31+s14+$0x0] =	vst.idx.msk $0xffff, v25;
	v25 =	vor.u32 v4, v26;
	v31 =	vor.u32 s23, v0  }
0xe9: {  	s24 =	simm.s32 $0xA80;
	v51 =	vor.u32 v1, v18;
	[tilespmem:v49+s14+$0x0] =	vst.idx.msk $0xffff, v23;
	v23 =	vor.u32 s25, v0;
	v22 =	vld.idx.msk [tilespmem:v22+s4+$0x0], $0xffff  }
0xea: {  	v53 =	vor.u32 s24, v0;
	v52 =	vor.u32 v1, v17;
	v27 =	vld.idx.msk [tilespmem:v27+s4+$0x0], $0xffff;
	v24 =	vadd.f32 v24, v16  }
0xeb: {  	v54 =	vor.u32 s26, v3;
	v55 =	vor.u32 v1, v15;
	v28 =	vadd.f32 v28, v21  }
0xec: {  	v57 =	vor.u32 s22, v3;
	v56 =	vor.u32 v4, v12;
	s2 =	sadd.s32 $0x3, s19;
	v29 =	vadd.f32 v29, v21;
	[tilespmem:v50+s14+$0x0] =	vst.idx.msk $0xffff, v24  }
0xed: {  	s6 =	sadd.s32 $0x83, s2;
	v30 =	vadd.f32 v30, v21;
	v25 =	vld.idx.msk [tilespmem:v25+s4+$0x0], $0xffff;
	[tilespmem:v31+s14+$0x0] =	vst.idx.msk $0xffff, v28;
	v28 =	vor.u32 v4, v13  }
0xee: {  	[tilespmem:v23+s14+$0x0] =	vst.idx.msk $0xffff, v29;
	v31 =	vmov s6;
	v23 =	vadd.f32 v22, v16;
	v29 =	vld.idx.msk [tilespmem:v51+s4+$0x0], $0xffff  }
0xef: {  	v61 =	vor.u32 s31, v4;
	v60 =	vor.u32 s23, v1;
	s7 =	sadd.s32 $0x84, s2;
	v58 =	vld.idx.msk [tilespmem:v52+s4+$0x0], $0xffff;
	v27 =	vadd.f32 v27, v16;
	[tilespmem:v53+s14+$0x0] =	vst.idx.msk $0xffff, v30  }
0xf0: {  	v63 =	vor.u32 s24, v1;
	s0 =	sadd.s32 $0x85, s2;
	v30 =	vmov s7;
	v59 =	vld.idx.msk [tilespmem:v55+s4+$0x0], $0xffff;
	[tilespmem:v54+s14+$0x0] =	vst.idx.msk $0xffff, v23  }
0xf1: {  	v48 =	vor.u32 v5, v26;
	v36 =	vor.u32 v6, v13;
	v23 =	vmov s0;
	[tilespmem:v57+s14+$0x0] =	vst.idx.msk $0xffff, v27;
	v62 =	vld.idx.msk [tilespmem:v56+s4+$0x0], $0xffff  }
0xf2: {  	v44 =	vor.u32 v3, v17;
	v49 =	vor.u32 s26, v4;
	v27 =	vor.u32 v2, v18;
	v28 =	vld.idx.msk [tilespmem:v28+s4+$0x0], $0xffff  }
0xf3: {  	v24 =	vor.u32 v7, v26;
	v50 =	vor.u32 v2, v15;
	v22 =	vor.u32 v7, v18;
	v31 =	vld.idx.msk [tilespmem:v31+s10+$0x0], $0xffff  }
0xf4: {  	v51 =	vor.u32 s22, v4;
	v52 =	vor.u32 s25, v1;
	v29 =	vadd.f32 v29, v20  }
0xf5: {  	v55 =	vor.u32 v5, v12;
	v54 =	vor.u32 v2, v17;
	v25 =	vadd.f32 v25, v14;
	v30 =	vld.idx.msk [tilespmem:v30+s10+$0x0], $0xffff  }
0xf6: {  	v32 =	vadd.f32 v58, v20;
	v34 =	vadd.f32 v59, v20;
	v53 =	vld.idx.msk [tilespmem:v23+s10+$0x0], $0xffff;
	[tilespmem:v60+s14+$0x0] =	vst.idx.msk $0xffff, v29  }
0xf7: {  	[tilespmem:v61+s14+$0x0] =	vst.idx.msk $0xffff, v25;
	v29 =	vor.u32 v5, v13;
	v23 =	vadd.f32 v62, v14;
	v35 =	vld.idx.msk [tilespmem:v27+s4+$0x0], $0xffff  }
0xf8: {  	[tilespmem:v63+s14+$0x0] =	vst.idx.msk $0xffff, v34;
	v25 =	vadd.f32 v28, v14;
	v28 =	vld.idx.msk [tilespmem:v48+s4+$0x0], $0xffff;
	v27 =	vshll.u32 v31, $0x7  }
0xf9: {  	v56 =	vor.u32 s23, v2;
	[tilespmem:v52+s14+$0x0] =	vst.idx.msk $0xffff, v32;
	v34 =	vld.idx.msk [tilespmem:v50+s4+$0x0], $0xffff;
	v59 =	vor.u32 v0, v27  }
0xfa: {  	v57 =	vor.u32 s31, v5;
	v58 =	vld.idx.msk [tilespmem:v54+s4+$0x0], $0xffff;
	v31 =	vor.u32 v3, v18;
	[tilespmem:v49+s14+$0x0] =	vst.idx.msk $0xffff, v23;
	v23 =	vshll.u32 v30, $0x7  }
0xfb: {  	v61 =	vor.u32 s26, v5;
	v52 =	vor.u32 s24, v2;
	v60 =	vor.u32 v0, v23;
	v33 =	vld.idx.msk [tilespmem:v55+s4+$0x0], $0xffff  }
0xfc: {  	v54 =	vor.u32 s25, v2;
	[tilespmem:v51+s14+$0x0] =	vst.idx.msk $0xffff, v25;
	v55 =	vor.u32 v3, v15;
	v30 =	vadd.f32 v35, v19  }
0xfd: {  	v63 =	vor.u32 v6, v26;
	v25 =	vshll.u32 v53, $0x7;
	v29 =	vld.idx.msk [tilespmem:v29+s4+$0x0], $0xffff;
	v28 =	vadd.f32 v28, v11  }
0xfe: {  	v53 =	vor.u32 v0, v25;
	v34 =	vadd.f32 v34, v19;
	[tilespmem:v56+s14+$0x0] =	vst.idx.msk $0xffff, v30;
	v62 =	vld.idx.msk [tilespmem:v59+s4+$0x0], $0xffff  }
0xff: {  	v38 =	vor.u32 s31, v6;
	s30 =	simm.s32 $0xC80;
	s29 =	simm.s32 $0x1080;
	v56 =	vor.u32 s22, v5;
	v31 =	vld.idx.msk [tilespmem:v31+s4+$0x0], $0xffff;
	[tilespmem:v57+s14+$0x0] =	vst.idx.msk $0xffff, v28;
	v57 =	vor.u32 v6, v12  }
0x100: {  	v45 =	vor.u32 s29, v0;
	v40 =	vld.idx.msk [tilespmem:v60+s4+$0x0], $0xffff;
	[tilespmem:v52+s14+$0x0] =	vst.idx.msk $0xffff, v34;
	v33 =	vadd.f32 v33, v11;
	v60 =	vor.u32 s30, v0  }
0x101: {  	v50 =	vor.u32 v4, v18;
	v59 =	vor.u32 s23, v3;
	v28 =	vadd.f32 v58, v19;
	v51 =	vld.idx.msk [tilespmem:v55+s4+$0x0], $0xffff  }
0x102: {  	s28 =	simm.s32 $0xE80;
	v58 =	vadd.f32 v29, v11;
	v37 =	vld.idx.msk [tilespmem:v63+s4+$0x0], $0xffff;
	[tilespmem:v61+s14+$0x0] =	vst.idx.msk $0xffff, v33;
	v61 =	vor.u32 v1, v27  }
0x103: {  	v26 =	vor.u32 s25, v6;
	v52 =	vor.u32 s28, v0;
	v41 =	vld.idx.msk [tilespmem:v53+s4+$0x0], $0xffff;
	[tilespmem:v54+s14+$0x0] =	vst.idx.msk $0xffff, v28;
	v62 =	vadd.f32 v62, v21  }
0x104: {  	v30 =	vor.u32 s26, v6;
	v34 =	vor.u32 s25, v3;
	v39 =	vld.idx.msk [tilespmem:v44+s4+$0x0], $0xffff;
	[tilespmem:v56+s14+$0x0] =	vst.idx.msk $0xffff, v58;
	v31 =	vadd.f32 v31, v16  }
0x105: {  	v32 =	vor.u32 v4, v17;
	v29 =	vor.u32 s30, v6;
	v28 =	vor.u32 s31, v7;
	v35 =	vld.idx.msk [tilespmem:v57+s4+$0x0], $0xffff;
	[tilespmem:v60+s14+$0x0] =	vst.idx.msk $0xffff, v62  }
0x106: {  	v44 =	vor.u32 v1, v23;
	v63 =	vadd.f32 v40, v21;
	[tilespmem:v59+s14+$0x0] =	vst.idx.msk $0xffff, v31;
	v31 =	vld.idx.msk [tilespmem:v36+s4+$0x0], $0xffff  }
0x107: {  	v33 =	vor.u32 v1, v25;
	v40 =	vor.u32 s24, v3;
	v42 =	vadd.f32 v51, v16;
	v43 =	vld.idx.msk [tilespmem:v61+s4+$0x0], $0xffff  }
0x108: {  	s0 =	simm.s32 $0x6;
	s31 =	simm.s32 $0x21;
	v46 =	vadd.f32 v41, v21;
	[tilespmem:v52+s14+$0x0] =	vst.idx.msk $0xffff, v63;
	v41 =	vor.u32 v4, v15;
	v36 =	vld.idx.msk [tilespmem:v50+s4+$0x0], $0xffff  }
.LBB2_5:
0x109: {  	v47 =	vor.u32 v7, v23  }
0x10a: {  	s1 =	sadd.s32 s0, s19;
	s0 =	sadd.s32 $0x3, s0;
	v39 =	vadd.f32 v39, v16;
	v48 =	vor.u32 v7, v12;
	v12 =	vmovc v17;
	v51 =	vor.u32 s29, v1  }
0x10b: {  	v37 =	vadd.f32 v37, v10;
	s2 =	sadd.s32 $0x83, s1;
	s6 =	sadd.s32 $0x84, s1;
	s1 =	sadd.s32 $0x85, s1;
	v44 =	vld.idx.msk [tilespmem:v44+s4+$0x0], $0xffff;
	[tilespmem:v45+s14+$0x0] =	vst.idx.msk $0xffff, v46;
	v45 =	vor.u32 s23, v4;
	v46 =	vor.u32 s26, v7  }
0x10c: {  	v17 =	vmovc v27;
	p1 =	slt.u32 s0, $0x4E;
	s26 =	smov.u32 s25;
	s25 =	smov.u32 s30;
	v49 =	vmov s2;
	v50 =	vld.idx.msk [tilespmem:v33+s4+$0x0], $0xffff;
	[tilespmem:v34+s14+$0x0] =	vst.idx.msk $0xffff, v39;
	v34 =	vor.u32 s22, v6;
	v33 =	vmov v26  }
0x10d: {  	v35 =	vadd.f32 v35, v10;
	v27 =	vmov s6;
	v31 =	vadd.f32 v31, v10;
	v32 =	vld.idx.msk [tilespmem:v32+s4+$0x0], $0xffff;
	[tilespmem:v40+s14+$0x0] =	vst.idx.msk $0xffff, v42  }
0x10e: {  	v39 =	vmov s1;
	v26 =	vmovc v29;
	v40 =	vor.u32 s28, v1;
	v36 =	vadd.f32 v36, v14;
	v41 =	vld.idx.msk [tilespmem:v41+s4+$0x0], $0xffff;
	[tilespmem:v38+s14+$0x0] =	vst.idx.msk $0xffff, v37  }
0x10f: {  	v29 =	vadd.f32 v43, v20;
	v37 =	vor.u32 v2, v23;
	[tilespmem:v30+s14+$0x0] =	vst.idx.msk $0xffff, v35;
	v30 =	vld.idx.msk [tilespmem:v24+s4+$0x0], $0xffff  }
0x110: {  	v38 =	vor.u32 s24, v4;
	v35 =	vor.u32 s26, v4;
	[tilespmem:v45+s14+$0x0] =	vst.idx.msk $0xffff, v36;
	v36 =	vor.u32 v5, v18;
	v42 =	vld.idx.msk [tilespmem:v48+s4+$0x0], $0xffff  }
0x111: {  	v44 =	vadd.f32 v44, v20;
	v45 =	vor.u32 v2, v25;
	v43 =	vld.idx.msk [tilespmem:v49+s10+$0x0], $0xffff;
	[tilespmem:v34+s14+$0x0] =	vst.idx.msk $0xffff, v31  }
0x112: {  	v24 =	vmovc v22;
	v48 =	vor.u32 v5, v15;
	v34 =	vadd.f32 v50, v20;
	v31 =	vld.idx.msk [tilespmem:v27+s10+$0x0], $0xffff;
	v27 =	vor.u32 s25, v1  }
0x113: {  	v32 =	vadd.f32 v32, v14;
	v22 =	vld.idx.msk [tilespmem:v39+s10+$0x0], $0xffff;
	v39 =	vor.u32 v2, v17;
	[tilespmem:v40+s14+$0x0] =	vst.idx.msk $0xffff, v44  }
0x114: {  	v40 =	vadd.f32 v41, v14;
	v37 =	vld.idx.msk [tilespmem:v37+s4+$0x0], $0xffff;
	[tilespmem:v51+s14+$0x0] =	vst.idx.msk $0xffff, v34;
	v34 =	vor.u32 v5, v12  }
0x115: {  	v13 =	vor.u32 v7, v13;
	v30 =	vadd.f32 v30, v9;
	[tilespmem:v35+s14+$0x0] =	vst.idx.msk $0xffff, v32;
	v32 =	vld.idx.msk [tilespmem:v36+s4+$0x0], $0xffff  }
0x116: {  	v36 =	vor.u32 v6, v15;
	v35 =	vld.idx.msk [tilespmem:v45+s4+$0x0], $0xffff;
	[tilespmem:v38+s14+$0x0] =	vst.idx.msk $0xffff, v40;
	v38 =	vadd.f32 v42, v9  }
0x117: {  	v41 =	vor.u32 s23, v5;
	v40 =	vor.u32 v6, v12;
	[tilespmem:v27+s14+$0x0] =	vst.idx.msk $0xffff, v29;
	v29 =	vor.u32 s28, v2;
	v42 =	vld.idx.msk [tilespmem:v48+s4+$0x0], $0xffff  }
0x118: {  	v27 =	vshll.u32 v43, $0x7;
	v31 =	vshll.u32 v31, $0x7;
	v43 =	vor.u32 v3, v23;
	v39 =	vld.idx.msk [tilespmem:v39+s4+$0x0], $0xffff;
	[tilespmem:v46+s14+$0x0] =	vst.idx.msk $0xffff, v38  }
0x119: {  	v38 =	vor.u32 v0, v27;
	v44 =	vshll.u32 v22, $0x7;
	v34 =	vld.idx.msk [tilespmem:v34+s4+$0x0], $0xffff;
	[tilespmem:v28+s14+$0x0] =	vst.idx.msk $0xffff, v30;
	v28 =	vor.u32 s22, v7;
	s22 =	smov.u32 s24;
	s24 =	smov.u32 s29  }
0x11a: {  	v22 =	vmovc v47;
	v30 =	vor.u32 v0, v31;
	v37 =	vadd.f32 v37, v19;
	v45 =	vor.u32 s24, v2;
	v46 =	vld.idx.msk [tilespmem:v13+s4+$0x0], $0xffff  }
0x11b: {  	v48 =	vor.u32 s25, v2;
	v47 =	vor.u32 v0, v44;
	v32 =	vadd.f32 v32, v11;
	v13 =	vmovc v15;
	v15 =	vmovc v25  }
0x11c: {  	v25 =	vadd.f32 v35, v19;
	v35 =	vor.u32 v3, v15;
	[tilespmem:v29+s14+$0x0] =	vst.idx.msk $0xffff, v37;
	v37 =	vor.u32 s26, v5  }
0x11d: {  	v49 =	vor.u32 v3, v17;
	v43 =	vld.idx.msk [tilespmem:v43+s4+$0x0], $0xffff;
	[tilespmem:v41+s14+$0x0] =	vst.idx.msk $0xffff, v32;
	v41 =	vadd.f32 v42, v11  }
0x11e: {  	s31 =	sadd.s32 $0xC, s31;
	v50 =	vor.u32 s22, v5;
	v29 =	vadd.f32 v39, v19;
	v42 =	vor.u32 v6, v18;
	v18 =	vmovc v23;
	v38 =	vld.idx.msk [tilespmem:v38+s4+$0x0], $0xffff  }
0x11f: {  	v52 =	vor.u32 s28, v3;
	s29 =	sshll.u32 s31, $0x7;
	v23 =	vmov v31;
	v34 =	vadd.f32 v34, v11;
	v51 =	vld.idx.msk [tilespmem:v30+s4+$0x0], $0xffff;
	[tilespmem:v45+s14+$0x0] =	vst.idx.msk $0xffff, v25  }
0x120: {  	s30 =	sadd.s32 $0xFFFFFC00, s29;
	v32 =	vor.u32 v4, v17;
	v30 =	vadd.f32 v46, v9;
	v47 =	vld.idx.msk [tilespmem:v47+s4+$0x0], $0xffff;
	[tilespmem:v48+s14+$0x0] =	vst.idx.msk $0xffff, v29  }
0x121: {  	s1 =	sadd.s32 $0xFFFFFE00, s29;
	v46 =	vor.u32 s30, v0;
	v29 =	vor.u32 s30, v6;
	v48 =	vor.u32 v4, v18;
	v53 =	vld.idx.msk [tilespmem:v35+s4+$0x0], $0xffff;
	[tilespmem:v37+s14+$0x0] =	vst.idx.msk $0xffff, v34  }
0x122: {  	v54 =	vor.u32 v1, v27;
	v55 =	vor.u32 s1, v0;
	v25 =	vmov v44;
	v39 =	vld.idx.msk [tilespmem:v49+s4+$0x0], $0xffff;
	[tilespmem:v28+s14+$0x0] =	vst.idx.msk $0xffff, v30  }
.Ltmp1:
0x123: {  	v34 =	vor.u32 s25, v3;
	v31 =	vadd.f32 v43, v16;
	v28 =	vor.u32 s23, v7;
	v37 =	vld.idx.msk [tilespmem:v42+s4+$0x0], $0xffff;
	[tilespmem:v50+s14+$0x0] =	vst.idx.msk $0xffff, v41;
	(pc) =	sbr.rel @p1 .LBB2_5-.Ltmp1, $4  }
0x124: {  	v44 =	vor.u32 v1, v23;
	v45 =	vor.u32 s29, v0;
	v38 =	vadd.f32 v38, v21;
	v30 =	vmovc v33;
	v35 =	vld.idx.msk [tilespmem:v40+s4+$0x0], $0xffff  }
0x125: {  	v33 =	vor.u32 v1, v25;
	v41 =	vadd.f32 v51, v21;
	[tilespmem:v52+s14+$0x0] =	vst.idx.msk $0xffff, v31;
	v31 =	vld.idx.msk [tilespmem:v36+s4+$0x0], $0xffff  }
0x126: {  	v40 =	vor.u32 s24, v3;
	[tilespmem:v46+s14+$0x0] =	vst.idx.msk $0xffff, v38;
	v46 =	vadd.f32 v47, v21;
	v36 =	vld.idx.msk [tilespmem:v48+s4+$0x0], $0xffff;
	v38 =	vor.u32 s23, v6;
	s23 =	smov.u32 s28;
	s28 =	smov.u32 s1  }
0x127: {  	v42 =	vadd.f32 v53, v16;
	v43 =	vld.idx.msk [tilespmem:v54+s4+$0x0], $0xffff;
	[tilespmem:v55+s14+$0x0] =	vst.idx.msk $0xffff, v41;
	v41 =	vor.u32 v4, v15  }
0x128: {  	_ =	sdelay $0x3  }
0x129: {  	v21 =	vld.idx.msk [tilespmem:v44+s4+$0x0], $0xffff;
	[tilespmem:v45+s14+$0x0] =	vst.idx.msk $0xffff, v46  }
0x12a: {  	v62 =	vor.u32 s30, v1;
	v33 =	vld.idx.msk [tilespmem:v33+s4+$0x0], $0xffff  }
0x12b: {  	v63 =	vor.u32 s28, v1;
	v52 =	vor.u32 v2, v27  }
0x12c: {  	v47 =	vor.u32 s29, v1;
	v48 =	vor.u32 v2, v23  }
0x12d: {  	v49 =	vor.u32 v2, v25;
	v43 =	vadd.f32 v43, v20  }
0x12e: {  	v21 =	vadd.f32 v21, v20  }
0x12f: {  	v20 =	vadd.f32 v33, v20;
	[tilespmem:v62+s14+$0x0] =	vst.idx.msk $0xffff, v43  }
0x130: {  	[tilespmem:v63+s14+$0x0] =	vst.idx.msk $0xffff, v21;
	v21 =	vld.idx.msk [tilespmem:v52+s4+$0x0], $0xffff  }
0x131: {  	v53 =	vld.idx.msk [tilespmem:v48+s4+$0x0], $0xffff;
	[tilespmem:v47+s14+$0x0] =	vst.idx.msk $0xffff, v20  }
0x132: {  	v54 =	vor.u32 s30, v2;
	v20 =	vld.idx.msk [tilespmem:v49+s4+$0x0], $0xffff  }
0x133: {  	v55 =	vor.u32 s28, v2;
	v56 =	vor.u32 v3, v27  }
0x134: {  	v57 =	vor.u32 v3, v23;
	v58 =	vor.u32 s29, v2  }
0x135: {  	v59 =	vor.u32 v3, v25;
	v21 =	vadd.f32 v21, v19  }
0x136: {  	v33 =	vadd.f32 v53, v19  }
0x137: {  	v19 =	vadd.f32 v20, v19;
	[tilespmem:v54+s14+$0x0] =	vst.idx.msk $0xffff, v21  }
0x138: {  	[tilespmem:v55+s14+$0x0] =	vst.idx.msk $0xffff, v33;
	v20 =	vld.idx.msk [tilespmem:v56+s4+$0x0], $0xffff  }
0x139: {  	v21 =	vld.idx.msk [tilespmem:v57+s4+$0x0], $0xffff;
	[tilespmem:v58+s14+$0x0] =	vst.idx.msk $0xffff, v19  }
0x13a: {  	v61 =	vor.u32 s30, v3;
	v19 =	vadd.f32 v39, v16;
	v60 =	vld.idx.msk [tilespmem:v59+s4+$0x0], $0xffff  }
0x13b: {  	v37 =	vadd.f32 v37, v10;
	[tilespmem:v40+s14+$0x0] =	vst.idx.msk $0xffff, v42;
	v62 =	vor.u32 s28, v3;
	v63 =	vor.u32 v4, v27  }
0x13c: {  	v35 =	vadd.f32 v35, v10;
	v47 =	vor.u32 s29, v3;
	[tilespmem:v34+s14+$0x0] =	vst.idx.msk $0xffff, v19;
	v19 =	vor.u32 v4, v23  }
0x13d: {  	[tilespmem:v38+s14+$0x0] =	vst.idx.msk $0xffff, v37;
	v48 =	vor.u32 v4, v25;
	v32 =	vld.idx.msk [tilespmem:v32+s4+$0x0], $0xffff;
	v20 =	vadd.f32 v20, v16  }
0x13e: {  	v12 =	vor.u32 v7, v12;
	[tilespmem:v30+s14+$0x0] =	vst.idx.msk $0xffff, v35;
	v21 =	vadd.f32 v21, v16  }
0x13f: {  	v51 =	vor.u32 s25, v4;
	v50 =	vld.idx.msk [tilespmem:v41+s4+$0x0], $0xffff;
	v16 =	vadd.f32 v60, v16;
	[tilespmem:v61+s14+$0x0] =	vst.idx.msk $0xffff, v20  }
0x140: {  	v52 =	vor.u32 v5, v17;
	v49 =	vor.u32 s23, v4;
	[tilespmem:v62+s14+$0x0] =	vst.idx.msk $0xffff, v21;
	v21 =	vld.idx.msk [tilespmem:v63+s4+$0x0], $0xffff  }
0x141: {  	v53 =	vor.u32 v5, v18;
	v54 =	vor.u32 s24, v4;
	v19 =	vld.idx.msk [tilespmem:v19+s4+$0x0], $0xffff;
	[tilespmem:v47+s14+$0x0] =	vst.idx.msk $0xffff, v16  }
0x142: {  	v55 =	vor.u32 s30, v4;
	v16 =	vor.u32 v5, v15;
	v32 =	vadd.f32 v32, v14;
	v34 =	vld.idx.msk [tilespmem:v48+s4+$0x0], $0xffff  }
0x143: {  	v30 =	vor.u32 s28, v4;
	v12 =	vld.idx.msk [tilespmem:v12+s4+$0x0], $0xffff;
	v56 =	vor.u32 v5, v27;
	v20 =	vadd.f32 v36, v14  }
0x144: {  	v38 =	vadd.f32 v50, v14;
	v57 =	vor.u32 v5, v23;
	v58 =	vor.u32 s29, v4;
	[tilespmem:v51+s14+$0x0] =	vst.idx.msk $0xffff, v32  }
0x145: {  	v59 =	vor.u32 v5, v25;
	[tilespmem:v49+s14+$0x0] =	vst.idx.msk $0xffff, v20;
	v20 =	vld.idx.msk [tilespmem:v52+s4+$0x0], $0xffff;
	v21 =	vadd.f32 v21, v14  }
0x146: {  	v45 =	vor.u32 v6, v27;
	[tilespmem:v54+s14+$0x0] =	vst.idx.msk $0xffff, v38;
	v36 =	vld.idx.msk [tilespmem:v53+s4+$0x0], $0xffff;
	v19 =	vadd.f32 v19, v14  }
0x147: {  	v60 =	vor.u32 s25, v5;
	v16 =	vld.idx.msk [tilespmem:v16+s4+$0x0], $0xffff;
	v14 =	vadd.f32 v34, v14;
	[tilespmem:v55+s14+$0x0] =	vst.idx.msk $0xffff, v21  }
0x148: {  	v44 =	vor.u32 s30, v5;
	v61 =	vor.u32 v6, v17;
	v62 =	vor.u32 s23, v5;
	[tilespmem:v30+s14+$0x0] =	vst.idx.msk $0xffff, v19;
	v19 =	vld.idx.msk [tilespmem:v56+s4+$0x0], $0xffff  }
0x149: {  	v46 =	vor.u32 s28, v5;
	v18 =	vor.u32 v6, v18;
	v63 =	vor.u32 s24, v5;
	v32 =	vld.idx.msk [tilespmem:v57+s4+$0x0], $0xffff;
	[tilespmem:v58+s14+$0x0] =	vst.idx.msk $0xffff, v14  }
0x14a: {  	v13 =	vor.u32 v7, v13;
	v14 =	vor.u32 v6, v15;
	v20 =	vadd.f32 v20, v11;
	v33 =	vld.idx.msk [tilespmem:v59+s4+$0x0], $0xffff  }
0x14b: {  	v24 =	vld.idx.msk [tilespmem:v24+s4+$0x0], $0xffff;
	v43 =	vor.u32 v7, v23;
	v47 =	vor.u32 v6, v25;
	v36 =	vadd.f32 v36, v11  }
0x14c: {  	v16 =	vadd.f32 v16, v11;
	[tilespmem:v60+s14+$0x0] =	vst.idx.msk $0xffff, v20;
	v20 =	vor.u32 v6, v23;
	v23 =	vor.u32 s29, v5  }
0x14d: {  	v21 =	vor.u32 s26, v7;
	[tilespmem:v62+s14+$0x0] =	vst.idx.msk $0xffff, v36;
	v34 =	vld.idx.msk [tilespmem:v61+s4+$0x0], $0xffff;
	v19 =	vadd.f32 v19, v11  }
0x14e: {  	v30 =	vor.u32 s22, v6;
	v18 =	vld.idx.msk [tilespmem:v18+s4+$0x0], $0xffff;
	[tilespmem:v63+s14+$0x0] =	vst.idx.msk $0xffff, v16;
	v16 =	vadd.f32 v32, v11  }
0x14f: {  	v12 =	vadd.f32 v12, v9;
	v14 =	vld.idx.msk [tilespmem:v14+s4+$0x0], $0xffff;
	v11 =	vadd.f32 v33, v11;
	[tilespmem:v44+s14+$0x0] =	vst.idx.msk $0xffff, v19  }
0x150: {  	v17 =	vor.u32 v7, v17;
	v19 =	vor.u32 s23, v6;
	[tilespmem:v46+s14+$0x0] =	vst.idx.msk $0xffff, v16;
	v16 =	vld.idx.msk [tilespmem:v45+s4+$0x0], $0xffff  }
0x151: {  	v31 =	vadd.f32 v31, v10;
	v48 =	vor.u32 s24, v6;
	v20 =	vld.idx.msk [tilespmem:v20+s4+$0x0], $0xffff;
	[tilespmem:v23+s14+$0x0] =	vst.idx.msk $0xffff, v11  }
0x152: {  	v15 =	vor.u32 v7, v15;
	[tilespmem:v21+s14+$0x0] =	vst.idx.msk $0xffff, v12;
	v11 =	vadd.f32 v34, v10;
	v23 =	vld.idx.msk [tilespmem:v47+s4+$0x0], $0xffff  }
0x153: {  	v21 =	vor.u32 v7, v27;
	[tilespmem:v30+s14+$0x0] =	vst.idx.msk $0xffff, v31;
	v12 =	vadd.f32 v18, v10;
	v18 =	vor.u32 s28, v6  }
0x154: {  	v13 =	vld.idx.msk [tilespmem:v13+s4+$0x0], $0xffff;
	v14 =	vadd.f32 v14, v10;
	[tilespmem:v26+s14+$0x0] =	vst.idx.msk $0xffff, v11;
	v11 =	vor.u32 s29, v6  }
0x155: {  	[tilespmem:v19+s14+$0x0] =	vst.idx.msk $0xffff, v12;
	v12 =	vld.idx.msk [tilespmem:v17+s4+$0x0], $0xffff;
	v17 =	vor.u32 v7, v25;
	v16 =	vadd.f32 v16, v10  }
0x156: {  	v19 =	vor.u32 s22, v7;
	v22 =	vld.idx.msk [tilespmem:v22+s4+$0x0], $0xffff;
	[tilespmem:v48+s14+$0x0] =	vst.idx.msk $0xffff, v14;
	v14 =	vadd.f32 v20, v10  }
0x157: {  	v20 =	vor.u32 s25, v7;
	v15 =	vld.idx.msk [tilespmem:v15+s4+$0x0], $0xffff;
	v10 =	vadd.f32 v23, v10;
	[tilespmem:v29+s14+$0x0] =	vst.idx.msk $0xffff, v16  }
0x158: {  	v16 =	vadd.f32 v24, v9;
	v23 =	vor.u32 s23, v7;
	[tilespmem:v18+s14+$0x0] =	vst.idx.msk $0xffff, v14;
	v14 =	vld.idx.msk [tilespmem:v21+s4+$0x0], $0xffff  }
0x159: {  	v13 =	vadd.f32 v13, v9;
	v18 =	vor.u32 s24, v7;
	v21 =	vld.idx.msk [tilespmem:v43+s4+$0x0], $0xffff;
	[tilespmem:v11+s14+$0x0] =	vst.idx.msk $0xffff, v10  }
0x15a: {  	[tilespmem:v28+s14+$0x0] =	vst.idx.msk $0xffff, v16;
	v10 =	vadd.f32 v12, v9;
	v11 =	vor.u32 s30, v7;
	v12 =	vld.idx.msk [tilespmem:v17+s4+$0x0], $0xffff  }
0x15b: {  	s0 =	sadd.s32 $0xFFFFFFFD, s19;
	[tilespmem:v19+s14+$0x0] =	vst.idx.msk $0xffff, v13;
	v16 =	vor.u32 s28, v7;
	v13 =	vadd.f32 v22, v9  }
0x15c: {  	s1 =	sadd.s32 $0x104, s0;
	[tilespmem:v20+s14+$0x0] =	vst.idx.msk $0xffff, v10;
	v10 =	vadd.f32 v15, v9;
	v15 =	vor.u32 s29, v7  }
0x15d: {  	[tilespmem:v23+s14+$0x0] =	vst.idx.msk $0xffff, v13;
	v13 =	vadd.f32 v14, v9;
	v14 =	vmov s1  }
0x15e: {  	s22 =	sor.u32 $0x100, s21;
	[tilespmem:v18+s14+$0x0] =	vst.idx.msk $0xffff, v10;
	v10 =	vadd.f32 v21, v9  }
0x15f: {  	s23 =	sadd.s32 $0x103, s0;
	[tilespmem:v11+s14+$0x0] =	vst.idx.msk $0xffff, v13;
	v9 =	vadd.f32 v12, v9;
	v11 =	vmov s22  }
0x160: {  	s0 =	sadd.s32 $0x105, s0;
	[tilespmem:v16+s14+$0x0] =	vst.idx.msk $0xffff, v10;
	v10 =	vshrl.u32 v11, $0x7;
	v11 =	vmov s23  }
0x161: {  	[tilespmem:v15+s14+$0x0] =	vst.idx.msk $0xffff, v9;
	v9 =	vshll.u32 v10, $0x7;
	v10 =	vmov s0  }
0x162: {  	v12 =	vld.idx.msk [tilespmem:v14+s10+$0x0], $0xffff  }
0x163: {  	v9 =	vbroadcast v9, $0x0;
	_ =	sdelay $0x1  }
0x164: {  	v13 =	vor.u32 v0, v9;
	v11 =	vld.idx.msk [tilespmem:v11+s10+$0x0], $0xffff  }
0x165: {  	v15 =	vor.u32 v2, v9;
	v10 =	vld.idx.msk [tilespmem:v10+s10+$0x0], $0xffff  }
0x166: {  	v14 =	vor.u32 v1, v9;
	v26 =	vshll.u32 v12, $0x7  }
0x167: {  	v17 =	vor.u32 v0, v26  }
0x168: {  	v18 =	vor.u32 v4, v9  }
0x169: {  	v22 =	vor.u32 v5, v9;
	v21 =	vld.idx.msk [tilespmem:v13+s11+$0x0], $0xffff;
	v12 =	vshll.u32 v11, $0x7  }
0x16a: {  	v19 =	vld.idx.msk [tilespmem:v15+s11+$0x0], $0xffff;
	v15 =	vor.u32 v0, v12;
	v13 =	vshll.u32 v10, $0x7  }
0x16b: {  	v20 =	vld.idx.msk [tilespmem:v14+s11+$0x0], $0xffff;
	v10 =	vor.u32 v0, v13  }
0x16c: {  	v23 =	vor.u32 v6, v9;
	v17 =	vld.idx.msk [tilespmem:v17+s4+$0x0], $0xffff  }
0x16d: {  	s31 =	simm.s32 $0x300;
	v16 =	vor.u32 v3, v9;
	v14 =	vld.idx.msk [tilespmem:v18+s11+$0x0], $0xffff  }
0x16e: {  	v9 =	vor.u32 v7, v9;
	v18 =	vor.u32 s31, v0;
	v11 =	vld.idx.msk [tilespmem:v22+s11+$0x0], $0xffff  }
0x16f: {  	v22 =	vor.u32 v1, v26;
	v15 =	vld.idx.msk [tilespmem:v15+s4+$0x0], $0xffff  }
0x170: {  	s26 =	simm.s32 $0x100;
	v24 =	vld.idx.msk [tilespmem:v10+s4+$0x0], $0xffff  }
0x171: {  	s22 =	simm.s32 $0x500;
	v10 =	vld.idx.msk [tilespmem:v23+s11+$0x0], $0xffff;
	v23 =	vor.u32 s26, v0;
	v17 =	vadd.f32 v17, v21  }
0x172: {  	s24 =	sadd.s32 $0x0, s19;
	v27 =	vor.u32 s22, v0;
	v16 =	vld.idx.msk [tilespmem:v16+s11+$0x0], $0xffff;
	v25 =	vor.u32 v1, v12  }
0x173: {  	s25 =	sadd.s32 $0x103, s24;
	v9 =	vld.idx.msk [tilespmem:v9+s11+$0x0], $0xffff;
	v28 =	vor.u32 v1, v13;
	[tilespmem:v18+s14+$0x0] =	vst.idx.msk $0xffff, v17  }
0x174: {  	s2 =	sadd.s32 $0x104, s24;
	v18 =	vmov s25;
	v15 =	vadd.f32 v15, v21;
	v17 =	vld.idx.msk [tilespmem:v22+s4+$0x0], $0xffff  }
0x175: {  	s0 =	sadd.s32 $0x105, s24;
	v22 =	vadd.f32 v24, v21;
	v24 =	vmov s2  }
0x176: {  	[tilespmem:v23+s14+$0x0] =	vst.idx.msk $0xffff, v15;
	v15 =	vmov s0;
	v23 =	vor.u32 s31, v1  }
0x177: {  	v25 =	vld.idx.msk [tilespmem:v25+s4+$0x0], $0xffff;
	[tilespmem:v27+s14+$0x0] =	vst.idx.msk $0xffff, v22;
	v22 =	vor.u32 v2, v26  }
0x178: {  	v27 =	vld.idx.msk [tilespmem:v28+s4+$0x0], $0xffff  }
0x179: {  	v28 =	vld.idx.msk [tilespmem:v18+s10+$0x0], $0xffff;
	v17 =	vadd.f32 v17, v20  }
0x17a: {  	v18 =	vld.idx.msk [tilespmem:v24+s10+$0x0], $0xffff;
	v24 =	vor.u32 s26, v1  }
0x17b: {  	v29 =	vor.u32 s22, v1;
	v30 =	vor.u32 v2, v12;
	v15 =	vld.idx.msk [tilespmem:v15+s10+$0x0], $0xffff;
	[tilespmem:v23+s14+$0x0] =	vst.idx.msk $0xffff, v17  }
0x17c: {  	v23 =	vor.u32 v2, v13;
	v22 =	vld.idx.msk [tilespmem:v22+s4+$0x0], $0xffff  }
0x17d: {  	v17 =	vadd.f32 v25, v20  }
0x17e: {  	v25 =	vadd.f32 v27, v20;
	v27 =	vor.u32 s31, v2  }
0x17f: {  	[tilespmem:v24+s14+$0x0] =	vst.idx.msk $0xffff, v17;
	v18 =	vshll.u32 v18, $0x7;
	v24 =	vor.u32 v3, v26  }
0x180: {  	[tilespmem:v29+s14+$0x0] =	vst.idx.msk $0xffff, v25;
	v17 =	vshll.u32 v28, $0x7;
	v25 =	vld.idx.msk [tilespmem:v30+s4+$0x0], $0xffff;
	v28 =	vor.u32 v0, v18  }
0x181: {  	v23 =	vld.idx.msk [tilespmem:v23+s4+$0x0], $0xffff;
	v29 =	vor.u32 v0, v17;
	v15 =	vshll.u32 v15, $0x7;
	v22 =	vadd.f32 v22, v19  }
0x182: {  	v31 =	vor.u32 s26, v2;
	v30 =	vor.u32 v0, v15  }
0x183: {  	v49 =	vor.u32 s22, v2;
	[tilespmem:v27+s14+$0x0] =	vst.idx.msk $0xffff, v22;
	v22 =	vor.u32 v3, v12  }
0x184: {  	v27 =	vor.u32 v3, v13;
	v24 =	vld.idx.msk [tilespmem:v24+s4+$0x0], $0xffff  }
0x185: {  	v25 =	vadd.f32 v25, v19;
	v28 =	vld.idx.msk [tilespmem:v28+s4+$0x0], $0xffff  }
0x186: {  	v50 =	vor.u32 s31, v3;
	s23 =	simm.s32 $0x900;
	v23 =	vadd.f32 v23, v19;
	v29 =	vld.idx.msk [tilespmem:v29+s4+$0x0], $0xffff  }
0x187: {  	s25 =	simm.s32 $0x700;
	v30 =	vld.idx.msk [tilespmem:v30+s4+$0x0], $0xffff;
	[tilespmem:v31+s14+$0x0] =	vst.idx.msk $0xffff, v25;
	v25 =	vor.u32 v4, v26;
	v31 =	vor.u32 s23, v0  }
0x188: {  	s24 =	simm.s32 $0xB00;
	v51 =	vor.u32 v1, v18;
	[tilespmem:v49+s14+$0x0] =	vst.idx.msk $0xffff, v23;
	v23 =	vor.u32 s25, v0;
	v22 =	vld.idx.msk [tilespmem:v22+s4+$0x0], $0xffff  }
0x189: {  	v53 =	vor.u32 s24, v0;
	v52 =	vor.u32 v1, v17;
	v27 =	vld.idx.msk [tilespmem:v27+s4+$0x0], $0xffff;
	v24 =	vadd.f32 v24, v16  }
0x18a: {  	v54 =	vor.u32 s26, v3;
	v55 =	vor.u32 v1, v15;
	v28 =	vadd.f32 v28, v21  }
0x18b: {  	v57 =	vor.u32 s22, v3;
	v56 =	vor.u32 v4, v12;
	s2 =	sadd.s32 $0x3, s19;
	v29 =	vadd.f32 v29, v21;
	[tilespmem:v50+s14+$0x0] =	vst.idx.msk $0xffff, v24  }
0x18c: {  	s6 =	sadd.s32 $0x103, s2;
	v30 =	vadd.f32 v30, v21;
	v25 =	vld.idx.msk [tilespmem:v25+s4+$0x0], $0xffff;
	[tilespmem:v31+s14+$0x0] =	vst.idx.msk $0xffff, v28;
	v28 =	vor.u32 v4, v13  }
0x18d: {  	[tilespmem:v23+s14+$0x0] =	vst.idx.msk $0xffff, v29;
	v31 =	vmov s6;
	v23 =	vadd.f32 v22, v16;
	v29 =	vld.idx.msk [tilespmem:v51+s4+$0x0], $0xffff  }
0x18e: {  	v61 =	vor.u32 s31, v4;
	v60 =	vor.u32 s23, v1;
	s7 =	sadd.s32 $0x104, s2;
	v58 =	vld.idx.msk [tilespmem:v52+s4+$0x0], $0xffff;
	v27 =	vadd.f32 v27, v16;
	[tilespmem:v53+s14+$0x0] =	vst.idx.msk $0xffff, v30  }
0x18f: {  	v63 =	vor.u32 s24, v1;
	s0 =	sadd.s32 $0x105, s2;
	v30 =	vmov s7;
	v59 =	vld.idx.msk [tilespmem:v55+s4+$0x0], $0xffff;
	[tilespmem:v54+s14+$0x0] =	vst.idx.msk $0xffff, v23  }
0x190: {  	v48 =	vor.u32 v5, v26;
	v36 =	vor.u32 v6, v13;
	v23 =	vmov s0;
	[tilespmem:v57+s14+$0x0] =	vst.idx.msk $0xffff, v27;
	v62 =	vld.idx.msk [tilespmem:v56+s4+$0x0], $0xffff  }
0x191: {  	v44 =	vor.u32 v3, v17;
	v49 =	vor.u32 s26, v4;
	v27 =	vor.u32 v2, v18;
	v28 =	vld.idx.msk [tilespmem:v28+s4+$0x0], $0xffff  }
0x192: {  	v24 =	vor.u32 v7, v26;
	v50 =	vor.u32 v2, v15;
	v22 =	vor.u32 v7, v18;
	v31 =	vld.idx.msk [tilespmem:v31+s10+$0x0], $0xffff  }
0x193: {  	v51 =	vor.u32 s22, v4;
	v52 =	vor.u32 s25, v1;
	v29 =	vadd.f32 v29, v20  }
0x194: {  	v55 =	vor.u32 v5, v12;
	v54 =	vor.u32 v2, v17;
	v25 =	vadd.f32 v25, v14;
	v30 =	vld.idx.msk [tilespmem:v30+s10+$0x0], $0xffff  }
0x195: {  	v32 =	vadd.f32 v58, v20;
	v34 =	vadd.f32 v59, v20;
	v53 =	vld.idx.msk [tilespmem:v23+s10+$0x0], $0xffff;
	[tilespmem:v60+s14+$0x0] =	vst.idx.msk $0xffff, v29  }
0x196: {  	[tilespmem:v61+s14+$0x0] =	vst.idx.msk $0xffff, v25;
	v29 =	vor.u32 v5, v13;
	v23 =	vadd.f32 v62, v14;
	v35 =	vld.idx.msk [tilespmem:v27+s4+$0x0], $0xffff  }
0x197: {  	[tilespmem:v63+s14+$0x0] =	vst.idx.msk $0xffff, v34;
	v25 =	vadd.f32 v28, v14;
	v28 =	vld.idx.msk [tilespmem:v48+s4+$0x0], $0xffff;
	v27 =	vshll.u32 v31, $0x7  }
0x198: {  	v56 =	vor.u32 s23, v2;
	[tilespmem:v52+s14+$0x0] =	vst.idx.msk $0xffff, v32;
	v34 =	vld.idx.msk [tilespmem:v50+s4+$0x0], $0xffff;
	v59 =	vor.u32 v0, v27  }
0x199: {  	v57 =	vor.u32 s31, v5;
	v58 =	vld.idx.msk [tilespmem:v54+s4+$0x0], $0xffff;
	v31 =	vor.u32 v3, v18;
	[tilespmem:v49+s14+$0x0] =	vst.idx.msk $0xffff, v23;
	v23 =	vshll.u32 v30, $0x7  }
0x19a: {  	v61 =	vor.u32 s26, v5;
	v52 =	vor.u32 s24, v2;
	v60 =	vor.u32 v0, v23;
	v33 =	vld.idx.msk [tilespmem:v55+s4+$0x0], $0xffff  }
0x19b: {  	v54 =	vor.u32 s25, v2;
	[tilespmem:v51+s14+$0x0] =	vst.idx.msk $0xffff, v25;
	v55 =	vor.u32 v3, v15;
	v30 =	vadd.f32 v35, v19  }
0x19c: {  	v63 =	vor.u32 v6, v26;
	v25 =	vshll.u32 v53, $0x7;
	v29 =	vld.idx.msk [tilespmem:v29+s4+$0x0], $0xffff;
	v28 =	vadd.f32 v28, v11  }
0x19d: {  	v53 =	vor.u32 v0, v25;
	v34 =	vadd.f32 v34, v19;
	[tilespmem:v56+s14+$0x0] =	vst.idx.msk $0xffff, v30;
	v62 =	vld.idx.msk [tilespmem:v59+s4+$0x0], $0xffff  }
0x19e: {  	v38 =	vor.u32 s31, v6;
	s30 =	simm.s32 $0xD00;
	s29 =	simm.s32 $0x1100;
	v56 =	vor.u32 s22, v5;
	v31 =	vld.idx.msk [tilespmem:v31+s4+$0x0], $0xffff;
	[tilespmem:v57+s14+$0x0] =	vst.idx.msk $0xffff, v28;
	v57 =	vor.u32 v6, v12  }
0x19f: {  	v45 =	vor.u32 s29, v0;
	v40 =	vld.idx.msk [tilespmem:v60+s4+$0x0], $0xffff;
	[tilespmem:v52+s14+$0x0] =	vst.idx.msk $0xffff, v34;
	v33 =	vadd.f32 v33, v11;
	v60 =	vor.u32 s30, v0  }
0x1a0: {  	v50 =	vor.u32 v4, v18;
	v59 =	vor.u32 s23, v3;
	v28 =	vadd.f32 v58, v19;
	v51 =	vld.idx.msk [tilespmem:v55+s4+$0x0], $0xffff  }
0x1a1: {  	s28 =	simm.s32 $0xF00;
	v58 =	vadd.f32 v29, v11;
	v37 =	vld.idx.msk [tilespmem:v63+s4+$0x0], $0xffff;
	[tilespmem:v61+s14+$0x0] =	vst.idx.msk $0xffff, v33;
	v61 =	vor.u32 v1, v27  }
0x1a2: {  	v26 =	vor.u32 s25, v6;
	v52 =	vor.u32 s28, v0;
	v41 =	vld.idx.msk [tilespmem:v53+s4+$0x0], $0xffff;
	[tilespmem:v54+s14+$0x0] =	vst.idx.msk $0xffff, v28;
	v62 =	vadd.f32 v62, v21  }
0x1a3: {  	v30 =	vor.u32 s26, v6;
	v34 =	vor.u32 s25, v3;
	v39 =	vld.idx.msk [tilespmem:v44+s4+$0x0], $0xffff;
	[tilespmem:v56+s14+$0x0] =	vst.idx.msk $0xffff, v58;
	v31 =	vadd.f32 v31, v16  }
0x1a4: {  	v32 =	vor.u32 v4, v17;
	v29 =	vor.u32 s30, v6;
	v28 =	vor.u32 s31, v7;
	v35 =	vld.idx.msk [tilespmem:v57+s4+$0x0], $0xffff;
	[tilespmem:v60+s14+$0x0] =	vst.idx.msk $0xffff, v62  }
0x1a5: {  	v44 =	vor.u32 v1, v23;
	v63 =	vadd.f32 v40, v21;
	[tilespmem:v59+s14+$0x0] =	vst.idx.msk $0xffff, v31;
	v31 =	vld.idx.msk [tilespmem:v36+s4+$0x0], $0xffff  }
0x1a6: {  	v33 =	vor.u32 v1, v25;
	v40 =	vor.u32 s24, v3;
	v42 =	vadd.f32 v51, v16;
	v43 =	vld.idx.msk [tilespmem:v61+s4+$0x0], $0xffff  }
0x1a7: {  	s0 =	simm.s32 $0x6;
	s31 =	simm.s32 $0x22;
	v46 =	vadd.f32 v41, v21;
	[tilespmem:v52+s14+$0x0] =	vst.idx.msk $0xffff, v63;
	v41 =	vor.u32 v4, v15;
	v36 =	vld.idx.msk [tilespmem:v50+s4+$0x0], $0xffff  }
.LBB2_7:
0x1a8: {  	v47 =	vor.u32 v7, v23  }
0x1a9: {  	s1 =	sadd.s32 s0, s19;
	s0 =	sadd.s32 $0x3, s0;
	v39 =	vadd.f32 v39, v16;
	v48 =	vor.u32 v7, v12;
	v12 =	vmovc v17;
	v51 =	vor.u32 s29, v1  }
0x1aa: {  	v37 =	vadd.f32 v37, v10;
	s2 =	sadd.s32 $0x103, s1;
	s6 =	sadd.s32 $0x104, s1;
	s1 =	sadd.s32 $0x105, s1;
	v44 =	vld.idx.msk [tilespmem:v44+s4+$0x0], $0xffff;
	[tilespmem:v45+s14+$0x0] =	vst.idx.msk $0xffff, v46;
	v45 =	vor.u32 s23, v4;
	v46 =	vor.u32 s26, v7  }
0x1ab: {  	v17 =	vmovc v27;
	p1 =	slt.u32 s0, $0x4E;
	s26 =	smov.u32 s25;
	s25 =	smov.u32 s30;
	v49 =	vmov s2;
	v50 =	vld.idx.msk [tilespmem:v33+s4+$0x0], $0xffff;
	[tilespmem:v34+s14+$0x0] =	vst.idx.msk $0xffff, v39;
	v34 =	vor.u32 s22, v6;
	v33 =	vmov v26  }
0x1ac: {  	v35 =	vadd.f32 v35, v10;
	v27 =	vmov s6;
	v31 =	vadd.f32 v31, v10;
	v32 =	vld.idx.msk [tilespmem:v32+s4+$0x0], $0xffff;
	[tilespmem:v40+s14+$0x0] =	vst.idx.msk $0xffff, v42  }
0x1ad: {  	v39 =	vmov s1;
	v26 =	vmovc v29;
	v40 =	vor.u32 s28, v1;
	v36 =	vadd.f32 v36, v14;
	v41 =	vld.idx.msk [tilespmem:v41+s4+$0x0], $0xffff;
	[tilespmem:v38+s14+$0x0] =	vst.idx.msk $0xffff, v37  }
0x1ae: {  	v29 =	vadd.f32 v43, v20;
	v37 =	vor.u32 v2, v23;
	[tilespmem:v30+s14+$0x0] =	vst.idx.msk $0xffff, v35;
	v30 =	vld.idx.msk [tilespmem:v24+s4+$0x0], $0xffff  }
0x1af: {  	v38 =	vor.u32 s24, v4;
	v35 =	vor.u32 s26, v4;
	[tilespmem:v45+s14+$0x0] =	vst.idx.msk $0xffff, v36;
	v36 =	vor.u32 v5, v18;
	v42 =	vld.idx.msk [tilespmem:v48+s4+$0x0], $0xffff  }
0x1b0: {  	v44 =	vadd.f32 v44, v20;
	v45 =	vor.u32 v2, v25;
	v43 =	vld.idx.msk [tilespmem:v49+s10+$0x0], $0xffff;
	[tilespmem:v34+s14+$0x0] =	vst.idx.msk $0xffff, v31  }
0x1b1: {  	v24 =	vmovc v22;
	v48 =	vor.u32 v5, v15;
	v34 =	vadd.f32 v50, v20;
	v31 =	vld.idx.msk [tilespmem:v27+s10+$0x0], $0xffff;
	v27 =	vor.u32 s25, v1  }
0x1b2: {  	v32 =	vadd.f32 v32, v14;
	v22 =	vld.idx.msk [tilespmem:v39+s10+$0x0], $0xffff;
	v39 =	vor.u32 v2, v17;
	[tilespmem:v40+s14+$0x0] =	vst.idx.msk $0xffff, v44  }
0x1b3: {  	v40 =	vadd.f32 v41, v14;
	v37 =	vld.idx.msk [tilespmem:v37+s4+$0x0], $0xffff;
	[tilespmem:v51+s14+$0x0] =	vst.idx.msk $0xffff, v34;
	v34 =	vor.u32 v5, v12  }
0x1b4: {  	v13 =	vor.u32 v7, v13;
	v30 =	vadd.f32 v30, v9;
	[tilespmem:v35+s14+$0x0] =	vst.idx.msk $0xffff, v32;
	v32 =	vld.idx.msk [tilespmem:v36+s4+$0x0], $0xffff  }
0x1b5: {  	v36 =	vor.u32 v6, v15;
	v35 =	vld.idx.msk [tilespmem:v45+s4+$0x0], $0xffff;
	[tilespmem:v38+s14+$0x0] =	vst.idx.msk $0xffff, v40;
	v38 =	vadd.f32 v42, v9  }
0x1b6: {  	v41 =	vor.u32 s23, v5;
	v40 =	vor.u32 v6, v12;
	[tilespmem:v27+s14+$0x0] =	vst.idx.msk $0xffff, v29;
	v29 =	vor.u32 s28, v2;
	v42 =	vld.idx.msk [tilespmem:v48+s4+$0x0], $0xffff  }
0x1b7: {  	v27 =	vshll.u32 v43, $0x7;
	v31 =	vshll.u32 v31, $0x7;
	v43 =	vor.u32 v3, v23;
	v39 =	vld.idx.msk [tilespmem:v39+s4+$0x0], $0xffff;
	[tilespmem:v46+s14+$0x0] =	vst.idx.msk $0xffff, v38  }
0x1b8: {  	v38 =	vor.u32 v0, v27;
	v44 =	vshll.u32 v22, $0x7;
	v34 =	vld.idx.msk [tilespmem:v34+s4+$0x0], $0xffff;
	[tilespmem:v28+s14+$0x0] =	vst.idx.msk $0xffff, v30;
	v28 =	vor.u32 s22, v7;
	s22 =	smov.u32 s24;
	s24 =	smov.u32 s29  }
0x1b9: {  	v22 =	vmovc v47;
	v30 =	vor.u32 v0, v31;
	v37 =	vadd.f32 v37, v19;
	v45 =	vor.u32 s24, v2;
	v46 =	vld.idx.msk [tilespmem:v13+s4+$0x0], $0xffff  }
0x1ba: {  	v48 =	vor.u32 s25, v2;
	v47 =	vor.u32 v0, v44;
	v32 =	vadd.f32 v32, v11;
	v13 =	vmovc v15;
	v15 =	vmovc v25  }
0x1bb: {  	v25 =	vadd.f32 v35, v19;
	v35 =	vor.u32 v3, v15;
	[tilespmem:v29+s14+$0x0] =	vst.idx.msk $0xffff, v37;
	v37 =	vor.u32 s26, v5  }
0x1bc: {  	v49 =	vor.u32 v3, v17;
	v43 =	vld.idx.msk [tilespmem:v43+s4+$0x0], $0xffff;
	[tilespmem:v41+s14+$0x0] =	vst.idx.msk $0xffff, v32;
	v41 =	vadd.f32 v42, v11  }
0x1bd: {  	s31 =	sadd.s32 $0xC, s31;
	v50 =	vor.u32 s22, v5;
	v29 =	vadd.f32 v39, v19;
	v42 =	vor.u32 v6, v18;
	v18 =	vmovc v23;
	v38 =	vld.idx.msk [tilespmem:v38+s4+$0x0], $0xffff  }
0x1be: {  	v52 =	vor.u32 s28, v3;
	s29 =	sshll.u32 s31, $0x7;
	v23 =	vmov v31;
	v34 =	vadd.f32 v34, v11;
	v51 =	vld.idx.msk [tilespmem:v30+s4+$0x0], $0xffff;
	[tilespmem:v45+s14+$0x0] =	vst.idx.msk $0xffff, v25  }
0x1bf: {  	s30 =	sadd.s32 $0xFFFFFC00, s29;
	v32 =	vor.u32 v4, v17;
	v30 =	vadd.f32 v46, v9;
	v47 =	vld.idx.msk [tilespmem:v47+s4+$0x0], $0xffff;
	[tilespmem:v48+s14+$0x0] =	vst.idx.msk $0xffff, v29  }
0x1c0: {  	s1 =	sadd.s32 $0xFFFFFE00, s29;
	v46 =	vor.u32 s30, v0;
	v29 =	vor.u32 s30, v6;
	v48 =	vor.u32 v4, v18;
	v53 =	vld.idx.msk [tilespmem:v35+s4+$0x0], $0xffff;
	[tilespmem:v37+s14+$0x0] =	vst.idx.msk $0xffff, v34  }
0x1c1: {  	v54 =	vor.u32 v1, v27;
	v55 =	vor.u32 s1, v0;
	v25 =	vmov v44;
	v39 =	vld.idx.msk [tilespmem:v49+s4+$0x0], $0xffff;
	[tilespmem:v28+s14+$0x0] =	vst.idx.msk $0xffff, v30  }
.Ltmp2:
0x1c2: {  	v34 =	vor.u32 s25, v3;
	v31 =	vadd.f32 v43, v16;
	v28 =	vor.u32 s23, v7;
	v37 =	vld.idx.msk [tilespmem:v42+s4+$0x0], $0xffff;
	[tilespmem:v50+s14+$0x0] =	vst.idx.msk $0xffff, v41;
	(pc) =	sbr.rel @p1 .LBB2_7-.Ltmp2, $4  }
0x1c3: {  	v44 =	vor.u32 v1, v23;
	v45 =	vor.u32 s29, v0;
	v38 =	vadd.f32 v38, v21;
	v30 =	vmovc v33;
	v35 =	vld.idx.msk [tilespmem:v40+s4+$0x0], $0xffff  }
0x1c4: {  	v33 =	vor.u32 v1, v25;
	v41 =	vadd.f32 v51, v21;
	[tilespmem:v52+s14+$0x0] =	vst.idx.msk $0xffff, v31;
	v31 =	vld.idx.msk [tilespmem:v36+s4+$0x0], $0xffff  }
0x1c5: {  	v40 =	vor.u32 s24, v3;
	[tilespmem:v46+s14+$0x0] =	vst.idx.msk $0xffff, v38;
	v46 =	vadd.f32 v47, v21;
	v36 =	vld.idx.msk [tilespmem:v48+s4+$0x0], $0xffff;
	v38 =	vor.u32 s23, v6;
	s23 =	smov.u32 s28;
	s28 =	smov.u32 s1  }
0x1c6: {  	v42 =	vadd.f32 v53, v16;
	v43 =	vld.idx.msk [tilespmem:v54+s4+$0x0], $0xffff;
	[tilespmem:v55+s14+$0x0] =	vst.idx.msk $0xffff, v41;
	v41 =	vor.u32 v4, v15  }
0x1c7: {  	_ =	sdelay $0x3  }
0x1c8: {  	v21 =	vld.idx.msk [tilespmem:v44+s4+$0x0], $0xffff;
	[tilespmem:v45+s14+$0x0] =	vst.idx.msk $0xffff, v46  }
0x1c9: {  	v62 =	vor.u32 s30, v1;
	v33 =	vld.idx.msk [tilespmem:v33+s4+$0x0], $0xffff  }
0x1ca: {  	v63 =	vor.u32 s28, v1;
	v52 =	vor.u32 v2, v27  }
0x1cb: {  	v47 =	vor.u32 s29, v1;
	v48 =	vor.u32 v2, v23  }
0x1cc: {  	v49 =	vor.u32 v2, v25;
	v43 =	vadd.f32 v43, v20  }
0x1cd: {  	v21 =	vadd.f32 v21, v20  }
0x1ce: {  	v20 =	vadd.f32 v33, v20;
	[tilespmem:v62+s14+$0x0] =	vst.idx.msk $0xffff, v43  }
0x1cf: {  	[tilespmem:v63+s14+$0x0] =	vst.idx.msk $0xffff, v21;
	v21 =	vld.idx.msk [tilespmem:v52+s4+$0x0], $0xffff  }
0x1d0: {  	v53 =	vld.idx.msk [tilespmem:v48+s4+$0x0], $0xffff;
	[tilespmem:v47+s14+$0x0] =	vst.idx.msk $0xffff, v20  }
0x1d1: {  	v54 =	vor.u32 s30, v2;
	v20 =	vld.idx.msk [tilespmem:v49+s4+$0x0], $0xffff  }
0x1d2: {  	v55 =	vor.u32 s28, v2;
	v56 =	vor.u32 v3, v27  }
0x1d3: {  	v57 =	vor.u32 v3, v23;
	v58 =	vor.u32 s29, v2  }
0x1d4: {  	v59 =	vor.u32 v3, v25;
	v21 =	vadd.f32 v21, v19  }
0x1d5: {  	v33 =	vadd.f32 v53, v19  }
0x1d6: {  	v19 =	vadd.f32 v20, v19;
	[tilespmem:v54+s14+$0x0] =	vst.idx.msk $0xffff, v21  }
0x1d7: {  	[tilespmem:v55+s14+$0x0] =	vst.idx.msk $0xffff, v33;
	v20 =	vld.idx.msk [tilespmem:v56+s4+$0x0], $0xffff  }
0x1d8: {  	v21 =	vld.idx.msk [tilespmem:v57+s4+$0x0], $0xffff;
	[tilespmem:v58+s14+$0x0] =	vst.idx.msk $0xffff, v19  }
0x1d9: {  	v61 =	vor.u32 s30, v3;
	v19 =	vadd.f32 v39, v16;
	v60 =	vld.idx.msk [tilespmem:v59+s4+$0x0], $0xffff  }
0x1da: {  	v37 =	vadd.f32 v37, v10;
	[tilespmem:v40+s14+$0x0] =	vst.idx.msk $0xffff, v42;
	v62 =	vor.u32 s28, v3;
	v63 =	vor.u32 v4, v27  }
0x1db: {  	v35 =	vadd.f32 v35, v10;
	v47 =	vor.u32 s29, v3;
	[tilespmem:v34+s14+$0x0] =	vst.idx.msk $0xffff, v19;
	v19 =	vor.u32 v4, v23  }
0x1dc: {  	[tilespmem:v38+s14+$0x0] =	vst.idx.msk $0xffff, v37;
	v48 =	vor.u32 v4, v25;
	v32 =	vld.idx.msk [tilespmem:v32+s4+$0x0], $0xffff;
	v20 =	vadd.f32 v20, v16  }
0x1dd: {  	v12 =	vor.u32 v7, v12;
	[tilespmem:v30+s14+$0x0] =	vst.idx.msk $0xffff, v35;
	v21 =	vadd.f32 v21, v16  }
0x1de: {  	v51 =	vor.u32 s25, v4;
	v50 =	vld.idx.msk [tilespmem:v41+s4+$0x0], $0xffff;
	v16 =	vadd.f32 v60, v16;
	[tilespmem:v61+s14+$0x0] =	vst.idx.msk $0xffff, v20  }
0x1df: {  	v52 =	vor.u32 v5, v17;
	v49 =	vor.u32 s23, v4;
	[tilespmem:v62+s14+$0x0] =	vst.idx.msk $0xffff, v21;
	v21 =	vld.idx.msk [tilespmem:v63+s4+$0x0], $0xffff  }
0x1e0: {  	v53 =	vor.u32 v5, v18;
	v54 =	vor.u32 s24, v4;
	v19 =	vld.idx.msk [tilespmem:v19+s4+$0x0], $0xffff;
	[tilespmem:v47+s14+$0x0] =	vst.idx.msk $0xffff, v16  }
0x1e1: {  	v55 =	vor.u32 s30, v4;
	v16 =	vor.u32 v5, v15;
	v32 =	vadd.f32 v32, v14;
	v34 =	vld.idx.msk [tilespmem:v48+s4+$0x0], $0xffff  }
0x1e2: {  	v30 =	vor.u32 s28, v4;
	v12 =	vld.idx.msk [tilespmem:v12+s4+$0x0], $0xffff;
	v56 =	vor.u32 v5, v27;
	v20 =	vadd.f32 v36, v14  }
0x1e3: {  	v38 =	vadd.f32 v50, v14;
	v57 =	vor.u32 v5, v23;
	v58 =	vor.u32 s29, v4;
	[tilespmem:v51+s14+$0x0] =	vst.idx.msk $0xffff, v32  }
0x1e4: {  	v59 =	vor.u32 v5, v25;
	[tilespmem:v49+s14+$0x0] =	vst.idx.msk $0xffff, v20;
	v20 =	vld.idx.msk [tilespmem:v52+s4+$0x0], $0xffff;
	v21 =	vadd.f32 v21, v14  }
0x1e5: {  	v45 =	vor.u32 v6, v27;
	[tilespmem:v54+s14+$0x0] =	vst.idx.msk $0xffff, v38;
	v36 =	vld.idx.msk [tilespmem:v53+s4+$0x0], $0xffff;
	v19 =	vadd.f32 v19, v14  }
0x1e6: {  	v60 =	vor.u32 s25, v5;
	v16 =	vld.idx.msk [tilespmem:v16+s4+$0x0], $0xffff;
	v14 =	vadd.f32 v34, v14;
	[tilespmem:v55+s14+$0x0] =	vst.idx.msk $0xffff, v21  }
0x1e7: {  	v44 =	vor.u32 s30, v5;
	v61 =	vor.u32 v6, v17;
	v62 =	vor.u32 s23, v5;
	[tilespmem:v30+s14+$0x0] =	vst.idx.msk $0xffff, v19;
	v19 =	vld.idx.msk [tilespmem:v56+s4+$0x0], $0xffff  }
0x1e8: {  	v46 =	vor.u32 s28, v5;
	v18 =	vor.u32 v6, v18;
	v63 =	vor.u32 s24, v5;
	v32 =	vld.idx.msk [tilespmem:v57+s4+$0x0], $0xffff;
	[tilespmem:v58+s14+$0x0] =	vst.idx.msk $0xffff, v14  }
0x1e9: {  	v13 =	vor.u32 v7, v13;
	v14 =	vor.u32 v6, v15;
	v20 =	vadd.f32 v20, v11;
	v33 =	vld.idx.msk [tilespmem:v59+s4+$0x0], $0xffff  }
0x1ea: {  	v24 =	vld.idx.msk [tilespmem:v24+s4+$0x0], $0xffff;
	v43 =	vor.u32 v7, v23;
	v47 =	vor.u32 v6, v25;
	v36 =	vadd.f32 v36, v11  }
0x1eb: {  	v16 =	vadd.f32 v16, v11;
	[tilespmem:v60+s14+$0x0] =	vst.idx.msk $0xffff, v20;
	v20 =	vor.u32 v6, v23;
	v23 =	vor.u32 s29, v5  }
0x1ec: {  	v21 =	vor.u32 s26, v7;
	[tilespmem:v62+s14+$0x0] =	vst.idx.msk $0xffff, v36;
	v34 =	vld.idx.msk [tilespmem:v61+s4+$0x0], $0xffff;
	v19 =	vadd.f32 v19, v11  }
0x1ed: {  	v30 =	vor.u32 s22, v6;
	v18 =	vld.idx.msk [tilespmem:v18+s4+$0x0], $0xffff;
	[tilespmem:v63+s14+$0x0] =	vst.idx.msk $0xffff, v16;
	v16 =	vadd.f32 v32, v11  }
0x1ee: {  	v12 =	vadd.f32 v12, v9;
	v14 =	vld.idx.msk [tilespmem:v14+s4+$0x0], $0xffff;
	v11 =	vadd.f32 v33, v11;
	[tilespmem:v44+s14+$0x0] =	vst.idx.msk $0xffff, v19  }
0x1ef: {  	v17 =	vor.u32 v7, v17;
	v19 =	vor.u32 s23, v6;
	[tilespmem:v46+s14+$0x0] =	vst.idx.msk $0xffff, v16;
	v16 =	vld.idx.msk [tilespmem:v45+s4+$0x0], $0xffff  }
0x1f0: {  	v31 =	vadd.f32 v31, v10;
	v48 =	vor.u32 s24, v6;
	v20 =	vld.idx.msk [tilespmem:v20+s4+$0x0], $0xffff;
	[tilespmem:v23+s14+$0x0] =	vst.idx.msk $0xffff, v11  }
0x1f1: {  	v15 =	vor.u32 v7, v15;
	[tilespmem:v21+s14+$0x0] =	vst.idx.msk $0xffff, v12;
	v11 =	vadd.f32 v34, v10;
	v23 =	vld.idx.msk [tilespmem:v47+s4+$0x0], $0xffff  }
0x1f2: {  	v21 =	vor.u32 v7, v27;
	[tilespmem:v30+s14+$0x0] =	vst.idx.msk $0xffff, v31;
	v12 =	vadd.f32 v18, v10;
	v18 =	vor.u32 s28, v6  }
0x1f3: {  	v13 =	vld.idx.msk [tilespmem:v13+s4+$0x0], $0xffff;
	v14 =	vadd.f32 v14, v10;
	[tilespmem:v26+s14+$0x0] =	vst.idx.msk $0xffff, v11;
	v11 =	vor.u32 s29, v6  }
0x1f4: {  	[tilespmem:v19+s14+$0x0] =	vst.idx.msk $0xffff, v12;
	v12 =	vld.idx.msk [tilespmem:v17+s4+$0x0], $0xffff;
	v17 =	vor.u32 v7, v25;
	v16 =	vadd.f32 v16, v10  }
0x1f5: {  	v19 =	vor.u32 s22, v7;
	v22 =	vld.idx.msk [tilespmem:v22+s4+$0x0], $0xffff;
	[tilespmem:v48+s14+$0x0] =	vst.idx.msk $0xffff, v14;
	v14 =	vadd.f32 v20, v10  }
0x1f6: {  	v20 =	vor.u32 s25, v7;
	v15 =	vld.idx.msk [tilespmem:v15+s4+$0x0], $0xffff;
	v10 =	vadd.f32 v23, v10;
	[tilespmem:v29+s14+$0x0] =	vst.idx.msk $0xffff, v16  }
0x1f7: {  	v16 =	vadd.f32 v24, v9;
	v23 =	vor.u32 s23, v7;
	[tilespmem:v18+s14+$0x0] =	vst.idx.msk $0xffff, v14;
	v14 =	vld.idx.msk [tilespmem:v21+s4+$0x0], $0xffff  }
0x1f8: {  	v13 =	vadd.f32 v13, v9;
	v18 =	vor.u32 s24, v7;
	v21 =	vld.idx.msk [tilespmem:v43+s4+$0x0], $0xffff;
	[tilespmem:v11+s14+$0x0] =	vst.idx.msk $0xffff, v10  }
0x1f9: {  	[tilespmem:v28+s14+$0x0] =	vst.idx.msk $0xffff, v16;
	v10 =	vadd.f32 v12, v9;
	v11 =	vor.u32 s30, v7;
	v12 =	vld.idx.msk [tilespmem:v17+s4+$0x0], $0xffff  }
0x1fa: {  	s0 =	sadd.s32 $0xFFFFFFFD, s19;
	[tilespmem:v19+s14+$0x0] =	vst.idx.msk $0xffff, v13;
	v16 =	vor.u32 s28, v7;
	v13 =	vadd.f32 v22, v9  }
0x1fb: {  	s1 =	sadd.s32 $0x184, s0;
	[tilespmem:v20+s14+$0x0] =	vst.idx.msk $0xffff, v10;
	v10 =	vadd.f32 v15, v9;
	v15 =	vor.u32 s29, v7  }
0x1fc: {  	[tilespmem:v23+s14+$0x0] =	vst.idx.msk $0xffff, v13;
	v13 =	vadd.f32 v14, v9;
	v14 =	vmov s1  }
0x1fd: {  	s22 =	sor.u32 $0x180, s21;
	[tilespmem:v18+s14+$0x0] =	vst.idx.msk $0xffff, v10;
	v10 =	vadd.f32 v21, v9  }
0x1fe: {  	s23 =	sadd.s32 $0x183, s0;
	[tilespmem:v11+s14+$0x0] =	vst.idx.msk $0xffff, v13;
	v9 =	vadd.f32 v12, v9;
	v11 =	vmov s22  }
0x1ff: {  	s0 =	sadd.s32 $0x185, s0;
	[tilespmem:v16+s14+$0x0] =	vst.idx.msk $0xffff, v10;
	v10 =	vshrl.u32 v11, $0x7;
	v11 =	vmov s23  }
0x200: {  	[tilespmem:v15+s14+$0x0] =	vst.idx.msk $0xffff, v9;
	v9 =	vshll.u32 v10, $0x7;
	v10 =	vmov s0  }
0x201: {  	v12 =	vld.idx.msk [tilespmem:v14+s10+$0x0], $0xffff  }
0x202: {  	v9 =	vbroadcast v9, $0x0;
	_ =	sdelay $0x1  }
0x203: {  	v13 =	vor.u32 v0, v9;
	v11 =	vld.idx.msk [tilespmem:v11+s10+$0x0], $0xffff  }
0x204: {  	v15 =	vor.u32 v2, v9;
	v10 =	vld.idx.msk [tilespmem:v10+s10+$0x0], $0xffff  }
0x205: {  	v14 =	vor.u32 v1, v9;
	v26 =	vshll.u32 v12, $0x7  }
0x206: {  	v17 =	vor.u32 v0, v26  }
0x207: {  	v18 =	vor.u32 v4, v9  }
0x208: {  	v22 =	vor.u32 v5, v9;
	v21 =	vld.idx.msk [tilespmem:v13+s11+$0x0], $0xffff;
	v12 =	vshll.u32 v11, $0x7  }
0x209: {  	v19 =	vld.idx.msk [tilespmem:v15+s11+$0x0], $0xffff;
	v15 =	vor.u32 v0, v12;
	v13 =	vshll.u32 v10, $0x7  }
0x20a: {  	v20 =	vld.idx.msk [tilespmem:v14+s11+$0x0], $0xffff;
	v10 =	vor.u32 v0, v13  }
0x20b: {  	v23 =	vor.u32 v6, v9;
	v17 =	vld.idx.msk [tilespmem:v17+s4+$0x0], $0xffff  }
0x20c: {  	s31 =	simm.s32 $0x380;
	v16 =	vor.u32 v3, v9;
	v14 =	vld.idx.msk [tilespmem:v18+s11+$0x0], $0xffff  }
0x20d: {  	v9 =	vor.u32 v7, v9;
	v18 =	vor.u32 s31, v0;
	v11 =	vld.idx.msk [tilespmem:v22+s11+$0x0], $0xffff  }
0x20e: {  	v22 =	vor.u32 v1, v26;
	v15 =	vld.idx.msk [tilespmem:v15+s4+$0x0], $0xffff  }
0x20f: {  	s26 =	simm.s32 $0x180;
	v24 =	vld.idx.msk [tilespmem:v10+s4+$0x0], $0xffff  }
0x210: {  	s22 =	simm.s32 $0x580;
	v10 =	vld.idx.msk [tilespmem:v23+s11+$0x0], $0xffff;
	v23 =	vor.u32 s26, v0;
	v17 =	vadd.f32 v17, v21  }
0x211: {  	s24 =	sadd.s32 $0x0, s19;
	v27 =	vor.u32 s22, v0;
	v16 =	vld.idx.msk [tilespmem:v16+s11+$0x0], $0xffff;
	v25 =	vor.u32 v1, v12  }
0x212: {  	s25 =	sadd.s32 $0x183, s24;
	v9 =	vld.idx.msk [tilespmem:v9+s11+$0x0], $0xffff;
	v28 =	vor.u32 v1, v13;
	[tilespmem:v18+s14+$0x0] =	vst.idx.msk $0xffff, v17  }
0x213: {  	s2 =	sadd.s32 $0x184, s24;
	v18 =	vmov s25;
	v15 =	vadd.f32 v15, v21;
	v17 =	vld.idx.msk [tilespmem:v22+s4+$0x0], $0xffff  }
0x214: {  	s0 =	sadd.s32 $0x185, s24;
	v22 =	vadd.f32 v24, v21;
	v24 =	vmov s2  }
0x215: {  	[tilespmem:v23+s14+$0x0] =	vst.idx.msk $0xffff, v15;
	v15 =	vmov s0;
	v23 =	vor.u32 s31, v1  }
0x216: {  	v25 =	vld.idx.msk [tilespmem:v25+s4+$0x0], $0xffff;
	[tilespmem:v27+s14+$0x0] =	vst.idx.msk $0xffff, v22;
	v22 =	vor.u32 v2, v26  }
0x217: {  	v27 =	vld.idx.msk [tilespmem:v28+s4+$0x0], $0xffff  }
0x218: {  	v28 =	vld.idx.msk [tilespmem:v18+s10+$0x0], $0xffff;
	v17 =	vadd.f32 v17, v20  }
0x219: {  	v18 =	vld.idx.msk [tilespmem:v24+s10+$0x0], $0xffff;
	v24 =	vor.u32 s26, v1  }
0x21a: {  	v29 =	vor.u32 s22, v1;
	v30 =	vor.u32 v2, v12;
	v15 =	vld.idx.msk [tilespmem:v15+s10+$0x0], $0xffff;
	[tilespmem:v23+s14+$0x0] =	vst.idx.msk $0xffff, v17  }
0x21b: {  	v23 =	vor.u32 v2, v13;
	v22 =	vld.idx.msk [tilespmem:v22+s4+$0x0], $0xffff  }
0x21c: {  	v17 =	vadd.f32 v25, v20  }
0x21d: {  	v25 =	vadd.f32 v27, v20;
	v27 =	vor.u32 s31, v2  }
0x21e: {  	[tilespmem:v24+s14+$0x0] =	vst.idx.msk $0xffff, v17;
	v18 =	vshll.u32 v18, $0x7;
	v24 =	vor.u32 v3, v26  }
0x21f: {  	[tilespmem:v29+s14+$0x0] =	vst.idx.msk $0xffff, v25;
	v17 =	vshll.u32 v28, $0x7;
	v25 =	vld.idx.msk [tilespmem:v30+s4+$0x0], $0xffff;
	v28 =	vor.u32 v0, v18  }
0x220: {  	v23 =	vld.idx.msk [tilespmem:v23+s4+$0x0], $0xffff;
	v29 =	vor.u32 v0, v17;
	v15 =	vshll.u32 v15, $0x7;
	v22 =	vadd.f32 v22, v19  }
0x221: {  	v31 =	vor.u32 s26, v2;
	v30 =	vor.u32 v0, v15  }
0x222: {  	v49 =	vor.u32 s22, v2;
	[tilespmem:v27+s14+$0x0] =	vst.idx.msk $0xffff, v22;
	v22 =	vor.u32 v3, v12  }
0x223: {  	v27 =	vor.u32 v3, v13;
	v24 =	vld.idx.msk [tilespmem:v24+s4+$0x0], $0xffff  }
0x224: {  	v25 =	vadd.f32 v25, v19;
	v28 =	vld.idx.msk [tilespmem:v28+s4+$0x0], $0xffff  }
0x225: {  	v50 =	vor.u32 s31, v3;
	s23 =	simm.s32 $0x980;
	v23 =	vadd.f32 v23, v19;
	v29 =	vld.idx.msk [tilespmem:v29+s4+$0x0], $0xffff  }
0x226: {  	s25 =	simm.s32 $0x780;
	v30 =	vld.idx.msk [tilespmem:v30+s4+$0x0], $0xffff;
	[tilespmem:v31+s14+$0x0] =	vst.idx.msk $0xffff, v25;
	v25 =	vor.u32 v4, v26;
	v31 =	vor.u32 s23, v0  }
0x227: {  	s24 =	simm.s32 $0xB80;
	v51 =	vor.u32 v1, v18;
	[tilespmem:v49+s14+$0x0] =	vst.idx.msk $0xffff, v23;
	v23 =	vor.u32 s25, v0;
	v22 =	vld.idx.msk [tilespmem:v22+s4+$0x0], $0xffff  }
0x228: {  	v53 =	vor.u32 s24, v0;
	v52 =	vor.u32 v1, v17;
	v27 =	vld.idx.msk [tilespmem:v27+s4+$0x0], $0xffff;
	v24 =	vadd.f32 v24, v16  }
0x229: {  	v54 =	vor.u32 s26, v3;
	v55 =	vor.u32 v1, v15;
	v28 =	vadd.f32 v28, v21  }
0x22a: {  	v57 =	vor.u32 s22, v3;
	v56 =	vor.u32 v4, v12;
	s2 =	sadd.s32 $0x3, s19;
	v29 =	vadd.f32 v29, v21;
	[tilespmem:v50+s14+$0x0] =	vst.idx.msk $0xffff, v24  }
0x22b: {  	s6 =	sadd.s32 $0x183, s2;
	v30 =	vadd.f32 v30, v21;
	v25 =	vld.idx.msk [tilespmem:v25+s4+$0x0], $0xffff;
	[tilespmem:v31+s14+$0x0] =	vst.idx.msk $0xffff, v28;
	v28 =	vor.u32 v4, v13  }
0x22c: {  	[tilespmem:v23+s14+$0x0] =	vst.idx.msk $0xffff, v29;
	v31 =	vmov s6;
	v23 =	vadd.f32 v22, v16;
	v29 =	vld.idx.msk [tilespmem:v51+s4+$0x0], $0xffff  }
0x22d: {  	v61 =	vor.u32 s31, v4;
	v60 =	vor.u32 s23, v1;
	s7 =	sadd.s32 $0x184, s2;
	v58 =	vld.idx.msk [tilespmem:v52+s4+$0x0], $0xffff;
	v27 =	vadd.f32 v27, v16;
	[tilespmem:v53+s14+$0x0] =	vst.idx.msk $0xffff, v30  }
0x22e: {  	v63 =	vor.u32 s24, v1;
	s0 =	sadd.s32 $0x185, s2;
	v30 =	vmov s7;
	v59 =	vld.idx.msk [tilespmem:v55+s4+$0x0], $0xffff;
	[tilespmem:v54+s14+$0x0] =	vst.idx.msk $0xffff, v23  }
0x22f: {  	v48 =	vor.u32 v5, v26;
	v36 =	vor.u32 v6, v13;
	v23 =	vmov s0;
	[tilespmem:v57+s14+$0x0] =	vst.idx.msk $0xffff, v27;
	v62 =	vld.idx.msk [tilespmem:v56+s4+$0x0], $0xffff  }
0x230: {  	v44 =	vor.u32 v3, v17;
	v49 =	vor.u32 s26, v4;
	v27 =	vor.u32 v2, v18;
	v28 =	vld.idx.msk [tilespmem:v28+s4+$0x0], $0xffff  }
0x231: {  	v24 =	vor.u32 v7, v26;
	v50 =	vor.u32 v2, v15;
	v22 =	vor.u32 v7, v18;
	v31 =	vld.idx.msk [tilespmem:v31+s10+$0x0], $0xffff  }
0x232: {  	v51 =	vor.u32 s22, v4;
	v52 =	vor.u32 s25, v1;
	v29 =	vadd.f32 v29, v20  }
0x233: {  	v55 =	vor.u32 v5, v12;
	v54 =	vor.u32 v2, v17;
	v25 =	vadd.f32 v25, v14;
	v30 =	vld.idx.msk [tilespmem:v30+s10+$0x0], $0xffff  }
0x234: {  	v32 =	vadd.f32 v58, v20;
	v34 =	vadd.f32 v59, v20;
	v53 =	vld.idx.msk [tilespmem:v23+s10+$0x0], $0xffff;
	[tilespmem:v60+s14+$0x0] =	vst.idx.msk $0xffff, v29  }
0x235: {  	[tilespmem:v61+s14+$0x0] =	vst.idx.msk $0xffff, v25;
	v29 =	vor.u32 v5, v13;
	v23 =	vadd.f32 v62, v14;
	v35 =	vld.idx.msk [tilespmem:v27+s4+$0x0], $0xffff  }
0x236: {  	[tilespmem:v63+s14+$0x0] =	vst.idx.msk $0xffff, v34;
	v25 =	vadd.f32 v28, v14;
	v28 =	vld.idx.msk [tilespmem:v48+s4+$0x0], $0xffff;
	v27 =	vshll.u32 v31, $0x7  }
0x237: {  	v56 =	vor.u32 s23, v2;
	[tilespmem:v52+s14+$0x0] =	vst.idx.msk $0xffff, v32;
	v34 =	vld.idx.msk [tilespmem:v50+s4+$0x0], $0xffff;
	v59 =	vor.u32 v0, v27  }
0x238: {  	v57 =	vor.u32 s31, v5;
	v58 =	vld.idx.msk [tilespmem:v54+s4+$0x0], $0xffff;
	v31 =	vor.u32 v3, v18;
	[tilespmem:v49+s14+$0x0] =	vst.idx.msk $0xffff, v23;
	v23 =	vshll.u32 v30, $0x7  }
0x239: {  	v61 =	vor.u32 s26, v5;
	v52 =	vor.u32 s24, v2;
	v60 =	vor.u32 v0, v23;
	v33 =	vld.idx.msk [tilespmem:v55+s4+$0x0], $0xffff  }
0x23a: {  	v54 =	vor.u32 s25, v2;
	[tilespmem:v51+s14+$0x0] =	vst.idx.msk $0xffff, v25;
	v55 =	vor.u32 v3, v15;
	v30 =	vadd.f32 v35, v19  }
0x23b: {  	v63 =	vor.u32 v6, v26;
	v25 =	vshll.u32 v53, $0x7;
	v29 =	vld.idx.msk [tilespmem:v29+s4+$0x0], $0xffff;
	v28 =	vadd.f32 v28, v11  }
0x23c: {  	v53 =	vor.u32 v0, v25;
	v34 =	vadd.f32 v34, v19;
	[tilespmem:v56+s14+$0x0] =	vst.idx.msk $0xffff, v30;
	v62 =	vld.idx.msk [tilespmem:v59+s4+$0x0], $0xffff  }
0x23d: {  	v38 =	vor.u32 s31, v6;
	s30 =	simm.s32 $0xD80;
	s29 =	simm.s32 $0x1180;
	v56 =	vor.u32 s22, v5;
	v31 =	vld.idx.msk [tilespmem:v31+s4+$0x0], $0xffff;
	[tilespmem:v57+s14+$0x0] =	vst.idx.msk $0xffff, v28;
	v57 =	vor.u32 v6, v12  }
0x23e: {  	v45 =	vor.u32 s29, v0;
	v40 =	vld.idx.msk [tilespmem:v60+s4+$0x0], $0xffff;
	[tilespmem:v52+s14+$0x0] =	vst.idx.msk $0xffff, v34;
	v33 =	vadd.f32 v33, v11;
	v60 =	vor.u32 s30, v0  }
0x23f: {  	v50 =	vor.u32 v4, v18;
	v59 =	vor.u32 s23, v3;
	v28 =	vadd.f32 v58, v19;
	v51 =	vld.idx.msk [tilespmem:v55+s4+$0x0], $0xffff  }
0x240: {  	s28 =	simm.s32 $0xF80;
	v58 =	vadd.f32 v29, v11;
	v37 =	vld.idx.msk [tilespmem:v63+s4+$0x0], $0xffff;
	[tilespmem:v61+s14+$0x0] =	vst.idx.msk $0xffff, v33;
	v61 =	vor.u32 v1, v27  }
0x241: {  	v26 =	vor.u32 s25, v6;
	v52 =	vor.u32 s28, v0;
	v41 =	vld.idx.msk [tilespmem:v53+s4+$0x0], $0xffff;
	[tilespmem:v54+s14+$0x0] =	vst.idx.msk $0xffff, v28;
	v62 =	vadd.f32 v62, v21  }
0x242: {  	v30 =	vor.u32 s26, v6;
	v34 =	vor.u32 s25, v3;
	v39 =	vld.idx.msk [tilespmem:v44+s4+$0x0], $0xffff;
	[tilespmem:v56+s14+$0x0] =	vst.idx.msk $0xffff, v58;
	v31 =	vadd.f32 v31, v16  }
0x243: {  	v32 =	vor.u32 v4, v17;
	v29 =	vor.u32 s30, v6;
	v28 =	vor.u32 s31, v7;
	v35 =	vld.idx.msk [tilespmem:v57+s4+$0x0], $0xffff;
	[tilespmem:v60+s14+$0x0] =	vst.idx.msk $0xffff, v62  }
0x244: {  	v44 =	vor.u32 v1, v23;
	v63 =	vadd.f32 v40, v21;
	[tilespmem:v59+s14+$0x0] =	vst.idx.msk $0xffff, v31;
	v31 =	vld.idx.msk [tilespmem:v36+s4+$0x0], $0xffff  }
0x245: {  	v33 =	vor.u32 v1, v25;
	v40 =	vor.u32 s24, v3;
	v42 =	vadd.f32 v51, v16;
	v43 =	vld.idx.msk [tilespmem:v61+s4+$0x0], $0xffff  }
0x246: {  	s0 =	simm.s32 $0x6;
	s31 =	simm.s32 $0x23;
	v46 =	vadd.f32 v41, v21;
	[tilespmem:v52+s14+$0x0] =	vst.idx.msk $0xffff, v63;
	v41 =	vor.u32 v4, v15;
	v36 =	vld.idx.msk [tilespmem:v50+s4+$0x0], $0xffff  }
.LBB2_9:
0x247: {  	v47 =	vor.u32 v7, v23  }
0x248: {  	s1 =	sadd.s32 s0, s19;
	s0 =	sadd.s32 $0x3, s0;
	v39 =	vadd.f32 v39, v16;
	v48 =	vor.u32 v7, v12;
	v12 =	vmovc v17;
	v51 =	vor.u32 s29, v1  }
0x249: {  	v37 =	vadd.f32 v37, v10;
	s2 =	sadd.s32 $0x183, s1;
	s6 =	sadd.s32 $0x184, s1;
	s1 =	sadd.s32 $0x185, s1;
	v44 =	vld.idx.msk [tilespmem:v44+s4+$0x0], $0xffff;
	[tilespmem:v45+s14+$0x0] =	vst.idx.msk $0xffff, v46;
	v45 =	vor.u32 s23, v4;
	v46 =	vor.u32 s26, v7  }
0x24a: {  	v17 =	vmovc v27;
	p1 =	slt.u32 s0, $0x4E;
	s26 =	smov.u32 s25;
	s25 =	smov.u32 s30;
	v49 =	vmov s2;
	v50 =	vld.idx.msk [tilespmem:v33+s4+$0x0], $0xffff;
	[tilespmem:v34+s14+$0x0] =	vst.idx.msk $0xffff, v39;
	v34 =	vor.u32 s22, v6;
	v33 =	vmov v26  }
0x24b: {  	v35 =	vadd.f32 v35, v10;
	v27 =	vmov s6;
	v31 =	vadd.f32 v31, v10;
	v32 =	vld.idx.msk [tilespmem:v32+s4+$0x0], $0xffff;
	[tilespmem:v40+s14+$0x0] =	vst.idx.msk $0xffff, v42  }
0x24c: {  	v39 =	vmov s1;
	v26 =	vmovc v29;
	v40 =	vor.u32 s28, v1;
	v36 =	vadd.f32 v36, v14;
	v41 =	vld.idx.msk [tilespmem:v41+s4+$0x0], $0xffff;
	[tilespmem:v38+s14+$0x0] =	vst.idx.msk $0xffff, v37  }
0x24d: {  	v29 =	vadd.f32 v43, v20;
	v37 =	vor.u32 v2, v23;
	[tilespmem:v30+s14+$0x0] =	vst.idx.msk $0xffff, v35;
	v30 =	vld.idx.msk [tilespmem:v24+s4+$0x0], $0xffff  }
0x24e: {  	v38 =	vor.u32 s24, v4;
	v35 =	vor.u32 s26, v4;
	[tilespmem:v45+s14+$0x0] =	vst.idx.msk $0xffff, v36;
	v36 =	vor.u32 v5, v18;
	v42 =	vld.idx.msk [tilespmem:v48+s4+$0x0], $0xffff  }
0x24f: {  	v44 =	vadd.f32 v44, v20;
	v45 =	vor.u32 v2, v25;
	v43 =	vld.idx.msk [tilespmem:v49+s10+$0x0], $0xffff;
	[tilespmem:v34+s14+$0x0] =	vst.idx.msk $0xffff, v31  }
0x250: {  	v24 =	vmovc v22;
	v48 =	vor.u32 v5, v15;
	v34 =	vadd.f32 v50, v20;
	v31 =	vld.idx.msk [tilespmem:v27+s10+$0x0], $0xffff;
	v27 =	vor.u32 s25, v1  }
0x251: {  	v32 =	vadd.f32 v32, v14;
	v22 =	vld.idx.msk [tilespmem:v39+s10+$0x0], $0xffff;
	v39 =	vor.u32 v2, v17;
	[tilespmem:v40+s14+$0x0] =	vst.idx.msk $0xffff, v44  }
0x252: {  	v40 =	vadd.f32 v41, v14;
	v37 =	vld.idx.msk [tilespmem:v37+s4+$0x0], $0xffff;
	[tilespmem:v51+s14+$0x0] =	vst.idx.msk $0xffff, v34;
	v34 =	vor.u32 v5, v12  }
0x253: {  	v13 =	vor.u32 v7, v13;
	v30 =	vadd.f32 v30, v9;
	[tilespmem:v35+s14+$0x0] =	vst.idx.msk $0xffff, v32;
	v32 =	vld.idx.msk [tilespmem:v36+s4+$0x0], $0xffff  }
0x254: {  	v36 =	vor.u32 v6, v15;
	v35 =	vld.idx.msk [tilespmem:v45+s4+$0x0], $0xffff;
	[tilespmem:v38+s14+$0x0] =	vst.idx.msk $0xffff, v40;
	v38 =	vadd.f32 v42, v9  }
0x255: {  	v41 =	vor.u32 s23, v5;
	v40 =	vor.u32 v6, v12;
	[tilespmem:v27+s14+$0x0] =	vst.idx.msk $0xffff, v29;
	v29 =	vor.u32 s28, v2;
	v42 =	vld.idx.msk [tilespmem:v48+s4+$0x0], $0xffff  }
0x256: {  	v27 =	vshll.u32 v43, $0x7;
	v31 =	vshll.u32 v31, $0x7;
	v43 =	vor.u32 v3, v23;
	v39 =	vld.idx.msk [tilespmem:v39+s4+$0x0], $0xffff;
	[tilespmem:v46+s14+$0x0] =	vst.idx.msk $0xffff, v38  }
0x257: {  	v38 =	vor.u32 v0, v27;
	v44 =	vshll.u32 v22, $0x7;
	v34 =	vld.idx.msk [tilespmem:v34+s4+$0x0], $0xffff;
	[tilespmem:v28+s14+$0x0] =	vst.idx.msk $0xffff, v30;
	v28 =	vor.u32 s22, v7;
	s22 =	smov.u32 s24;
	s24 =	smov.u32 s29  }
0x258: {  	v22 =	vmovc v47;
	v30 =	vor.u32 v0, v31;
	v37 =	vadd.f32 v37, v19;
	v45 =	vor.u32 s24, v2;
	v46 =	vld.idx.msk [tilespmem:v13+s4+$0x0], $0xffff  }
0x259: {  	v48 =	vor.u32 s25, v2;
	v47 =	vor.u32 v0, v44;
	v32 =	vadd.f32 v32, v11;
	v13 =	vmovc v15;
	v15 =	vmovc v25  }
0x25a: {  	v25 =	vadd.f32 v35, v19;
	v35 =	vor.u32 v3, v15;
	[tilespmem:v29+s14+$0x0] =	vst.idx.msk $0xffff, v37;
	v37 =	vor.u32 s26, v5  }
0x25b: {  	v49 =	vor.u32 v3, v17;
	v43 =	vld.idx.msk [tilespmem:v43+s4+$0x0], $0xffff;
	[tilespmem:v41+s14+$0x0] =	vst.idx.msk $0xffff, v32;
	v41 =	vadd.f32 v42, v11  }
0x25c: {  	s31 =	sadd.s32 $0xC, s31;
	v50 =	vor.u32 s22, v5;
	v29 =	vadd.f32 v39, v19;
	v42 =	vor.u32 v6, v18;
	v18 =	vmovc v23;
	v38 =	vld.idx.msk [tilespmem:v38+s4+$0x0], $0xffff  }
0x25d: {  	v52 =	vor.u32 s28, v3;
	s29 =	sshll.u32 s31, $0x7;
	v23 =	vmov v31;
	v34 =	vadd.f32 v34, v11;
	v51 =	vld.idx.msk [tilespmem:v30+s4+$0x0], $0xffff;
	[tilespmem:v45+s14+$0x0] =	vst.idx.msk $0xffff, v25  }
0x25e: {  	s30 =	sadd.s32 $0xFFFFFC00, s29;
	v32 =	vor.u32 v4, v17;
	v30 =	vadd.f32 v46, v9;
	v47 =	vld.idx.msk [tilespmem:v47+s4+$0x0], $0xffff;
	[tilespmem:v48+s14+$0x0] =	vst.idx.msk $0xffff, v29  }
0x25f: {  	s1 =	sadd.s32 $0xFFFFFE00, s29;
	v46 =	vor.u32 s30, v0;
	v29 =	vor.u32 s30, v6;
	v48 =	vor.u32 v4, v18;
	v53 =	vld.idx.msk [tilespmem:v35+s4+$0x0], $0xffff;
	[tilespmem:v37+s14+$0x0] =	vst.idx.msk $0xffff, v34  }
0x260: {  	v54 =	vor.u32 v1, v27;
	v55 =	vor.u32 s1, v0;
	v25 =	vmov v44;
	v39 =	vld.idx.msk [tilespmem:v49+s4+$0x0], $0xffff;
	[tilespmem:v28+s14+$0x0] =	vst.idx.msk $0xffff, v30  }
.Ltmp3:
0x261: {  	v34 =	vor.u32 s25, v3;
	v31 =	vadd.f32 v43, v16;
	v28 =	vor.u32 s23, v7;
	v37 =	vld.idx.msk [tilespmem:v42+s4+$0x0], $0xffff;
	[tilespmem:v50+s14+$0x0] =	vst.idx.msk $0xffff, v41;
	(pc) =	sbr.rel @p1 .LBB2_9-.Ltmp3, $4  }
0x262: {  	v44 =	vor.u32 v1, v23;
	v45 =	vor.u32 s29, v0;
	v38 =	vadd.f32 v38, v21;
	v30 =	vmovc v33;
	v35 =	vld.idx.msk [tilespmem:v40+s4+$0x0], $0xffff  }
0x263: {  	v33 =	vor.u32 v1, v25;
	v41 =	vadd.f32 v51, v21;
	[tilespmem:v52+s14+$0x0] =	vst.idx.msk $0xffff, v31;
	v31 =	vld.idx.msk [tilespmem:v36+s4+$0x0], $0xffff  }
0x264: {  	v40 =	vor.u32 s24, v3;
	[tilespmem:v46+s14+$0x0] =	vst.idx.msk $0xffff, v38;
	v46 =	vadd.f32 v47, v21;
	v36 =	vld.idx.msk [tilespmem:v48+s4+$0x0], $0xffff;
	v38 =	vor.u32 s23, v6;
	s23 =	smov.u32 s28;
	s28 =	smov.u32 s1  }
0x265: {  	v42 =	vadd.f32 v53, v16;
	v43 =	vld.idx.msk [tilespmem:v54+s4+$0x0], $0xffff;
	[tilespmem:v55+s14+$0x0] =	vst.idx.msk $0xffff, v41;
	v41 =	vor.u32 v4, v15  }
0x266: {  	_ =	sdelay $0x3  }
0x267: {  	v21 =	vld.idx.msk [tilespmem:v44+s4+$0x0], $0xffff;
	[tilespmem:v45+s14+$0x0] =	vst.idx.msk $0xffff, v46  }
0x268: {  	v60 =	vor.u32 s30, v1;
	v33 =	vld.idx.msk [tilespmem:v33+s4+$0x0], $0xffff  }
0x269: {  	v61 =	vor.u32 s28, v1;
	v62 =	vor.u32 v2, v27  }
0x26a: {  	v47 =	vor.u32 s29, v1;
	v48 =	vor.u32 v2, v23  }
0x26b: {  	v49 =	vor.u32 v2, v25;
	v43 =	vadd.f32 v43, v20  }
0x26c: {  	v21 =	vadd.f32 v21, v20  }
0x26d: {  	v20 =	vadd.f32 v33, v20;
	[tilespmem:v60+s14+$0x0] =	vst.idx.msk $0xffff, v43  }
0x26e: {  	[tilespmem:v61+s14+$0x0] =	vst.idx.msk $0xffff, v21;
	v21 =	vld.idx.msk [tilespmem:v62+s4+$0x0], $0xffff  }
0x26f: {  	v63 =	vld.idx.msk [tilespmem:v48+s4+$0x0], $0xffff;
	[tilespmem:v47+s14+$0x0] =	vst.idx.msk $0xffff, v20  }
0x270: {  	v52 =	vor.u32 s30, v2;
	v20 =	vld.idx.msk [tilespmem:v49+s4+$0x0], $0xffff  }
0x271: {  	v53 =	vor.u32 s28, v2;
	v54 =	vor.u32 v3, v27  }
0x272: {  	v55 =	vor.u32 v3, v23;
	v56 =	vor.u32 s29, v2  }
0x273: {  	v57 =	vor.u32 v3, v25;
	v21 =	vadd.f32 v21, v19  }
0x274: {  	v33 =	vadd.f32 v63, v19  }
0x275: {  	v19 =	vadd.f32 v20, v19;
	[tilespmem:v52+s14+$0x0] =	vst.idx.msk $0xffff, v21  }
0x276: {  	[tilespmem:v53+s14+$0x0] =	vst.idx.msk $0xffff, v33;
	v20 =	vld.idx.msk [tilespmem:v54+s4+$0x0], $0xffff  }
0x277: {  	v21 =	vld.idx.msk [tilespmem:v55+s4+$0x0], $0xffff;
	[tilespmem:v56+s14+$0x0] =	vst.idx.msk $0xffff, v19  }
0x278: {  	v59 =	vor.u32 s30, v3;
	v37 =	vadd.f32 v37, v10;
	v19 =	vadd.f32 v39, v16;
	v58 =	vld.idx.msk [tilespmem:v57+s4+$0x0], $0xffff  }
0x279: {  	v50 =	vor.u32 v5, v18;
	[tilespmem:v40+s14+$0x0] =	vst.idx.msk $0xffff, v42;
	v60 =	vor.u32 s28, v3;
	v61 =	vor.u32 v4, v27  }
0x27a: {  	v35 =	vadd.f32 v35, v10;
	v62 =	vor.u32 s29, v3;
	[tilespmem:v34+s14+$0x0] =	vst.idx.msk $0xffff, v19;
	v19 =	vor.u32 v4, v23  }
0x27b: {  	[tilespmem:v38+s14+$0x0] =	vst.idx.msk $0xffff, v37;
	v63 =	vor.u32 v4, v25;
	v32 =	vld.idx.msk [tilespmem:v32+s4+$0x0], $0xffff;
	v20 =	vadd.f32 v20, v16  }
0x27c: {  	v12 =	vor.u32 v7, v12;
	[tilespmem:v30+s14+$0x0] =	vst.idx.msk $0xffff, v35;
	v21 =	vadd.f32 v21, v16  }
0x27d: {  	v47 =	vld.idx.msk [tilespmem:v41+s4+$0x0], $0xffff;
	v48 =	vor.u32 s25, v4;
	v16 =	vadd.f32 v58, v16;
	[tilespmem:v59+s14+$0x0] =	vst.idx.msk $0xffff, v20  }
0x27e: {  	v46 =	vor.u32 s23, v4;
	v51 =	vor.u32 s24, v4;
	v49 =	vor.u32 v5, v17;
	[tilespmem:v60+s14+$0x0] =	vst.idx.msk $0xffff, v21;
	v21 =	vld.idx.msk [tilespmem:v61+s4+$0x0], $0xffff  }
0x27f: {  	v18 =	vor.u32 v6, v18;
	v44 =	vor.u32 v6, v25;
	v19 =	vld.idx.msk [tilespmem:v19+s4+$0x0], $0xffff;
	[tilespmem:v62+s14+$0x0] =	vst.idx.msk $0xffff, v16  }
0x280: {  	v52 =	vor.u32 s30, v4;
	v16 =	vor.u32 v5, v15;
	v32 =	vadd.f32 v32, v14;
	v34 =	vld.idx.msk [tilespmem:v63+s4+$0x0], $0xffff  }
0x281: {  	v30 =	vor.u32 s28, v4;
	v12 =	vld.idx.msk [tilespmem:v12+s4+$0x0], $0xffff;
	v53 =	vor.u32 v5, v27;
	v20 =	vadd.f32 v36, v14  }
0x282: {  	v38 =	vadd.f32 v47, v14;
	v54 =	vor.u32 v5, v23;
	v55 =	vor.u32 s29, v4;
	[tilespmem:v48+s14+$0x0] =	vst.idx.msk $0xffff, v32  }
0x283: {  	v56 =	vor.u32 v5, v25;
	[tilespmem:v46+s14+$0x0] =	vst.idx.msk $0xffff, v20;
	v20 =	vld.idx.msk [tilespmem:v49+s4+$0x0], $0xffff;
	v21 =	vadd.f32 v21, v14  }
0x284: {  	v13 =	vor.u32 v7, v13;
	[tilespmem:v51+s14+$0x0] =	vst.idx.msk $0xffff, v38;
	v36 =	vld.idx.msk [tilespmem:v50+s4+$0x0], $0xffff;
	v19 =	vadd.f32 v19, v14  }
0x285: {  	v57 =	vor.u32 s25, v5;
	v16 =	vld.idx.msk [tilespmem:v16+s4+$0x0], $0xffff;
	v14 =	vadd.f32 v34, v14;
	[tilespmem:v52+s14+$0x0] =	vst.idx.msk $0xffff, v21  }
0x286: {  	v58 =	vor.u32 v6, v17;
	v59 =	vor.u32 s23, v5;
	[tilespmem:v30+s14+$0x0] =	vst.idx.msk $0xffff, v19;
	v19 =	vld.idx.msk [tilespmem:v53+s4+$0x0], $0xffff  }
0x287: {  	v43 =	vor.u32 v7, v23;
	v60 =	vor.u32 s24, v5;
	v32 =	vld.idx.msk [tilespmem:v54+s4+$0x0], $0xffff;
	[tilespmem:v55+s14+$0x0] =	vst.idx.msk $0xffff, v14  }
0x288: {  	v61 =	vor.u32 s30, v5;
	v14 =	vor.u32 v6, v15;
	v20 =	vadd.f32 v20, v11;
	v33 =	vld.idx.msk [tilespmem:v56+s4+$0x0], $0xffff  }
0x289: {  	v24 =	vld.idx.msk [tilespmem:v24+s4+$0x0], $0xffff;
	v62 =	vor.u32 v6, v27;
	v63 =	vor.u32 s28, v5;
	v36 =	vadd.f32 v36, v11  }
0x28a: {  	v16 =	vadd.f32 v16, v11;
	[tilespmem:v57+s14+$0x0] =	vst.idx.msk $0xffff, v20;
	v20 =	vor.u32 v6, v23;
	v23 =	vor.u32 s29, v5  }
0x28b: {  	v21 =	vor.u32 s26, v7;
	[tilespmem:v59+s14+$0x0] =	vst.idx.msk $0xffff, v36;
	v34 =	vld.idx.msk [tilespmem:v58+s4+$0x0], $0xffff;
	v19 =	vadd.f32 v19, v11  }
0x28c: {  	v30 =	vor.u32 s22, v6;
	v18 =	vld.idx.msk [tilespmem:v18+s4+$0x0], $0xffff;
	[tilespmem:v60+s14+$0x0] =	vst.idx.msk $0xffff, v16;
	v16 =	vadd.f32 v32, v11  }
0x28d: {  	v12 =	vadd.f32 v12, v9;
	v14 =	vld.idx.msk [tilespmem:v14+s4+$0x0], $0xffff;
	v11 =	vadd.f32 v33, v11;
	[tilespmem:v61+s14+$0x0] =	vst.idx.msk $0xffff, v19  }
0x28e: {  	v17 =	vor.u32 v7, v17;
	v19 =	vor.u32 s23, v6;
	[tilespmem:v63+s14+$0x0] =	vst.idx.msk $0xffff, v16;
	v16 =	vld.idx.msk [tilespmem:v62+s4+$0x0], $0xffff  }
0x28f: {  	v45 =	vor.u32 s24, v6;
	v31 =	vadd.f32 v31, v10;
	v20 =	vld.idx.msk [tilespmem:v20+s4+$0x0], $0xffff;
	[tilespmem:v23+s14+$0x0] =	vst.idx.msk $0xffff, v11  }
0x290: {  	v15 =	vor.u32 v7, v15;
	[tilespmem:v21+s14+$0x0] =	vst.idx.msk $0xffff, v12;
	v11 =	vadd.f32 v34, v10;
	v23 =	vld.idx.msk [tilespmem:v44+s4+$0x0], $0xffff  }
0x291: {  	v21 =	vor.u32 v7, v27;
	[tilespmem:v30+s14+$0x0] =	vst.idx.msk $0xffff, v31;
	v12 =	vadd.f32 v18, v10;
	v18 =	vor.u32 s28, v6  }
0x292: {  	v13 =	vld.idx.msk [tilespmem:v13+s4+$0x0], $0xffff;
	v14 =	vadd.f32 v14, v10;
	[tilespmem:v26+s14+$0x0] =	vst.idx.msk $0xffff, v11;
	v11 =	vor.u32 s29, v6  }
0x293: {  	[tilespmem:v19+s14+$0x0] =	vst.idx.msk $0xffff, v12;
	v12 =	vld.idx.msk [tilespmem:v17+s4+$0x0], $0xffff;
	v17 =	vor.u32 v7, v25;
	v16 =	vadd.f32 v16, v10  }
0x294: {  	v19 =	vor.u32 s22, v7;
	v22 =	vld.idx.msk [tilespmem:v22+s4+$0x0], $0xffff;
	[tilespmem:v45+s14+$0x0] =	vst.idx.msk $0xffff, v14;
	v14 =	vadd.f32 v20, v10  }
0x295: {  	v20 =	vor.u32 s25, v7;
	v15 =	vld.idx.msk [tilespmem:v15+s4+$0x0], $0xffff;
	v10 =	vadd.f32 v23, v10;
	[tilespmem:v29+s14+$0x0] =	vst.idx.msk $0xffff, v16  }
0x296: {  	v16 =	vadd.f32 v24, v9;
	v23 =	vor.u32 s23, v7;
	[tilespmem:v18+s14+$0x0] =	vst.idx.msk $0xffff, v14;
	v14 =	vld.idx.msk [tilespmem:v21+s4+$0x0], $0xffff  }
0x297: {  	v13 =	vadd.f32 v13, v9;
	v18 =	vor.u32 s24, v7;
	v21 =	vld.idx.msk [tilespmem:v43+s4+$0x0], $0xffff;
	[tilespmem:v11+s14+$0x0] =	vst.idx.msk $0xffff, v10  }
0x298: {  	[tilespmem:v28+s14+$0x0] =	vst.idx.msk $0xffff, v16;
	v10 =	vadd.f32 v12, v9;
	v11 =	vor.u32 s30, v7;
	v12 =	vld.idx.msk [tilespmem:v17+s4+$0x0], $0xffff  }
0x299: {  	[tilespmem:v19+s14+$0x0] =	vst.idx.msk $0xffff, v13;
	v16 =	vor.u32 s28, v7;
	v13 =	vadd.f32 v22, v9  }
0x29a: {  	[tilespmem:v20+s14+$0x0] =	vst.idx.msk $0xffff, v10;
	v10 =	vadd.f32 v15, v9;
	v15 =	vor.u32 s29, v7  }
0x29b: {  	[tilespmem:v23+s14+$0x0] =	vst.idx.msk $0xffff, v13;
	v13 =	vadd.f32 v14, v9  }
0x29c: {  	[tilespmem:v18+s14+$0x0] =	vst.idx.msk $0xffff, v10;
	v10 =	vadd.f32 v21, v9  }
0x29d: {  	s0 =	sshll.u32 s20, $0x7;
	s7 =	sadd.s32 $0xFFFFFFFD, s19;
	[tilespmem:v11+s14+$0x0] =	vst.idx.msk $0xffff, v13;
	v9 =	vadd.f32 v12, v9  }
0x29e: {  	s2 =	sadd.s32 $0x204, s7;
	s22 =	sadd.s32 s5, s0;
	s23 =	sor.u32 $0x200, s21;
	[tilespmem:v16+s14+$0x0] =	vst.idx.msk $0xffff, v10  }
0x29f: {  	s1 =	sadd.s32 s3, s22;
	s24 =	sadd.s32 $0x203, s7;
	v10 =	vmov s23;
	[tilespmem:v15+s14+$0x0] =	vst.idx.msk $0xffff, v9;
	v9 =	vmov s2;
	s2 =	simm.s32 @!p0 $0x2  }
0x2a0: {  	v11 =	vmov s24;
	v10 =	vshrl.u32 v10, $0x7;
	[hbm4b:s1+s15] =	stream.strided.scatter [tilespmem:s14], [sflag:$0x1], $0xA200, s16, s15, $0x38;
	[tilespmem:$0x1F400] =	vst v63  }
0x2a1: {  	s0 =	sadd.s32 $0x205, s7;
	v10 =	vshll.u32 v10, v8;
	_ =	swait.ge @!p0 [sflag:s2], $0xA200  }
0x2a2: {  	v12 =	vmov s0;
	v10 =	vbroadcast v10, $0x0;
	[sflag:s2] =	ssyncset.done @!p0 $0x0  }
0x2a3: {  	[sflag:s2] =	ssyncadd.s32 @!p0 $0xFFFF5E00  }
0x2a4: {  	v13 =	vor.u32 v0, v10;
	v9 =	vld.idx.msk [tilespmem:v9+s10+$0x0], $0xffff  }
0x2a5: {  	v14 =	vor.u32 v1, v10;
	v11 =	vld.idx.msk [tilespmem:v11+s10+$0x0], $0xffff  }
0x2a6: {  	v15 =	vor.u32 v2, v10  }
0x2a7: {  	v18 =	vor.u32 v4, v10;
	v16 =	vld.idx.msk [tilespmem:v12+s10+$0x0], $0xffff  }
0x2a8: {  	v17 =	vor.u32 v3, v10  }
0x2a9: {  	v23 =	vor.u32 v6, v10;
	v21 =	vld.idx.msk [tilespmem:v13+s11+$0x0], $0xffff;
	v26 =	vshll.u32 v9, $0x7  }
0x2aa: {  	v20 =	vld.idx.msk [tilespmem:v14+s11+$0x0], $0xffff;
	v12 =	vshll.u32 v11, $0x7;
	v9 =	vor.u32 v0, v26  }
0x2ab: {  	v19 =	vld.idx.msk [tilespmem:v15+s11+$0x0], $0xffff;
	v15 =	vor.u32 v0, v12  }
0x2ac: {  	v22 =	vor.u32 v5, v10;
	v14 =	vld.idx.msk [tilespmem:v18+s11+$0x0], $0xffff;
	v13 =	vshll.u32 v16, $0x7  }
0x2ad: {  	v16 =	vld.idx.msk [tilespmem:v17+s11+$0x0], $0xffff;
	v17 =	vor.u32 v0, v13  }
0x2ae: {  	v18 =	vor.u32 v7, v10;
	v10 =	vld.idx.msk [tilespmem:v23+s11+$0x0], $0xffff  }
0x2af: {  	v9 =	vld.idx.msk [tilespmem:v9+s4+$0x0], $0xffff  }
0x2b0: {  	s0 =	simm.s32 $0x200;
	v15 =	vld.idx.msk [tilespmem:v15+s4+$0x0], $0xffff  }
0x2b1: {  	s28 =	simm.s32 $0x0;
	v11 =	vld.idx.msk [tilespmem:v22+s11+$0x0], $0xffff;
	v22 =	vor.u32 s0, v0  }
0x2b2: {  	v23 =	vor.u32 s28, v0;
	v17 =	vld.idx.msk [tilespmem:v17+s4+$0x0], $0xffff  }
0x2b3: {  	s23 =	simm.s32 $0x400;
	v24 =	vor.u32 v1, v26  }
0x2b4: {  	v27 =	vor.u32 s23, v0;
	v25 =	vadd.f32 v9, v21  }
0x2b5: {  	s25 =	sadd.s32 $0x0, s19;
	v28 =	vor.u32 v1, v13;
	v15 =	vadd.f32 v15, v21  }
0x2b6: {  	s1 =	sadd.s32 $0x205, s25;
	v9 =	vld.idx.msk [tilespmem:v18+s11+$0x0], $0xffff;
	v18 =	vor.u32 v1, v12;
	[tilespmem:v22+s17+$0x0] =	vst.idx.msk $0xffff, v25  }
0x2b7: {  	v17 =	vadd.f32 v17, v21;
	[tilespmem:v23+s17+$0x0] =	vst.idx.msk $0xffff, v15;
	v15 =	vmov s1  }
0x2b8: {  	s6 =	sadd.s32 $0x204, s25;
	v22 =	vld.idx.msk [tilespmem:v24+s4+$0x0], $0xffff  }
0x2b9: {  	s26 =	sadd.s32 $0x203, s25;
	v25 =	vmov s6;
	[tilespmem:v27+s17+$0x0] =	vst.idx.msk $0xffff, v17  }
0x2ba: {  	v23 =	vor.u32 s0, v1;
	v24 =	vmov s26;
	v27 =	vld.idx.msk [tilespmem:v28+s4+$0x0], $0xffff  }
0x2bb: {  	v17 =	vor.u32 v2, v26;
	v18 =	vld.idx.msk [tilespmem:v18+s4+$0x0], $0xffff  }
0x2bc: {  	v15 =	vld.idx.msk [tilespmem:v15+s10+$0x0], $0xffff  }
0x2bd: {  	v29 =	vor.u32 s23, v1;
	v22 =	vadd.f32 v22, v20  }
0x2be: {  	v28 =	vor.u32 s28, v1;
	v25 =	vld.idx.msk [tilespmem:v25+s10+$0x0], $0xffff  }
0x2bf: {  	v30 =	vor.u32 v2, v12;
	v24 =	vld.idx.msk [tilespmem:v24+s10+$0x0], $0xffff;
	[tilespmem:v23+s17+$0x0] =	vst.idx.msk $0xffff, v22  }
0x2c0: {  	v27 =	vadd.f32 v27, v20;
	v22 =	vor.u32 v2, v13;
	v23 =	vld.idx.msk [tilespmem:v17+s4+$0x0], $0xffff  }
0x2c1: {  	v17 =	vadd.f32 v18, v20;
	v15 =	vshll.u32 v15, $0x7  }
0x2c2: {  	v31 =	vor.u32 s0, v2;
	[tilespmem:v29+s17+$0x0] =	vst.idx.msk $0xffff, v27;
	v29 =	vor.u32 v0, v15  }
0x2c3: {  	v18 =	vshll.u32 v25, $0x7;
	v25 =	vor.u32 v3, v26;
	[tilespmem:v28+s17+$0x0] =	vst.idx.msk $0xffff, v17  }
0x2c4: {  	v17 =	vshll.u32 v24, $0x7;
	v27 =	vor.u32 v0, v18;
	v24 =	vld.idx.msk [tilespmem:v30+s4+$0x0], $0xffff  }
0x2c5: {  	v28 =	vor.u32 v0, v17;
	v22 =	vld.idx.msk [tilespmem:v22+s4+$0x0], $0xffff;
	v23 =	vadd.f32 v23, v19  }
0x2c6: {  	v30 =	vor.u32 s28, v2  }
0x2c7: {  	v46 =	vor.u32 s23, v2;
	[tilespmem:v31+s17+$0x0] =	vst.idx.msk $0xffff, v23;
	v23 =	vor.u32 v3, v12;
	v29 =	vld.idx.msk [tilespmem:v29+s4+$0x0], $0xffff  }
0x2c8: {  	s25 =	simm.s32 $0xA00;
	v25 =	vld.idx.msk [tilespmem:v25+s4+$0x0], $0xffff  }
0x2c9: {  	v50 =	vor.u32 s25, v0;
	v31 =	vor.u32 v3, v13;
	v27 =	vld.idx.msk [tilespmem:v27+s4+$0x0], $0xffff;
	v24 =	vadd.f32 v24, v19  }
0x2ca: {  	s24 =	simm.s32 $0x800;
	v47 =	vor.u32 s0, v3;
	v28 =	vld.idx.msk [tilespmem:v28+s4+$0x0], $0xffff;
	v22 =	vadd.f32 v22, v19  }
0x2cb: {  	s26 =	simm.s32 $0x600;
	v48 =	vor.u32 v1, v18;
	v52 =	vor.u32 v1, v15;
	[tilespmem:v30+s17+$0x0] =	vst.idx.msk $0xffff, v24;
	v30 =	vor.u32 s24, v0  }
0x2cc: {  	[tilespmem:v46+s17+$0x0] =	vst.idx.msk $0xffff, v22;
	v22 =	vor.u32 s26, v0;
	v23 =	vld.idx.msk [tilespmem:v23+s4+$0x0], $0xffff;
	v29 =	vadd.f32 v29, v21  }
0x2cd: {  	v51 =	vor.u32 s28, v3;
	v24 =	vor.u32 v4, v26;
	v25 =	vadd.f32 v25, v16  }
0x2ce: {  	s1 =	sadd.s32 $0x3, s19;
	v49 =	vor.u32 v1, v17;
	v31 =	vld.idx.msk [tilespmem:v31+s4+$0x0], $0xffff;
	v27 =	vadd.f32 v27, v21;
	[tilespmem:v50+s17+$0x0] =	vst.idx.msk $0xffff, v29  }
0x2cf: {  	v53 =	vor.u32 v4, v12;
	s6 =	sadd.s32 $0x203, s1;
	v28 =	vadd.f32 v28, v21;
	[tilespmem:v47+s17+$0x0] =	vst.idx.msk $0xffff, v25  }
0x2d0: {  	v25 =	vor.u32 s23, v3;
	[tilespmem:v30+s17+$0x0] =	vst.idx.msk $0xffff, v27;
	v30 =	vmov s6;
	v55 =	vld.idx.msk [tilespmem:v52+s4+$0x0], $0xffff  }
0x2d1: {  	v27 =	vor.u32 v4, v13;
	[tilespmem:v22+s17+$0x0] =	vst.idx.msk $0xffff, v28;
	v28 =	vld.idx.msk [tilespmem:v48+s4+$0x0], $0xffff;
	v23 =	vadd.f32 v23, v16  }
0x2d2: {  	v60 =	vor.u32 s28, v4;
	v56 =	vor.u32 s24, v1;
	s7 =	sadd.s32 $0x204, s1;
	v33 =	vld.idx.msk [tilespmem:v24+s4+$0x0], $0xffff  }
0x2d3: {  	v57 =	vor.u32 s0, v4;
	s1 =	sadd.s32 $0x205, s1;
	v29 =	vmov s7;
	v54 =	vld.idx.msk [tilespmem:v49+s4+$0x0], $0xffff;
	v31 =	vadd.f32 v31, v16;
	[tilespmem:v51+s17+$0x0] =	vst.idx.msk $0xffff, v23  }
0x2d4: {  	v59 =	vor.u32 v5, v26;
	v36 =	vor.u32 v6, v13;
	v23 =	vmov s1;
	v58 =	vld.idx.msk [tilespmem:v53+s4+$0x0], $0xffff  }
0x2d5: {  	v62 =	vor.u32 s23, v4;
	[tilespmem:v25+s17+$0x0] =	vst.idx.msk $0xffff, v31;
	v25 =	vor.u32 v2, v18;
	v31 =	vor.u32 s25, v1;
	v30 =	vld.idx.msk [tilespmem:v30+s10+$0x0], $0xffff  }
0x2d6: {  	v63 =	vor.u32 s26, v1;
	v61 =	vor.u32 v2, v15;
	v27 =	vld.idx.msk [tilespmem:v27+s4+$0x0], $0xffff;
	v28 =	vadd.f32 v28, v20  }
0x2d7: {  	v24 =	vor.u32 v7, v26;
	v22 =	vor.u32 v7, v18;
	v33 =	vadd.f32 v33, v14  }
0x2d8: {  	v49 =	vor.u32 v2, v17;
	v29 =	vld.idx.msk [tilespmem:v29+s10+$0x0], $0xffff;
	v34 =	vadd.f32 v55, v20;
	[tilespmem:v56+s17+$0x0] =	vst.idx.msk $0xffff, v28  }
0x2d9: {  	v32 =	vadd.f32 v54, v20;
	[tilespmem:v57+s17+$0x0] =	vst.idx.msk $0xffff, v33;
	v28 =	vor.u32 v5, v13;
	v48 =	vld.idx.msk [tilespmem:v23+s10+$0x0], $0xffff  }
0x2da: {  	v23 =	vadd.f32 v58, v14;
	v50 =	vld.idx.msk [tilespmem:v25+s4+$0x0], $0xffff;
	[tilespmem:v31+s17+$0x0] =	vst.idx.msk $0xffff, v34;
	v31 =	vor.u32 v5, v12  }
0x2db: {  	v51 =	vld.idx.msk [tilespmem:v59+s4+$0x0], $0xffff;
	[tilespmem:v63+s17+$0x0] =	vst.idx.msk $0xffff, v32;
	v25 =	vadd.f32 v27, v14;
	v27 =	vshll.u32 v30, $0x7  }
0x2dc: {  	v52 =	vor.u32 s25, v2;
	v56 =	vor.u32 s24, v2;
	v55 =	vld.idx.msk [tilespmem:v61+s4+$0x0], $0xffff;
	[tilespmem:v60+s17+$0x0] =	vst.idx.msk $0xffff, v23;
	v59 =	vor.u32 v0, v27  }
0x2dd: {  	v54 =	vor.u32 s26, v2;
	v58 =	vor.u32 v3, v18;
	v23 =	vshll.u32 v29, $0x7;
	v29 =	vld.idx.msk [tilespmem:v49+s4+$0x0], $0xffff;
	[tilespmem:v62+s17+$0x0] =	vst.idx.msk $0xffff, v25  }
0x2de: {  	v57 =	vor.u32 s0, v5;
	v60 =	vor.u32 v0, v23;
	v25 =	vshll.u32 v48, $0x7;
	v28 =	vld.idx.msk [tilespmem:v28+s4+$0x0], $0xffff  }
0x2df: {  	v32 =	vor.u32 v4, v17;
	v30 =	vadd.f32 v50, v19;
	v31 =	vld.idx.msk [tilespmem:v31+s4+$0x0], $0xffff;
	v53 =	vor.u32 v0, v25  }
0x2e0: {  	v61 =	vor.u32 s28, v5;
	v62 =	vor.u32 v3, v17;
	v34 =	vadd.f32 v51, v11  }
0x2e1: {  	v35 =	vadd.f32 v55, v19;
	v55 =	vor.u32 v3, v15;
	[tilespmem:v56+s17+$0x0] =	vst.idx.msk $0xffff, v30;
	v63 =	vld.idx.msk [tilespmem:v59+s4+$0x0], $0xffff  }
0x2e2: {  	v44 =	vor.u32 v1, v23;
	v29 =	vadd.f32 v29, v19;
	v56 =	vor.u32 v6, v26;
	v38 =	vld.idx.msk [tilespmem:v58+s4+$0x0], $0xffff  }
0x2e3: {  	v50 =	vor.u32 s24, v3;
	[tilespmem:v57+s17+$0x0] =	vst.idx.msk $0xffff, v34;
	v57 =	vor.u32 s23, v5;
	v58 =	vor.u32 v6, v12;
	v40 =	vld.idx.msk [tilespmem:v60+s4+$0x0], $0xffff  }
0x2e4: {  	s31 =	simm.s32 $0xC00;
	v59 =	vadd.f32 v28, v11;
	[tilespmem:v54+s17+$0x0] =	vst.idx.msk $0xffff, v29;
	v28 =	vadd.f32 v31, v11;
	v41 =	vld.idx.msk [tilespmem:v53+s4+$0x0], $0xffff  }
0x2e5: {  	s30 =	simm.s32 $0x1000;
	s29 =	simm.s32 $0xE00;
	v51 =	vor.u32 v4, v18;
	[tilespmem:v52+s17+$0x0] =	vst.idx.msk $0xffff, v35;
	v60 =	vor.u32 s31, v0;
	v39 =	vld.idx.msk [tilespmem:v62+s4+$0x0], $0xffff  }
0x2e6: {  	v45 =	vor.u32 s30, v0;
	v53 =	vor.u32 s29, v0;
	v52 =	vld.idx.msk [tilespmem:v55+s4+$0x0], $0xffff;
	[tilespmem:v61+s17+$0x0] =	vst.idx.msk $0xffff, v28;
	v61 =	vor.u32 v1, v27  }
0x2e7: {  	v33 =	vor.u32 v1, v25;
	v34 =	vor.u32 s26, v3;
	v37 =	vld.idx.msk [tilespmem:v56+s4+$0x0], $0xffff;
	v31 =	vadd.f32 v38, v16  }
0x2e8: {  	v30 =	vor.u32 s28, v6;
	v26 =	vor.u32 s26, v6;
	[tilespmem:v57+s17+$0x0] =	vst.idx.msk $0xffff, v59;
	v62 =	vadd.f32 v63, v21;
	v35 =	vld.idx.msk [tilespmem:v58+s4+$0x0], $0xffff  }
0x2e9: {  	v29 =	vor.u32 s31, v6;
	v28 =	vor.u32 s0, v7;
	v63 =	vadd.f32 v40, v21;
	[tilespmem:v50+s17+$0x0] =	vst.idx.msk $0xffff, v31;
	v31 =	vld.idx.msk [tilespmem:v36+s4+$0x0], $0xffff  }
0x2ea: {  	v40 =	vor.u32 s25, v3;
	v38 =	vor.u32 s0, v6;
	[tilespmem:v60+s17+$0x0] =	vst.idx.msk $0xffff, v62;
	v46 =	vadd.f32 v41, v21;
	v36 =	vld.idx.msk [tilespmem:v51+s4+$0x0], $0xffff  }
0x2eb: {  	s1 =	simm.s32 $0x20;
	s0 =	simm.s32 $0x6;
	[tilespmem:v53+s17+$0x0] =	vst.idx.msk $0xffff, v63;
	v41 =	vor.u32 v4, v15;
	v42 =	vadd.f32 v52, v16;
	v43 =	vld.idx.msk [tilespmem:v61+s4+$0x0], $0xffff  }
.LBB2_11:
0x2ec: {  	v47 =	vor.u32 v7, v23  }
0x2ed: {  	s2 =	sadd.s32 s0, s19;
	s0 =	sadd.s32 $0x3, s0;
	v39 =	vadd.f32 v39, v16;
	v48 =	vor.u32 v7, v12;
	v12 =	vmovc v17;
	v51 =	vor.u32 s30, v1  }
0x2ee: {  	v37 =	vadd.f32 v37, v10;
	s6 =	sadd.s32 $0x203, s2;
	s7 =	sadd.s32 $0x204, s2;
	s2 =	sadd.s32 $0x205, s2;
	v44 =	vld.idx.msk [tilespmem:v44+s4+$0x0], $0xffff;
	[tilespmem:v45+s17+$0x0] =	vst.idx.msk $0xffff, v46;
	v45 =	vor.u32 s24, v4;
	v46 =	vor.u32 s28, v7  }
0x2ef: {  	v17 =	vmovc v27;
	p0 =	slt.u32 s0, $0x4E;
	s28 =	smov.u32 s26;
	s26 =	smov.u32 s31;
	v49 =	vmov s6;
	v50 =	vld.idx.msk [tilespmem:v33+s4+$0x0], $0xffff;
	[tilespmem:v34+s17+$0x0] =	vst.idx.msk $0xffff, v39;
	v34 =	vor.u32 s23, v6;
	v33 =	vmov v26  }
0x2f0: {  	v35 =	vadd.f32 v35, v10;
	v27 =	vmov s7;
	v31 =	vadd.f32 v31, v10;
	v32 =	vld.idx.msk [tilespmem:v32+s4+$0x0], $0xffff;
	[tilespmem:v40+s17+$0x0] =	vst.idx.msk $0xffff, v42  }
0x2f1: {  	v39 =	vmov s2;
	v26 =	vmovc v29;
	v40 =	vor.u32 s29, v1;
	v36 =	vadd.f32 v36, v14;
	v41 =	vld.idx.msk [tilespmem:v41+s4+$0x0], $0xffff;
	[tilespmem:v38+s17+$0x0] =	vst.idx.msk $0xffff, v37  }
0x2f2: {  	v29 =	vadd.f32 v43, v20;
	v37 =	vor.u32 v2, v23;
	[tilespmem:v30+s17+$0x0] =	vst.idx.msk $0xffff, v35;
	v30 =	vld.idx.msk [tilespmem:v24+s4+$0x0], $0xffff  }
0x2f3: {  	v38 =	vor.u32 s25, v4;
	v35 =	vor.u32 s28, v4;
	[tilespmem:v45+s17+$0x0] =	vst.idx.msk $0xffff, v36;
	v36 =	vor.u32 v5, v18;
	v42 =	vld.idx.msk [tilespmem:v48+s4+$0x0], $0xffff  }
0x2f4: {  	v44 =	vadd.f32 v44, v20;
	v45 =	vor.u32 v2, v25;
	v43 =	vld.idx.msk [tilespmem:v49+s10+$0x0], $0xffff;
	[tilespmem:v34+s17+$0x0] =	vst.idx.msk $0xffff, v31  }
0x2f5: {  	v24 =	vmovc v22;
	v48 =	vor.u32 v5, v15;
	v34 =	vadd.f32 v50, v20;
	v31 =	vld.idx.msk [tilespmem:v27+s10+$0x0], $0xffff;
	v27 =	vor.u32 s26, v1  }
0x2f6: {  	v32 =	vadd.f32 v32, v14;
	v22 =	vld.idx.msk [tilespmem:v39+s10+$0x0], $0xffff;
	v39 =	vor.u32 v2, v17;
	[tilespmem:v40+s17+$0x0] =	vst.idx.msk $0xffff, v44  }
0x2f7: {  	v40 =	vadd.f32 v41, v14;
	v37 =	vld.idx.msk [tilespmem:v37+s4+$0x0], $0xffff;
	[tilespmem:v51+s17+$0x0] =	vst.idx.msk $0xffff, v34;
	v34 =	vor.u32 v5, v12  }
0x2f8: {  	v13 =	vor.u32 v7, v13;
	v30 =	vadd.f32 v30, v9;
	[tilespmem:v35+s17+$0x0] =	vst.idx.msk $0xffff, v32;
	v32 =	vld.idx.msk [tilespmem:v36+s4+$0x0], $0xffff  }
0x2f9: {  	v36 =	vor.u32 v6, v15;
	v35 =	vld.idx.msk [tilespmem:v45+s4+$0x0], $0xffff;
	[tilespmem:v38+s17+$0x0] =	vst.idx.msk $0xffff, v40;
	v38 =	vadd.f32 v42, v9  }
0x2fa: {  	v41 =	vor.u32 s24, v5;
	v40 =	vor.u32 v6, v12;
	[tilespmem:v27+s17+$0x0] =	vst.idx.msk $0xffff, v29;
	v29 =	vor.u32 s29, v2;
	v42 =	vld.idx.msk [tilespmem:v48+s4+$0x0], $0xffff  }
0x2fb: {  	v27 =	vshll.u32 v43, $0x7;
	v31 =	vshll.u32 v31, $0x7;
	v43 =	vor.u32 v3, v23;
	v39 =	vld.idx.msk [tilespmem:v39+s4+$0x0], $0xffff;
	[tilespmem:v46+s17+$0x0] =	vst.idx.msk $0xffff, v38  }
0x2fc: {  	v38 =	vor.u32 v0, v27;
	v44 =	vshll.u32 v22, $0x7;
	v34 =	vld.idx.msk [tilespmem:v34+s4+$0x0], $0xffff;
	[tilespmem:v28+s17+$0x0] =	vst.idx.msk $0xffff, v30;
	v28 =	vor.u32 s23, v7;
	s23 =	smov.u32 s25;
	s25 =	smov.u32 s30  }
0x2fd: {  	v22 =	vmovc v47;
	v30 =	vor.u32 v0, v31;
	v37 =	vadd.f32 v37, v19;
	v45 =	vor.u32 s25, v2;
	v46 =	vld.idx.msk [tilespmem:v13+s4+$0x0], $0xffff  }
0x2fe: {  	v48 =	vor.u32 s26, v2;
	v47 =	vor.u32 v0, v44;
	v32 =	vadd.f32 v32, v11;
	v13 =	vmovc v15;
	v15 =	vmovc v25  }
0x2ff: {  	v25 =	vadd.f32 v35, v19;
	v35 =	vor.u32 v3, v15;
	[tilespmem:v29+s17+$0x0] =	vst.idx.msk $0xffff, v37;
	v37 =	vor.u32 s28, v5  }
0x300: {  	v49 =	vor.u32 v3, v17;
	v43 =	vld.idx.msk [tilespmem:v43+s4+$0x0], $0xffff;
	[tilespmem:v41+s17+$0x0] =	vst.idx.msk $0xffff, v32;
	v41 =	vadd.f32 v42, v11  }
0x301: {  	s1 =	sadd.s32 $0xC, s1;
	v50 =	vor.u32 s23, v5;
	v29 =	vadd.f32 v39, v19;
	v42 =	vor.u32 v6, v18;
	v18 =	vmovc v23;
	v38 =	vld.idx.msk [tilespmem:v38+s4+$0x0], $0xffff  }
0x302: {  	v52 =	vor.u32 s29, v3;
	s30 =	sshll.u32 s1, $0x7;
	v23 =	vmov v31;
	v34 =	vadd.f32 v34, v11;
	v51 =	vld.idx.msk [tilespmem:v30+s4+$0x0], $0xffff;
	[tilespmem:v45+s17+$0x0] =	vst.idx.msk $0xffff, v25  }
0x303: {  	s31 =	sadd.s32 $0xFFFFFC00, s30;
	v32 =	vor.u32 v4, v17;
	v30 =	vadd.f32 v46, v9;
	v47 =	vld.idx.msk [tilespmem:v47+s4+$0x0], $0xffff;
	[tilespmem:v48+s17+$0x0] =	vst.idx.msk $0xffff, v29  }
0x304: {  	s2 =	sadd.s32 $0xFFFFFE00, s30;
	v46 =	vor.u32 s31, v0;
	v29 =	vor.u32 s31, v6;
	v48 =	vor.u32 v4, v18;
	v53 =	vld.idx.msk [tilespmem:v35+s4+$0x0], $0xffff;
	[tilespmem:v37+s17+$0x0] =	vst.idx.msk $0xffff, v34  }
0x305: {  	v54 =	vor.u32 v1, v27;
	v55 =	vor.u32 s2, v0;
	v25 =	vmov v44;
	v39 =	vld.idx.msk [tilespmem:v49+s4+$0x0], $0xffff;
	[tilespmem:v28+s17+$0x0] =	vst.idx.msk $0xffff, v30  }
.Ltmp4:
0x306: {  	v34 =	vor.u32 s26, v3;
	v31 =	vadd.f32 v43, v16;
	v28 =	vor.u32 s24, v7;
	v37 =	vld.idx.msk [tilespmem:v42+s4+$0x0], $0xffff;
	[tilespmem:v50+s17+$0x0] =	vst.idx.msk $0xffff, v41;
	(pc) =	sbr.rel @p0 .LBB2_11-.Ltmp4, $4  }
0x307: {  	v44 =	vor.u32 v1, v23;
	v45 =	vor.u32 s30, v0;
	v38 =	vadd.f32 v38, v21;
	v30 =	vmovc v33;
	v35 =	vld.idx.msk [tilespmem:v40+s4+$0x0], $0xffff  }
0x308: {  	v33 =	vor.u32 v1, v25;
	v41 =	vadd.f32 v51, v21;
	[tilespmem:v52+s17+$0x0] =	vst.idx.msk $0xffff, v31;
	v31 =	vld.idx.msk [tilespmem:v36+s4+$0x0], $0xffff  }
0x309: {  	v40 =	vor.u32 s25, v3;
	[tilespmem:v46+s17+$0x0] =	vst.idx.msk $0xffff, v38;
	v46 =	vadd.f32 v47, v21;
	v36 =	vld.idx.msk [tilespmem:v48+s4+$0x0], $0xffff;
	v38 =	vor.u32 s24, v6;
	s24 =	smov.u32 s29;
	s29 =	smov.u32 s2  }
0x30a: {  	v42 =	vadd.f32 v53, v16;
	v43 =	vld.idx.msk [tilespmem:v54+s4+$0x0], $0xffff;
	[tilespmem:v55+s17+$0x0] =	vst.idx.msk $0xffff, v41;
	v41 =	vor.u32 v4, v15  }
0x30b: {  	_ =	sdelay $0x3  }
0x30c: {  	v21 =	vld.idx.msk [tilespmem:v44+s4+$0x0], $0xffff;
	[tilespmem:v45+s17+$0x0] =	vst.idx.msk $0xffff, v46  }
0x30d: {  	v62 =	vor.u32 s31, v1;
	v33 =	vld.idx.msk [tilespmem:v33+s4+$0x0], $0xffff  }
0x30e: {  	v63 =	vor.u32 s29, v1;
	v52 =	vor.u32 v2, v27  }
0x30f: {  	v47 =	vor.u32 s30, v1;
	v48 =	vor.u32 v2, v23  }
0x310: {  	v49 =	vor.u32 v2, v25;
	v43 =	vadd.f32 v43, v20  }
0x311: {  	v21 =	vadd.f32 v21, v20  }
0x312: {  	v20 =	vadd.f32 v33, v20;
	[tilespmem:v62+s17+$0x0] =	vst.idx.msk $0xffff, v43  }
0x313: {  	[tilespmem:v63+s17+$0x0] =	vst.idx.msk $0xffff, v21;
	v21 =	vld.idx.msk [tilespmem:v52+s4+$0x0], $0xffff  }
0x314: {  	v53 =	vld.idx.msk [tilespmem:v48+s4+$0x0], $0xffff;
	[tilespmem:v47+s17+$0x0] =	vst.idx.msk $0xffff, v20  }
0x315: {  	v54 =	vor.u32 s31, v2;
	v20 =	vld.idx.msk [tilespmem:v49+s4+$0x0], $0xffff  }
0x316: {  	v55 =	vor.u32 s29, v2;
	v56 =	vor.u32 v3, v27  }
0x317: {  	v57 =	vor.u32 v3, v23;
	v58 =	vor.u32 s30, v2  }
0x318: {  	v59 =	vor.u32 v3, v25;
	v21 =	vadd.f32 v21, v19  }
0x319: {  	v33 =	vadd.f32 v53, v19  }
0x31a: {  	v19 =	vadd.f32 v20, v19;
	[tilespmem:v54+s17+$0x0] =	vst.idx.msk $0xffff, v21  }
0x31b: {  	[tilespmem:v55+s17+$0x0] =	vst.idx.msk $0xffff, v33;
	v20 =	vld.idx.msk [tilespmem:v56+s4+$0x0], $0xffff  }
0x31c: {  	v21 =	vld.idx.msk [tilespmem:v57+s4+$0x0], $0xffff;
	[tilespmem:v58+s17+$0x0] =	vst.idx.msk $0xffff, v19  }
0x31d: {  	v61 =	vor.u32 s31, v3;
	v19 =	vadd.f32 v39, v16;
	v60 =	vld.idx.msk [tilespmem:v59+s4+$0x0], $0xffff  }
0x31e: {  	v37 =	vadd.f32 v37, v10;
	[tilespmem:v40+s17+$0x0] =	vst.idx.msk $0xffff, v42;
	v62 =	vor.u32 s29, v3;
	v63 =	vor.u32 v4, v27  }
0x31f: {  	v35 =	vadd.f32 v35, v10;
	v47 =	vor.u32 s30, v3;
	[tilespmem:v34+s17+$0x0] =	vst.idx.msk $0xffff, v19;
	v19 =	vor.u32 v4, v23  }
0x320: {  	[tilespmem:v38+s17+$0x0] =	vst.idx.msk $0xffff, v37;
	v48 =	vor.u32 v4, v25;
	v32 =	vld.idx.msk [tilespmem:v32+s4+$0x0], $0xffff;
	v20 =	vadd.f32 v20, v16  }
0x321: {  	v12 =	vor.u32 v7, v12;
	[tilespmem:v30+s17+$0x0] =	vst.idx.msk $0xffff, v35;
	v21 =	vadd.f32 v21, v16  }
0x322: {  	v51 =	vor.u32 s26, v4;
	v50 =	vld.idx.msk [tilespmem:v41+s4+$0x0], $0xffff;
	v16 =	vadd.f32 v60, v16;
	[tilespmem:v61+s17+$0x0] =	vst.idx.msk $0xffff, v20  }
0x323: {  	v52 =	vor.u32 v5, v17;
	v49 =	vor.u32 s24, v4;
	[tilespmem:v62+s17+$0x0] =	vst.idx.msk $0xffff, v21;
	v21 =	vld.idx.msk [tilespmem:v63+s4+$0x0], $0xffff  }
0x324: {  	v53 =	vor.u32 v5, v18;
	v54 =	vor.u32 s25, v4;
	v19 =	vld.idx.msk [tilespmem:v19+s4+$0x0], $0xffff;
	[tilespmem:v47+s17+$0x0] =	vst.idx.msk $0xffff, v16  }
0x325: {  	v55 =	vor.u32 s31, v4;
	v16 =	vor.u32 v5, v15;
	v32 =	vadd.f32 v32, v14;
	v34 =	vld.idx.msk [tilespmem:v48+s4+$0x0], $0xffff  }
0x326: {  	v30 =	vor.u32 s29, v4;
	v12 =	vld.idx.msk [tilespmem:v12+s4+$0x0], $0xffff;
	v56 =	vor.u32 v5, v27;
	v20 =	vadd.f32 v36, v14  }
0x327: {  	v38 =	vadd.f32 v50, v14;
	v57 =	vor.u32 v5, v23;
	v58 =	vor.u32 s30, v4;
	[tilespmem:v51+s17+$0x0] =	vst.idx.msk $0xffff, v32  }
0x328: {  	v59 =	vor.u32 v5, v25;
	[tilespmem:v49+s17+$0x0] =	vst.idx.msk $0xffff, v20;
	v20 =	vld.idx.msk [tilespmem:v52+s4+$0x0], $0xffff;
	v21 =	vadd.f32 v21, v14  }
0x329: {  	v45 =	vor.u32 v6, v27;
	[tilespmem:v54+s17+$0x0] =	vst.idx.msk $0xffff, v38;
	v36 =	vld.idx.msk [tilespmem:v53+s4+$0x0], $0xffff;
	v19 =	vadd.f32 v19, v14  }
0x32a: {  	v60 =	vor.u32 s26, v5;
	v16 =	vld.idx.msk [tilespmem:v16+s4+$0x0], $0xffff;
	v14 =	vadd.f32 v34, v14;
	[tilespmem:v55+s17+$0x0] =	vst.idx.msk $0xffff, v21  }
0x32b: {  	v44 =	vor.u32 s31, v5;
	v61 =	vor.u32 v6, v17;
	v62 =	vor.u32 s24, v5;
	[tilespmem:v30+s17+$0x0] =	vst.idx.msk $0xffff, v19;
	v19 =	vld.idx.msk [tilespmem:v56+s4+$0x0], $0xffff  }
0x32c: {  	v46 =	vor.u32 s29, v5;
	v18 =	vor.u32 v6, v18;
	v63 =	vor.u32 s25, v5;
	v32 =	vld.idx.msk [tilespmem:v57+s4+$0x0], $0xffff;
	[tilespmem:v58+s17+$0x0] =	vst.idx.msk $0xffff, v14  }
0x32d: {  	v13 =	vor.u32 v7, v13;
	v14 =	vor.u32 v6, v15;
	v20 =	vadd.f32 v20, v11;
	v33 =	vld.idx.msk [tilespmem:v59+s4+$0x0], $0xffff  }
0x32e: {  	v24 =	vld.idx.msk [tilespmem:v24+s4+$0x0], $0xffff;
	v43 =	vor.u32 v7, v23;
	v47 =	vor.u32 v6, v25;
	v36 =	vadd.f32 v36, v11  }
0x32f: {  	v16 =	vadd.f32 v16, v11;
	[tilespmem:v60+s17+$0x0] =	vst.idx.msk $0xffff, v20;
	v20 =	vor.u32 v6, v23;
	v23 =	vor.u32 s30, v5  }
0x330: {  	v21 =	vor.u32 s28, v7;
	[tilespmem:v62+s17+$0x0] =	vst.idx.msk $0xffff, v36;
	v34 =	vld.idx.msk [tilespmem:v61+s4+$0x0], $0xffff;
	v19 =	vadd.f32 v19, v11  }
0x331: {  	v30 =	vor.u32 s23, v6;
	v18 =	vld.idx.msk [tilespmem:v18+s4+$0x0], $0xffff;
	[tilespmem:v63+s17+$0x0] =	vst.idx.msk $0xffff, v16;
	v16 =	vadd.f32 v32, v11  }
0x332: {  	v12 =	vadd.f32 v12, v9;
	v14 =	vld.idx.msk [tilespmem:v14+s4+$0x0], $0xffff;
	v11 =	vadd.f32 v33, v11;
	[tilespmem:v44+s17+$0x0] =	vst.idx.msk $0xffff, v19  }
0x333: {  	v17 =	vor.u32 v7, v17;
	v19 =	vor.u32 s24, v6;
	[tilespmem:v46+s17+$0x0] =	vst.idx.msk $0xffff, v16;
	v16 =	vld.idx.msk [tilespmem:v45+s4+$0x0], $0xffff  }
0x334: {  	v31 =	vadd.f32 v31, v10;
	v48 =	vor.u32 s25, v6;
	v20 =	vld.idx.msk [tilespmem:v20+s4+$0x0], $0xffff;
	[tilespmem:v23+s17+$0x0] =	vst.idx.msk $0xffff, v11  }
0x335: {  	v15 =	vor.u32 v7, v15;
	[tilespmem:v21+s17+$0x0] =	vst.idx.msk $0xffff, v12;
	v11 =	vadd.f32 v34, v10;
	v23 =	vld.idx.msk [tilespmem:v47+s4+$0x0], $0xffff  }
0x336: {  	v21 =	vor.u32 v7, v27;
	[tilespmem:v30+s17+$0x0] =	vst.idx.msk $0xffff, v31;
	v12 =	vadd.f32 v18, v10;
	v18 =	vor.u32 s29, v6  }
0x337: {  	v13 =	vld.idx.msk [tilespmem:v13+s4+$0x0], $0xffff;
	v14 =	vadd.f32 v14, v10;
	[tilespmem:v26+s17+$0x0] =	vst.idx.msk $0xffff, v11;
	v11 =	vor.u32 s30, v6  }
0x338: {  	[tilespmem:v19+s17+$0x0] =	vst.idx.msk $0xffff, v12;
	v12 =	vld.idx.msk [tilespmem:v17+s4+$0x0], $0xffff;
	v17 =	vor.u32 v7, v25;
	v16 =	vadd.f32 v16, v10  }
0x339: {  	v19 =	vor.u32 s23, v7;
	v22 =	vld.idx.msk [tilespmem:v22+s4+$0x0], $0xffff;
	[tilespmem:v48+s17+$0x0] =	vst.idx.msk $0xffff, v14;
	v14 =	vadd.f32 v20, v10  }
0x33a: {  	v20 =	vor.u32 s26, v7;
	v15 =	vld.idx.msk [tilespmem:v15+s4+$0x0], $0xffff;
	v10 =	vadd.f32 v23, v10;
	[tilespmem:v29+s17+$0x0] =	vst.idx.msk $0xffff, v16  }
0x33b: {  	v16 =	vadd.f32 v24, v9;
	v23 =	vor.u32 s24, v7;
	[tilespmem:v18+s17+$0x0] =	vst.idx.msk $0xffff, v14;
	v14 =	vld.idx.msk [tilespmem:v21+s4+$0x0], $0xffff  }
0x33c: {  	v13 =	vadd.f32 v13, v9;
	v18 =	vor.u32 s25, v7;
	v21 =	vld.idx.msk [tilespmem:v43+s4+$0x0], $0xffff;
	[tilespmem:v11+s17+$0x0] =	vst.idx.msk $0xffff, v10  }
0x33d: {  	[tilespmem:v28+s17+$0x0] =	vst.idx.msk $0xffff, v16;
	v10 =	vadd.f32 v12, v9;
	v11 =	vor.u32 s31, v7;
	v12 =	vld.idx.msk [tilespmem:v17+s4+$0x0], $0xffff  }
0x33e: {  	s0 =	sadd.s32 $0xFFFFFFFD, s19;
	[tilespmem:v19+s17+$0x0] =	vst.idx.msk $0xffff, v13;
	v16 =	vor.u32 s29, v7;
	v13 =	vadd.f32 v22, v9  }
0x33f: {  	s1 =	sadd.s32 $0x284, s0;
	[tilespmem:v20+s17+$0x0] =	vst.idx.msk $0xffff, v10;
	v10 =	vadd.f32 v15, v9;
	v15 =	vor.u32 s30, v7  }
0x340: {  	[tilespmem:v23+s17+$0x0] =	vst.idx.msk $0xffff, v13;
	v13 =	vadd.f32 v14, v9;
	v14 =	vmov s1  }
0x341: {  	s24 =	sor.u32 $0x280, s21;
	[tilespmem:v18+s17+$0x0] =	vst.idx.msk $0xffff, v10;
	v10 =	vadd.f32 v21, v9  }
0x342: {  	s25 =	sadd.s32 $0x283, s0;
	[tilespmem:v11+s17+$0x0] =	vst.idx.msk $0xffff, v13;
	v9 =	vadd.f32 v12, v9;
	v11 =	vmov s24  }
0x343: {  	s0 =	sadd.s32 $0x285, s0;
	[tilespmem:v16+s17+$0x0] =	vst.idx.msk $0xffff, v10;
	v10 =	vshrl.u32 v11, $0x7;
	v11 =	vmov s25  }
0x344: {  	[tilespmem:v15+s17+$0x0] =	vst.idx.msk $0xffff, v9;
	v9 =	vshll.u32 v10, $0x7;
	v10 =	vmov s0  }
0x345: {  	v12 =	vld.idx.msk [tilespmem:v14+s10+$0x0], $0xffff  }
0x346: {  	v9 =	vbroadcast v9, $0x0;
	_ =	sdelay $0x1  }
0x347: {  	v13 =	vor.u32 v0, v9;
	v11 =	vld.idx.msk [tilespmem:v11+s10+$0x0], $0xffff  }
0x348: {  	v15 =	vor.u32 v2, v9;
	v10 =	vld.idx.msk [tilespmem:v10+s10+$0x0], $0xffff  }
0x349: {  	v14 =	vor.u32 v1, v9;
	v26 =	vshll.u32 v12, $0x7  }
0x34a: {  	v17 =	vor.u32 v0, v26  }
0x34b: {  	v18 =	vor.u32 v4, v9  }
0x34c: {  	v22 =	vor.u32 v5, v9;
	v21 =	vld.idx.msk [tilespmem:v13+s11+$0x0], $0xffff;
	v12 =	vshll.u32 v11, $0x7  }
0x34d: {  	v19 =	vld.idx.msk [tilespmem:v15+s11+$0x0], $0xffff;
	v15 =	vor.u32 v0, v12;
	v13 =	vshll.u32 v10, $0x7  }
0x34e: {  	v20 =	vld.idx.msk [tilespmem:v14+s11+$0x0], $0xffff;
	v10 =	vor.u32 v0, v13  }
0x34f: {  	v23 =	vor.u32 v6, v9;
	v17 =	vld.idx.msk [tilespmem:v17+s4+$0x0], $0xffff  }
0x350: {  	s0 =	simm.s32 $0x280;
	v16 =	vor.u32 v3, v9;
	v14 =	vld.idx.msk [tilespmem:v18+s11+$0x0], $0xffff  }
0x351: {  	v9 =	vor.u32 v7, v9;
	v18 =	vor.u32 s0, v0;
	v11 =	vld.idx.msk [tilespmem:v22+s11+$0x0], $0xffff  }
0x352: {  	v22 =	vor.u32 v1, v26;
	v15 =	vld.idx.msk [tilespmem:v15+s4+$0x0], $0xffff  }
0x353: {  	s28 =	simm.s32 $0x80;
	v24 =	vld.idx.msk [tilespmem:v10+s4+$0x0], $0xffff  }
0x354: {  	s23 =	simm.s32 $0x480;
	v10 =	vld.idx.msk [tilespmem:v23+s11+$0x0], $0xffff;
	v23 =	vor.u32 s28, v0;
	v17 =	vadd.f32 v17, v21  }
0x355: {  	v27 =	vor.u32 s23, v0;
	s26 =	sadd.s32 $0x0, s19;
	v16 =	vld.idx.msk [tilespmem:v16+s11+$0x0], $0xffff;
	v25 =	vor.u32 v1, v12  }
0x356: {  	s2 =	sadd.s32 $0x283, s26;
	v9 =	vld.idx.msk [tilespmem:v9+s11+$0x0], $0xffff;
	v28 =	vor.u32 v1, v13;
	[tilespmem:v18+s17+$0x0] =	vst.idx.msk $0xffff, v17  }
0x357: {  	s6 =	sadd.s32 $0x284, s26;
	v18 =	vmov s2;
	v15 =	vadd.f32 v15, v21;
	v17 =	vld.idx.msk [tilespmem:v22+s4+$0x0], $0xffff  }
0x358: {  	s1 =	sadd.s32 $0x285, s26;
	v22 =	vadd.f32 v24, v21;
	v24 =	vmov s6  }
0x359: {  	[tilespmem:v23+s17+$0x0] =	vst.idx.msk $0xffff, v15;
	v15 =	vmov s1;
	v23 =	vor.u32 s0, v1  }
0x35a: {  	v25 =	vld.idx.msk [tilespmem:v25+s4+$0x0], $0xffff;
	[tilespmem:v27+s17+$0x0] =	vst.idx.msk $0xffff, v22;
	v22 =	vor.u32 v2, v26  }
0x35b: {  	v27 =	vld.idx.msk [tilespmem:v28+s4+$0x0], $0xffff  }
0x35c: {  	v28 =	vld.idx.msk [tilespmem:v18+s10+$0x0], $0xffff;
	v17 =	vadd.f32 v17, v20  }
0x35d: {  	v18 =	vld.idx.msk [tilespmem:v24+s10+$0x0], $0xffff;
	v24 =	vor.u32 s28, v1  }
0x35e: {  	v29 =	vor.u32 s23, v1;
	v30 =	vor.u32 v2, v12;
	v15 =	vld.idx.msk [tilespmem:v15+s10+$0x0], $0xffff;
	[tilespmem:v23+s17+$0x0] =	vst.idx.msk $0xffff, v17  }
0x35f: {  	v23 =	vor.u32 v2, v13;
	v22 =	vld.idx.msk [tilespmem:v22+s4+$0x0], $0xffff  }
0x360: {  	v17 =	vadd.f32 v25, v20  }
0x361: {  	v25 =	vadd.f32 v27, v20;
	v27 =	vor.u32 s0, v2  }
0x362: {  	[tilespmem:v24+s17+$0x0] =	vst.idx.msk $0xffff, v17;
	v18 =	vshll.u32 v18, $0x7;
	v24 =	vor.u32 v3, v26  }
0x363: {  	[tilespmem:v29+s17+$0x0] =	vst.idx.msk $0xffff, v25;
	v17 =	vshll.u32 v28, $0x7;
	v25 =	vld.idx.msk [tilespmem:v30+s4+$0x0], $0xffff;
	v28 =	vor.u32 v0, v18  }
0x364: {  	v23 =	vld.idx.msk [tilespmem:v23+s4+$0x0], $0xffff;
	v29 =	vor.u32 v0, v17;
	v15 =	vshll.u32 v15, $0x7;
	v22 =	vadd.f32 v22, v19  }
0x365: {  	v31 =	vor.u32 s28, v2;
	v30 =	vor.u32 v0, v15  }
0x366: {  	v49 =	vor.u32 s23, v2;
	[tilespmem:v27+s17+$0x0] =	vst.idx.msk $0xffff, v22;
	v22 =	vor.u32 v3, v12  }
0x367: {  	v27 =	vor.u32 v3, v13;
	v24 =	vld.idx.msk [tilespmem:v24+s4+$0x0], $0xffff  }
0x368: {  	v25 =	vadd.f32 v25, v19;
	v28 =	vld.idx.msk [tilespmem:v28+s4+$0x0], $0xffff  }
0x369: {  	s24 =	simm.s32 $0x880;
	v50 =	vor.u32 s0, v3;
	v23 =	vadd.f32 v23, v19;
	v29 =	vld.idx.msk [tilespmem:v29+s4+$0x0], $0xffff  }
0x36a: {  	s26 =	simm.s32 $0x680;
	v30 =	vld.idx.msk [tilespmem:v30+s4+$0x0], $0xffff;
	[tilespmem:v31+s17+$0x0] =	vst.idx.msk $0xffff, v25;
	v25 =	vor.u32 v4, v26;
	v31 =	vor.u32 s24, v0  }
0x36b: {  	s25 =	simm.s32 $0xA80;
	v51 =	vor.u32 v1, v18;
	[tilespmem:v49+s17+$0x0] =	vst.idx.msk $0xffff, v23;
	v23 =	vor.u32 s26, v0;
	v22 =	vld.idx.msk [tilespmem:v22+s4+$0x0], $0xffff  }
0x36c: {  	v53 =	vor.u32 s25, v0;
	v52 =	vor.u32 v1, v17;
	v27 =	vld.idx.msk [tilespmem:v27+s4+$0x0], $0xffff;
	v24 =	vadd.f32 v24, v16  }
0x36d: {  	v54 =	vor.u32 s28, v3;
	v55 =	vor.u32 v1, v15;
	v28 =	vadd.f32 v28, v21  }
0x36e: {  	v57 =	vor.u32 s23, v3;
	v56 =	vor.u32 v4, v12;
	s1 =	sadd.s32 $0x3, s19;
	v29 =	vadd.f32 v29, v21;
	[tilespmem:v50+s17+$0x0] =	vst.idx.msk $0xffff, v24  }
0x36f: {  	s6 =	sadd.s32 $0x283, s1;
	v30 =	vadd.f32 v30, v21;
	v25 =	vld.idx.msk [tilespmem:v25+s4+$0x0], $0xffff;
	[tilespmem:v31+s17+$0x0] =	vst.idx.msk $0xffff, v28;
	v28 =	vor.u32 v4, v13  }
0x370: {  	[tilespmem:v23+s17+$0x0] =	vst.idx.msk $0xffff, v29;
	v31 =	vmov s6;
	v23 =	vadd.f32 v22, v16;
	v29 =	vld.idx.msk [tilespmem:v51+s4+$0x0], $0xffff  }
0x371: {  	v60 =	vor.u32 s24, v1;
	v63 =	vor.u32 s25, v1;
	s7 =	sadd.s32 $0x284, s1;
	v58 =	vld.idx.msk [tilespmem:v52+s4+$0x0], $0xffff;
	v27 =	vadd.f32 v27, v16;
	[tilespmem:v53+s17+$0x0] =	vst.idx.msk $0xffff, v30  }
0x372: {  	v61 =	vor.u32 s0, v4;
	s1 =	sadd.s32 $0x285, s1;
	v30 =	vmov s7;
	v59 =	vld.idx.msk [tilespmem:v55+s4+$0x0], $0xffff;
	[tilespmem:v54+s17+$0x0] =	vst.idx.msk $0xffff, v23  }
0x373: {  	v48 =	vor.u32 v5, v26;
	v36 =	vor.u32 v6, v13;
	v23 =	vmov s1;
	[tilespmem:v57+s17+$0x0] =	vst.idx.msk $0xffff, v27;
	v62 =	vld.idx.msk [tilespmem:v56+s4+$0x0], $0xffff  }
0x374: {  	v44 =	vor.u32 v3, v17;
	v49 =	vor.u32 s28, v4;
	v27 =	vor.u32 v2, v18;
	v28 =	vld.idx.msk [tilespmem:v28+s4+$0x0], $0xffff  }
0x375: {  	v24 =	vor.u32 v7, v26;
	v50 =	vor.u32 v2, v15;
	v22 =	vor.u32 v7, v18;
	v31 =	vld.idx.msk [tilespmem:v31+s10+$0x0], $0xffff  }
0x376: {  	v51 =	vor.u32 s23, v4;
	v52 =	vor.u32 s26, v1;
	v29 =	vadd.f32 v29, v20  }
0x377: {  	v55 =	vor.u32 v5, v12;
	v54 =	vor.u32 v2, v17;
	v25 =	vadd.f32 v25, v14;
	v30 =	vld.idx.msk [tilespmem:v30+s10+$0x0], $0xffff  }
0x378: {  	v32 =	vadd.f32 v58, v20;
	v34 =	vadd.f32 v59, v20;
	v53 =	vld.idx.msk [tilespmem:v23+s10+$0x0], $0xffff;
	[tilespmem:v60+s17+$0x0] =	vst.idx.msk $0xffff, v29  }
0x379: {  	[tilespmem:v61+s17+$0x0] =	vst.idx.msk $0xffff, v25;
	v29 =	vor.u32 v5, v13;
	v23 =	vadd.f32 v62, v14;
	v35 =	vld.idx.msk [tilespmem:v27+s4+$0x0], $0xffff  }
0x37a: {  	[tilespmem:v63+s17+$0x0] =	vst.idx.msk $0xffff, v34;
	v25 =	vadd.f32 v28, v14;
	v28 =	vld.idx.msk [tilespmem:v48+s4+$0x0], $0xffff;
	v27 =	vshll.u32 v31, $0x7  }
0x37b: {  	v56 =	vor.u32 s24, v2;
	[tilespmem:v52+s17+$0x0] =	vst.idx.msk $0xffff, v32;
	v34 =	vld.idx.msk [tilespmem:v50+s4+$0x0], $0xffff;
	v59 =	vor.u32 v0, v27  }
0x37c: {  	v57 =	vor.u32 s0, v5;
	v58 =	vld.idx.msk [tilespmem:v54+s4+$0x0], $0xffff;
	v31 =	vor.u32 v3, v18;
	[tilespmem:v49+s17+$0x0] =	vst.idx.msk $0xffff, v23;
	v23 =	vshll.u32 v30, $0x7  }
0x37d: {  	v61 =	vor.u32 s28, v5;
	v52 =	vor.u32 s25, v2;
	v60 =	vor.u32 v0, v23;
	v33 =	vld.idx.msk [tilespmem:v55+s4+$0x0], $0xffff  }
0x37e: {  	v54 =	vor.u32 s26, v2;
	[tilespmem:v51+s17+$0x0] =	vst.idx.msk $0xffff, v25;
	v55 =	vor.u32 v3, v15;
	v30 =	vadd.f32 v35, v19  }
0x37f: {  	v63 =	vor.u32 v6, v26;
	v25 =	vshll.u32 v53, $0x7;
	v29 =	vld.idx.msk [tilespmem:v29+s4+$0x0], $0xffff;
	v28 =	vadd.f32 v28, v11  }
0x380: {  	s30 =	simm.s32 $0x1080;
	v53 =	vor.u32 v0, v25;
	v34 =	vadd.f32 v34, v19;
	[tilespmem:v56+s17+$0x0] =	vst.idx.msk $0xffff, v30;
	v62 =	vld.idx.msk [tilespmem:v59+s4+$0x0], $0xffff  }
0x381: {  	s31 =	simm.s32 $0xC80;
	v45 =	vor.u32 s30, v0;
	v56 =	vor.u32 s23, v5;
	v31 =	vld.idx.msk [tilespmem:v31+s4+$0x0], $0xffff;
	[tilespmem:v57+s17+$0x0] =	vst.idx.msk $0xffff, v28;
	v57 =	vor.u32 v6, v12  }
0x382: {  	v38 =	vor.u32 s0, v6;
	v40 =	vld.idx.msk [tilespmem:v60+s4+$0x0], $0xffff;
	[tilespmem:v52+s17+$0x0] =	vst.idx.msk $0xffff, v34;
	v33 =	vadd.f32 v33, v11;
	v60 =	vor.u32 s31, v0  }
0x383: {  	v50 =	vor.u32 v4, v18;
	v59 =	vor.u32 s24, v3;
	v28 =	vadd.f32 v58, v19;
	v51 =	vld.idx.msk [tilespmem:v55+s4+$0x0], $0xffff  }
0x384: {  	s29 =	simm.s32 $0xE80;
	v58 =	vadd.f32 v29, v11;
	v37 =	vld.idx.msk [tilespmem:v63+s4+$0x0], $0xffff;
	[tilespmem:v61+s17+$0x0] =	vst.idx.msk $0xffff, v33;
	v61 =	vor.u32 v1, v27  }
0x385: {  	v26 =	vor.u32 s26, v6;
	v52 =	vor.u32 s29, v0;
	v41 =	vld.idx.msk [tilespmem:v53+s4+$0x0], $0xffff;
	[tilespmem:v54+s17+$0x0] =	vst.idx.msk $0xffff, v28;
	v62 =	vadd.f32 v62, v21  }
0x386: {  	v30 =	vor.u32 s28, v6;
	v34 =	vor.u32 s26, v3;
	v39 =	vld.idx.msk [tilespmem:v44+s4+$0x0], $0xffff;
	[tilespmem:v56+s17+$0x0] =	vst.idx.msk $0xffff, v58;
	v31 =	vadd.f32 v31, v16  }
0x387: {  	v32 =	vor.u32 v4, v17;
	v29 =	vor.u32 s31, v6;
	v28 =	vor.u32 s0, v7;
	v35 =	vld.idx.msk [tilespmem:v57+s4+$0x0], $0xffff;
	[tilespmem:v60+s17+$0x0] =	vst.idx.msk $0xffff, v62  }
0x388: {  	v44 =	vor.u32 v1, v23;
	v63 =	vadd.f32 v40, v21;
	[tilespmem:v59+s17+$0x0] =	vst.idx.msk $0xffff, v31;
	v31 =	vld.idx.msk [tilespmem:v36+s4+$0x0], $0xffff  }
0x389: {  	v33 =	vor.u32 v1, v25;
	v40 =	vor.u32 s25, v3;
	v42 =	vadd.f32 v51, v16;
	v43 =	vld.idx.msk [tilespmem:v61+s4+$0x0], $0xffff  }
0x38a: {  	s1 =	simm.s32 $0x21;
	s0 =	simm.s32 $0x6;
	v46 =	vadd.f32 v41, v21;
	[tilespmem:v52+s17+$0x0] =	vst.idx.msk $0xffff, v63;
	v41 =	vor.u32 v4, v15;
	v36 =	vld.idx.msk [tilespmem:v50+s4+$0x0], $0xffff  }
.LBB2_13:
0x38b: {  	v47 =	vor.u32 v7, v23  }
0x38c: {  	s2 =	sadd.s32 s0, s19;
	s0 =	sadd.s32 $0x3, s0;
	v39 =	vadd.f32 v39, v16;
	v48 =	vor.u32 v7, v12;
	v12 =	vmovc v17;
	v51 =	vor.u32 s30, v1  }
0x38d: {  	v37 =	vadd.f32 v37, v10;
	s6 =	sadd.s32 $0x283, s2;
	s7 =	sadd.s32 $0x284, s2;
	s2 =	sadd.s32 $0x285, s2;
	v44 =	vld.idx.msk [tilespmem:v44+s4+$0x0], $0xffff;
	[tilespmem:v45+s17+$0x0] =	vst.idx.msk $0xffff, v46;
	v45 =	vor.u32 s24, v4;
	v46 =	vor.u32 s28, v7  }
0x38e: {  	v17 =	vmovc v27;
	p0 =	slt.u32 s0, $0x4E;
	s28 =	smov.u32 s26;
	s26 =	smov.u32 s31;
	v49 =	vmov s6;
	v50 =	vld.idx.msk [tilespmem:v33+s4+$0x0], $0xffff;
	[tilespmem:v34+s17+$0x0] =	vst.idx.msk $0xffff, v39;
	v34 =	vor.u32 s23, v6;
	v33 =	vmov v26  }
0x38f: {  	v35 =	vadd.f32 v35, v10;
	v27 =	vmov s7;
	v31 =	vadd.f32 v31, v10;
	v32 =	vld.idx.msk [tilespmem:v32+s4+$0x0], $0xffff;
	[tilespmem:v40+s17+$0x0] =	vst.idx.msk $0xffff, v42  }
0x390: {  	v39 =	vmov s2;
	v26 =	vmovc v29;
	v40 =	vor.u32 s29, v1;
	v36 =	vadd.f32 v36, v14;
	v41 =	vld.idx.msk [tilespmem:v41+s4+$0x0], $0xffff;
	[tilespmem:v38+s17+$0x0] =	vst.idx.msk $0xffff, v37  }
0x391: {  	v29 =	vadd.f32 v43, v20;
	v37 =	vor.u32 v2, v23;
	[tilespmem:v30+s17+$0x0] =	vst.idx.msk $0xffff, v35;
	v30 =	vld.idx.msk [tilespmem:v24+s4+$0x0], $0xffff  }
0x392: {  	v38 =	vor.u32 s25, v4;
	v35 =	vor.u32 s28, v4;
	[tilespmem:v45+s17+$0x0] =	vst.idx.msk $0xffff, v36;
	v36 =	vor.u32 v5, v18;
	v42 =	vld.idx.msk [tilespmem:v48+s4+$0x0], $0xffff  }
0x393: {  	v44 =	vadd.f32 v44, v20;
	v45 =	vor.u32 v2, v25;
	v43 =	vld.idx.msk [tilespmem:v49+s10+$0x0], $0xffff;
	[tilespmem:v34+s17+$0x0] =	vst.idx.msk $0xffff, v31  }
0x394: {  	v24 =	vmovc v22;
	v48 =	vor.u32 v5, v15;
	v34 =	vadd.f32 v50, v20;
	v31 =	vld.idx.msk [tilespmem:v27+s10+$0x0], $0xffff;
	v27 =	vor.u32 s26, v1  }
0x395: {  	v32 =	vadd.f32 v32, v14;
	v22 =	vld.idx.msk [tilespmem:v39+s10+$0x0], $0xffff;
	v39 =	vor.u32 v2, v17;
	[tilespmem:v40+s17+$0x0] =	vst.idx.msk $0xffff, v44  }
0x396: {  	v40 =	vadd.f32 v41, v14;
	v37 =	vld.idx.msk [tilespmem:v37+s4+$0x0], $0xffff;
	[tilespmem:v51+s17+$0x0] =	vst.idx.msk $0xffff, v34;
	v34 =	vor.u32 v5, v12  }
0x397: {  	v13 =	vor.u32 v7, v13;
	v30 =	vadd.f32 v30, v9;
	[tilespmem:v35+s17+$0x0] =	vst.idx.msk $0xffff, v32;
	v32 =	vld.idx.msk [tilespmem:v36+s4+$0x0], $0xffff  }
0x398: {  	v36 =	vor.u32 v6, v15;
	v35 =	vld.idx.msk [tilespmem:v45+s4+$0x0], $0xffff;
	[tilespmem:v38+s17+$0x0] =	vst.idx.msk $0xffff, v40;
	v38 =	vadd.f32 v42, v9  }
0x399: {  	v41 =	vor.u32 s24, v5;
	v40 =	vor.u32 v6, v12;
	[tilespmem:v27+s17+$0x0] =	vst.idx.msk $0xffff, v29;
	v29 =	vor.u32 s29, v2;
	v42 =	vld.idx.msk [tilespmem:v48+s4+$0x0], $0xffff  }
0x39a: {  	v27 =	vshll.u32 v43, $0x7;
	v31 =	vshll.u32 v31, $0x7;
	v43 =	vor.u32 v3, v23;
	v39 =	vld.idx.msk [tilespmem:v39+s4+$0x0], $0xffff;
	[tilespmem:v46+s17+$0x0] =	vst.idx.msk $0xffff, v38  }
0x39b: {  	v38 =	vor.u32 v0, v27;
	v44 =	vshll.u32 v22, $0x7;
	v34 =	vld.idx.msk [tilespmem:v34+s4+$0x0], $0xffff;
	[tilespmem:v28+s17+$0x0] =	vst.idx.msk $0xffff, v30;
	v28 =	vor.u32 s23, v7;
	s23 =	smov.u32 s25;
	s25 =	smov.u32 s30  }
0x39c: {  	v22 =	vmovc v47;
	v30 =	vor.u32 v0, v31;
	v37 =	vadd.f32 v37, v19;
	v45 =	vor.u32 s25, v2;
	v46 =	vld.idx.msk [tilespmem:v13+s4+$0x0], $0xffff  }
0x39d: {  	v48 =	vor.u32 s26, v2;
	v47 =	vor.u32 v0, v44;
	v32 =	vadd.f32 v32, v11;
	v13 =	vmovc v15;
	v15 =	vmovc v25  }
0x39e: {  	v25 =	vadd.f32 v35, v19;
	v35 =	vor.u32 v3, v15;
	[tilespmem:v29+s17+$0x0] =	vst.idx.msk $0xffff, v37;
	v37 =	vor.u32 s28, v5  }
0x39f: {  	v49 =	vor.u32 v3, v17;
	v43 =	vld.idx.msk [tilespmem:v43+s4+$0x0], $0xffff;
	[tilespmem:v41+s17+$0x0] =	vst.idx.msk $0xffff, v32;
	v41 =	vadd.f32 v42, v11  }
0x3a0: {  	s1 =	sadd.s32 $0xC, s1;
	v50 =	vor.u32 s23, v5;
	v29 =	vadd.f32 v39, v19;
	v42 =	vor.u32 v6, v18;
	v18 =	vmovc v23;
	v38 =	vld.idx.msk [tilespmem:v38+s4+$0x0], $0xffff  }
0x3a1: {  	v52 =	vor.u32 s29, v3;
	s30 =	sshll.u32 s1, $0x7;
	v23 =	vmov v31;
	v34 =	vadd.f32 v34, v11;
	v51 =	vld.idx.msk [tilespmem:v30+s4+$0x0], $0xffff;
	[tilespmem:v45+s17+$0x0] =	vst.idx.msk $0xffff, v25  }
0x3a2: {  	s31 =	sadd.s32 $0xFFFFFC00, s30;
	v32 =	vor.u32 v4, v17;
	v30 =	vadd.f32 v46, v9;
	v47 =	vld.idx.msk [tilespmem:v47+s4+$0x0], $0xffff;
	[tilespmem:v48+s17+$0x0] =	vst.idx.msk $0xffff, v29  }
0x3a3: {  	s2 =	sadd.s32 $0xFFFFFE00, s30;
	v46 =	vor.u32 s31, v0;
	v29 =	vor.u32 s31, v6;
	v48 =	vor.u32 v4, v18;
	v53 =	vld.idx.msk [tilespmem:v35+s4+$0x0], $0xffff;
	[tilespmem:v37+s17+$0x0] =	vst.idx.msk $0xffff, v34  }
0x3a4: {  	v54 =	vor.u32 v1, v27;
	v55 =	vor.u32 s2, v0;
	v25 =	vmov v44;
	v39 =	vld.idx.msk [tilespmem:v49+s4+$0x0], $0xffff;
	[tilespmem:v28+s17+$0x0] =	vst.idx.msk $0xffff, v30  }
.Ltmp5:
0x3a5: {  	v34 =	vor.u32 s26, v3;
	v31 =	vadd.f32 v43, v16;
	v28 =	vor.u32 s24, v7;
	v37 =	vld.idx.msk [tilespmem:v42+s4+$0x0], $0xffff;
	[tilespmem:v50+s17+$0x0] =	vst.idx.msk $0xffff, v41;
	(pc) =	sbr.rel @p0 .LBB2_13-.Ltmp5, $4  }
0x3a6: {  	v44 =	vor.u32 v1, v23;
	v45 =	vor.u32 s30, v0;
	v38 =	vadd.f32 v38, v21;
	v30 =	vmovc v33;
	v35 =	vld.idx.msk [tilespmem:v40+s4+$0x0], $0xffff  }
0x3a7: {  	v33 =	vor.u32 v1, v25;
	v41 =	vadd.f32 v51, v21;
	[tilespmem:v52+s17+$0x0] =	vst.idx.msk $0xffff, v31;
	v31 =	vld.idx.msk [tilespmem:v36+s4+$0x0], $0xffff  }
0x3a8: {  	v40 =	vor.u32 s25, v3;
	[tilespmem:v46+s17+$0x0] =	vst.idx.msk $0xffff, v38;
	v46 =	vadd.f32 v47, v21;
	v36 =	vld.idx.msk [tilespmem:v48+s4+$0x0], $0xffff;
	v38 =	vor.u32 s24, v6;
	s24 =	smov.u32 s29;
	s29 =	smov.u32 s2  }
0x3a9: {  	v42 =	vadd.f32 v53, v16;
	v43 =	vld.idx.msk [tilespmem:v54+s4+$0x0], $0xffff;
	[tilespmem:v55+s17+$0x0] =	vst.idx.msk $0xffff, v41;
	v41 =	vor.u32 v4, v15  }
0x3aa: {  	_ =	sdelay $0x3  }
0x3ab: {  	v21 =	vld.idx.msk [tilespmem:v44+s4+$0x0], $0xffff;
	[tilespmem:v45+s17+$0x0] =	vst.idx.msk $0xffff, v46  }
0x3ac: {  	v62 =	vor.u32 s31, v1;
	v33 =	vld.idx.msk [tilespmem:v33+s4+$0x0], $0xffff  }
0x3ad: {  	v63 =	vor.u32 s29, v1;
	v52 =	vor.u32 v2, v27  }
0x3ae: {  	v47 =	vor.u32 s30, v1;
	v48 =	vor.u32 v2, v23  }
0x3af: {  	v49 =	vor.u32 v2, v25;
	v43 =	vadd.f32 v43, v20  }
0x3b0: {  	v21 =	vadd.f32 v21, v20  }
0x3b1: {  	v20 =	vadd.f32 v33, v20;
	[tilespmem:v62+s17+$0x0] =	vst.idx.msk $0xffff, v43  }
0x3b2: {  	[tilespmem:v63+s17+$0x0] =	vst.idx.msk $0xffff, v21;
	v21 =	vld.idx.msk [tilespmem:v52+s4+$0x0], $0xffff  }
0x3b3: {  	v53 =	vld.idx.msk [tilespmem:v48+s4+$0x0], $0xffff;
	[tilespmem:v47+s17+$0x0] =	vst.idx.msk $0xffff, v20  }
0x3b4: {  	v54 =	vor.u32 s31, v2;
	v20 =	vld.idx.msk [tilespmem:v49+s4+$0x0], $0xffff  }
0x3b5: {  	v55 =	vor.u32 s29, v2;
	v56 =	vor.u32 v3, v27  }
0x3b6: {  	v57 =	vor.u32 v3, v23;
	v58 =	vor.u32 s30, v2  }
0x3b7: {  	v59 =	vor.u32 v3, v25;
	v21 =	vadd.f32 v21, v19  }
0x3b8: {  	v33 =	vadd.f32 v53, v19  }
0x3b9: {  	v19 =	vadd.f32 v20, v19;
	[tilespmem:v54+s17+$0x0] =	vst.idx.msk $0xffff, v21  }
0x3ba: {  	[tilespmem:v55+s17+$0x0] =	vst.idx.msk $0xffff, v33;
	v20 =	vld.idx.msk [tilespmem:v56+s4+$0x0], $0xffff  }
0x3bb: {  	v21 =	vld.idx.msk [tilespmem:v57+s4+$0x0], $0xffff;
	[tilespmem:v58+s17+$0x0] =	vst.idx.msk $0xffff, v19  }
0x3bc: {  	v61 =	vor.u32 s31, v3;
	v19 =	vadd.f32 v39, v16;
	v60 =	vld.idx.msk [tilespmem:v59+s4+$0x0], $0xffff  }
0x3bd: {  	v37 =	vadd.f32 v37, v10;
	[tilespmem:v40+s17+$0x0] =	vst.idx.msk $0xffff, v42;
	v62 =	vor.u32 s29, v3;
	v63 =	vor.u32 v4, v27  }
0x3be: {  	v35 =	vadd.f32 v35, v10;
	v47 =	vor.u32 s30, v3;
	[tilespmem:v34+s17+$0x0] =	vst.idx.msk $0xffff, v19;
	v19 =	vor.u32 v4, v23  }
0x3bf: {  	[tilespmem:v38+s17+$0x0] =	vst.idx.msk $0xffff, v37;
	v48 =	vor.u32 v4, v25;
	v32 =	vld.idx.msk [tilespmem:v32+s4+$0x0], $0xffff;
	v20 =	vadd.f32 v20, v16  }
0x3c0: {  	v12 =	vor.u32 v7, v12;
	[tilespmem:v30+s17+$0x0] =	vst.idx.msk $0xffff, v35;
	v21 =	vadd.f32 v21, v16  }
0x3c1: {  	v51 =	vor.u32 s26, v4;
	v50 =	vld.idx.msk [tilespmem:v41+s4+$0x0], $0xffff;
	v16 =	vadd.f32 v60, v16;
	[tilespmem:v61+s17+$0x0] =	vst.idx.msk $0xffff, v20  }
0x3c2: {  	v52 =	vor.u32 v5, v17;
	v49 =	vor.u32 s24, v4;
	[tilespmem:v62+s17+$0x0] =	vst.idx.msk $0xffff, v21;
	v21 =	vld.idx.msk [tilespmem:v63+s4+$0x0], $0xffff  }
0x3c3: {  	v53 =	vor.u32 v5, v18;
	v54 =	vor.u32 s25, v4;
	v19 =	vld.idx.msk [tilespmem:v19+s4+$0x0], $0xffff;
	[tilespmem:v47+s17+$0x0] =	vst.idx.msk $0xffff, v16  }
0x3c4: {  	v55 =	vor.u32 s31, v4;
	v16 =	vor.u32 v5, v15;
	v32 =	vadd.f32 v32, v14;
	v34 =	vld.idx.msk [tilespmem:v48+s4+$0x0], $0xffff  }
0x3c5: {  	v30 =	vor.u32 s29, v4;
	v12 =	vld.idx.msk [tilespmem:v12+s4+$0x0], $0xffff;
	v56 =	vor.u32 v5, v27;
	v20 =	vadd.f32 v36, v14  }
0x3c6: {  	v38 =	vadd.f32 v50, v14;
	v57 =	vor.u32 v5, v23;
	v58 =	vor.u32 s30, v4;
	[tilespmem:v51+s17+$0x0] =	vst.idx.msk $0xffff, v32  }
0x3c7: {  	v59 =	vor.u32 v5, v25;
	[tilespmem:v49+s17+$0x0] =	vst.idx.msk $0xffff, v20;
	v20 =	vld.idx.msk [tilespmem:v52+s4+$0x0], $0xffff;
	v21 =	vadd.f32 v21, v14  }
0x3c8: {  	v45 =	vor.u32 v6, v27;
	[tilespmem:v54+s17+$0x0] =	vst.idx.msk $0xffff, v38;
	v36 =	vld.idx.msk [tilespmem:v53+s4+$0x0], $0xffff;
	v19 =	vadd.f32 v19, v14  }
0x3c9: {  	v60 =	vor.u32 s26, v5;
	v16 =	vld.idx.msk [tilespmem:v16+s4+$0x0], $0xffff;
	v14 =	vadd.f32 v34, v14;
	[tilespmem:v55+s17+$0x0] =	vst.idx.msk $0xffff, v21  }
0x3ca: {  	v44 =	vor.u32 s31, v5;
	v61 =	vor.u32 v6, v17;
	v62 =	vor.u32 s24, v5;
	[tilespmem:v30+s17+$0x0] =	vst.idx.msk $0xffff, v19;
	v19 =	vld.idx.msk [tilespmem:v56+s4+$0x0], $0xffff  }
0x3cb: {  	v46 =	vor.u32 s29, v5;
	v18 =	vor.u32 v6, v18;
	v63 =	vor.u32 s25, v5;
	v32 =	vld.idx.msk [tilespmem:v57+s4+$0x0], $0xffff;
	[tilespmem:v58+s17+$0x0] =	vst.idx.msk $0xffff, v14  }
0x3cc: {  	v13 =	vor.u32 v7, v13;
	v14 =	vor.u32 v6, v15;
	v20 =	vadd.f32 v20, v11;
	v33 =	vld.idx.msk [tilespmem:v59+s4+$0x0], $0xffff  }
0x3cd: {  	v24 =	vld.idx.msk [tilespmem:v24+s4+$0x0], $0xffff;
	v43 =	vor.u32 v7, v23;
	v47 =	vor.u32 v6, v25;
	v36 =	vadd.f32 v36, v11  }
0x3ce: {  	v16 =	vadd.f32 v16, v11;
	[tilespmem:v60+s17+$0x0] =	vst.idx.msk $0xffff, v20;
	v20 =	vor.u32 v6, v23;
	v23 =	vor.u32 s30, v5  }
0x3cf: {  	v21 =	vor.u32 s28, v7;
	[tilespmem:v62+s17+$0x0] =	vst.idx.msk $0xffff, v36;
	v34 =	vld.idx.msk [tilespmem:v61+s4+$0x0], $0xffff;
	v19 =	vadd.f32 v19, v11  }
0x3d0: {  	v30 =	vor.u32 s23, v6;
	v18 =	vld.idx.msk [tilespmem:v18+s4+$0x0], $0xffff;
	[tilespmem:v63+s17+$0x0] =	vst.idx.msk $0xffff, v16;
	v16 =	vadd.f32 v32, v11  }
0x3d1: {  	v12 =	vadd.f32 v12, v9;
	v14 =	vld.idx.msk [tilespmem:v14+s4+$0x0], $0xffff;
	v11 =	vadd.f32 v33, v11;
	[tilespmem:v44+s17+$0x0] =	vst.idx.msk $0xffff, v19  }
0x3d2: {  	v17 =	vor.u32 v7, v17;
	v19 =	vor.u32 s24, v6;
	[tilespmem:v46+s17+$0x0] =	vst.idx.msk $0xffff, v16;
	v16 =	vld.idx.msk [tilespmem:v45+s4+$0x0], $0xffff  }
0x3d3: {  	v31 =	vadd.f32 v31, v10;
	v48 =	vor.u32 s25, v6;
	v20 =	vld.idx.msk [tilespmem:v20+s4+$0x0], $0xffff;
	[tilespmem:v23+s17+$0x0] =	vst.idx.msk $0xffff, v11  }
0x3d4: {  	v15 =	vor.u32 v7, v15;
	[tilespmem:v21+s17+$0x0] =	vst.idx.msk $0xffff, v12;
	v11 =	vadd.f32 v34, v10;
	v23 =	vld.idx.msk [tilespmem:v47+s4+$0x0], $0xffff  }
0x3d5: {  	v21 =	vor.u32 v7, v27;
	[tilespmem:v30+s17+$0x0] =	vst.idx.msk $0xffff, v31;
	v12 =	vadd.f32 v18, v10;
	v18 =	vor.u32 s29, v6  }
0x3d6: {  	v13 =	vld.idx.msk [tilespmem:v13+s4+$0x0], $0xffff;
	v14 =	vadd.f32 v14, v10;
	[tilespmem:v26+s17+$0x0] =	vst.idx.msk $0xffff, v11;
	v11 =	vor.u32 s30, v6  }
0x3d7: {  	[tilespmem:v19+s17+$0x0] =	vst.idx.msk $0xffff, v12;
	v12 =	vld.idx.msk [tilespmem:v17+s4+$0x0], $0xffff;
	v17 =	vor.u32 v7, v25;
	v16 =	vadd.f32 v16, v10  }
0x3d8: {  	v19 =	vor.u32 s23, v7;
	v22 =	vld.idx.msk [tilespmem:v22+s4+$0x0], $0xffff;
	[tilespmem:v48+s17+$0x0] =	vst.idx.msk $0xffff, v14;
	v14 =	vadd.f32 v20, v10  }
0x3d9: {  	v20 =	vor.u32 s26, v7;
	v15 =	vld.idx.msk [tilespmem:v15+s4+$0x0], $0xffff;
	v10 =	vadd.f32 v23, v10;
	[tilespmem:v29+s17+$0x0] =	vst.idx.msk $0xffff, v16  }
0x3da: {  	v16 =	vadd.f32 v24, v9;
	v23 =	vor.u32 s24, v7;
	[tilespmem:v18+s17+$0x0] =	vst.idx.msk $0xffff, v14;
	v14 =	vld.idx.msk [tilespmem:v21+s4+$0x0], $0xffff  }
0x3db: {  	v13 =	vadd.f32 v13, v9;
	v18 =	vor.u32 s25, v7;
	v21 =	vld.idx.msk [tilespmem:v43+s4+$0x0], $0xffff;
	[tilespmem:v11+s17+$0x0] =	vst.idx.msk $0xffff, v10  }
0x3dc: {  	[tilespmem:v28+s17+$0x0] =	vst.idx.msk $0xffff, v16;
	v10 =	vadd.f32 v12, v9;
	v11 =	vor.u32 s31, v7;
	v12 =	vld.idx.msk [tilespmem:v17+s4+$0x0], $0xffff  }
0x3dd: {  	s0 =	sadd.s32 $0xFFFFFFFD, s19;
	[tilespmem:v19+s17+$0x0] =	vst.idx.msk $0xffff, v13;
	v16 =	vor.u32 s29, v7;
	v13 =	vadd.f32 v22, v9  }
0x3de: {  	s1 =	sadd.s32 $0x304, s0;
	[tilespmem:v20+s17+$0x0] =	vst.idx.msk $0xffff, v10;
	v10 =	vadd.f32 v15, v9;
	v15 =	vor.u32 s30, v7  }
0x3df: {  	[tilespmem:v23+s17+$0x0] =	vst.idx.msk $0xffff, v13;
	v13 =	vadd.f32 v14, v9;
	v14 =	vmov s1  }
0x3e0: {  	s24 =	sor.u32 $0x300, s21;
	[tilespmem:v18+s17+$0x0] =	vst.idx.msk $0xffff, v10;
	v10 =	vadd.f32 v21, v9  }
0x3e1: {  	s25 =	sadd.s32 $0x303, s0;
	[tilespmem:v11+s17+$0x0] =	vst.idx.msk $0xffff, v13;
	v9 =	vadd.f32 v12, v9;
	v11 =	vmov s24  }
0x3e2: {  	s0 =	sadd.s32 $0x305, s0;
	[tilespmem:v16+s17+$0x0] =	vst.idx.msk $0xffff, v10;
	v10 =	vshrl.u32 v11, $0x7;
	v11 =	vmov s25  }
0x3e3: {  	[tilespmem:v15+s17+$0x0] =	vst.idx.msk $0xffff, v9;
	v9 =	vshll.u32 v10, $0x7;
	v10 =	vmov s0  }
0x3e4: {  	v12 =	vld.idx.msk [tilespmem:v14+s10+$0x0], $0xffff  }
0x3e5: {  	v9 =	vbroadcast v9, $0x0;
	_ =	sdelay $0x1  }
0x3e6: {  	v13 =	vor.u32 v0, v9;
	v11 =	vld.idx.msk [tilespmem:v11+s10+$0x0], $0xffff  }
0x3e7: {  	v15 =	vor.u32 v2, v9;
	v10 =	vld.idx.msk [tilespmem:v10+s10+$0x0], $0xffff  }
0x3e8: {  	v14 =	vor.u32 v1, v9;
	v26 =	vshll.u32 v12, $0x7  }
0x3e9: {  	v17 =	vor.u32 v0, v26  }
0x3ea: {  	v18 =	vor.u32 v4, v9  }
0x3eb: {  	v22 =	vor.u32 v5, v9;
	v21 =	vld.idx.msk [tilespmem:v13+s11+$0x0], $0xffff;
	v12 =	vshll.u32 v11, $0x7  }
0x3ec: {  	v19 =	vld.idx.msk [tilespmem:v15+s11+$0x0], $0xffff;
	v15 =	vor.u32 v0, v12;
	v13 =	vshll.u32 v10, $0x7  }
0x3ed: {  	v20 =	vld.idx.msk [tilespmem:v14+s11+$0x0], $0xffff;
	v10 =	vor.u32 v0, v13  }
0x3ee: {  	v23 =	vor.u32 v6, v9;
	v17 =	vld.idx.msk [tilespmem:v17+s4+$0x0], $0xffff  }
0x3ef: {  	s0 =	simm.s32 $0x300;
	v16 =	vor.u32 v3, v9;
	v14 =	vld.idx.msk [tilespmem:v18+s11+$0x0], $0xffff  }
0x3f0: {  	v9 =	vor.u32 v7, v9;
	v18 =	vor.u32 s0, v0;
	v11 =	vld.idx.msk [tilespmem:v22+s11+$0x0], $0xffff  }
0x3f1: {  	v22 =	vor.u32 v1, v26;
	v15 =	vld.idx.msk [tilespmem:v15+s4+$0x0], $0xffff  }
0x3f2: {  	s28 =	simm.s32 $0x100;
	v24 =	vld.idx.msk [tilespmem:v10+s4+$0x0], $0xffff  }
0x3f3: {  	s23 =	simm.s32 $0x500;
	v10 =	vld.idx.msk [tilespmem:v23+s11+$0x0], $0xffff;
	v23 =	vor.u32 s28, v0;
	v17 =	vadd.f32 v17, v21  }
0x3f4: {  	v27 =	vor.u32 s23, v0;
	s26 =	sadd.s32 $0x0, s19;
	v16 =	vld.idx.msk [tilespmem:v16+s11+$0x0], $0xffff;
	v25 =	vor.u32 v1, v12  }
0x3f5: {  	s2 =	sadd.s32 $0x303, s26;
	v9 =	vld.idx.msk [tilespmem:v9+s11+$0x0], $0xffff;
	v28 =	vor.u32 v1, v13;
	[tilespmem:v18+s17+$0x0] =	vst.idx.msk $0xffff, v17  }
0x3f6: {  	s6 =	sadd.s32 $0x304, s26;
	v18 =	vmov s2;
	v15 =	vadd.f32 v15, v21;
	v17 =	vld.idx.msk [tilespmem:v22+s4+$0x0], $0xffff  }
0x3f7: {  	s1 =	sadd.s32 $0x305, s26;
	v22 =	vadd.f32 v24, v21;
	v24 =	vmov s6  }
0x3f8: {  	[tilespmem:v23+s17+$0x0] =	vst.idx.msk $0xffff, v15;
	v15 =	vmov s1;
	v23 =	vor.u32 s0, v1  }
0x3f9: {  	v25 =	vld.idx.msk [tilespmem:v25+s4+$0x0], $0xffff;
	[tilespmem:v27+s17+$0x0] =	vst.idx.msk $0xffff, v22;
	v22 =	vor.u32 v2, v26  }
0x3fa: {  	v27 =	vld.idx.msk [tilespmem:v28+s4+$0x0], $0xffff  }
0x3fb: {  	v28 =	vld.idx.msk [tilespmem:v18+s10+$0x0], $0xffff;
	v17 =	vadd.f32 v17, v20  }
0x3fc: {  	v18 =	vld.idx.msk [tilespmem:v24+s10+$0x0], $0xffff;
	v24 =	vor.u32 s28, v1  }
0x3fd: {  	v29 =	vor.u32 s23, v1;
	v30 =	vor.u32 v2, v12;
	v15 =	vld.idx.msk [tilespmem:v15+s10+$0x0], $0xffff;
	[tilespmem:v23+s17+$0x0] =	vst.idx.msk $0xffff, v17  }
0x3fe: {  	v23 =	vor.u32 v2, v13;
	v22 =	vld.idx.msk [tilespmem:v22+s4+$0x0], $0xffff  }
0x3ff: {  	v17 =	vadd.f32 v25, v20  }
0x400: {  	v25 =	vadd.f32 v27, v20;
	v27 =	vor.u32 s0, v2  }
0x401: {  	[tilespmem:v24+s17+$0x0] =	vst.idx.msk $0xffff, v17;
	v18 =	vshll.u32 v18, $0x7;
	v24 =	vor.u32 v3, v26  }
0x402: {  	[tilespmem:v29+s17+$0x0] =	vst.idx.msk $0xffff, v25;
	v17 =	vshll.u32 v28, $0x7;
	v25 =	vld.idx.msk [tilespmem:v30+s4+$0x0], $0xffff;
	v28 =	vor.u32 v0, v18  }
0x403: {  	v23 =	vld.idx.msk [tilespmem:v23+s4+$0x0], $0xffff;
	v29 =	vor.u32 v0, v17;
	v15 =	vshll.u32 v15, $0x7;
	v22 =	vadd.f32 v22, v19  }
0x404: {  	v31 =	vor.u32 s28, v2;
	v30 =	vor.u32 v0, v15  }
0x405: {  	v49 =	vor.u32 s23, v2;
	[tilespmem:v27+s17+$0x0] =	vst.idx.msk $0xffff, v22;
	v22 =	vor.u32 v3, v12  }
0x406: {  	v27 =	vor.u32 v3, v13;
	v24 =	vld.idx.msk [tilespmem:v24+s4+$0x0], $0xffff  }
0x407: {  	v25 =	vadd.f32 v25, v19;
	v28 =	vld.idx.msk [tilespmem:v28+s4+$0x0], $0xffff  }
0x408: {  	s24 =	simm.s32 $0x900;
	v50 =	vor.u32 s0, v3;
	v23 =	vadd.f32 v23, v19;
	v29 =	vld.idx.msk [tilespmem:v29+s4+$0x0], $0xffff  }
0x409: {  	s26 =	simm.s32 $0x700;
	v30 =	vld.idx.msk [tilespmem:v30+s4+$0x0], $0xffff;
	[tilespmem:v31+s17+$0x0] =	vst.idx.msk $0xffff, v25;
	v25 =	vor.u32 v4, v26;
	v31 =	vor.u32 s24, v0  }
0x40a: {  	s25 =	simm.s32 $0xB00;
	v51 =	vor.u32 v1, v18;
	[tilespmem:v49+s17+$0x0] =	vst.idx.msk $0xffff, v23;
	v23 =	vor.u32 s26, v0;
	v22 =	vld.idx.msk [tilespmem:v22+s4+$0x0], $0xffff  }
0x40b: {  	v53 =	vor.u32 s25, v0;
	v52 =	vor.u32 v1, v17;
	v27 =	vld.idx.msk [tilespmem:v27+s4+$0x0], $0xffff;
	v24 =	vadd.f32 v24, v16  }
0x40c: {  	v54 =	vor.u32 s28, v3;
	v55 =	vor.u32 v1, v15;
	v28 =	vadd.f32 v28, v21  }
0x40d: {  	v57 =	vor.u32 s23, v3;
	v56 =	vor.u32 v4, v12;
	s1 =	sadd.s32 $0x3, s19;
	v29 =	vadd.f32 v29, v21;
	[tilespmem:v50+s17+$0x0] =	vst.idx.msk $0xffff, v24  }
0x40e: {  	s6 =	sadd.s32 $0x303, s1;
	v30 =	vadd.f32 v30, v21;
	v25 =	vld.idx.msk [tilespmem:v25+s4+$0x0], $0xffff;
	[tilespmem:v31+s17+$0x0] =	vst.idx.msk $0xffff, v28;
	v28 =	vor.u32 v4, v13  }
0x40f: {  	[tilespmem:v23+s17+$0x0] =	vst.idx.msk $0xffff, v29;
	v31 =	vmov s6;
	v23 =	vadd.f32 v22, v16;
	v29 =	vld.idx.msk [tilespmem:v51+s4+$0x0], $0xffff  }
0x410: {  	v60 =	vor.u32 s24, v1;
	v63 =	vor.u32 s25, v1;
	s7 =	sadd.s32 $0x304, s1;
	v58 =	vld.idx.msk [tilespmem:v52+s4+$0x0], $0xffff;
	v27 =	vadd.f32 v27, v16;
	[tilespmem:v53+s17+$0x0] =	vst.idx.msk $0xffff, v30  }
0x411: {  	v61 =	vor.u32 s0, v4;
	s1 =	sadd.s32 $0x305, s1;
	v30 =	vmov s7;
	v59 =	vld.idx.msk [tilespmem:v55+s4+$0x0], $0xffff;
	[tilespmem:v54+s17+$0x0] =	vst.idx.msk $0xffff, v23  }
0x412: {  	v48 =	vor.u32 v5, v26;
	v36 =	vor.u32 v6, v13;
	v23 =	vmov s1;
	[tilespmem:v57+s17+$0x0] =	vst.idx.msk $0xffff, v27;
	v62 =	vld.idx.msk [tilespmem:v56+s4+$0x0], $0xffff  }
0x413: {  	v44 =	vor.u32 v3, v17;
	v49 =	vor.u32 s28, v4;
	v27 =	vor.u32 v2, v18;
	v28 =	vld.idx.msk [tilespmem:v28+s4+$0x0], $0xffff  }
0x414: {  	v24 =	vor.u32 v7, v26;
	v50 =	vor.u32 v2, v15;
	v22 =	vor.u32 v7, v18;
	v31 =	vld.idx.msk [tilespmem:v31+s10+$0x0], $0xffff  }
0x415: {  	v51 =	vor.u32 s23, v4;
	v52 =	vor.u32 s26, v1;
	v29 =	vadd.f32 v29, v20  }
0x416: {  	v55 =	vor.u32 v5, v12;
	v54 =	vor.u32 v2, v17;
	v25 =	vadd.f32 v25, v14;
	v30 =	vld.idx.msk [tilespmem:v30+s10+$0x0], $0xffff  }
0x417: {  	v32 =	vadd.f32 v58, v20;
	v34 =	vadd.f32 v59, v20;
	v53 =	vld.idx.msk [tilespmem:v23+s10+$0x0], $0xffff;
	[tilespmem:v60+s17+$0x0] =	vst.idx.msk $0xffff, v29  }
0x418: {  	[tilespmem:v61+s17+$0x0] =	vst.idx.msk $0xffff, v25;
	v29 =	vor.u32 v5, v13;
	v23 =	vadd.f32 v62, v14;
	v35 =	vld.idx.msk [tilespmem:v27+s4+$0x0], $0xffff  }
0x419: {  	[tilespmem:v63+s17+$0x0] =	vst.idx.msk $0xffff, v34;
	v25 =	vadd.f32 v28, v14;
	v28 =	vld.idx.msk [tilespmem:v48+s4+$0x0], $0xffff;
	v27 =	vshll.u32 v31, $0x7  }
0x41a: {  	v56 =	vor.u32 s24, v2;
	[tilespmem:v52+s17+$0x0] =	vst.idx.msk $0xffff, v32;
	v34 =	vld.idx.msk [tilespmem:v50+s4+$0x0], $0xffff;
	v59 =	vor.u32 v0, v27  }
0x41b: {  	v57 =	vor.u32 s0, v5;
	v58 =	vld.idx.msk [tilespmem:v54+s4+$0x0], $0xffff;
	v31 =	vor.u32 v3, v18;
	[tilespmem:v49+s17+$0x0] =	vst.idx.msk $0xffff, v23;
	v23 =	vshll.u32 v30, $0x7  }
0x41c: {  	v61 =	vor.u32 s28, v5;
	v52 =	vor.u32 s25, v2;
	v60 =	vor.u32 v0, v23;
	v33 =	vld.idx.msk [tilespmem:v55+s4+$0x0], $0xffff  }
0x41d: {  	v54 =	vor.u32 s26, v2;
	[tilespmem:v51+s17+$0x0] =	vst.idx.msk $0xffff, v25;
	v55 =	vor.u32 v3, v15;
	v30 =	vadd.f32 v35, v19  }
0x41e: {  	v63 =	vor.u32 v6, v26;
	v25 =	vshll.u32 v53, $0x7;
	v29 =	vld.idx.msk [tilespmem:v29+s4+$0x0], $0xffff;
	v28 =	vadd.f32 v28, v11  }
0x41f: {  	s30 =	simm.s32 $0x1100;
	v53 =	vor.u32 v0, v25;
	v34 =	vadd.f32 v34, v19;
	[tilespmem:v56+s17+$0x0] =	vst.idx.msk $0xffff, v30;
	v62 =	vld.idx.msk [tilespmem:v59+s4+$0x0], $0xffff  }
0x420: {  	s31 =	simm.s32 $0xD00;
	v45 =	vor.u32 s30, v0;
	v56 =	vor.u32 s23, v5;
	v31 =	vld.idx.msk [tilespmem:v31+s4+$0x0], $0xffff;
	[tilespmem:v57+s17+$0x0] =	vst.idx.msk $0xffff, v28;
	v57 =	vor.u32 v6, v12  }
0x421: {  	v38 =	vor.u32 s0, v6;
	v40 =	vld.idx.msk [tilespmem:v60+s4+$0x0], $0xffff;
	[tilespmem:v52+s17+$0x0] =	vst.idx.msk $0xffff, v34;
	v33 =	vadd.f32 v33, v11;
	v60 =	vor.u32 s31, v0  }
0x422: {  	v50 =	vor.u32 v4, v18;
	v59 =	vor.u32 s24, v3;
	v28 =	vadd.f32 v58, v19;
	v51 =	vld.idx.msk [tilespmem:v55+s4+$0x0], $0xffff  }
0x423: {  	s29 =	simm.s32 $0xF00;
	v58 =	vadd.f32 v29, v11;
	v37 =	vld.idx.msk [tilespmem:v63+s4+$0x0], $0xffff;
	[tilespmem:v61+s17+$0x0] =	vst.idx.msk $0xffff, v33;
	v61 =	vor.u32 v1, v27  }
0x424: {  	v26 =	vor.u32 s26, v6;
	v52 =	vor.u32 s29, v0;
	v41 =	vld.idx.msk [tilespmem:v53+s4+$0x0], $0xffff;
	[tilespmem:v54+s17+$0x0] =	vst.idx.msk $0xffff, v28;
	v62 =	vadd.f32 v62, v21  }
0x425: {  	v30 =	vor.u32 s28, v6;
	v34 =	vor.u32 s26, v3;
	v39 =	vld.idx.msk [tilespmem:v44+s4+$0x0], $0xffff;
	[tilespmem:v56+s17+$0x0] =	vst.idx.msk $0xffff, v58;
	v31 =	vadd.f32 v31, v16  }
0x426: {  	v32 =	vor.u32 v4, v17;
	v29 =	vor.u32 s31, v6;
	v28 =	vor.u32 s0, v7;
	v35 =	vld.idx.msk [tilespmem:v57+s4+$0x0], $0xffff;
	[tilespmem:v60+s17+$0x0] =	vst.idx.msk $0xffff, v62  }
0x427: {  	v44 =	vor.u32 v1, v23;
	v63 =	vadd.f32 v40, v21;
	[tilespmem:v59+s17+$0x0] =	vst.idx.msk $0xffff, v31;
	v31 =	vld.idx.msk [tilespmem:v36+s4+$0x0], $0xffff  }
0x428: {  	v33 =	vor.u32 v1, v25;
	v40 =	vor.u32 s25, v3;
	v42 =	vadd.f32 v51, v16;
	v43 =	vld.idx.msk [tilespmem:v61+s4+$0x0], $0xffff  }
0x429: {  	s1 =	simm.s32 $0x22;
	s0 =	simm.s32 $0x6;
	v46 =	vadd.f32 v41, v21;
	[tilespmem:v52+s17+$0x0] =	vst.idx.msk $0xffff, v63;
	v41 =	vor.u32 v4, v15;
	v36 =	vld.idx.msk [tilespmem:v50+s4+$0x0], $0xffff  }
.LBB2_15:
0x42a: {  	v47 =	vor.u32 v7, v23  }
0x42b: {  	s2 =	sadd.s32 s0, s19;
	s0 =	sadd.s32 $0x3, s0;
	v39 =	vadd.f32 v39, v16;
	v48 =	vor.u32 v7, v12;
	v12 =	vmovc v17;
	v51 =	vor.u32 s30, v1  }
0x42c: {  	v37 =	vadd.f32 v37, v10;
	s6 =	sadd.s32 $0x303, s2;
	s7 =	sadd.s32 $0x304, s2;
	s2 =	sadd.s32 $0x305, s2;
	v44 =	vld.idx.msk [tilespmem:v44+s4+$0x0], $0xffff;
	[tilespmem:v45+s17+$0x0] =	vst.idx.msk $0xffff, v46;
	v45 =	vor.u32 s24, v4;
	v46 =	vor.u32 s28, v7  }
0x42d: {  	v17 =	vmovc v27;
	p0 =	slt.u32 s0, $0x4E;
	s28 =	smov.u32 s26;
	s26 =	smov.u32 s31;
	v49 =	vmov s6;
	v50 =	vld.idx.msk [tilespmem:v33+s4+$0x0], $0xffff;
	[tilespmem:v34+s17+$0x0] =	vst.idx.msk $0xffff, v39;
	v34 =	vor.u32 s23, v6;
	v33 =	vmov v26  }
0x42e: {  	v35 =	vadd.f32 v35, v10;
	v27 =	vmov s7;
	v31 =	vadd.f32 v31, v10;
	v32 =	vld.idx.msk [tilespmem:v32+s4+$0x0], $0xffff;
	[tilespmem:v40+s17+$0x0] =	vst.idx.msk $0xffff, v42  }
0x42f: {  	v39 =	vmov s2;
	v26 =	vmovc v29;
	v40 =	vor.u32 s29, v1;
	v36 =	vadd.f32 v36, v14;
	v41 =	vld.idx.msk [tilespmem:v41+s4+$0x0], $0xffff;
	[tilespmem:v38+s17+$0x0] =	vst.idx.msk $0xffff, v37  }
0x430: {  	v29 =	vadd.f32 v43, v20;
	v37 =	vor.u32 v2, v23;
	[tilespmem:v30+s17+$0x0] =	vst.idx.msk $0xffff, v35;
	v30 =	vld.idx.msk [tilespmem:v24+s4+$0x0], $0xffff  }
0x431: {  	v38 =	vor.u32 s25, v4;
	v35 =	vor.u32 s28, v4;
	[tilespmem:v45+s17+$0x0] =	vst.idx.msk $0xffff, v36;
	v36 =	vor.u32 v5, v18;
	v42 =	vld.idx.msk [tilespmem:v48+s4+$0x0], $0xffff  }
0x432: {  	v44 =	vadd.f32 v44, v20;
	v45 =	vor.u32 v2, v25;
	v43 =	vld.idx.msk [tilespmem:v49+s10+$0x0], $0xffff;
	[tilespmem:v34+s17+$0x0] =	vst.idx.msk $0xffff, v31  }
0x433: {  	v24 =	vmovc v22;
	v48 =	vor.u32 v5, v15;
	v34 =	vadd.f32 v50, v20;
	v31 =	vld.idx.msk [tilespmem:v27+s10+$0x0], $0xffff;
	v27 =	vor.u32 s26, v1  }
0x434: {  	v32 =	vadd.f32 v32, v14;
	v22 =	vld.idx.msk [tilespmem:v39+s10+$0x0], $0xffff;
	v39 =	vor.u32 v2, v17;
	[tilespmem:v40+s17+$0x0] =	vst.idx.msk $0xffff, v44  }
0x435: {  	v40 =	vadd.f32 v41, v14;
	v37 =	vld.idx.msk [tilespmem:v37+s4+$0x0], $0xffff;
	[tilespmem:v51+s17+$0x0] =	vst.idx.msk $0xffff, v34;
	v34 =	vor.u32 v5, v12  }
0x436: {  	v13 =	vor.u32 v7, v13;
	v30 =	vadd.f32 v30, v9;
	[tilespmem:v35+s17+$0x0] =	vst.idx.msk $0xffff, v32;
	v32 =	vld.idx.msk [tilespmem:v36+s4+$0x0], $0xffff  }
0x437: {  	v36 =	vor.u32 v6, v15;
	v35 =	vld.idx.msk [tilespmem:v45+s4+$0x0], $0xffff;
	[tilespmem:v38+s17+$0x0] =	vst.idx.msk $0xffff, v40;
	v38 =	vadd.f32 v42, v9  }
0x438: {  	v41 =	vor.u32 s24, v5;
	v40 =	vor.u32 v6, v12;
	[tilespmem:v27+s17+$0x0] =	vst.idx.msk $0xffff, v29;
	v29 =	vor.u32 s29, v2;
	v42 =	vld.idx.msk [tilespmem:v48+s4+$0x0], $0xffff  }
0x439: {  	v27 =	vshll.u32 v43, $0x7;
	v31 =	vshll.u32 v31, $0x7;
	v43 =	vor.u32 v3, v23;
	v39 =	vld.idx.msk [tilespmem:v39+s4+$0x0], $0xffff;
	[tilespmem:v46+s17+$0x0] =	vst.idx.msk $0xffff, v38  }
0x43a: {  	v38 =	vor.u32 v0, v27;
	v44 =	vshll.u32 v22, $0x7;
	v34 =	vld.idx.msk [tilespmem:v34+s4+$0x0], $0xffff;
	[tilespmem:v28+s17+$0x0] =	vst.idx.msk $0xffff, v30;
	v28 =	vor.u32 s23, v7;
	s23 =	smov.u32 s25;
	s25 =	smov.u32 s30  }
0x43b: {  	v22 =	vmovc v47;
	v30 =	vor.u32 v0, v31;
	v37 =	vadd.f32 v37, v19;
	v45 =	vor.u32 s25, v2;
	v46 =	vld.idx.msk [tilespmem:v13+s4+$0x0], $0xffff  }
0x43c: {  	v48 =	vor.u32 s26, v2;
	v47 =	vor.u32 v0, v44;
	v32 =	vadd.f32 v32, v11;
	v13 =	vmovc v15;
	v15 =	vmovc v25  }
0x43d: {  	v25 =	vadd.f32 v35, v19;
	v35 =	vor.u32 v3, v15;
	[tilespmem:v29+s17+$0x0] =	vst.idx.msk $0xffff, v37;
	v37 =	vor.u32 s28, v5  }
0x43e: {  	v49 =	vor.u32 v3, v17;
	v43 =	vld.idx.msk [tilespmem:v43+s4+$0x0], $0xffff;
	[tilespmem:v41+s17+$0x0] =	vst.idx.msk $0xffff, v32;
	v41 =	vadd.f32 v42, v11  }
0x43f: {  	s1 =	sadd.s32 $0xC, s1;
	v50 =	vor.u32 s23, v5;
	v29 =	vadd.f32 v39, v19;
	v42 =	vor.u32 v6, v18;
	v18 =	vmovc v23;
	v38 =	vld.idx.msk [tilespmem:v38+s4+$0x0], $0xffff  }
0x440: {  	v52 =	vor.u32 s29, v3;
	s30 =	sshll.u32 s1, $0x7;
	v23 =	vmov v31;
	v34 =	vadd.f32 v34, v11;
	v51 =	vld.idx.msk [tilespmem:v30+s4+$0x0], $0xffff;
	[tilespmem:v45+s17+$0x0] =	vst.idx.msk $0xffff, v25  }
0x441: {  	s31 =	sadd.s32 $0xFFFFFC00, s30;
	v32 =	vor.u32 v4, v17;
	v30 =	vadd.f32 v46, v9;
	v47 =	vld.idx.msk [tilespmem:v47+s4+$0x0], $0xffff;
	[tilespmem:v48+s17+$0x0] =	vst.idx.msk $0xffff, v29  }
0x442: {  	s2 =	sadd.s32 $0xFFFFFE00, s30;
	v46 =	vor.u32 s31, v0;
	v29 =	vor.u32 s31, v6;
	v48 =	vor.u32 v4, v18;
	v53 =	vld.idx.msk [tilespmem:v35+s4+$0x0], $0xffff;
	[tilespmem:v37+s17+$0x0] =	vst.idx.msk $0xffff, v34  }
0x443: {  	v54 =	vor.u32 v1, v27;
	v55 =	vor.u32 s2, v0;
	v25 =	vmov v44;
	v39 =	vld.idx.msk [tilespmem:v49+s4+$0x0], $0xffff;
	[tilespmem:v28+s17+$0x0] =	vst.idx.msk $0xffff, v30  }
.Ltmp6:
0x444: {  	v34 =	vor.u32 s26, v3;
	v31 =	vadd.f32 v43, v16;
	v28 =	vor.u32 s24, v7;
	v37 =	vld.idx.msk [tilespmem:v42+s4+$0x0], $0xffff;
	[tilespmem:v50+s17+$0x0] =	vst.idx.msk $0xffff, v41;
	(pc) =	sbr.rel @p0 .LBB2_15-.Ltmp6, $4  }
0x445: {  	v44 =	vor.u32 v1, v23;
	v45 =	vor.u32 s30, v0;
	v38 =	vadd.f32 v38, v21;
	v30 =	vmovc v33;
	v35 =	vld.idx.msk [tilespmem:v40+s4+$0x0], $0xffff  }
0x446: {  	v33 =	vor.u32 v1, v25;
	v41 =	vadd.f32 v51, v21;
	[tilespmem:v52+s17+$0x0] =	vst.idx.msk $0xffff, v31;
	v31 =	vld.idx.msk [tilespmem:v36+s4+$0x0], $0xffff  }
0x447: {  	v40 =	vor.u32 s25, v3;
	[tilespmem:v46+s17+$0x0] =	vst.idx.msk $0xffff, v38;
	v46 =	vadd.f32 v47, v21;
	v36 =	vld.idx.msk [tilespmem:v48+s4+$0x0], $0xffff;
	v38 =	vor.u32 s24, v6;
	s24 =	smov.u32 s29;
	s29 =	smov.u32 s2  }
0x448: {  	v42 =	vadd.f32 v53, v16;
	v43 =	vld.idx.msk [tilespmem:v54+s4+$0x0], $0xffff;
	[tilespmem:v55+s17+$0x0] =	vst.idx.msk $0xffff, v41;
	v41 =	vor.u32 v4, v15  }
0x449: {  	_ =	sdelay $0x3  }
0x44a: {  	v21 =	vld.idx.msk [tilespmem:v44+s4+$0x0], $0xffff;
	[tilespmem:v45+s17+$0x0] =	vst.idx.msk $0xffff, v46  }
0x44b: {  	v62 =	vor.u32 s31, v1;
	v33 =	vld.idx.msk [tilespmem:v33+s4+$0x0], $0xffff  }
0x44c: {  	v63 =	vor.u32 s29, v1;
	v52 =	vor.u32 v2, v27  }
0x44d: {  	v47 =	vor.u32 s30, v1;
	v48 =	vor.u32 v2, v23  }
0x44e: {  	v49 =	vor.u32 v2, v25;
	v43 =	vadd.f32 v43, v20  }
0x44f: {  	v21 =	vadd.f32 v21, v20  }
0x450: {  	v20 =	vadd.f32 v33, v20;
	[tilespmem:v62+s17+$0x0] =	vst.idx.msk $0xffff, v43  }
0x451: {  	[tilespmem:v63+s17+$0x0] =	vst.idx.msk $0xffff, v21;
	v21 =	vld.idx.msk [tilespmem:v52+s4+$0x0], $0xffff  }
0x452: {  	v53 =	vld.idx.msk [tilespmem:v48+s4+$0x0], $0xffff;
	[tilespmem:v47+s17+$0x0] =	vst.idx.msk $0xffff, v20  }
0x453: {  	v54 =	vor.u32 s31, v2;
	v20 =	vld.idx.msk [tilespmem:v49+s4+$0x0], $0xffff  }
0x454: {  	v55 =	vor.u32 s29, v2;
	v56 =	vor.u32 v3, v27  }
0x455: {  	v57 =	vor.u32 v3, v23;
	v58 =	vor.u32 s30, v2  }
0x456: {  	v59 =	vor.u32 v3, v25;
	v21 =	vadd.f32 v21, v19  }
0x457: {  	v33 =	vadd.f32 v53, v19  }
0x458: {  	v19 =	vadd.f32 v20, v19;
	[tilespmem:v54+s17+$0x0] =	vst.idx.msk $0xffff, v21  }
0x459: {  	[tilespmem:v55+s17+$0x0] =	vst.idx.msk $0xffff, v33;
	v20 =	vld.idx.msk [tilespmem:v56+s4+$0x0], $0xffff  }
0x45a: {  	v21 =	vld.idx.msk [tilespmem:v57+s4+$0x0], $0xffff;
	[tilespmem:v58+s17+$0x0] =	vst.idx.msk $0xffff, v19  }
0x45b: {  	v61 =	vor.u32 s31, v3;
	v19 =	vadd.f32 v39, v16;
	v60 =	vld.idx.msk [tilespmem:v59+s4+$0x0], $0xffff  }
0x45c: {  	v37 =	vadd.f32 v37, v10;
	[tilespmem:v40+s17+$0x0] =	vst.idx.msk $0xffff, v42;
	v62 =	vor.u32 s29, v3;
	v63 =	vor.u32 v4, v27  }
0x45d: {  	v35 =	vadd.f32 v35, v10;
	v47 =	vor.u32 s30, v3;
	[tilespmem:v34+s17+$0x0] =	vst.idx.msk $0xffff, v19;
	v19 =	vor.u32 v4, v23  }
0x45e: {  	[tilespmem:v38+s17+$0x0] =	vst.idx.msk $0xffff, v37;
	v48 =	vor.u32 v4, v25;
	v32 =	vld.idx.msk [tilespmem:v32+s4+$0x0], $0xffff;
	v20 =	vadd.f32 v20, v16  }
0x45f: {  	v12 =	vor.u32 v7, v12;
	[tilespmem:v30+s17+$0x0] =	vst.idx.msk $0xffff, v35;
	v21 =	vadd.f32 v21, v16  }
0x460: {  	v51 =	vor.u32 s26, v4;
	v50 =	vld.idx.msk [tilespmem:v41+s4+$0x0], $0xffff;
	v16 =	vadd.f32 v60, v16;
	[tilespmem:v61+s17+$0x0] =	vst.idx.msk $0xffff, v20  }
0x461: {  	v52 =	vor.u32 v5, v17;
	v49 =	vor.u32 s24, v4;
	[tilespmem:v62+s17+$0x0] =	vst.idx.msk $0xffff, v21;
	v21 =	vld.idx.msk [tilespmem:v63+s4+$0x0], $0xffff  }
0x462: {  	v53 =	vor.u32 v5, v18;
	v54 =	vor.u32 s25, v4;
	v19 =	vld.idx.msk [tilespmem:v19+s4+$0x0], $0xffff;
	[tilespmem:v47+s17+$0x0] =	vst.idx.msk $0xffff, v16  }
0x463: {  	v55 =	vor.u32 s31, v4;
	v16 =	vor.u32 v5, v15;
	v32 =	vadd.f32 v32, v14;
	v34 =	vld.idx.msk [tilespmem:v48+s4+$0x0], $0xffff  }
0x464: {  	v30 =	vor.u32 s29, v4;
	v12 =	vld.idx.msk [tilespmem:v12+s4+$0x0], $0xffff;
	v56 =	vor.u32 v5, v27;
	v20 =	vadd.f32 v36, v14  }
0x465: {  	v38 =	vadd.f32 v50, v14;
	v57 =	vor.u32 v5, v23;
	v58 =	vor.u32 s30, v4;
	[tilespmem:v51+s17+$0x0] =	vst.idx.msk $0xffff, v32  }
0x466: {  	v59 =	vor.u32 v5, v25;
	[tilespmem:v49+s17+$0x0] =	vst.idx.msk $0xffff, v20;
	v20 =	vld.idx.msk [tilespmem:v52+s4+$0x0], $0xffff;
	v21 =	vadd.f32 v21, v14  }
0x467: {  	v45 =	vor.u32 v6, v27;
	[tilespmem:v54+s17+$0x0] =	vst.idx.msk $0xffff, v38;
	v36 =	vld.idx.msk [tilespmem:v53+s4+$0x0], $0xffff;
	v19 =	vadd.f32 v19, v14  }
0x468: {  	v60 =	vor.u32 s26, v5;
	v16 =	vld.idx.msk [tilespmem:v16+s4+$0x0], $0xffff;
	v14 =	vadd.f32 v34, v14;
	[tilespmem:v55+s17+$0x0] =	vst.idx.msk $0xffff, v21  }
0x469: {  	v44 =	vor.u32 s31, v5;
	v61 =	vor.u32 v6, v17;
	v62 =	vor.u32 s24, v5;
	[tilespmem:v30+s17+$0x0] =	vst.idx.msk $0xffff, v19;
	v19 =	vld.idx.msk [tilespmem:v56+s4+$0x0], $0xffff  }
0x46a: {  	v46 =	vor.u32 s29, v5;
	v18 =	vor.u32 v6, v18;
	v63 =	vor.u32 s25, v5;
	v32 =	vld.idx.msk [tilespmem:v57+s4+$0x0], $0xffff;
	[tilespmem:v58+s17+$0x0] =	vst.idx.msk $0xffff, v14  }
0x46b: {  	v13 =	vor.u32 v7, v13;
	v14 =	vor.u32 v6, v15;
	v20 =	vadd.f32 v20, v11;
	v33 =	vld.idx.msk [tilespmem:v59+s4+$0x0], $0xffff  }
0x46c: {  	v24 =	vld.idx.msk [tilespmem:v24+s4+$0x0], $0xffff;
	v43 =	vor.u32 v7, v23;
	v47 =	vor.u32 v6, v25;
	v36 =	vadd.f32 v36, v11  }
0x46d: {  	v16 =	vadd.f32 v16, v11;
	[tilespmem:v60+s17+$0x0] =	vst.idx.msk $0xffff, v20;
	v20 =	vor.u32 v6, v23;
	v23 =	vor.u32 s30, v5  }
0x46e: {  	v21 =	vor.u32 s28, v7;
	[tilespmem:v62+s17+$0x0] =	vst.idx.msk $0xffff, v36;
	v34 =	vld.idx.msk [tilespmem:v61+s4+$0x0], $0xffff;
	v19 =	vadd.f32 v19, v11  }
0x46f: {  	v30 =	vor.u32 s23, v6;
	v18 =	vld.idx.msk [tilespmem:v18+s4+$0x0], $0xffff;
	[tilespmem:v63+s17+$0x0] =	vst.idx.msk $0xffff, v16;
	v16 =	vadd.f32 v32, v11  }
0x470: {  	v12 =	vadd.f32 v12, v9;
	v14 =	vld.idx.msk [tilespmem:v14+s4+$0x0], $0xffff;
	v11 =	vadd.f32 v33, v11;
	[tilespmem:v44+s17+$0x0] =	vst.idx.msk $0xffff, v19  }
0x471: {  	v17 =	vor.u32 v7, v17;
	v19 =	vor.u32 s24, v6;
	[tilespmem:v46+s17+$0x0] =	vst.idx.msk $0xffff, v16;
	v16 =	vld.idx.msk [tilespmem:v45+s4+$0x0], $0xffff  }
0x472: {  	v31 =	vadd.f32 v31, v10;
	v48 =	vor.u32 s25, v6;
	v20 =	vld.idx.msk [tilespmem:v20+s4+$0x0], $0xffff;
	[tilespmem:v23+s17+$0x0] =	vst.idx.msk $0xffff, v11  }
0x473: {  	v15 =	vor.u32 v7, v15;
	[tilespmem:v21+s17+$0x0] =	vst.idx.msk $0xffff, v12;
	v11 =	vadd.f32 v34, v10;
	v23 =	vld.idx.msk [tilespmem:v47+s4+$0x0], $0xffff  }
0x474: {  	v21 =	vor.u32 v7, v27;
	[tilespmem:v30+s17+$0x0] =	vst.idx.msk $0xffff, v31;
	v12 =	vadd.f32 v18, v10;
	v18 =	vor.u32 s29, v6  }
0x475: {  	v13 =	vld.idx.msk [tilespmem:v13+s4+$0x0], $0xffff;
	v14 =	vadd.f32 v14, v10;
	[tilespmem:v26+s17+$0x0] =	vst.idx.msk $0xffff, v11;
	v11 =	vor.u32 s30, v6  }
0x476: {  	[tilespmem:v19+s17+$0x0] =	vst.idx.msk $0xffff, v12;
	v12 =	vld.idx.msk [tilespmem:v17+s4+$0x0], $0xffff;
	v17 =	vor.u32 v7, v25;
	v16 =	vadd.f32 v16, v10  }
0x477: {  	v19 =	vor.u32 s23, v7;
	v22 =	vld.idx.msk [tilespmem:v22+s4+$0x0], $0xffff;
	[tilespmem:v48+s17+$0x0] =	vst.idx.msk $0xffff, v14;
	v14 =	vadd.f32 v20, v10  }
0x478: {  	v20 =	vor.u32 s26, v7;
	v15 =	vld.idx.msk [tilespmem:v15+s4+$0x0], $0xffff;
	v10 =	vadd.f32 v23, v10;
	[tilespmem:v29+s17+$0x0] =	vst.idx.msk $0xffff, v16  }
0x479: {  	v16 =	vadd.f32 v24, v9;
	v23 =	vor.u32 s24, v7;
	[tilespmem:v18+s17+$0x0] =	vst.idx.msk $0xffff, v14;
	v14 =	vld.idx.msk [tilespmem:v21+s4+$0x0], $0xffff  }
0x47a: {  	v13 =	vadd.f32 v13, v9;
	v18 =	vor.u32 s25, v7;
	v21 =	vld.idx.msk [tilespmem:v43+s4+$0x0], $0xffff;
	[tilespmem:v11+s17+$0x0] =	vst.idx.msk $0xffff, v10  }
0x47b: {  	[tilespmem:v28+s17+$0x0] =	vst.idx.msk $0xffff, v16;
	v10 =	vadd.f32 v12, v9;
	v11 =	vor.u32 s31, v7;
	v12 =	vld.idx.msk [tilespmem:v17+s4+$0x0], $0xffff  }
0x47c: {  	s0 =	sadd.s32 $0xFFFFFFFD, s19;
	[tilespmem:v19+s17+$0x0] =	vst.idx.msk $0xffff, v13;
	v16 =	vor.u32 s29, v7;
	v13 =	vadd.f32 v22, v9  }
0x47d: {  	s1 =	sadd.s32 $0x384, s0;
	[tilespmem:v20+s17+$0x0] =	vst.idx.msk $0xffff, v10;
	v10 =	vadd.f32 v15, v9;
	v15 =	vor.u32 s30, v7  }
0x47e: {  	[tilespmem:v23+s17+$0x0] =	vst.idx.msk $0xffff, v13;
	v13 =	vadd.f32 v14, v9;
	v14 =	vmov s1  }
0x47f: {  	s25 =	sor.u32 $0x380, s21;
	[tilespmem:v18+s17+$0x0] =	vst.idx.msk $0xffff, v10;
	v10 =	vadd.f32 v21, v9  }
0x480: {  	s26 =	sadd.s32 $0x383, s0;
	[tilespmem:v11+s17+$0x0] =	vst.idx.msk $0xffff, v13;
	v9 =	vadd.f32 v12, v9;
	v11 =	vmov s25  }
0x481: {  	s0 =	sadd.s32 $0x385, s0;
	[tilespmem:v16+s17+$0x0] =	vst.idx.msk $0xffff, v10;
	v10 =	vshrl.u32 v11, $0x7;
	v11 =	vmov s26  }
0x482: {  	[tilespmem:v15+s17+$0x0] =	vst.idx.msk $0xffff, v9;
	v9 =	vshll.u32 v10, $0x7;
	v10 =	vmov s0  }
0x483: {  	v12 =	vld.idx.msk [tilespmem:v14+s10+$0x0], $0xffff  }
0x484: {  	v9 =	vbroadcast v9, $0x0;
	_ =	sdelay $0x1  }
0x485: {  	v13 =	vor.u32 v0, v9;
	v11 =	vld.idx.msk [tilespmem:v11+s10+$0x0], $0xffff  }
0x486: {  	v15 =	vor.u32 v2, v9;
	v10 =	vld.idx.msk [tilespmem:v10+s10+$0x0], $0xffff  }
0x487: {  	v14 =	vor.u32 v1, v9;
	v26 =	vshll.u32 v12, $0x7  }
0x488: {  	v17 =	vor.u32 v0, v26  }
0x489: {  	v18 =	vor.u32 v4, v9  }
0x48a: {  	v22 =	vor.u32 v5, v9;
	v21 =	vld.idx.msk [tilespmem:v13+s11+$0x0], $0xffff;
	v12 =	vshll.u32 v11, $0x7  }
0x48b: {  	v19 =	vld.idx.msk [tilespmem:v15+s11+$0x0], $0xffff;
	v15 =	vor.u32 v0, v12;
	v13 =	vshll.u32 v10, $0x7  }
0x48c: {  	v20 =	vld.idx.msk [tilespmem:v14+s11+$0x0], $0xffff;
	v10 =	vor.u32 v0, v13  }
0x48d: {  	v23 =	vor.u32 v6, v9;
	v17 =	vld.idx.msk [tilespmem:v17+s4+$0x0], $0xffff  }
0x48e: {  	s0 =	simm.s32 $0x380;
	v16 =	vor.u32 v3, v9;
	v14 =	vld.idx.msk [tilespmem:v18+s11+$0x0], $0xffff  }
0x48f: {  	v9 =	vor.u32 v7, v9;
	v18 =	vor.u32 s0, v0;
	v11 =	vld.idx.msk [tilespmem:v22+s11+$0x0], $0xffff  }
0x490: {  	v22 =	vor.u32 v1, v26;
	v15 =	vld.idx.msk [tilespmem:v15+s4+$0x0], $0xffff  }
0x491: {  	s26 =	simm.s32 $0x180;
	v24 =	vld.idx.msk [tilespmem:v10+s4+$0x0], $0xffff  }
0x492: {  	s21 =	simm.s32 $0x580;
	v10 =	vld.idx.msk [tilespmem:v23+s11+$0x0], $0xffff;
	v23 =	vor.u32 s26, v0;
	v17 =	vadd.f32 v17, v21  }
0x493: {  	v27 =	vor.u32 s21, v0;
	s31 =	sadd.s32 $0x0, s19;
	v16 =	vld.idx.msk [tilespmem:v16+s11+$0x0], $0xffff;
	v25 =	vor.u32 v1, v12  }
0x494: {  	s2 =	sadd.s32 $0x383, s31;
	v9 =	vld.idx.msk [tilespmem:v9+s11+$0x0], $0xffff;
	v28 =	vor.u32 v1, v13;
	[tilespmem:v18+s17+$0x0] =	vst.idx.msk $0xffff, v17  }
0x495: {  	s6 =	sadd.s32 $0x384, s31;
	v18 =	vmov s2;
	v15 =	vadd.f32 v15, v21;
	v17 =	vld.idx.msk [tilespmem:v22+s4+$0x0], $0xffff  }
0x496: {  	s1 =	sadd.s32 $0x385, s31;
	v22 =	vadd.f32 v24, v21;
	v24 =	vmov s6  }
0x497: {  	[tilespmem:v23+s17+$0x0] =	vst.idx.msk $0xffff, v15;
	v15 =	vmov s1;
	v23 =	vor.u32 s0, v1  }
0x498: {  	v25 =	vld.idx.msk [tilespmem:v25+s4+$0x0], $0xffff;
	[tilespmem:v27+s17+$0x0] =	vst.idx.msk $0xffff, v22;
	v22 =	vor.u32 v2, v26  }
0x499: {  	v27 =	vld.idx.msk [tilespmem:v28+s4+$0x0], $0xffff  }
0x49a: {  	v28 =	vld.idx.msk [tilespmem:v18+s10+$0x0], $0xffff;
	v17 =	vadd.f32 v17, v20  }
0x49b: {  	v18 =	vld.idx.msk [tilespmem:v24+s10+$0x0], $0xffff;
	v24 =	vor.u32 s26, v1  }
0x49c: {  	v29 =	vor.u32 s21, v1;
	v30 =	vor.u32 v2, v12;
	v15 =	vld.idx.msk [tilespmem:v15+s10+$0x0], $0xffff;
	[tilespmem:v23+s17+$0x0] =	vst.idx.msk $0xffff, v17  }
0x49d: {  	v23 =	vor.u32 v2, v13;
	v22 =	vld.idx.msk [tilespmem:v22+s4+$0x0], $0xffff  }
0x49e: {  	v17 =	vadd.f32 v25, v20  }
0x49f: {  	v25 =	vadd.f32 v27, v20;
	v27 =	vor.u32 s0, v2  }
0x4a0: {  	[tilespmem:v24+s17+$0x0] =	vst.idx.msk $0xffff, v17;
	v18 =	vshll.u32 v18, $0x7;
	v24 =	vor.u32 v3, v26  }
0x4a1: {  	[tilespmem:v29+s17+$0x0] =	vst.idx.msk $0xffff, v25;
	v17 =	vshll.u32 v28, $0x7;
	v25 =	vld.idx.msk [tilespmem:v30+s4+$0x0], $0xffff;
	v28 =	vor.u32 v0, v18  }
0x4a2: {  	v23 =	vld.idx.msk [tilespmem:v23+s4+$0x0], $0xffff;
	v29 =	vor.u32 v0, v17;
	v15 =	vshll.u32 v15, $0x7;
	v22 =	vadd.f32 v22, v19  }
0x4a3: {  	v31 =	vor.u32 s26, v2;
	v30 =	vor.u32 v0, v15  }
0x4a4: {  	v49 =	vor.u32 s21, v2;
	[tilespmem:v27+s17+$0x0] =	vst.idx.msk $0xffff, v22;
	v22 =	vor.u32 v3, v12  }
0x4a5: {  	v27 =	vor.u32 v3, v13;
	v24 =	vld.idx.msk [tilespmem:v24+s4+$0x0], $0xffff  }
0x4a6: {  	v25 =	vadd.f32 v25, v19;
	v28 =	vld.idx.msk [tilespmem:v28+s4+$0x0], $0xffff  }
0x4a7: {  	s23 =	simm.s32 $0x980;
	v50 =	vor.u32 s0, v3;
	v23 =	vadd.f32 v23, v19;
	v29 =	vld.idx.msk [tilespmem:v29+s4+$0x0], $0xffff  }
0x4a8: {  	s25 =	simm.s32 $0x780;
	v30 =	vld.idx.msk [tilespmem:v30+s4+$0x0], $0xffff;
	[tilespmem:v31+s17+$0x0] =	vst.idx.msk $0xffff, v25;
	v25 =	vor.u32 v4, v26;
	v31 =	vor.u32 s23, v0  }
0x4a9: {  	s24 =	simm.s32 $0xB80;
	v51 =	vor.u32 v1, v18;
	[tilespmem:v49+s17+$0x0] =	vst.idx.msk $0xffff, v23;
	v23 =	vor.u32 s25, v0;
	v22 =	vld.idx.msk [tilespmem:v22+s4+$0x0], $0xffff  }
0x4aa: {  	v53 =	vor.u32 s24, v0;
	v52 =	vor.u32 v1, v17;
	v27 =	vld.idx.msk [tilespmem:v27+s4+$0x0], $0xffff;
	v24 =	vadd.f32 v24, v16  }
0x4ab: {  	v54 =	vor.u32 s26, v3;
	v55 =	vor.u32 v1, v15;
	v28 =	vadd.f32 v28, v21  }
0x4ac: {  	v57 =	vor.u32 s21, v3;
	v56 =	vor.u32 v4, v12;
	s6 =	sadd.s32 $0x3, s19;
	v29 =	vadd.f32 v29, v21;
	[tilespmem:v50+s17+$0x0] =	vst.idx.msk $0xffff, v24  }
0x4ad: {  	s7 =	sadd.s32 $0x383, s6;
	v30 =	vadd.f32 v30, v21;
	v25 =	vld.idx.msk [tilespmem:v25+s4+$0x0], $0xffff;
	[tilespmem:v31+s17+$0x0] =	vst.idx.msk $0xffff, v28;
	v28 =	vor.u32 v4, v13  }
0x4ae: {  	[tilespmem:v23+s17+$0x0] =	vst.idx.msk $0xffff, v29;
	v31 =	vmov s7;
	v23 =	vadd.f32 v22, v16;
	v29 =	vld.idx.msk [tilespmem:v51+s4+$0x0], $0xffff  }
0x4af: {  	v60 =	vor.u32 s23, v1;
	v63 =	vor.u32 s24, v1;
	s31 =	sadd.s32 $0x384, s6;
	v58 =	vld.idx.msk [tilespmem:v52+s4+$0x0], $0xffff;
	v27 =	vadd.f32 v27, v16;
	[tilespmem:v53+s17+$0x0] =	vst.idx.msk $0xffff, v30  }
0x4b0: {  	v61 =	vor.u32 s0, v4;
	s1 =	sadd.s32 $0x385, s6;
	v30 =	vmov s31;
	v59 =	vld.idx.msk [tilespmem:v55+s4+$0x0], $0xffff;
	[tilespmem:v54+s17+$0x0] =	vst.idx.msk $0xffff, v23  }
0x4b1: {  	v48 =	vor.u32 v5, v26;
	v36 =	vor.u32 v6, v13;
	v23 =	vmov s1;
	[tilespmem:v57+s17+$0x0] =	vst.idx.msk $0xffff, v27;
	v62 =	vld.idx.msk [tilespmem:v56+s4+$0x0], $0xffff  }
0x4b2: {  	v44 =	vor.u32 v3, v17;
	v49 =	vor.u32 s26, v4;
	v27 =	vor.u32 v2, v18;
	v28 =	vld.idx.msk [tilespmem:v28+s4+$0x0], $0xffff  }
0x4b3: {  	v24 =	vor.u32 v7, v26;
	v50 =	vor.u32 v2, v15;
	v22 =	vor.u32 v7, v18;
	v31 =	vld.idx.msk [tilespmem:v31+s10+$0x0], $0xffff  }
0x4b4: {  	v51 =	vor.u32 s21, v4;
	v52 =	vor.u32 s25, v1;
	v29 =	vadd.f32 v29, v20  }
0x4b5: {  	v55 =	vor.u32 v5, v12;
	v54 =	vor.u32 v2, v17;
	v25 =	vadd.f32 v25, v14;
	v30 =	vld.idx.msk [tilespmem:v30+s10+$0x0], $0xffff  }
0x4b6: {  	v32 =	vadd.f32 v58, v20;
	v34 =	vadd.f32 v59, v20;
	v53 =	vld.idx.msk [tilespmem:v23+s10+$0x0], $0xffff;
	[tilespmem:v60+s17+$0x0] =	vst.idx.msk $0xffff, v29  }
0x4b7: {  	[tilespmem:v61+s17+$0x0] =	vst.idx.msk $0xffff, v25;
	v29 =	vor.u32 v5, v13;
	v23 =	vadd.f32 v62, v14;
	v35 =	vld.idx.msk [tilespmem:v27+s4+$0x0], $0xffff  }
0x4b8: {  	[tilespmem:v63+s17+$0x0] =	vst.idx.msk $0xffff, v34;
	v25 =	vadd.f32 v28, v14;
	v28 =	vld.idx.msk [tilespmem:v48+s4+$0x0], $0xffff;
	v27 =	vshll.u32 v31, $0x7  }
0x4b9: {  	v56 =	vor.u32 s23, v2;
	[tilespmem:v52+s17+$0x0] =	vst.idx.msk $0xffff, v32;
	v34 =	vld.idx.msk [tilespmem:v50+s4+$0x0], $0xffff;
	v59 =	vor.u32 v0, v27  }
0x4ba: {  	v57 =	vor.u32 s0, v5;
	v58 =	vld.idx.msk [tilespmem:v54+s4+$0x0], $0xffff;
	v31 =	vor.u32 v3, v18;
	[tilespmem:v49+s17+$0x0] =	vst.idx.msk $0xffff, v23;
	v23 =	vshll.u32 v30, $0x7  }
0x4bb: {  	v61 =	vor.u32 s26, v5;
	v52 =	vor.u32 s24, v2;
	v60 =	vor.u32 v0, v23;
	v33 =	vld.idx.msk [tilespmem:v55+s4+$0x0], $0xffff  }
0x4bc: {  	v54 =	vor.u32 s25, v2;
	[tilespmem:v51+s17+$0x0] =	vst.idx.msk $0xffff, v25;
	v55 =	vor.u32 v3, v15;
	v30 =	vadd.f32 v35, v19  }
0x4bd: {  	v63 =	vor.u32 v6, v26;
	v25 =	vshll.u32 v53, $0x7;
	v29 =	vld.idx.msk [tilespmem:v29+s4+$0x0], $0xffff;
	v28 =	vadd.f32 v28, v11  }
0x4be: {  	s29 =	simm.s32 $0x1180;
	v53 =	vor.u32 v0, v25;
	v34 =	vadd.f32 v34, v19;
	[tilespmem:v56+s17+$0x0] =	vst.idx.msk $0xffff, v30;
	v62 =	vld.idx.msk [tilespmem:v59+s4+$0x0], $0xffff  }
0x4bf: {  	v45 =	vor.u32 s29, v0;
	s30 =	simm.s32 $0xD80;
	v56 =	vor.u32 s21, v5;
	v31 =	vld.idx.msk [tilespmem:v31+s4+$0x0], $0xffff;
	[tilespmem:v57+s17+$0x0] =	vst.idx.msk $0xffff, v28;
	v57 =	vor.u32 v6, v12  }
0x4c0: {  	v38 =	vor.u32 s0, v6;
	v40 =	vld.idx.msk [tilespmem:v60+s4+$0x0], $0xffff;
	[tilespmem:v52+s17+$0x0] =	vst.idx.msk $0xffff, v34;
	v33 =	vadd.f32 v33, v11;
	v60 =	vor.u32 s30, v0  }
0x4c1: {  	v50 =	vor.u32 v4, v18;
	v59 =	vor.u32 s23, v3;
	v28 =	vadd.f32 v58, v19;
	v51 =	vld.idx.msk [tilespmem:v55+s4+$0x0], $0xffff  }
0x4c2: {  	s28 =	simm.s32 $0xF80;
	v58 =	vadd.f32 v29, v11;
	v37 =	vld.idx.msk [tilespmem:v63+s4+$0x0], $0xffff;
	[tilespmem:v61+s17+$0x0] =	vst.idx.msk $0xffff, v33;
	v61 =	vor.u32 v1, v27  }
0x4c3: {  	v26 =	vor.u32 s25, v6;
	v52 =	vor.u32 s28, v0;
	v41 =	vld.idx.msk [tilespmem:v53+s4+$0x0], $0xffff;
	[tilespmem:v54+s17+$0x0] =	vst.idx.msk $0xffff, v28;
	v62 =	vadd.f32 v62, v21  }
0x4c4: {  	v30 =	vor.u32 s26, v6;
	v34 =	vor.u32 s25, v3;
	v39 =	vld.idx.msk [tilespmem:v44+s4+$0x0], $0xffff;
	[tilespmem:v56+s17+$0x0] =	vst.idx.msk $0xffff, v58;
	v31 =	vadd.f32 v31, v16  }
0x4c5: {  	v32 =	vor.u32 v4, v17;
	v29 =	vor.u32 s30, v6;
	v28 =	vor.u32 s0, v7;
	v35 =	vld.idx.msk [tilespmem:v57+s4+$0x0], $0xffff;
	[tilespmem:v60+s17+$0x0] =	vst.idx.msk $0xffff, v62  }
0x4c6: {  	v44 =	vor.u32 v1, v23;
	v63 =	vadd.f32 v40, v21;
	[tilespmem:v59+s17+$0x0] =	vst.idx.msk $0xffff, v31;
	v31 =	vld.idx.msk [tilespmem:v36+s4+$0x0], $0xffff  }
0x4c7: {  	v33 =	vor.u32 v1, v25;
	v40 =	vor.u32 s24, v3;
	v42 =	vadd.f32 v51, v16;
	v43 =	vld.idx.msk [tilespmem:v61+s4+$0x0], $0xffff  }
0x4c8: {  	s1 =	simm.s32 $0x23;
	s0 =	simm.s32 $0x6;
	v46 =	vadd.f32 v41, v21;
	[tilespmem:v52+s17+$0x0] =	vst.idx.msk $0xffff, v63;
	v41 =	vor.u32 v4, v15;
	v36 =	vld.idx.msk [tilespmem:v50+s4+$0x0], $0xffff  }
.LBB2_17:
0x4c9: {  	v47 =	vor.u32 v7, v23  }
0x4ca: {  	s2 =	sadd.s32 s0, s19;
	s0 =	sadd.s32 $0x3, s0;
	v39 =	vadd.f32 v39, v16;
	v48 =	vor.u32 v7, v12;
	v12 =	vmovc v17;
	v51 =	vor.u32 s29, v1  }
0x4cb: {  	v37 =	vadd.f32 v37, v10;
	s6 =	sadd.s32 $0x383, s2;
	s7 =	sadd.s32 $0x384, s2;
	s2 =	sadd.s32 $0x385, s2;
	v44 =	vld.idx.msk [tilespmem:v44+s4+$0x0], $0xffff;
	[tilespmem:v45+s17+$0x0] =	vst.idx.msk $0xffff, v46;
	v45 =	vor.u32 s23, v4;
	v46 =	vor.u32 s26, v7  }
0x4cc: {  	v17 =	vmovc v27;
	p0 =	slt.u32 s0, $0x4E;
	s26 =	smov.u32 s25;
	s25 =	smov.u32 s30;
	v49 =	vmov s6;
	v50 =	vld.idx.msk [tilespmem:v33+s4+$0x0], $0xffff;
	[tilespmem:v34+s17+$0x0] =	vst.idx.msk $0xffff, v39;
	v34 =	vor.u32 s21, v6;
	v33 =	vmov v26  }
0x4cd: {  	v35 =	vadd.f32 v35, v10;
	v27 =	vmov s7;
	v31 =	vadd.f32 v31, v10;
	v32 =	vld.idx.msk [tilespmem:v32+s4+$0x0], $0xffff;
	[tilespmem:v40+s17+$0x0] =	vst.idx.msk $0xffff, v42  }
0x4ce: {  	v39 =	vmov s2;
	v26 =	vmovc v29;
	v40 =	vor.u32 s28, v1;
	v36 =	vadd.f32 v36, v14;
	v41 =	vld.idx.msk [tilespmem:v41+s4+$0x0], $0xffff;
	[tilespmem:v38+s17+$0x0] =	vst.idx.msk $0xffff, v37  }
0x4cf: {  	v29 =	vadd.f32 v43, v20;
	v37 =	vor.u32 v2, v23;
	[tilespmem:v30+s17+$0x0] =	vst.idx.msk $0xffff, v35;
	v30 =	vld.idx.msk [tilespmem:v24+s4+$0x0], $0xffff  }
0x4d0: {  	v38 =	vor.u32 s24, v4;
	v35 =	vor.u32 s26, v4;
	[tilespmem:v45+s17+$0x0] =	vst.idx.msk $0xffff, v36;
	v36 =	vor.u32 v5, v18;
	v42 =	vld.idx.msk [tilespmem:v48+s4+$0x0], $0xffff  }
0x4d1: {  	v44 =	vadd.f32 v44, v20;
	v45 =	vor.u32 v2, v25;
	v43 =	vld.idx.msk [tilespmem:v49+s10+$0x0], $0xffff;
	[tilespmem:v34+s17+$0x0] =	vst.idx.msk $0xffff, v31  }
0x4d2: {  	v24 =	vmovc v22;
	v48 =	vor.u32 v5, v15;
	v34 =	vadd.f32 v50, v20;
	v31 =	vld.idx.msk [tilespmem:v27+s10+$0x0], $0xffff;
	v27 =	vor.u32 s25, v1  }
0x4d3: {  	v32 =	vadd.f32 v32, v14;
	v22 =	vld.idx.msk [tilespmem:v39+s10+$0x0], $0xffff;
	v39 =	vor.u32 v2, v17;
	[tilespmem:v40+s17+$0x0] =	vst.idx.msk $0xffff, v44  }
0x4d4: {  	v40 =	vadd.f32 v41, v14;
	v37 =	vld.idx.msk [tilespmem:v37+s4+$0x0], $0xffff;
	[tilespmem:v51+s17+$0x0] =	vst.idx.msk $0xffff, v34;
	v34 =	vor.u32 v5, v12  }
0x4d5: {  	v13 =	vor.u32 v7, v13;
	v30 =	vadd.f32 v30, v9;
	[tilespmem:v35+s17+$0x0] =	vst.idx.msk $0xffff, v32;
	v32 =	vld.idx.msk [tilespmem:v36+s4+$0x0], $0xffff  }
0x4d6: {  	v36 =	vor.u32 v6, v15;
	v35 =	vld.idx.msk [tilespmem:v45+s4+$0x0], $0xffff;
	[tilespmem:v38+s17+$0x0] =	vst.idx.msk $0xffff, v40;
	v38 =	vadd.f32 v42, v9  }
0x4d7: {  	v41 =	vor.u32 s23, v5;
	v40 =	vor.u32 v6, v12;
	[tilespmem:v27+s17+$0x0] =	vst.idx.msk $0xffff, v29;
	v29 =	vor.u32 s28, v2;
	v42 =	vld.idx.msk [tilespmem:v48+s4+$0x0], $0xffff  }
0x4d8: {  	v27 =	vshll.u32 v43, $0x7;
	v31 =	vshll.u32 v31, $0x7;
	v43 =	vor.u32 v3, v23;
	v39 =	vld.idx.msk [tilespmem:v39+s4+$0x0], $0xffff;
	[tilespmem:v46+s17+$0x0] =	vst.idx.msk $0xffff, v38  }
0x4d9: {  	v38 =	vor.u32 v0, v27;
	v44 =	vshll.u32 v22, $0x7;
	v34 =	vld.idx.msk [tilespmem:v34+s4+$0x0], $0xffff;
	[tilespmem:v28+s17+$0x0] =	vst.idx.msk $0xffff, v30;
	v28 =	vor.u32 s21, v7;
	s21 =	smov.u32 s24;
	s24 =	smov.u32 s29  }
0x4da: {  	v22 =	vmovc v47;
	v30 =	vor.u32 v0, v31;
	v37 =	vadd.f32 v37, v19;
	v45 =	vor.u32 s24, v2;
	v46 =	vld.idx.msk [tilespmem:v13+s4+$0x0], $0xffff  }
0x4db: {  	v48 =	vor.u32 s25, v2;
	v47 =	vor.u32 v0, v44;
	v32 =	vadd.f32 v32, v11;
	v13 =	vmovc v15;
	v15 =	vmovc v25  }
0x4dc: {  	v25 =	vadd.f32 v35, v19;
	v35 =	vor.u32 v3, v15;
	[tilespmem:v29+s17+$0x0] =	vst.idx.msk $0xffff, v37;
	v37 =	vor.u32 s26, v5  }
0x4dd: {  	v49 =	vor.u32 v3, v17;
	v43 =	vld.idx.msk [tilespmem:v43+s4+$0x0], $0xffff;
	[tilespmem:v41+s17+$0x0] =	vst.idx.msk $0xffff, v32;
	v41 =	vadd.f32 v42, v11  }
0x4de: {  	s1 =	sadd.s32 $0xC, s1;
	v50 =	vor.u32 s21, v5;
	v29 =	vadd.f32 v39, v19;
	v42 =	vor.u32 v6, v18;
	v18 =	vmovc v23;
	v38 =	vld.idx.msk [tilespmem:v38+s4+$0x0], $0xffff  }
0x4df: {  	v52 =	vor.u32 s28, v3;
	s29 =	sshll.u32 s1, $0x7;
	v23 =	vmov v31;
	v34 =	vadd.f32 v34, v11;
	v51 =	vld.idx.msk [tilespmem:v30+s4+$0x0], $0xffff;
	[tilespmem:v45+s17+$0x0] =	vst.idx.msk $0xffff, v25  }
0x4e0: {  	s30 =	sadd.s32 $0xFFFFFC00, s29;
	v32 =	vor.u32 v4, v17;
	v30 =	vadd.f32 v46, v9;
	v47 =	vld.idx.msk [tilespmem:v47+s4+$0x0], $0xffff;
	[tilespmem:v48+s17+$0x0] =	vst.idx.msk $0xffff, v29  }
0x4e1: {  	s2 =	sadd.s32 $0xFFFFFE00, s29;
	v46 =	vor.u32 s30, v0;
	v29 =	vor.u32 s30, v6;
	v48 =	vor.u32 v4, v18;
	v53 =	vld.idx.msk [tilespmem:v35+s4+$0x0], $0xffff;
	[tilespmem:v37+s17+$0x0] =	vst.idx.msk $0xffff, v34  }
0x4e2: {  	v54 =	vor.u32 v1, v27;
	v55 =	vor.u32 s2, v0;
	v25 =	vmov v44;
	v39 =	vld.idx.msk [tilespmem:v49+s4+$0x0], $0xffff;
	[tilespmem:v28+s17+$0x0] =	vst.idx.msk $0xffff, v30  }
.Ltmp7:
0x4e3: {  	v34 =	vor.u32 s25, v3;
	v31 =	vadd.f32 v43, v16;
	v28 =	vor.u32 s23, v7;
	v37 =	vld.idx.msk [tilespmem:v42+s4+$0x0], $0xffff;
	[tilespmem:v50+s17+$0x0] =	vst.idx.msk $0xffff, v41;
	(pc) =	sbr.rel @p0 .LBB2_17-.Ltmp7, $4  }
0x4e4: {  	v44 =	vor.u32 v1, v23;
	v45 =	vor.u32 s29, v0;
	v38 =	vadd.f32 v38, v21;
	v30 =	vmovc v33;
	v35 =	vld.idx.msk [tilespmem:v40+s4+$0x0], $0xffff  }
0x4e5: {  	v33 =	vor.u32 v1, v25;
	v41 =	vadd.f32 v51, v21;
	[tilespmem:v52+s17+$0x0] =	vst.idx.msk $0xffff, v31;
	v31 =	vld.idx.msk [tilespmem:v36+s4+$0x0], $0xffff  }
0x4e6: {  	v40 =	vor.u32 s24, v3;
	[tilespmem:v46+s17+$0x0] =	vst.idx.msk $0xffff, v38;
	v46 =	vadd.f32 v47, v21;
	v36 =	vld.idx.msk [tilespmem:v48+s4+$0x0], $0xffff;
	v38 =	vor.u32 s23, v6;
	s23 =	smov.u32 s28;
	s28 =	smov.u32 s2  }
0x4e7: {  	v42 =	vadd.f32 v53, v16;
	v43 =	vld.idx.msk [tilespmem:v54+s4+$0x0], $0xffff;
	[tilespmem:v55+s17+$0x0] =	vst.idx.msk $0xffff, v41;
	v41 =	vor.u32 v4, v15  }
0x4e8: {  	_ =	sdelay $0x3  }
0x4e9: {  	v21 =	vld.idx.msk [tilespmem:v44+s4+$0x0], $0xffff;
	[tilespmem:v45+s17+$0x0] =	vst.idx.msk $0xffff, v46  }
0x4ea: {  	v56 =	vor.u32 s30, v1;
	v33 =	vld.idx.msk [tilespmem:v33+s4+$0x0], $0xffff  }
0x4eb: {  	v57 =	vor.u32 s28, v1;
	v58 =	vor.u32 v2, v27  }
0x4ec: {  	v47 =	vor.u32 s29, v1;
	v48 =	vor.u32 v2, v23  }
0x4ed: {  	v49 =	vor.u32 v2, v25;
	v43 =	vadd.f32 v43, v20  }
0x4ee: {  	v21 =	vadd.f32 v21, v20  }
0x4ef: {  	v59 =	vadd.f32 v33, v20;
	[tilespmem:v56+s17+$0x0] =	vst.idx.msk $0xffff, v43  }
0x4f0: {  	[tilespmem:v57+s17+$0x0] =	vst.idx.msk $0xffff, v21;
	v60 =	vld.idx.msk [tilespmem:v58+s4+$0x0], $0xffff  }
0x4f1: {  	v61 =	vld.idx.msk [tilespmem:v48+s4+$0x0], $0xffff;
	[tilespmem:v47+s17+$0x0] =	vst.idx.msk $0xffff, v59  }
0x4f2: {  	v62 =	vor.u32 s30, v2;
	v20 =	vld.idx.msk [tilespmem:v49+s4+$0x0], $0xffff  }
0x4f3: {  	v63 =	vor.u32 s28, v2;
	v52 =	vor.u32 v3, v27  }
0x4f4: {  	v53 =	vor.u32 v3, v23;
	v54 =	vor.u32 s29, v2  }
0x4f5: {  	v55 =	vor.u32 v3, v25;
	v21 =	vadd.f32 v60, v19  }
0x4f6: {  	v33 =	vadd.f32 v61, v19  }
0x4f7: {  	v56 =	vadd.f32 v20, v19;
	[tilespmem:v62+s17+$0x0] =	vst.idx.msk $0xffff, v21  }
0x4f8: {  	[tilespmem:v63+s17+$0x0] =	vst.idx.msk $0xffff, v33;
	v57 =	vld.idx.msk [tilespmem:v52+s4+$0x0], $0xffff  }
0x4f9: {  	v58 =	vld.idx.msk [tilespmem:v53+s4+$0x0], $0xffff;
	[tilespmem:v54+s17+$0x0] =	vst.idx.msk $0xffff, v56  }
0x4fa: {  	v37 =	vadd.f32 v37, v10;
	v59 =	vadd.f32 v39, v16;
	v61 =	vor.u32 s30, v3;
	v60 =	vld.idx.msk [tilespmem:v55+s4+$0x0], $0xffff  }
0x4fb: {  	v50 =	vor.u32 v4, v25;
	v62 =	vor.u32 s28, v3;
	v63 =	vor.u32 v4, v27  }
0x4fc: {  	v44 =	vor.u32 v5, v23;
	v48 =	vor.u32 v4, v23;
	v49 =	vor.u32 s29, v3;
	[tilespmem:v34+s17+$0x0] =	vst.idx.msk $0xffff, v59  }
0x4fd: {  	v12 =	vor.u32 v7, v12;
	[tilespmem:v40+s17+$0x0] =	vst.idx.msk $0xffff, v42;
	v32 =	vld.idx.msk [tilespmem:v32+s4+$0x0], $0xffff;
	v20 =	vadd.f32 v57, v16  }
0x4fe: {  	v13 =	vor.u32 v7, v13;
	[tilespmem:v38+s17+$0x0] =	vst.idx.msk $0xffff, v37;
	v21 =	vadd.f32 v58, v16  }
0x4ff: {  	v51 =	vor.u32 s23, v4;
	v52 =	vld.idx.msk [tilespmem:v41+s4+$0x0], $0xffff;
	v53 =	vor.u32 s25, v4;
	v54 =	vadd.f32 v60, v16;
	[tilespmem:v61+s17+$0x0] =	vst.idx.msk $0xffff, v20  }
0x500: {  	v35 =	vadd.f32 v35, v10;
	v56 =	vor.u32 v5, v17;
	[tilespmem:v62+s17+$0x0] =	vst.idx.msk $0xffff, v21;
	v57 =	vld.idx.msk [tilespmem:v63+s4+$0x0], $0xffff  }
0x501: {  	v45 =	vor.u32 s29, v4;
	v59 =	vor.u32 s24, v4;
	v58 =	vor.u32 v5, v18;
	v19 =	vld.idx.msk [tilespmem:v48+s4+$0x0], $0xffff;
	[tilespmem:v49+s17+$0x0] =	vst.idx.msk $0xffff, v54  }
0x502: {  	v32 =	vadd.f32 v32, v14;
	v60 =	vor.u32 v5, v15;
	v61 =	vor.u32 s30, v4;
	v34 =	vld.idx.msk [tilespmem:v50+s4+$0x0], $0xffff  }
0x503: {  	[tilespmem:v30+s17+$0x0] =	vst.idx.msk $0xffff, v35;
	v55 =	vadd.f32 v36, v14;
	v62 =	vor.u32 s28, v4;
	v63 =	vor.u32 v5, v27  }
0x504: {  	v31 =	vadd.f32 v31, v10;
	v24 =	vld.idx.msk [tilespmem:v24+s4+$0x0], $0xffff;
	v38 =	vadd.f32 v52, v14;
	[tilespmem:v53+s17+$0x0] =	vst.idx.msk $0xffff, v32  }
0x505: {  	v47 =	vor.u32 v5, v25;
	[tilespmem:v51+s17+$0x0] =	vst.idx.msk $0xffff, v55;
	v46 =	vld.idx.msk [tilespmem:v56+s4+$0x0], $0xffff;
	v21 =	vadd.f32 v57, v14  }
0x506: {  	v51 =	vor.u32 v6, v17;
	[tilespmem:v59+s17+$0x0] =	vst.idx.msk $0xffff, v38;
	v36 =	vld.idx.msk [tilespmem:v58+s4+$0x0], $0xffff;
	v19 =	vadd.f32 v19, v14  }
0x507: {  	v48 =	vor.u32 s25, v5;
	v16 =	vld.idx.msk [tilespmem:v60+s4+$0x0], $0xffff;
	v49 =	vadd.f32 v34, v14;
	[tilespmem:v61+s17+$0x0] =	vst.idx.msk $0xffff, v21  }
0x508: {  	v55 =	vor.u32 v6, v18;
	v52 =	vor.u32 s23, v5;
	[tilespmem:v62+s17+$0x0] =	vst.idx.msk $0xffff, v19;
	v53 =	vld.idx.msk [tilespmem:v63+s4+$0x0], $0xffff  }
0x509: {  	v56 =	vor.u32 s24, v5;
	v59 =	vor.u32 v6, v27;
	v32 =	vld.idx.msk [tilespmem:v44+s4+$0x0], $0xffff;
	[tilespmem:v45+s17+$0x0] =	vst.idx.msk $0xffff, v49  }
0x50a: {  	v58 =	vor.u32 s30, v5;
	v20 =	vadd.f32 v46, v11;
	v57 =	vor.u32 v6, v15;
	v33 =	vld.idx.msk [tilespmem:v47+s4+$0x0], $0xffff  }
0x50b: {  	v12 =	vld.idx.msk [tilespmem:v12+s4+$0x0], $0xffff;
	v54 =	vor.u32 s21, v6;
	v60 =	vor.u32 s28, v5;
	v36 =	vadd.f32 v36, v11  }
0x50c: {  	[tilespmem:v48+s17+$0x0] =	vst.idx.msk $0xffff, v20;
	v61 =	vor.u32 v6, v23;
	v62 =	vor.u32 s29, v5;
	v16 =	vadd.f32 v16, v11  }
0x50d: {  	v34 =	vld.idx.msk [tilespmem:v51+s4+$0x0], $0xffff;
	v63 =	vor.u32 v6, v25;
	[tilespmem:v52+s17+$0x0] =	vst.idx.msk $0xffff, v36;
	v19 =	vadd.f32 v53, v11  }
0x50e: {  	v50 =	vor.u32 s26, v7;
	v18 =	vld.idx.msk [tilespmem:v55+s4+$0x0], $0xffff;
	[tilespmem:v56+s17+$0x0] =	vst.idx.msk $0xffff, v16;
	v37 =	vadd.f32 v32, v11  }
0x50f: {  	v43 =	vor.u32 v7, v23;
	v14 =	vld.idx.msk [tilespmem:v57+s4+$0x0], $0xffff;
	v11 =	vadd.f32 v33, v11;
	[tilespmem:v58+s17+$0x0] =	vst.idx.msk $0xffff, v19  }
0x510: {  	v39 =	vor.u32 v7, v17;
	v38 =	vor.u32 s23, v6;
	[tilespmem:v60+s17+$0x0] =	vst.idx.msk $0xffff, v37;
	v42 =	vld.idx.msk [tilespmem:v59+s4+$0x0], $0xffff  }
0x511: {  	v12 =	vadd.f32 v12, v9;
	v44 =	vor.u32 s24, v6;
	v20 =	vld.idx.msk [tilespmem:v61+s4+$0x0], $0xffff;
	[tilespmem:v62+s17+$0x0] =	vst.idx.msk $0xffff, v11  }
0x512: {  	[tilespmem:v54+s17+$0x0] =	vst.idx.msk $0xffff, v31;
	v45 =	vor.u32 v7, v15;
	v11 =	vadd.f32 v34, v10;
	v23 =	vld.idx.msk [tilespmem:v63+s4+$0x0], $0xffff  }
0x513: {  	v48 =	vor.u32 v7, v27;
	[tilespmem:v50+s17+$0x0] =	vst.idx.msk $0xffff, v12;
	v47 =	vor.u32 s28, v6;
	v46 =	vadd.f32 v18, v10  }
0x514: {  	v13 =	vld.idx.msk [tilespmem:v13+s4+$0x0], $0xffff;
	v14 =	vadd.f32 v14, v10;
	[tilespmem:v26+s17+$0x0] =	vst.idx.msk $0xffff, v11;
	v11 =	vor.u32 s29, v6  }
0x515: {  	v50 =	vor.u32 v7, v25;
	[tilespmem:v38+s17+$0x0] =	vst.idx.msk $0xffff, v46;
	v49 =	vld.idx.msk [tilespmem:v39+s4+$0x0], $0xffff;
	v16 =	vadd.f32 v42, v10  }
0x516: {  	v51 =	vor.u32 s21, v7;
	v22 =	vld.idx.msk [tilespmem:v22+s4+$0x0], $0xffff;
	[tilespmem:v44+s17+$0x0] =	vst.idx.msk $0xffff, v14;
	v52 =	vadd.f32 v20, v10  }
0x517: {  	v53 =	vor.u32 s25, v7;
	v15 =	vld.idx.msk [tilespmem:v45+s4+$0x0], $0xffff;
	v10 =	vadd.f32 v23, v10;
	[tilespmem:v29+s17+$0x0] =	vst.idx.msk $0xffff, v16  }
0x518: {  	v54 =	vadd.f32 v24, v9;
	v55 =	vor.u32 s23, v7;
	[tilespmem:v47+s17+$0x0] =	vst.idx.msk $0xffff, v52;
	v56 =	vld.idx.msk [tilespmem:v48+s4+$0x0], $0xffff  }
0x519: {  	v13 =	vadd.f32 v13, v9;
	v57 =	vor.u32 s24, v7;
	v58 =	vld.idx.msk [tilespmem:v43+s4+$0x0], $0xffff;
	[tilespmem:v11+s17+$0x0] =	vst.idx.msk $0xffff, v10  }
0x51a: {  	[tilespmem:v28+s17+$0x0] =	vst.idx.msk $0xffff, v54;
	v10 =	vadd.f32 v49, v9;
	v11 =	vor.u32 s30, v7;
	v59 =	vld.idx.msk [tilespmem:v50+s4+$0x0], $0xffff  }
0x51b: {  	[tilespmem:v51+s17+$0x0] =	vst.idx.msk $0xffff, v13;
	v61 =	vor.u32 s28, v7;
	v60 =	vadd.f32 v22, v9  }
0x51c: {  	s20 =	sadd.s32 $0x1, s20;
	v62 =	vor.u32 s29, v7;
	[tilespmem:v53+s17+$0x0] =	vst.idx.msk $0xffff, v10;
	v10 =	vadd.f32 v15, v9  }
0x51d: {  	p0 =	sne.s32 s20, $0x10;
	[tilespmem:v55+s17+$0x0] =	vst.idx.msk $0xffff, v60;
	v63 =	vadd.f32 v56, v9  }
.Ltmp8:
0x51e: {  	[tilespmem:v57+s17+$0x0] =	vst.idx.msk $0xffff, v10;
	v10 =	vadd.f32 v58, v9;
	(pc) =	sbr.rel @p0 .LBB2_2-.Ltmp8, $4  }
0x51f: {  	[tilespmem:v11+s17+$0x0] =	vst.idx.msk $0xffff, v63;
	v9 =	vadd.f32 v59, v9  }
0x520: {  	[tilespmem:v61+s17+$0x0] =	vst.idx.msk $0xffff, v10  }
0x521: {  	s0 =	sadd.s32 s22, s8;
	s19 =	sadd.s32 $0x400, s19;
	[tilespmem:v62+s17+$0x0] =	vst.idx.msk $0xffff, v9  }
0x522: {  	[hbm4b:s0+s15] =	stream.strided.scatter [tilespmem:s17], [sflag:$0x2], $0xA200, s16, s15, $0x38;
	[tilespmem:$0x1F400] =	vst v63  }
0x523: {  	s18 =	sadd.s32 $0x1, s18  }
0x524: {  	_ =	swait.ge [sflag:s13], $0xA200;
	p0 =	sne.s32 s18, s9  }
.Ltmp9:
0x525: {  	[sflag:s13] =	ssyncset.done $0x0;
	(pc) =	sbr.rel @p0 .LBB2_1-.Ltmp9, $4  }
0x526: {  	[sflag:s13] =	ssyncadd.s32 $0xFFFF5E00  }
0x527: {  	_ =	swait.ge [sflag:s12], $0xA200  }
0x528: {  	[sflag:s12] =	ssyncset.done $0x0  }
0x529: {  	[sflag:s12] =	ssyncadd.s32 $0xFFFF5E00  }
0x52a: {  	_ =	sfence.sel $0x180000  }
0x52b: {  	[bflag:$0x0] =	sbarrier.arrive $0xFFFF  }
0x52c: {  	_ =	strace $0x90000047  }
0x52d: {  	s0 =	stileid.u32;
	[bflag:$0x2] =	sbarrier.arrive $0xFFFF  }
0x52e: {  	p0 =	sne.s32 s0, $0x0;
	s0 =	rddreg [dreg:$0x3]  }
0x52f: {  	s0 =	sadd.s32 @!p0 $0x100000, s0  }
0x530: {  	[sflag:s0] =	ssyncadd.tile.s32 @!p0 $0x1;
	_ =	shalt  }
.Lfunc_end2:
_tile_overlayer_lowered:
.L_overlay_start_2:
0x531: {  	(tag) =	ssettag $0x2  }
0x532: {  	s0 =	rddreg [dreg:$0x0];
	s2 =	stileid.u32  }
0x533: {  	s1 =	rddreg [dreg:$0x1];
	p0 =	sne.s32 s2, $0x0  }
0x534: {  	s3 =	rddreg [dreg:$0x2];
	[bflag:$0x3] =	sbarrier.arrive $0xFFFF;
	s2 =	simm.s32 @!p0 $0x1C03  }
0x535: {  	[timem:s3], [sflag:s2] =	dma.local @!p0 [hbm:s0], s1  }
0x536: {  	s0 =	simm.s32 @!p0 $0x3  }
0x537: {  	_ =	swait.ge @!p0 [sflag:s0], s1  }
0x538: {  	s1 =	ssub.s32 @!p0 $0x0, s1;
	[sflag:s0] =	ssyncset.done @!p0 $0x0  }
0x539: {  	[sflag:s0] =	ssyncadd.s32 @!p0 s1  }
0x53a: {  	[bflag:$0x3] =	sbarrier.arrive $0xFFFF  }
0x53b: {  	_ =	shalt  }

</sc_bundles>
